<compile_context>
chip_gen: v7x
topology: tpu7x:2x2x1
jax: 0.10.2.dev20260603
libtpu: 0.0.44.dev20260713+nightly
codegen_flags: <defaults>
</compile_context>

<pallas_src>
import jax
import jax.numpy as jnp
from jax.experimental import pallas as pl
from jax.experimental.pallas import tpu as pltpu
from jax.experimental.pallas import tpu_sc as plsc

VOCAB = 1000000
EMBED = 64
BATCH = 16384
HIST = 50
NUM_IDX = BATCH * HIST

P1_W = 32768
P1_HALF = P1_W // 2
P1_STEPS = -(-VOCAB // P1_W)


def _p1_body(a_ref, b_ref, out_ref):
    x = jnp.concatenate([a_ref[...], b_ref[...]], axis=0)
    out_ref[...] = jnp.transpose(x, (1, 0))


def _transpose_pack(w_t):
    return pl.pallas_call(
        _p1_body,
        grid=(P1_STEPS,),
        in_specs=[
            pl.BlockSpec((EMBED, P1_HALF), lambda k: (0, 2 * k)),
            pl.BlockSpec((EMBED, P1_HALF), lambda k: (0, 2 * k + 1)),
        ],
        out_specs=pl.BlockSpec((P1_HALF, 128), lambda k: (k, 0)),
        out_shape=jax.ShapeDtypeStruct((P1_STEPS * P1_HALF, 128), jnp.float32),
    )(w_t, w_t)


WINDOW = 512
_LANES = 16


def _gather_call(table_lin, idx_flat, h0, nh):
    mesh = plsc.VectorSubcoreMesh(core_axis_name="c", subcore_axis_name="s")
    n_rows = nh * BATCH

    @pl.kernel(
        out_type=jax.ShapeDtypeStruct((n_rows, EMBED), jnp.float32),
        mesh=mesh,
        scratch_types=[pltpu.VMEM((WINDOW,), jnp.int32)],
        compiler_params=pltpu.CompilerParams(
            use_tc_tiling_on_sc=False, needs_layout_passes=False
        ),
    )
    def kern(table_hbm, idx_hbm, out_hbm, idx_stage):
        def body(i0_vmem, i1_vmem, out_vmem):
            for k in range(WINDOW // 2 // _LANES):
                pos = jnp.arange(_LANES, dtype=jnp.int32) * 2 + 2 * _LANES * k
                v0 = i0_vmem[0, pl.ds(k * _LANES, _LANES)]
                plsc.store_scatter(idx_stage, [pos], v0)
                v1 = i1_vmem[0, pl.ds(k * _LANES, _LANES)]
                plsc.store_scatter(idx_stage, [pos + 1], v1)
            pltpu.sync_copy(table_hbm.at[idx_stage], out_vmem)

        half = WINDOW // 2
        wpb = P3_BP // half
        wph = BATCH // WINDOW
        nb = BATCH // half

        def _src(i, off):
            wi = i % wph
            return (i // wph + h0) * nb + (wi // wpb) * (2 * wpb) + wi % wpb + off

        pltpu.emit_pipeline(
            body,
            grid=(n_rows // WINDOW,),
            in_specs=[
                pl.BlockSpec((1, half), index_map=lambda i: (0, _src(i, 0))),
                pl.BlockSpec((1, half), index_map=lambda i: (0, _src(i, wpb))),
            ],
            out_specs=[pl.BlockSpec((WINDOW, EMBED), index_map=lambda i: (i, 0))],
            core_axis_name=("c", "s"),
            dimension_semantics=(pltpu.PARALLEL,),
        )(idx_hbm, idx_hbm, out_hbm)

    return kern(table_lin, idx_flat)


P3_BP = 8192
P3_NBLK = BATCH // (2 * P3_BP)


def _p3_body(*refs):
    g_ref, o_ref = refs[0], refs[-1]
    t = jnp.transpose(g_ref[0], (1, 0))
    o_ref[0, :, 0:P3_BP] = t[:EMBED]
    o_ref[0, :, P3_BP:] = t[EMBED:]


def _unpack_transpose(g3, h0, nh, out_prev=None):
    args = (g3,) if out_prev is None else (g3, out_prev)
    return pl.pallas_call(
        _p3_body,
        grid=(nh, P3_NBLK),
        in_specs=[pl.BlockSpec((1, P3_BP, 128), lambda h, j: (h, j, 0))]
        + (
            []
            if out_prev is None
            else [pl.BlockSpec(memory_space=pl.ANY)]
        ),
        out_specs=pl.BlockSpec((1, EMBED, 2 * P3_BP), lambda h, j: (h0 + h, 0, j)),
        out_shape=jax.ShapeDtypeStruct((HIST, EMBED, BATCH), jnp.float32),
        input_output_aliases={} if out_prev is None else {1: 0},
    )(*args)


@jax.jit
def kernel(item_id_var, embedding_weight):
    w_t = embedding_weight.T
    packed = _transpose_pack(w_t)
    table_lin = packed.reshape(P1_STEPS * P1_W, EMBED)
    assert P1_HALF == 1 << 14

    idx = item_id_var.astype(jnp.int32)
    rho = (idx & ~(P1_W - 1)) | ((idx & (P1_W // 2 - 1)) << 1) | (idx >> 14) & 1

    idx_flat = rho.T.reshape(1, NUM_IDX)

    out_t = None
    h0 = 0
    for nh in (30, 20):
        g = _gather_call(table_lin, idx_flat, h0, nh)
        g3 = g.reshape(nh, BATCH // 2, 128)
        out_t = _unpack_transpose(g3, h0, nh, out_prev=out_t)
        h0 += nh
    return out_t.transpose(2, 0, 1)

# --- scband reference (transcript-rebuilt; emitter-appended) ---
"""Pipeline reference for scband-embedding-layer-33758442947235 (READ-ONLY COPY).

The authoritative reference and input builder live on the scoring server;
editing this copy changes nothing except your own understanding.
"""

import jax, jax.numpy as jnp
import numpy as np

VOCAB = 1000000
EMBED = 64
BATCH = 16384
HIST = 50

def setup_inputs(seed: int = 0) -> dict:
    key = jax.random.key(seed)
    k1, k2 = jax.random.split(key)
    item_id_var = jax.random.randint(k1, (BATCH, HIST), 0, VOCAB, dtype=jnp.int64 if jax.config.jax_enable_x64 else jnp.int32)
    embedding_weight = jax.random.normal(k2, (VOCAB, EMBED), dtype=jnp.float32)
    return {"item_id_var": item_id_var, "embedding_weight": embedding_weight}

def reference(item_id_var, embedding_weight):
    # nn.Embedding forward: gather rows of the table by index
    embedded_item = jnp.take(embedding_weight, item_id_var, axis=0)
    return embedded_item

if __name__ == "__main__":
    import jax
    _d = setup_inputs()
    print(jax.jit(kernel)(*tuple(_d.values())))

</pallas_src>

<mosaic_0001>
#map = affine_map<(d0, d1) -> (0, 0)>
module attributes {stable_mosaic.version = 14 : i64} {
  func.func @kern(%arg0: i32, %arg1: i32, %arg2: memref<1015808x64xf32, #tpu.memory_space<hbm>>, %arg3: memref<1x819200xi32, #tpu.memory_space<hbm>>, %arg4: memref<491520x64xf32, #tpu.memory_space<hbm>>, %arg5: memref<512xi32, #tpu.memory_space<vmem>>) attributes {dimension_semantics = [#tpu.dimension_semantics<core_parallel>, #tpu.dimension_semantics<subcore_parallel>], iteration_bounds = array<i64: 2, 16>, scalar_prefetch = 0 : i64, scratch_operands = 1 : i64, tpu.core_type = #tpu.core_type<sc_vector_subcore>, window_params = [{transform_indices = #map}, {transform_indices = #map}, {transform_indices = #map}]} {
    %mul3A = arith.constant 1 : i32
    %mul3A_0 = arith.muli %arg1, %mul3A : i32
    %add3A = arith.constant 0 : i32
    %add3A_1 = arith.addi %add3A, %mul3A_0 : i32
    %mul3A_2 = arith.constant 16 : i32
    %mul3A_3 = arith.muli %arg0, %mul3A_2 : i32
    %add3A_4 = arith.addi %add3A_1, %mul3A_3 : i32
    %mul3A_5 = arith.constant 30 : i32
    %mul3A_6 = arith.muli %add3A_4, %mul3A_5 : i32
    "tpu.region"() ({
      %run_scoped3A = memref.alloca() : memref<2x1x256xi32, #tpu.memory_space<vmem>>
      %run_scoped3A_7 = tpu.sem_alloc : memref<2x!tpu.dma_semaphore, #tpu.memory_space<semaphore_mem>>
      %run_scoped3A_8 = memref.alloca() : memref<2x1x256xi32, #tpu.memory_space<vmem>>
      %run_scoped3A_9 = tpu.sem_alloc : memref<2x!tpu.dma_semaphore, #tpu.memory_space<semaphore_mem>>
      %run_scoped3A_10 = memref.alloca() : memref<2x512x64xf32, #tpu.memory_space<vmem>>
      %run_scoped3A_11 = tpu.sem_alloc : memref<2x!tpu.dma_semaphore, #tpu.memory_space<semaphore_mem>>
      %add3A_12 = arith.constant 0 : i32
      %add3A_13 = arith.addi %add3A_12, %mul3A_6 : i32
      %select_n3A = arith.constant true
      %select_n3A_14 = arith.constant 0 : i32
      %select_n3A_15 = arith.constant -1 : i32
      %select_n3A_16 = arith.select %select_n3A, %select_n3A_15, %select_n3A_14 : i32
      %eq3A = arith.constant -1 : i32
      %eq3A_17 = arith.cmpi eq, %select_n3A_16, %eq3A : i32
      %select_n3A_18 = arith.constant 29 : i32
      %select_n3A_19 = arith.select %eq3A_17, %select_n3A_18, %select_n3A_16 : i32
      %add3A_20 = arith.addi %select_n3A_19, %mul3A_6 : i32
      %select_n3A_21 = arith.constant true
      %select_n3A_22 = arith.constant 0 : i32
      %select_n3A_23 = arith.constant 1 : i32
      %select_n3A_24 = arith.select %select_n3A_21, %select_n3A_23, %select_n3A_22 : i32
      %eq3A_25 = arith.constant 30 : i32
      %eq3A_26 = arith.cmpi eq, %select_n3A_24, %eq3A_25 : i32
      %select_n3A_27 = arith.constant 0 : i32
      %select_n3A_28 = arith.select %eq3A_26, %select_n3A_27, %select_n3A_24 : i32
      %add3A_29 = arith.addi %select_n3A_28, %mul3A_6 : i32
      %add3A_30 = arith.constant 1 : i32
      %add3A_31 = arith.addi %select_n3A_28, %add3A_30 : i32
      %select_n3A_32 = arith.constant true
      %select_n3A_33 = arith.select %select_n3A_32, %add3A_31, %select_n3A_28 : i32
      %eq3A_34 = arith.constant 30 : i32
      %eq3A_35 = arith.cmpi eq, %select_n3A_33, %eq3A_34 : i32
      %select_n3A_36 = arith.constant 0 : i32
      %select_n3A_37 = arith.select %eq3A_35, %select_n3A_36, %select_n3A_33 : i32
      %add3A_38 = arith.addi %select_n3A_37, %mul3A_6 : i32
      "tpu.trace_start"() <{level = 10 : i32, message = "ep_initialize_0"}> : () -> ()
      %rem3A = arith.constant 0 : i32
      %rem3A_39 = arith.constant 2 : i32
      %rem3A_40 = arith.remui %rem3A, %rem3A_39 : i32
      %jit3A = arith.constant 32 : i32
      %eq3A_41 = arith.constant 0 : i32
      %eq3A_42 = arith.cmpi eq, %jit3A, %eq3A_41 : i32
      %jit3A_43 = arith.constant 1 : i32
      %select_n3A_44 = arith.select %eq3A_42, %jit3A_43, %jit3A : i32
      %rem3A_45 = arith.remsi %add3A_13, %select_n3A_44 : i32
      %ne3A = arith.constant 0 : i32
      %ne3A_46 = arith.cmpi ne, %rem3A_45, %ne3A : i32
      %lt3A = arith.constant 0 : i32
      %lt3A_47 = arith.cmpi slt, %rem3A_45, %lt3A : i32
      %lt3A_48 = arith.constant 0 : i32
      %lt3A_49 = arith.cmpi slt, %select_n3A_44, %lt3A_48 : i32
      %ne3A_50 = arith.xori %lt3A_47, %lt3A_49 : i1
      %and3A = arith.andi %ne3A_50, %ne3A_46 : i1
      %add3A_51 = arith.addi %rem3A_45, %select_n3A_44 : i32
      %select_n3A_52 = arith.select %and3A, %add3A_51, %rem3A_45 : i32
      %jit3A_53 = arith.constant 32 : i32
      %div3A = arith.divsi %add3A_13, %jit3A_53 : i32
      %sign3A = arith.constant 0 : i32
      %sign3A_54 = arith.cmpi sgt, %add3A_13, %sign3A : i32
      %sign3A_55 = arith.extui %sign3A_54 : i1 to i32
      %sign3A_56 = arith.constant 0 : i32
      %sign3A_57 = arith.cmpi slt, %add3A_13, %sign3A_56 : i32
      %sign3A_58 = arith.extui %sign3A_57 : i1 to i32
      %sign3A_59 = arith.subi %sign3A_55, %sign3A_58 : i32
      %sign3A_60 = arith.constant 0 : i32
      %sign3A_61 = arith.cmpi sgt, %jit3A_53, %sign3A_60 : i32
      %sign3A_62 = arith.extui %sign3A_61 : i1 to i32
      %sign3A_63 = arith.constant 0 : i32
      %sign3A_64 = arith.cmpi slt, %jit3A_53, %sign3A_63 : i32
      %sign3A_65 = arith.extui %sign3A_64 : i1 to i32
      %sign3A_66 = arith.subi %sign3A_62, %sign3A_65 : i32
      %ne3A_67 = arith.cmpi ne, %sign3A_59, %sign3A_66 : i32
      %rem3A_68 = arith.remsi %add3A_13, %jit3A_53 : i32
      %ne3A_69 = arith.constant 0 : i32
      %ne3A_70 = arith.cmpi ne, %rem3A_68, %ne3A_69 : i32
      %and3A_71 = arith.andi %ne3A_67, %ne3A_70 : i1
      %sub3A = arith.constant 1 : i32
      %sub3A_72 = arith.subi %div3A, %sub3A : i32
      %select_n3A_73 = arith.select %and3A_71, %sub3A_72, %div3A : i32
      %add3A_74 = arith.constant 0 : i32
      %add3A_75 = arith.addi %select_n3A_73, %add3A_74 : i32
      %mul3A_76 = arith.constant 64 : i32
      %mul3A_77 = arith.muli %add3A_75, %mul3A_76 : i32
      %jit3A_78 = arith.constant 32 : i32
      %div3A_79 = arith.divsi %select_n3A_52, %jit3A_78 : i32
      %sign3A_80 = arith.constant 0 : i32
      %sign3A_81 = arith.cmpi sgt, %select_n3A_52, %sign3A_80 : i32
      %sign3A_82 = arith.extui %sign3A_81 : i1 to i32
      %sign3A_83 = arith.constant 0 : i32
      %sign3A_84 = arith.cmpi slt, %select_n3A_52, %sign3A_83 : i32
      %sign3A_85 = arith.extui %sign3A_84 : i1 to i32
      %sign3A_86 = arith.subi %sign3A_82, %sign3A_85 : i32
      %sign3A_87 = arith.constant 0 : i32
      %sign3A_88 = arith.cmpi sgt, %jit3A_78, %sign3A_87 : i32
      %sign3A_89 = arith.extui %sign3A_88 : i1 to i32
      %sign3A_90 = arith.constant 0 : i32
      %sign3A_91 = arith.cmpi slt, %jit3A_78, %sign3A_90 : i32
      %sign3A_92 = arith.extui %sign3A_91 : i1 to i32
      %sign3A_93 = arith.subi %sign3A_89, %sign3A_92 : i32
      %ne3A_94 = arith.cmpi ne, %sign3A_86, %sign3A_93 : i32
      %rem3A_95 = arith.remsi %select_n3A_52, %jit3A_78 : i32
      %ne3A_96 = arith.constant 0 : i32
      %ne3A_97 = arith.cmpi ne, %rem3A_95, %ne3A_96 : i32
      %and3A_98 = arith.andi %ne3A_94, %ne3A_97 : i1
      %sub3A_99 = arith.constant 1 : i32
      %sub3A_100 = arith.subi %div3A_79, %sub3A_99 : i32
      %select_n3A_101 = arith.select %and3A_98, %sub3A_100, %div3A_79 : i32
      %mul3A_102 = arith.constant 64 : i32
      %mul3A_103 = arith.muli %select_n3A_101, %mul3A_102 : i32
      %add3A_104 = arith.addi %mul3A_77, %mul3A_103 : i32
      %jit3A_105 = arith.constant 32 : i32
      %eq3A_106 = arith.constant 0 : i32
      %eq3A_107 = arith.cmpi eq, %jit3A_105, %eq3A_106 : i32
      %jit3A_108 = arith.constant 1 : i32
      %select_n3A_109 = arith.select %eq3A_107, %jit3A_108, %jit3A_105 : i32
      %rem3A_110 = arith.remsi %select_n3A_52, %select_n3A_109 : i32
      %ne3A_111 = arith.constant 0 : i32
      %ne3A_112 = arith.cmpi ne, %rem3A_110, %ne3A_111 : i32
      %lt3A_113 = arith.constant 0 : i32
      %lt3A_114 = arith.cmpi slt, %rem3A_110, %lt3A_113 : i32
      %lt3A_115 = arith.constant 0 : i32
      %lt3A_116 = arith.cmpi slt, %select_n3A_109, %lt3A_115 : i32
      %ne3A_117 = arith.xori %lt3A_114, %lt3A_116 : i1
      %and3A_118 = arith.andi %ne3A_117, %ne3A_112 : i1
      %add3A_119 = arith.addi %rem3A_110, %select_n3A_109 : i32
      %select_n3A_120 = arith.select %and3A_118, %add3A_119, %rem3A_110 : i32
      %add3A_121 = arith.addi %add3A_104, %select_n3A_120 : i32
      %add3A_122 = arith.constant 0 : i32
      %add3A_123 = arith.addi %add3A_121, %add3A_122 : i32
      %mul3A_124 = arith.constant 256 : i32
      %mul3A_125 = arith.muli %mul3A_124, %add3A_123 : i32
      %dma_start3A = arith.constant 0 : i32
      %dma_start3A_126 = arith.constant 0 : i32
      %dma_start3A_127 = tpu.memref_slice %run_scoped3A[%rem3A_40, %dma_start3A, %dma_start3A_126] : memref<2x1x256xi32, #tpu.memory_space<vmem>> -> memref<1x1x256xi32, #tpu.memory_space<vmem>>
      %dma_start3A_128 = tpu.memref_squeeze %dma_start3A_127 : memref<1x1x256xi32, #tpu.memory_space<vmem>> -> memref<1x256xi32, #tpu.memory_space<vmem>>
      %dma_start3A_129 = arith.constant 0 : i32
      %dma_start3A_130 = tpu.memref_slice %arg3[%dma_start3A_129, %mul3A_125] : memref<1x819200xi32, #tpu.memory_space<hbm>> -> memref<1x256xi32, #tpu.memory_space<hbm>>
      %dma_start3A_131 = tpu.memref_slice %run_scoped3A_7[%rem3A_40] : memref<2x!tpu.dma_semaphore, #tpu.memory_space<semaphore_mem>> -> memref<1x!tpu.dma_semaphore, #tpu.memory_space<semaphore_mem>>
      %dma_start3A_132 = tpu.memref_squeeze %dma_start3A_131 : memref<1x!tpu.dma_semaphore, #tpu.memory_space<semaphore_mem>> -> memref<!tpu.dma_semaphore, #tpu.memory_space<semaphore_mem>>
      %dma_start3A_133 = arith.constant 0 : i32
      %dma_start3A_134 = arith.constant 0 : i32
      %dma_start3A_135 = tpu.memref_slice %run_scoped3A[%rem3A_40, %dma_start3A_133, %dma_start3A_134] : memref<2x1x256xi32, #tpu.memory_space<vmem>> -> memref<1x1x256xi32, #tpu.memory_space<vmem>>
      %dma_start3A_136 = tpu.memref_squeeze %dma_start3A_135 : memref<1x1x256xi32, #tpu.memory_space<vmem>> -> memref<1x256xi32, #tpu.memory_space<vmem>>
      %dma_start3A_137 = arith.constant 0 : i32
      %dma_start3A_138 = tpu.memref_slice %arg3[%dma_start3A_137, %mul3A_125] : memref<1x819200xi32, #tpu.memory_space<hbm>> -> memref<1x256xi32, #tpu.memory_space<hbm>>
      tpu.enqueue_dma source(%dma_start3A_138 : memref<1x256xi32, #tpu.memory_space<hbm>>) target(%dma_start3A_136 : memref<1x256xi32, #tpu.memory_space<vmem>>) target_semaphore(%dma_start3A_132 : memref<!tpu.dma_semaphore, #tpu.memory_space<semaphore_mem>>)
      %add3A_139 = arith.constant 0 : i32
      %add3A_140 = arith.constant 1 : i32
      %add3A_141 = arith.addi %add3A_139, %add3A_140 : i32
      %select_n3A_142 = arith.constant true
      %select_n3A_143 = arith.constant 0 : i32
      %select_n3A_144 = arith.select %select_n3A_142, %add3A_141, %select_n3A_143 : i32
      %rem3A_145 = arith.constant 0 : i32
      %rem3A_146 = arith.constant 2 : i32
      %rem3A_147 = arith.remui %rem3A_145, %rem3A_146 : i32
      %jit3A_148 = arith.constant 32 : i32
      %eq3A_149 = arith.constant 0 : i32
      %eq3A_150 = arith.cmpi eq, %jit3A_148, %eq3A_149 : i32
      %jit3A_151 = arith.constant 1 : i32
      %select_n3A_152 = arith.select %eq3A_150, %jit3A_151, %jit3A_148 : i32
      %rem3A_153 = arith.remsi %add3A_13, %select_n3A_152 : i32
      %ne3A_154 = arith.constant 0 : i32
      %ne3A_155 = arith.cmpi ne, %rem3A_153, %ne3A_154 : i32
      %lt3A_156 = arith.constant 0 : i32
      %lt3A_157 = arith.cmpi slt, %rem3A_153, %lt3A_156 : i32
      %lt3A_158 = arith.constant 0 : i32
      %lt3A_159 = arith.cmpi slt, %select_n3A_152, %lt3A_158 : i32
      %ne3A_160 = arith.xori %lt3A_157, %lt3A_159 : i1
      %and3A_161 = arith.andi %ne3A_160, %ne3A_155 : i1
      %add3A_162 = arith.addi %rem3A_153, %select_n3A_152 : i32
      %select_n3A_163 = arith.select %and3A_161, %add3A_162, %rem3A_153 : i32
      %jit3A_164 = arith.constant 32 : i32
      %div3A_165 = arith.divsi %add3A_13, %jit3A_164 : i32
      %sign3A_166 = arith.constant 0 : i32
      %sign3A_167 = arith.cmpi sgt, %add3A_13, %sign3A_166 : i32
      %sign3A_168 = arith.extui %sign3A_167 : i1 to i32
      %sign3A_169 = arith.constant 0 : i32
      %sign3A_170 = arith.cmpi slt, %add3A_13, %sign3A_169 : i32
      %sign3A_171 = arith.extui %sign3A_170 : i1 to i32
      %sign3A_172 = arith.subi %sign3A_168, %sign3A_171 : i32
      %sign3A_173 = arith.constant 0 : i32
      %sign3A_174 = arith.cmpi sgt, %jit3A_164, %sign3A_173 : i32
      %sign3A_175 = arith.extui %sign3A_174 : i1 to i32
      %sign3A_176 = arith.constant 0 : i32
      %sign3A_177 = arith.cmpi slt, %jit3A_164, %sign3A_176 : i32
      %sign3A_178 = arith.extui %sign3A_177 : i1 to i32
      %sign3A_179 = arith.subi %sign3A_175, %sign3A_178 : i32
      %ne3A_180 = arith.cmpi ne, %sign3A_172, %sign3A_179 : i32
      %rem3A_181 = arith.remsi %add3A_13, %jit3A_164 : i32
      %ne3A_182 = arith.constant 0 : i32
      %ne3A_183 = arith.cmpi ne, %rem3A_181, %ne3A_182 : i32
      %and3A_184 = arith.andi %ne3A_180, %ne3A_183 : i1
      %sub3A_185 = arith.constant 1 : i32
      %sub3A_186 = arith.subi %div3A_165, %sub3A_185 : i32
      %select_n3A_187 = arith.select %and3A_184, %sub3A_186, %div3A_165 : i32
      %add3A_188 = arith.constant 0 : i32
      %add3A_189 = arith.addi %select_n3A_187, %add3A_188 : i32
      %mul3A_190 = arith.constant 64 : i32
      %mul3A_191 = arith.muli %add3A_189, %mul3A_190 : i32
      %jit3A_192 = arith.constant 32 : i32
      %div3A_193 = arith.divsi %select_n3A_163, %jit3A_192 : i32
      %sign3A_194 = arith.constant 0 : i32
      %sign3A_195 = arith.cmpi sgt, %select_n3A_163, %sign3A_194 : i32
      %sign3A_196 = arith.extui %sign3A_195 : i1 to i32
      %sign3A_197 = arith.constant 0 : i32
      %sign3A_198 = arith.cmpi slt, %select_n3A_163, %sign3A_197 : i32
      %sign3A_199 = arith.extui %sign3A_198 : i1 to i32
      %sign3A_200 = arith.subi %sign3A_196, %sign3A_199 : i32
      %sign3A_201 = arith.constant 0 : i32
      %sign3A_202 = arith.cmpi sgt, %jit3A_192, %sign3A_201 : i32
      %sign3A_203 = arith.extui %sign3A_202 : i1 to i32
      %sign3A_204 = arith.constant 0 : i32
      %sign3A_205 = arith.cmpi slt, %jit3A_192, %sign3A_204 : i32
      %sign3A_206 = arith.extui %sign3A_205 : i1 to i32
      %sign3A_207 = arith.subi %sign3A_203, %sign3A_206 : i32
      %ne3A_208 = arith.cmpi ne, %sign3A_200, %sign3A_207 : i32
      %rem3A_209 = arith.remsi %select_n3A_163, %jit3A_192 : i32
      %ne3A_210 = arith.constant 0 : i32
      %ne3A_211 = arith.cmpi ne, %rem3A_209, %ne3A_210 : i32
      %and3A_212 = arith.andi %ne3A_208, %ne3A_211 : i1
      %sub3A_213 = arith.constant 1 : i32
      %sub3A_214 = arith.subi %div3A_193, %sub3A_213 : i32
      %select_n3A_215 = arith.select %and3A_212, %sub3A_214, %div3A_193 : i32
      %mul3A_216 = arith.constant 64 : i32
      %mul3A_217 = arith.muli %select_n3A_215, %mul3A_216 : i32
      %add3A_218 = arith.addi %mul3A_191, %mul3A_217 : i32
      %jit3A_219 = arith.constant 32 : i32
      %eq3A_220 = arith.constant 0 : i32
      %eq3A_221 = arith.cmpi eq, %jit3A_219, %eq3A_220 : i32
      %jit3A_222 = arith.constant 1 : i32
      %select_n3A_223 = arith.select %eq3A_221, %jit3A_222, %jit3A_219 : i32
      %rem3A_224 = arith.remsi %select_n3A_163, %select_n3A_223 : i32
      %ne3A_225 = arith.constant 0 : i32
      %ne3A_226 = arith.cmpi ne, %rem3A_224, %ne3A_225 : i32
      %lt3A_227 = arith.constant 0 : i32
      %lt3A_228 = arith.cmpi slt, %rem3A_224, %lt3A_227 : i32
      %lt3A_229 = arith.constant 0 : i32
      %lt3A_230 = arith.cmpi slt, %select_n3A_223, %lt3A_229 : i32
      %ne3A_231 = arith.xori %lt3A_228, %lt3A_230 : i1
      %and3A_232 = arith.andi %ne3A_231, %ne3A_226 : i1
      %add3A_233 = arith.addi %rem3A_224, %select_n3A_223 : i32
      %select_n3A_234 = arith.select %and3A_232, %add3A_233, %rem3A_224 : i32
      %add3A_235 = arith.addi %add3A_218, %select_n3A_234 : i32
      %add3A_236 = arith.constant 32 : i32
      %add3A_237 = arith.addi %add3A_235, %add3A_236 : i32
      %mul3A_238 = arith.constant 256 : i32
      %mul3A_239 = arith.muli %mul3A_238, %add3A_237 : i32
      %dma_start3A_240 = arith.constant 0 : i32
      %dma_start3A_241 = arith.constant 0 : i32
      %dma_start3A_242 = tpu.memref_slice %run_scoped3A_8[%rem3A_147, %dma_start3A_240, %dma_start3A_241] : memref<2x1x256xi32, #tpu.memory_space<vmem>> -> memref<1x1x256xi32, #tpu.memory_space<vmem>>
      %dma_start3A_243 = tpu.memref_squeeze %dma_start3A_242 : memref<1x1x256xi32, #tpu.memory_space<vmem>> -> memref<1x256xi32, #tpu.memory_space<vmem>>
      %dma_start3A_244 = arith.constant 0 : i32
      %dma_start3A_245 = tpu.memref_slice %arg3[%dma_start3A_244, %mul3A_239] : memref<1x819200xi32, #tpu.memory_space<hbm>> -> memref<1x256xi32, #tpu.memory_space<hbm>>
      %dma_start3A_246 = tpu.memref_slice %run_scoped3A_9[%rem3A_147] : memref<2x!tpu.dma_semaphore, #tpu.memory_space<semaphore_mem>> -> memref<1x!tpu.dma_semaphore, #tpu.memory_space<semaphore_mem>>
      %dma_start3A_247 = tpu.memref_squeeze %dma_start3A_246 : memref<1x!tpu.dma_semaphore, #tpu.memory_space<semaphore_mem>> -> memref<!tpu.dma_semaphore, #tpu.memory_space<semaphore_mem>>
      %dma_start3A_248 = arith.constant 0 : i32
      %dma_start3A_249 = arith.constant 0 : i32
      %dma_start3A_250 = tpu.memref_slice %run_scoped3A_8[%rem3A_147, %dma_start3A_248, %dma_start3A_249] : memref<2x1x256xi32, #tpu.memory_space<vmem>> -> memref<1x1x256xi32, #tpu.memory_space<vmem>>
      %dma_start3A_251 = tpu.memref_squeeze %dma_start3A_250 : memref<1x1x256xi32, #tpu.memory_space<vmem>> -> memref<1x256xi32, #tpu.memory_space<vmem>>
      %dma_start3A_252 = arith.constant 0 : i32
      %dma_start3A_253 = tpu.memref_slice %arg3[%dma_start3A_252, %mul3A_239] : memref<1x819200xi32, #tpu.memory_space<hbm>> -> memref<1x256xi32, #tpu.memory_space<hbm>>
      tpu.enqueue_dma source(%dma_start3A_253 : memref<1x256xi32, #tpu.memory_space<hbm>>) target(%dma_start3A_251 : memref<1x256xi32, #tpu.memory_space<vmem>>) target_semaphore(%dma_start3A_247 : memref<!tpu.dma_semaphore, #tpu.memory_space<semaphore_mem>>)
      %add3A_254 = arith.constant 0 : i32
      %add3A_255 = arith.constant 1 : i32
      %add3A_256 = arith.addi %add3A_254, %add3A_255 : i32
      %select_n3A_257 = arith.constant true
      %select_n3A_258 = arith.constant 0 : i32
      %select_n3A_259 = arith.select %select_n3A_257, %add3A_256, %select_n3A_258 : i32
      "tpu.trace_stop"() : () -> ()
      %scan3A = arith.constant 0 : i32
      %scan3A_260 = arith.constant 0 : i32
      %scan3A_261 = arith.constant 0 : i32
      %scan3A_262 = arith.constant 0 : i32
      %scan3A_263 = arith.constant 0 : i32
      %scan3A_264 = arith.constant 0 : i32
      %scan3A_265 = arith.constant 30 : i32
      %scan3A_266 = arith.addi %scan3A_264, %scan3A_265 : i32
      %scan3A_267 = arith.constant 1 : i32
      %scan3A_268:7 = scf.for %scan3A_323 = %scan3A_264 to %scan3A_266 step %scan3A_267 iter_args(%scan3A_324 = %select_n3A_144, %scan3A_325 = %scan3A, %scan3A_326 = %select_n3A_259, %scan3A_327 = %scan3A_260, %scan3A_328 = %scan3A_261, %scan3A_329 = %scan3A_262, %scan3A_330 = %scan3A_263) -> (i32, i32, i32, i32, i32, i32, i32)  : i32 {
        %eq3A_331 = arith.constant 0 : i32
        %eq3A_332 = arith.cmpi eq, %scan3A_323, %eq3A_331 : i32
        %eq3A_333 = arith.constant 29 : i32
        %eq3A_334 = arith.cmpi eq, %scan3A_323, %eq3A_333 : i32
        %add3A_335 = arith.addi %scan3A_330, %mul3A_6 : i32
        %sub3A_336 = arith.constant 1 : i32
        %sub3A_337 = arith.subi %scan3A_330, %sub3A_336 : i32
        %select_n3A_338 = arith.constant true
        %select_n3A_339 = arith.select %select_n3A_338, %sub3A_337, %scan3A_330 : i32
        %eq3A_340 = arith.constant -1 : i32
        %eq3A_341 = arith.cmpi eq, %select_n3A_339, %eq3A_340 : i32
        %select_n3A_342 = arith.constant 29 : i32
        %select_n3A_343 = arith.select %eq3A_341, %select_n3A_342, %select_n3A_339 : i32
        %add3A_344 = arith.addi %select_n3A_343, %mul3A_6 : i32
        %add3A_345 = arith.constant 1 : i32
        %add3A_346 = arith.addi %scan3A_330, %add3A_345 : i32
        %select_n3A_347 = arith.constant true
        %select_n3A_348 = arith.select %select_n3A_347, %add3A_346, %scan3A_330 : i32
        %eq3A_349 = arith.constant 30 : i32
        %eq3A_350 = arith.cmpi eq, %select_n3A_348, %eq3A_349 : i32
        %select_n3A_351 = arith.constant 0 : i32
        %select_n3A_352 = arith.select %eq3A_350, %select_n3A_351, %select_n3A_348 : i32
        %add3A_353 = arith.addi %select_n3A_352, %mul3A_6 : i32
        %add3A_354 = arith.constant 1 : i32
        %add3A_355 = arith.addi %select_n3A_352, %add3A_354 : i32
        %select_n3A_356 = arith.constant true
        %select_n3A_357 = arith.select %select_n3A_356, %add3A_355, %select_n3A_352 : i32
        %eq3A_358 = arith.constant 30 : i32
        %eq3A_359 = arith.cmpi eq, %select_n3A_357, %eq3A_358 : i32
        %select_n3A_360 = arith.constant 0 : i32
        %select_n3A_361 = arith.select %eq3A_359, %select_n3A_360, %select_n3A_357 : i32
        %add3A_362 = arith.addi %select_n3A_361, %mul3A_6 : i32
        %jit3A_363 = arith.constant 32 : i32
        %eq3A_364 = arith.constant 0 : i32
        %eq3A_365 = arith.cmpi eq, %jit3A_363, %eq3A_364 : i32
        %jit3A_366 = arith.constant 1 : i32
        %select_n3A_367 = arith.select %eq3A_365, %jit3A_366, %jit3A_363 : i32
        %rem3A_368 = arith.remsi %add3A_335, %select_n3A_367 : i32
        %ne3A_369 = arith.constant 0 : i32
        %ne3A_370 = arith.cmpi ne, %rem3A_368, %ne3A_369 : i32
        %lt3A_371 = arith.constant 0 : i32
        %lt3A_372 = arith.cmpi slt, %rem3A_368, %lt3A_371 : i32
        %lt3A_373 = arith.constant 0 : i32
        %lt3A_374 = arith.cmpi slt, %select_n3A_367, %lt3A_373 : i32
        %ne3A_375 = arith.xori %lt3A_372, %lt3A_374 : i1
        %and3A_376 = arith.andi %ne3A_375, %ne3A_370 : i1
        %add3A_377 = arith.addi %rem3A_368, %select_n3A_367 : i32
        %select_n3A_378 = arith.select %and3A_376, %add3A_377, %rem3A_368 : i32
        %jit3A_379 = arith.constant 32 : i32
        %div3A_380 = arith.divsi %add3A_335, %jit3A_379 : i32
        %sign3A_381 = arith.constant 0 : i32
        %sign3A_382 = arith.cmpi sgt, %add3A_335, %sign3A_381 : i32
        %sign3A_383 = arith.extui %sign3A_382 : i1 to i32
        %sign3A_384 = arith.constant 0 : i32
        %sign3A_385 = arith.cmpi slt, %add3A_335, %sign3A_384 : i32
        %sign3A_386 = arith.extui %sign3A_385 : i1 to i32
        %sign3A_387 = arith.subi %sign3A_383, %sign3A_386 : i32
        %sign3A_388 = arith.constant 0 : i32
        %sign3A_389 = arith.cmpi sgt, %jit3A_379, %sign3A_388 : i32
        %sign3A_390 = arith.extui %sign3A_389 : i1 to i32
        %sign3A_391 = arith.constant 0 : i32
        %sign3A_392 = arith.cmpi slt, %jit3A_379, %sign3A_391 : i32
        %sign3A_393 = arith.extui %sign3A_392 : i1 to i32
        %sign3A_394 = arith.subi %sign3A_390, %sign3A_393 : i32
        %ne3A_395 = arith.cmpi ne, %sign3A_387, %sign3A_394 : i32
        %rem3A_396 = arith.remsi %add3A_335, %jit3A_379 : i32
        %ne3A_397 = arith.constant 0 : i32
        %ne3A_398 = arith.cmpi ne, %rem3A_396, %ne3A_397 : i32
        %and3A_399 = arith.andi %ne3A_395, %ne3A_398 : i1
        %sub3A_400 = arith.constant 1 : i32
        %sub3A_401 = arith.subi %div3A_380, %sub3A_400 : i32
        %select_n3A_402 = arith.select %and3A_399, %sub3A_401, %div3A_380 : i32
        %add3A_403 = arith.constant 0 : i32
        %add3A_404 = arith.addi %select_n3A_402, %add3A_403 : i32
        %mul3A_405 = arith.constant 64 : i32
        %mul3A_406 = arith.muli %add3A_404, %mul3A_405 : i32
        %jit3A_407 = arith.constant 32 : i32
        %div3A_408 = arith.divsi %select_n3A_378, %jit3A_407 : i32
        %sign3A_409 = arith.constant 0 : i32
        %sign3A_410 = arith.cmpi sgt, %select_n3A_378, %sign3A_409 : i32
        %sign3A_411 = arith.extui %sign3A_410 : i1 to i32
        %sign3A_412 = arith.constant 0 : i32
        %sign3A_413 = arith.cmpi slt, %select_n3A_378, %sign3A_412 : i32
        %sign3A_414 = arith.extui %sign3A_413 : i1 to i32
        %sign3A_415 = arith.subi %sign3A_411, %sign3A_414 : i32
        %sign3A_416 = arith.constant 0 : i32
        %sign3A_417 = arith.cmpi sgt, %jit3A_407, %sign3A_416 : i32
        %sign3A_418 = arith.extui %sign3A_417 : i1 to i32
        %sign3A_419 = arith.constant 0 : i32
        %sign3A_420 = arith.cmpi slt, %jit3A_407, %sign3A_419 : i32
        %sign3A_421 = arith.extui %sign3A_420 : i1 to i32
        %sign3A_422 = arith.subi %sign3A_418, %sign3A_421 : i32
        %ne3A_423 = arith.cmpi ne, %sign3A_415, %sign3A_422 : i32
        %rem3A_424 = arith.remsi %select_n3A_378, %jit3A_407 : i32
        %ne3A_425 = arith.constant 0 : i32
        %ne3A_426 = arith.cmpi ne, %rem3A_424, %ne3A_425 : i32
        %and3A_427 = arith.andi %ne3A_423, %ne3A_426 : i1
        %sub3A_428 = arith.constant 1 : i32
        %sub3A_429 = arith.subi %div3A_408, %sub3A_428 : i32
        %select_n3A_430 = arith.select %and3A_427, %sub3A_429, %div3A_408 : i32
        %mul3A_431 = arith.constant 64 : i32
        %mul3A_432 = arith.muli %select_n3A_430, %mul3A_431 : i32
        %add3A_433 = arith.addi %mul3A_406, %mul3A_432 : i32
        %jit3A_434 = arith.constant 32 : i32
        %eq3A_435 = arith.constant 0 : i32
        %eq3A_436 = arith.cmpi eq, %jit3A_434, %eq3A_435 : i32
        %jit3A_437 = arith.constant 1 : i32
        %select_n3A_438 = arith.select %eq3A_436, %jit3A_437, %jit3A_434 : i32
        %rem3A_439 = arith.remsi %select_n3A_378, %select_n3A_438 : i32
        %ne3A_440 = arith.constant 0 : i32
        %ne3A_441 = arith.cmpi ne, %rem3A_439, %ne3A_440 : i32
        %lt3A_442 = arith.constant 0 : i32
        %lt3A_443 = arith.cmpi slt, %rem3A_439, %lt3A_442 : i32
        %lt3A_444 = arith.constant 0 : i32
        %lt3A_445 = arith.cmpi slt, %select_n3A_438, %lt3A_444 : i32
        %ne3A_446 = arith.xori %lt3A_443, %lt3A_445 : i1
        %and3A_447 = arith.andi %ne3A_446, %ne3A_441 : i1
        %add3A_448 = arith.addi %rem3A_439, %select_n3A_438 : i32
        %select_n3A_449 = arith.select %and3A_447, %add3A_448, %rem3A_439 : i32
        %add3A_450 = arith.addi %add3A_433, %select_n3A_449 : i32
        %add3A_451 = arith.constant 0 : i32
        %add3A_452 = arith.addi %add3A_450, %add3A_451 : i32
        %jit3A_453 = arith.constant 32 : i32
        %eq3A_454 = arith.constant 0 : i32
        %eq3A_455 = arith.cmpi eq, %jit3A_453, %eq3A_454 : i32
        %jit3A_456 = arith.constant 1 : i32
        %select_n3A_457 = arith.select %eq3A_455, %jit3A_456, %jit3A_453 : i32
        %rem3A_458 = arith.remsi %add3A_353, %select_n3A_457 : i32
        %ne3A_459 = arith.constant 0 : i32
        %ne3A_460 = arith.cmpi ne, %rem3A_458, %ne3A_459 : i32
        %lt3A_461 = arith.constant 0 : i32
        %lt3A_462 = arith.cmpi slt, %rem3A_458, %lt3A_461 : i32
        %lt3A_463 = arith.constant 0 : i32
        %lt3A_464 = arith.cmpi slt, %select_n3A_457, %lt3A_463 : i32
        %ne3A_465 = arith.xori %lt3A_462, %lt3A_464 : i1
        %and3A_466 = arith.andi %ne3A_465, %ne3A_460 : i1
        %add3A_467 = arith.addi %rem3A_458, %select_n3A_457 : i32
        %select_n3A_468 = arith.select %and3A_466, %add3A_467, %rem3A_458 : i32
        %jit3A_469 = arith.constant 32 : i32
        %div3A_470 = arith.divsi %add3A_353, %jit3A_469 : i32
        %sign3A_471 = arith.constant 0 : i32
        %sign3A_472 = arith.cmpi sgt, %add3A_353, %sign3A_471 : i32
        %sign3A_473 = arith.extui %sign3A_472 : i1 to i32
        %sign3A_474 = arith.constant 0 : i32
        %sign3A_475 = arith.cmpi slt, %add3A_353, %sign3A_474 : i32
        %sign3A_476 = arith.extui %sign3A_475 : i1 to i32
        %sign3A_477 = arith.subi %sign3A_473, %sign3A_476 : i32
        %sign3A_478 = arith.constant 0 : i32
        %sign3A_479 = arith.cmpi sgt, %jit3A_469, %sign3A_478 : i32
        %sign3A_480 = arith.extui %sign3A_479 : i1 to i32
        %sign3A_481 = arith.constant 0 : i32
        %sign3A_482 = arith.cmpi slt, %jit3A_469, %sign3A_481 : i32
        %sign3A_483 = arith.extui %sign3A_482 : i1 to i32
        %sign3A_484 = arith.subi %sign3A_480, %sign3A_483 : i32
        %ne3A_485 = arith.cmpi ne, %sign3A_477, %sign3A_484 : i32
        %rem3A_486 = arith.remsi %add3A_353, %jit3A_469 : i32
        %ne3A_487 = arith.constant 0 : i32
        %ne3A_488 = arith.cmpi ne, %rem3A_486, %ne3A_487 : i32
        %and3A_489 = arith.andi %ne3A_485, %ne3A_488 : i1
        %sub3A_490 = arith.constant 1 : i32
        %sub3A_491 = arith.subi %div3A_470, %sub3A_490 : i32
        %select_n3A_492 = arith.select %and3A_489, %sub3A_491, %div3A_470 : i32
        %add3A_493 = arith.constant 0 : i32
        %add3A_494 = arith.addi %select_n3A_492, %add3A_493 : i32
        %mul3A_495 = arith.constant 64 : i32
        %mul3A_496 = arith.muli %add3A_494, %mul3A_495 : i32
        %jit3A_497 = arith.constant 32 : i32
        %div3A_498 = arith.divsi %select_n3A_468, %jit3A_497 : i32
        %sign3A_499 = arith.constant 0 : i32
        %sign3A_500 = arith.cmpi sgt, %select_n3A_468, %sign3A_499 : i32
        %sign3A_501 = arith.extui %sign3A_500 : i1 to i32
        %sign3A_502 = arith.constant 0 : i32
        %sign3A_503 = arith.cmpi slt, %select_n3A_468, %sign3A_502 : i32
        %sign3A_504 = arith.extui %sign3A_503 : i1 to i32
        %sign3A_505 = arith.subi %sign3A_501, %sign3A_504 : i32
        %sign3A_506 = arith.constant 0 : i32
        %sign3A_507 = arith.cmpi sgt, %jit3A_497, %sign3A_506 : i32
        %sign3A_508 = arith.extui %sign3A_507 : i1 to i32
        %sign3A_509 = arith.constant 0 : i32
        %sign3A_510 = arith.cmpi slt, %jit3A_497, %sign3A_509 : i32
        %sign3A_511 = arith.extui %sign3A_510 : i1 to i32
        %sign3A_512 = arith.subi %sign3A_508, %sign3A_511 : i32
        %ne3A_513 = arith.cmpi ne, %sign3A_505, %sign3A_512 : i32
        %rem3A_514 = arith.remsi %select_n3A_468, %jit3A_497 : i32
        %ne3A_515 = arith.constant 0 : i32
        %ne3A_516 = arith.cmpi ne, %rem3A_514, %ne3A_515 : i32
        %and3A_517 = arith.andi %ne3A_513, %ne3A_516 : i1
        %sub3A_518 = arith.constant 1 : i32
        %sub3A_519 = arith.subi %div3A_498, %sub3A_518 : i32
        %select_n3A_520 = arith.select %and3A_517, %sub3A_519, %div3A_498 : i32
        %mul3A_521 = arith.constant 64 : i32
        %mul3A_522 = arith.muli %select_n3A_520, %mul3A_521 : i32
        %add3A_523 = arith.addi %mul3A_496, %mul3A_522 : i32
        %jit3A_524 = arith.constant 32 : i32
        %eq3A_525 = arith.constant 0 : i32
        %eq3A_526 = arith.cmpi eq, %jit3A_524, %eq3A_525 : i32
        %jit3A_527 = arith.constant 1 : i32
        %select_n3A_528 = arith.select %eq3A_526, %jit3A_527, %jit3A_524 : i32
        %rem3A_529 = arith.remsi %select_n3A_468, %select_n3A_528 : i32
        %ne3A_530 = arith.constant 0 : i32
        %ne3A_531 = arith.cmpi ne, %rem3A_529, %ne3A_530 : i32
        %lt3A_532 = arith.constant 0 : i32
        %lt3A_533 = arith.cmpi slt, %rem3A_529, %lt3A_532 : i32
        %lt3A_534 = arith.constant 0 : i32
        %lt3A_535 = arith.cmpi slt, %select_n3A_528, %lt3A_534 : i32
        %ne3A_536 = arith.xori %lt3A_533, %lt3A_535 : i1
        %and3A_537 = arith.andi %ne3A_536, %ne3A_531 : i1
        %add3A_538 = arith.addi %rem3A_529, %select_n3A_528 : i32
        %select_n3A_539 = arith.select %and3A_537, %add3A_538, %rem3A_529 : i32
        %add3A_540 = arith.addi %add3A_523, %select_n3A_539 : i32
        %add3A_541 = arith.constant 0 : i32
        %add3A_542 = arith.addi %add3A_540, %add3A_541 : i32
        %ne3A_543 = arith.cmpi ne, %add3A_452, %add3A_542 : i32
        %or3A = arith.constant false
        %or3A_544 = arith.ori %or3A, %ne3A_543 : i1
        %ge3A = arith.constant 29 : i32
        %ge3A_545 = arith.cmpi sge, %scan3A_323, %ge3A : i32
        %not3A = arith.constant true
        %not3A_546 = arith.xori %ge3A_545, %not3A : i1
        %and3A_547 = arith.andi %or3A_544, %not3A_546 : i1
        %convert_element_type3A = arith.extui %and3A_547 : i1 to i32
        %cond3A = arith.constant 0 : i32
        %cond3A_548 = arith.cmpi ne, %convert_element_type3A, %cond3A : i32
        scf.if %cond3A_548 {
          "tpu.trace_start"() <{level = 10 : i32, message = "ep_copy_in"}> : () -> ()
          %rem3A_2735 = arith.constant 2 : i32
          %rem3A_2736 = arith.remui %scan3A_324, %rem3A_2735 : i32
          %jit3A_2737 = arith.constant 32 : i32
          %eq3A_2738 = arith.constant 0 : i32
          %eq3A_2739 = arith.cmpi eq, %jit3A_2737, %eq3A_2738 : i32
          %jit3A_2740 = arith.constant 1 : i32
          %select_n3A_2741 = arith.select %eq3A_2739, %jit3A_2740, %jit3A_2737 : i32
          %rem3A_2742 = arith.remsi %add3A_353, %select_n3A_2741 : i32
          %ne3A_2743 = arith.constant 0 : i32
          %ne3A_2744 = arith.cmpi ne, %rem3A_2742, %ne3A_2743 : i32
          %lt3A_2745 = arith.constant 0 : i32
          %lt3A_2746 = arith.cmpi slt, %rem3A_2742, %lt3A_2745 : i32
          %lt3A_2747 = arith.constant 0 : i32
          %lt3A_2748 = arith.cmpi slt, %select_n3A_2741, %lt3A_2747 : i32
          %ne3A_2749 = arith.xori %lt3A_2746, %lt3A_2748 : i1
          %and3A_2750 = arith.andi %ne3A_2749, %ne3A_2744 : i1
          %add3A_2751 = arith.addi %rem3A_2742, %select_n3A_2741 : i32
          %select_n3A_2752 = arith.select %and3A_2750, %add3A_2751, %rem3A_2742 : i32
          %jit3A_2753 = arith.constant 32 : i32
          %div3A_2754 = arith.divsi %add3A_353, %jit3A_2753 : i32
          %sign3A_2755 = arith.constant 0 : i32
          %sign3A_2756 = arith.cmpi sgt, %add3A_353, %sign3A_2755 : i32
          %sign3A_2757 = arith.extui %sign3A_2756 : i1 to i32
          %sign3A_2758 = arith.constant 0 : i32
          %sign3A_2759 = arith.cmpi slt, %add3A_353, %sign3A_2758 : i32
          %sign3A_2760 = arith.extui %sign3A_2759 : i1 to i32
          %sign3A_2761 = arith.subi %sign3A_2757, %sign3A_2760 : i32
          %sign3A_2762 = arith.constant 0 : i32
          %sign3A_2763 = arith.cmpi sgt, %jit3A_2753, %sign3A_2762 : i32
          %sign3A_2764 = arith.extui %sign3A_2763 : i1 to i32
          %sign3A_2765 = arith.constant 0 : i32
          %sign3A_2766 = arith.cmpi slt, %jit3A_2753, %sign3A_2765 : i32
          %sign3A_2767 = arith.extui %sign3A_2766 : i1 to i32
          %sign3A_2768 = arith.subi %sign3A_2764, %sign3A_2767 : i32
          %ne3A_2769 = arith.cmpi ne, %sign3A_2761, %sign3A_2768 : i32
          %rem3A_2770 = arith.remsi %add3A_353, %jit3A_2753 : i32
          %ne3A_2771 = arith.constant 0 : i32
          %ne3A_2772 = arith.cmpi ne, %rem3A_2770, %ne3A_2771 : i32
          %and3A_2773 = arith.andi %ne3A_2769, %ne3A_2772 : i1
          %sub3A_2774 = arith.constant 1 : i32
          %sub3A_2775 = arith.subi %div3A_2754, %sub3A_2774 : i32
          %select_n3A_2776 = arith.select %and3A_2773, %sub3A_2775, %div3A_2754 : i32
          %add3A_2777 = arith.constant 0 : i32
          %add3A_2778 = arith.addi %select_n3A_2776, %add3A_2777 : i32
          %mul3A_2779 = arith.constant 64 : i32
          %mul3A_2780 = arith.muli %add3A_2778, %mul3A_2779 : i32
          %jit3A_2781 = arith.constant 32 : i32
          %div3A_2782 = arith.divsi %select_n3A_2752, %jit3A_2781 : i32
          %sign3A_2783 = arith.constant 0 : i32
          %sign3A_2784 = arith.cmpi sgt, %select_n3A_2752, %sign3A_2783 : i32
          %sign3A_2785 = arith.extui %sign3A_2784 : i1 to i32
          %sign3A_2786 = arith.constant 0 : i32
          %sign3A_2787 = arith.cmpi slt, %select_n3A_2752, %sign3A_2786 : i32
          %sign3A_2788 = arith.extui %sign3A_2787 : i1 to i32
          %sign3A_2789 = arith.subi %sign3A_2785, %sign3A_2788 : i32
          %sign3A_2790 = arith.constant 0 : i32
          %sign3A_2791 = arith.cmpi sgt, %jit3A_2781, %sign3A_2790 : i32
          %sign3A_2792 = arith.extui %sign3A_2791 : i1 to i32
          %sign3A_2793 = arith.constant 0 : i32
          %sign3A_2794 = arith.cmpi slt, %jit3A_2781, %sign3A_2793 : i32
          %sign3A_2795 = arith.extui %sign3A_2794 : i1 to i32
          %sign3A_2796 = arith.subi %sign3A_2792, %sign3A_2795 : i32
          %ne3A_2797 = arith.cmpi ne, %sign3A_2789, %sign3A_2796 : i32
          %rem3A_2798 = arith.remsi %select_n3A_2752, %jit3A_2781 : i32
          %ne3A_2799 = arith.constant 0 : i32
          %ne3A_2800 = arith.cmpi ne, %rem3A_2798, %ne3A_2799 : i32
          %and3A_2801 = arith.andi %ne3A_2797, %ne3A_2800 : i1
          %sub3A_2802 = arith.constant 1 : i32
          %sub3A_2803 = arith.subi %div3A_2782, %sub3A_2802 : i32
          %select_n3A_2804 = arith.select %and3A_2801, %sub3A_2803, %div3A_2782 : i32
          %mul3A_2805 = arith.constant 64 : i32
          %mul3A_2806 = arith.muli %select_n3A_2804, %mul3A_2805 : i32
          %add3A_2807 = arith.addi %mul3A_2780, %mul3A_2806 : i32
          %jit3A_2808 = arith.constant 32 : i32
          %eq3A_2809 = arith.constant 0 : i32
          %eq3A_2810 = arith.cmpi eq, %jit3A_2808, %eq3A_2809 : i32
          %jit3A_2811 = arith.constant 1 : i32
          %select_n3A_2812 = arith.select %eq3A_2810, %jit3A_2811, %jit3A_2808 : i32
          %rem3A_2813 = arith.remsi %select_n3A_2752, %select_n3A_2812 : i32
          %ne3A_2814 = arith.constant 0 : i32
          %ne3A_2815 = arith.cmpi ne, %rem3A_2813, %ne3A_2814 : i32
          %lt3A_2816 = arith.constant 0 : i32
          %lt3A_2817 = arith.cmpi slt, %rem3A_2813, %lt3A_2816 : i32
          %lt3A_2818 = arith.constant 0 : i32
          %lt3A_2819 = arith.cmpi slt, %select_n3A_2812, %lt3A_2818 : i32
          %ne3A_2820 = arith.xori %lt3A_2817, %lt3A_2819 : i1
          %and3A_2821 = arith.andi %ne3A_2820, %ne3A_2815 : i1
          %add3A_2822 = arith.addi %rem3A_2813, %select_n3A_2812 : i32
          %select_n3A_2823 = arith.select %and3A_2821, %add3A_2822, %rem3A_2813 : i32
          %add3A_2824 = arith.addi %add3A_2807, %select_n3A_2823 : i32
          %add3A_2825 = arith.constant 0 : i32
          %add3A_2826 = arith.addi %add3A_2824, %add3A_2825 : i32
          %mul3A_2827 = arith.constant 256 : i32
          %mul3A_2828 = arith.muli %mul3A_2827, %add3A_2826 : i32
          %dma_start3A_2829 = arith.constant 0 : i32
          %dma_start3A_2830 = arith.constant 0 : i32
          %dma_start3A_2831 = tpu.memref_slice %run_scoped3A[%rem3A_2736, %dma_start3A_2829, %dma_start3A_2830] : memref<2x1x256xi32, #tpu.memory_space<vmem>> -> memref<1x1x256xi32, #tpu.memory_space<vmem>>
          %dma_start3A_2832 = tpu.memref_squeeze %dma_start3A_2831 : memref<1x1x256xi32, #tpu.memory_space<vmem>> -> memref<1x256xi32, #tpu.memory_space<vmem>>
          %dma_start3A_2833 = arith.constant 0 : i32
          %dma_start3A_2834 = tpu.memref_slice %arg3[%dma_start3A_2833, %mul3A_2828] : memref<1x819200xi32, #tpu.memory_space<hbm>> -> memref<1x256xi32, #tpu.memory_space<hbm>>
          %dma_start3A_2835 = tpu.memref_slice %run_scoped3A_7[%rem3A_2736] : memref<2x!tpu.dma_semaphore, #tpu.memory_space<semaphore_mem>> -> memref<1x!tpu.dma_semaphore, #tpu.memory_space<semaphore_mem>>
          %dma_start3A_2836 = tpu.memref_squeeze %dma_start3A_2835 : memref<1x!tpu.dma_semaphore, #tpu.memory_space<semaphore_mem>> -> memref<!tpu.dma_semaphore, #tpu.memory_space<semaphore_mem>>
          %dma_start3A_2837 = arith.constant 0 : i32
          %dma_start3A_2838 = arith.constant 0 : i32
          %dma_start3A_2839 = tpu.memref_slice %run_scoped3A[%rem3A_2736, %dma_start3A_2837, %dma_start3A_2838] : memref<2x1x256xi32, #tpu.memory_space<vmem>> -> memref<1x1x256xi32, #tpu.memory_space<vmem>>
          %dma_start3A_2840 = tpu.memref_squeeze %dma_start3A_2839 : memref<1x1x256xi32, #tpu.memory_space<vmem>> -> memref<1x256xi32, #tpu.memory_space<vmem>>
          %dma_start3A_2841 = arith.constant 0 : i32
          %dma_start3A_2842 = tpu.memref_slice %arg3[%dma_start3A_2841, %mul3A_2828] : memref<1x819200xi32, #tpu.memory_space<hbm>> -> memref<1x256xi32, #tpu.memory_space<hbm>>
          tpu.enqueue_dma source(%dma_start3A_2842 : memref<1x256xi32, #tpu.memory_space<hbm>>) target(%dma_start3A_2840 : memref<1x256xi32, #tpu.memory_space<vmem>>) target_semaphore(%dma_start3A_2836 : memref<!tpu.dma_semaphore, #tpu.memory_space<semaphore_mem>>)
          "tpu.trace_stop"() : () -> ()
        } else {
        }
        %and3A_549 = arith.constant true
        %and3A_550 = arith.andi %and3A_547, %and3A_549 : i1
        %add3A_551 = arith.constant 1 : i32
        %add3A_552 = arith.addi %scan3A_324, %add3A_551 : i32
        %select_n3A_553 = arith.select %and3A_550, %add3A_552, %scan3A_324 : i32
        %jit3A_554 = arith.constant 32 : i32
        %eq3A_555 = arith.constant 0 : i32
        %eq3A_556 = arith.cmpi eq, %jit3A_554, %eq3A_555 : i32
        %jit3A_557 = arith.constant 1 : i32
        %select_n3A_558 = arith.select %eq3A_556, %jit3A_557, %jit3A_554 : i32
        %rem3A_559 = arith.remsi %add3A_335, %select_n3A_558 : i32
        %ne3A_560 = arith.constant 0 : i32
        %ne3A_561 = arith.cmpi ne, %rem3A_559, %ne3A_560 : i32
        %lt3A_562 = arith.constant 0 : i32
        %lt3A_563 = arith.cmpi slt, %rem3A_559, %lt3A_562 : i32
        %lt3A_564 = arith.constant 0 : i32
        %lt3A_565 = arith.cmpi slt, %select_n3A_558, %lt3A_564 : i32
        %ne3A_566 = arith.xori %lt3A_563, %lt3A_565 : i1
        %and3A_567 = arith.andi %ne3A_566, %ne3A_561 : i1
        %add3A_568 = arith.addi %rem3A_559, %select_n3A_558 : i32
        %select_n3A_569 = arith.select %and3A_567, %add3A_568, %rem3A_559 : i32
        %jit3A_570 = arith.constant 32 : i32
        %div3A_571 = arith.divsi %add3A_335, %jit3A_570 : i32
        %sign3A_572 = arith.constant 0 : i32
        %sign3A_573 = arith.cmpi sgt, %add3A_335, %sign3A_572 : i32
        %sign3A_574 = arith.extui %sign3A_573 : i1 to i32
        %sign3A_575 = arith.constant 0 : i32
        %sign3A_576 = arith.cmpi slt, %add3A_335, %sign3A_575 : i32
        %sign3A_577 = arith.extui %sign3A_576 : i1 to i32
        %sign3A_578 = arith.subi %sign3A_574, %sign3A_577 : i32
        %sign3A_579 = arith.constant 0 : i32
        %sign3A_580 = arith.cmpi sgt, %jit3A_570, %sign3A_579 : i32
        %sign3A_581 = arith.extui %sign3A_580 : i1 to i32
        %sign3A_582 = arith.constant 0 : i32
        %sign3A_583 = arith.cmpi slt, %jit3A_570, %sign3A_582 : i32
        %sign3A_584 = arith.extui %sign3A_583 : i1 to i32
        %sign3A_585 = arith.subi %sign3A_581, %sign3A_584 : i32
        %ne3A_586 = arith.cmpi ne, %sign3A_578, %sign3A_585 : i32
        %rem3A_587 = arith.remsi %add3A_335, %jit3A_570 : i32
        %ne3A_588 = arith.constant 0 : i32
        %ne3A_589 = arith.cmpi ne, %rem3A_587, %ne3A_588 : i32
        %and3A_590 = arith.andi %ne3A_586, %ne3A_589 : i1
        %sub3A_591 = arith.constant 1 : i32
        %sub3A_592 = arith.subi %div3A_571, %sub3A_591 : i32
        %select_n3A_593 = arith.select %and3A_590, %sub3A_592, %div3A_571 : i32
        %add3A_594 = arith.constant 0 : i32
        %add3A_595 = arith.addi %select_n3A_593, %add3A_594 : i32
        %mul3A_596 = arith.constant 64 : i32
        %mul3A_597 = arith.muli %add3A_595, %mul3A_596 : i32
        %jit3A_598 = arith.constant 32 : i32
        %div3A_599 = arith.divsi %select_n3A_569, %jit3A_598 : i32
        %sign3A_600 = arith.constant 0 : i32
        %sign3A_601 = arith.cmpi sgt, %select_n3A_569, %sign3A_600 : i32
        %sign3A_602 = arith.extui %sign3A_601 : i1 to i32
        %sign3A_603 = arith.constant 0 : i32
        %sign3A_604 = arith.cmpi slt, %select_n3A_569, %sign3A_603 : i32
        %sign3A_605 = arith.extui %sign3A_604 : i1 to i32
        %sign3A_606 = arith.subi %sign3A_602, %sign3A_605 : i32
        %sign3A_607 = arith.constant 0 : i32
        %sign3A_608 = arith.cmpi sgt, %jit3A_598, %sign3A_607 : i32
        %sign3A_609 = arith.extui %sign3A_608 : i1 to i32
        %sign3A_610 = arith.constant 0 : i32
        %sign3A_611 = arith.cmpi slt, %jit3A_598, %sign3A_610 : i32
        %sign3A_612 = arith.extui %sign3A_611 : i1 to i32
        %sign3A_613 = arith.subi %sign3A_609, %sign3A_612 : i32
        %ne3A_614 = arith.cmpi ne, %sign3A_606, %sign3A_613 : i32
        %rem3A_615 = arith.remsi %select_n3A_569, %jit3A_598 : i32
        %ne3A_616 = arith.constant 0 : i32
        %ne3A_617 = arith.cmpi ne, %rem3A_615, %ne3A_616 : i32
        %and3A_618 = arith.andi %ne3A_614, %ne3A_617 : i1
        %sub3A_619 = arith.constant 1 : i32
        %sub3A_620 = arith.subi %div3A_599, %sub3A_619 : i32
        %select_n3A_621 = arith.select %and3A_618, %sub3A_620, %div3A_599 : i32
        %mul3A_622 = arith.constant 64 : i32
        %mul3A_623 = arith.muli %select_n3A_621, %mul3A_622 : i32
        %add3A_624 = arith.addi %mul3A_597, %mul3A_623 : i32
        %jit3A_625 = arith.constant 32 : i32
        %eq3A_626 = arith.constant 0 : i32
        %eq3A_627 = arith.cmpi eq, %jit3A_625, %eq3A_626 : i32
        %jit3A_628 = arith.constant 1 : i32
        %select_n3A_629 = arith.select %eq3A_627, %jit3A_628, %jit3A_625 : i32
        %rem3A_630 = arith.remsi %select_n3A_569, %select_n3A_629 : i32
        %ne3A_631 = arith.constant 0 : i32
        %ne3A_632 = arith.cmpi ne, %rem3A_630, %ne3A_631 : i32
        %lt3A_633 = arith.constant 0 : i32
        %lt3A_634 = arith.cmpi slt, %rem3A_630, %lt3A_633 : i32
        %lt3A_635 = arith.constant 0 : i32
        %lt3A_636 = arith.cmpi slt, %select_n3A_629, %lt3A_635 : i32
        %ne3A_637 = arith.xori %lt3A_634, %lt3A_636 : i1
        %and3A_638 = arith.andi %ne3A_637, %ne3A_632 : i1
        %add3A_639 = arith.addi %rem3A_630, %select_n3A_629 : i32
        %select_n3A_640 = arith.select %and3A_638, %add3A_639, %rem3A_630 : i32
        %add3A_641 = arith.addi %add3A_624, %select_n3A_640 : i32
        %add3A_642 = arith.constant 32 : i32
        %add3A_643 = arith.addi %add3A_641, %add3A_642 : i32
        %jit3A_644 = arith.constant 32 : i32
        %eq3A_645 = arith.constant 0 : i32
        %eq3A_646 = arith.cmpi eq, %jit3A_644, %eq3A_645 : i32
        %jit3A_647 = arith.constant 1 : i32
        %select_n3A_648 = arith.select %eq3A_646, %jit3A_647, %jit3A_644 : i32
        %rem3A_649 = arith.remsi %add3A_353, %select_n3A_648 : i32
        %ne3A_650 = arith.constant 0 : i32
        %ne3A_651 = arith.cmpi ne, %rem3A_649, %ne3A_650 : i32
        %lt3A_652 = arith.constant 0 : i32
        %lt3A_653 = arith.cmpi slt, %rem3A_649, %lt3A_652 : i32
        %lt3A_654 = arith.constant 0 : i32
        %lt3A_655 = arith.cmpi slt, %select_n3A_648, %lt3A_654 : i32
        %ne3A_656 = arith.xori %lt3A_653, %lt3A_655 : i1
        %and3A_657 = arith.andi %ne3A_656, %ne3A_651 : i1
        %add3A_658 = arith.addi %rem3A_649, %select_n3A_648 : i32
        %select_n3A_659 = arith.select %and3A_657, %add3A_658, %rem3A_649 : i32
        %jit3A_660 = arith.constant 32 : i32
        %div3A_661 = arith.divsi %add3A_353, %jit3A_660 : i32
        %sign3A_662 = arith.constant 0 : i32
        %sign3A_663 = arith.cmpi sgt, %add3A_353, %sign3A_662 : i32
        %sign3A_664 = arith.extui %sign3A_663 : i1 to i32
        %sign3A_665 = arith.constant 0 : i32
        %sign3A_666 = arith.cmpi slt, %add3A_353, %sign3A_665 : i32
        %sign3A_667 = arith.extui %sign3A_666 : i1 to i32
        %sign3A_668 = arith.subi %sign3A_664, %sign3A_667 : i32
        %sign3A_669 = arith.constant 0 : i32
        %sign3A_670 = arith.cmpi sgt, %jit3A_660, %sign3A_669 : i32
        %sign3A_671 = arith.extui %sign3A_670 : i1 to i32
        %sign3A_672 = arith.constant 0 : i32
        %sign3A_673 = arith.cmpi slt, %jit3A_660, %sign3A_672 : i32
        %sign3A_674 = arith.extui %sign3A_673 : i1 to i32
        %sign3A_675 = arith.subi %sign3A_671, %sign3A_674 : i32
        %ne3A_676 = arith.cmpi ne, %sign3A_668, %sign3A_675 : i32
        %rem3A_677 = arith.remsi %add3A_353, %jit3A_660 : i32
        %ne3A_678 = arith.constant 0 : i32
        %ne3A_679 = arith.cmpi ne, %rem3A_677, %ne3A_678 : i32
        %and3A_680 = arith.andi %ne3A_676, %ne3A_679 : i1
        %sub3A_681 = arith.constant 1 : i32
        %sub3A_682 = arith.subi %div3A_661, %sub3A_681 : i32
        %select_n3A_683 = arith.select %and3A_680, %sub3A_682, %div3A_661 : i32
        %add3A_684 = arith.constant 0 : i32
        %add3A_685 = arith.addi %select_n3A_683, %add3A_684 : i32
        %mul3A_686 = arith.constant 64 : i32
        %mul3A_687 = arith.muli %add3A_685, %mul3A_686 : i32
        %jit3A_688 = arith.constant 32 : i32
        %div3A_689 = arith.divsi %select_n3A_659, %jit3A_688 : i32
        %sign3A_690 = arith.constant 0 : i32
        %sign3A_691 = arith.cmpi sgt, %select_n3A_659, %sign3A_690 : i32
        %sign3A_692 = arith.extui %sign3A_691 : i1 to i32
        %sign3A_693 = arith.constant 0 : i32
        %sign3A_694 = arith.cmpi slt, %select_n3A_659, %sign3A_693 : i32
        %sign3A_695 = arith.extui %sign3A_694 : i1 to i32
        %sign3A_696 = arith.subi %sign3A_692, %sign3A_695 : i32
        %sign3A_697 = arith.constant 0 : i32
        %sign3A_698 = arith.cmpi sgt, %jit3A_688, %sign3A_697 : i32
        %sign3A_699 = arith.extui %sign3A_698 : i1 to i32
        %sign3A_700 = arith.constant 0 : i32
        %sign3A_701 = arith.cmpi slt, %jit3A_688, %sign3A_700 : i32
        %sign3A_702 = arith.extui %sign3A_701 : i1 to i32
        %sign3A_703 = arith.subi %sign3A_699, %sign3A_702 : i32
        %ne3A_704 = arith.cmpi ne, %sign3A_696, %sign3A_703 : i32
        %rem3A_705 = arith.remsi %select_n3A_659, %jit3A_688 : i32
        %ne3A_706 = arith.constant 0 : i32
        %ne3A_707 = arith.cmpi ne, %rem3A_705, %ne3A_706 : i32
        %and3A_708 = arith.andi %ne3A_704, %ne3A_707 : i1
        %sub3A_709 = arith.constant 1 : i32
        %sub3A_710 = arith.subi %div3A_689, %sub3A_709 : i32
        %select_n3A_711 = arith.select %and3A_708, %sub3A_710, %div3A_689 : i32
        %mul3A_712 = arith.constant 64 : i32
        %mul3A_713 = arith.muli %select_n3A_711, %mul3A_712 : i32
        %add3A_714 = arith.addi %mul3A_687, %mul3A_713 : i32
        %jit3A_715 = arith.constant 32 : i32
        %eq3A_716 = arith.constant 0 : i32
        %eq3A_717 = arith.cmpi eq, %jit3A_715, %eq3A_716 : i32
        %jit3A_718 = arith.constant 1 : i32
        %select_n3A_719 = arith.select %eq3A_717, %jit3A_718, %jit3A_715 : i32
        %rem3A_720 = arith.remsi %select_n3A_659, %select_n3A_719 : i32
        %ne3A_721 = arith.constant 0 : i32
        %ne3A_722 = arith.cmpi ne, %rem3A_720, %ne3A_721 : i32
        %lt3A_723 = arith.constant 0 : i32
        %lt3A_724 = arith.cmpi slt, %rem3A_720, %lt3A_723 : i32
        %lt3A_725 = arith.constant 0 : i32
        %lt3A_726 = arith.cmpi slt, %select_n3A_719, %lt3A_725 : i32
        %ne3A_727 = arith.xori %lt3A_724, %lt3A_726 : i1
        %and3A_728 = arith.andi %ne3A_727, %ne3A_722 : i1
        %add3A_729 = arith.addi %rem3A_720, %select_n3A_719 : i32
        %select_n3A_730 = arith.select %and3A_728, %add3A_729, %rem3A_720 : i32
        %add3A_731 = arith.addi %add3A_714, %select_n3A_730 : i32
        %add3A_732 = arith.constant 32 : i32
        %add3A_733 = arith.addi %add3A_731, %add3A_732 : i32
        %ne3A_734 = arith.cmpi ne, %add3A_643, %add3A_733 : i32
        %or3A_735 = arith.constant false
        %or3A_736 = arith.ori %or3A_735, %ne3A_734 : i1
        %ge3A_737 = arith.constant 29 : i32
        %ge3A_738 = arith.cmpi sge, %scan3A_323, %ge3A_737 : i32
        %not3A_739 = arith.constant true
        %not3A_740 = arith.xori %ge3A_738, %not3A_739 : i1
        %and3A_741 = arith.andi %or3A_736, %not3A_740 : i1
        %convert_element_type3A_742 = arith.extui %and3A_741 : i1 to i32
        %cond3A_743 = arith.constant 0 : i32
        %cond3A_744 = arith.cmpi ne, %convert_element_type3A_742, %cond3A_743 : i32
        scf.if %cond3A_744 {
          "tpu.trace_start"() <{level = 10 : i32, message = "ep_copy_in"}> : () -> ()
          %rem3A_2735 = arith.constant 2 : i32
          %rem3A_2736 = arith.remui %scan3A_326, %rem3A_2735 : i32
          %jit3A_2737 = arith.constant 32 : i32
          %eq3A_2738 = arith.constant 0 : i32
          %eq3A_2739 = arith.cmpi eq, %jit3A_2737, %eq3A_2738 : i32
          %jit3A_2740 = arith.constant 1 : i32
          %select_n3A_2741 = arith.select %eq3A_2739, %jit3A_2740, %jit3A_2737 : i32
          %rem3A_2742 = arith.remsi %add3A_353, %select_n3A_2741 : i32
          %ne3A_2743 = arith.constant 0 : i32
          %ne3A_2744 = arith.cmpi ne, %rem3A_2742, %ne3A_2743 : i32
          %lt3A_2745 = arith.constant 0 : i32
          %lt3A_2746 = arith.cmpi slt, %rem3A_2742, %lt3A_2745 : i32
          %lt3A_2747 = arith.constant 0 : i32
          %lt3A_2748 = arith.cmpi slt, %select_n3A_2741, %lt3A_2747 : i32
          %ne3A_2749 = arith.xori %lt3A_2746, %lt3A_2748 : i1
          %and3A_2750 = arith.andi %ne3A_2749, %ne3A_2744 : i1
          %add3A_2751 = arith.addi %rem3A_2742, %select_n3A_2741 : i32
          %select_n3A_2752 = arith.select %and3A_2750, %add3A_2751, %rem3A_2742 : i32
          %jit3A_2753 = arith.constant 32 : i32
          %div3A_2754 = arith.divsi %add3A_353, %jit3A_2753 : i32
          %sign3A_2755 = arith.constant 0 : i32
          %sign3A_2756 = arith.cmpi sgt, %add3A_353, %sign3A_2755 : i32
          %sign3A_2757 = arith.extui %sign3A_2756 : i1 to i32
          %sign3A_2758 = arith.constant 0 : i32
          %sign3A_2759 = arith.cmpi slt, %add3A_353, %sign3A_2758 : i32
          %sign3A_2760 = arith.extui %sign3A_2759 : i1 to i32
          %sign3A_2761 = arith.subi %sign3A_2757, %sign3A_2760 : i32
          %sign3A_2762 = arith.constant 0 : i32
          %sign3A_2763 = arith.cmpi sgt, %jit3A_2753, %sign3A_2762 : i32
          %sign3A_2764 = arith.extui %sign3A_2763 : i1 to i32
          %sign3A_2765 = arith.constant 0 : i32
          %sign3A_2766 = arith.cmpi slt, %jit3A_2753, %sign3A_2765 : i32
          %sign3A_2767 = arith.extui %sign3A_2766 : i1 to i32
          %sign3A_2768 = arith.subi %sign3A_2764, %sign3A_2767 : i32
          %ne3A_2769 = arith.cmpi ne, %sign3A_2761, %sign3A_2768 : i32
          %rem3A_2770 = arith.remsi %add3A_353, %jit3A_2753 : i32
          %ne3A_2771 = arith.constant 0 : i32
          %ne3A_2772 = arith.cmpi ne, %rem3A_2770, %ne3A_2771 : i32
          %and3A_2773 = arith.andi %ne3A_2769, %ne3A_2772 : i1
          %sub3A_2774 = arith.constant 1 : i32
          %sub3A_2775 = arith.subi %div3A_2754, %sub3A_2774 : i32
          %select_n3A_2776 = arith.select %and3A_2773, %sub3A_2775, %div3A_2754 : i32
          %add3A_2777 = arith.constant 0 : i32
          %add3A_2778 = arith.addi %select_n3A_2776, %add3A_2777 : i32
          %mul3A_2779 = arith.constant 64 : i32
          %mul3A_2780 = arith.muli %add3A_2778, %mul3A_2779 : i32
          %jit3A_2781 = arith.constant 32 : i32
          %div3A_2782 = arith.divsi %select_n3A_2752, %jit3A_2781 : i32
          %sign3A_2783 = arith.constant 0 : i32
          %sign3A_2784 = arith.cmpi sgt, %select_n3A_2752, %sign3A_2783 : i32
          %sign3A_2785 = arith.extui %sign3A_2784 : i1 to i32
          %sign3A_2786 = arith.constant 0 : i32
          %sign3A_2787 = arith.cmpi slt, %select_n3A_2752, %sign3A_2786 : i32
          %sign3A_2788 = arith.extui %sign3A_2787 : i1 to i32
          %sign3A_2789 = arith.subi %sign3A_2785, %sign3A_2788 : i32
          %sign3A_2790 = arith.constant 0 : i32
          %sign3A_2791 = arith.cmpi sgt, %jit3A_2781, %sign3A_2790 : i32
          %sign3A_2792 = arith.extui %sign3A_2791 : i1 to i32
          %sign3A_2793 = arith.constant 0 : i32
          %sign3A_2794 = arith.cmpi slt, %jit3A_2781, %sign3A_2793 : i32
          %sign3A_2795 = arith.extui %sign3A_2794 : i1 to i32
          %sign3A_2796 = arith.subi %sign3A_2792, %sign3A_2795 : i32
          %ne3A_2797 = arith.cmpi ne, %sign3A_2789, %sign3A_2796 : i32
          %rem3A_2798 = arith.remsi %select_n3A_2752, %jit3A_2781 : i32
          %ne3A_2799 = arith.constant 0 : i32
          %ne3A_2800 = arith.cmpi ne, %rem3A_2798, %ne3A_2799 : i32
          %and3A_2801 = arith.andi %ne3A_2797, %ne3A_2800 : i1
          %sub3A_2802 = arith.constant 1 : i32
          %sub3A_2803 = arith.subi %div3A_2782, %sub3A_2802 : i32
          %select_n3A_2804 = arith.select %and3A_2801, %sub3A_2803, %div3A_2782 : i32
          %mul3A_2805 = arith.constant 64 : i32
          %mul3A_2806 = arith.muli %select_n3A_2804, %mul3A_2805 : i32
          %add3A_2807 = arith.addi %mul3A_2780, %mul3A_2806 : i32
          %jit3A_2808 = arith.constant 32 : i32
          %eq3A_2809 = arith.constant 0 : i32
          %eq3A_2810 = arith.cmpi eq, %jit3A_2808, %eq3A_2809 : i32
          %jit3A_2811 = arith.constant 1 : i32
          %select_n3A_2812 = arith.select %eq3A_2810, %jit3A_2811, %jit3A_2808 : i32
          %rem3A_2813 = arith.remsi %select_n3A_2752, %select_n3A_2812 : i32
          %ne3A_2814 = arith.constant 0 : i32
          %ne3A_2815 = arith.cmpi ne, %rem3A_2813, %ne3A_2814 : i32
          %lt3A_2816 = arith.constant 0 : i32
          %lt3A_2817 = arith.cmpi slt, %rem3A_2813, %lt3A_2816 : i32
          %lt3A_2818 = arith.constant 0 : i32
          %lt3A_2819 = arith.cmpi slt, %select_n3A_2812, %lt3A_2818 : i32
          %ne3A_2820 = arith.xori %lt3A_2817, %lt3A_2819 : i1
          %and3A_2821 = arith.andi %ne3A_2820, %ne3A_2815 : i1
          %add3A_2822 = arith.addi %rem3A_2813, %select_n3A_2812 : i32
          %select_n3A_2823 = arith.select %and3A_2821, %add3A_2822, %rem3A_2813 : i32
          %add3A_2824 = arith.addi %add3A_2807, %select_n3A_2823 : i32
          %add3A_2825 = arith.constant 32 : i32
          %add3A_2826 = arith.addi %add3A_2824, %add3A_2825 : i32
          %mul3A_2827 = arith.constant 256 : i32
          %mul3A_2828 = arith.muli %mul3A_2827, %add3A_2826 : i32
          %dma_start3A_2829 = arith.constant 0 : i32
          %dma_start3A_2830 = arith.constant 0 : i32
          %dma_start3A_2831 = tpu.memref_slice %run_scoped3A_8[%rem3A_2736, %dma_start3A_2829, %dma_start3A_2830] : memref<2x1x256xi32, #tpu.memory_space<vmem>> -> memref<1x1x256xi32, #tpu.memory_space<vmem>>
          %dma_start3A_2832 = tpu.memref_squeeze %dma_start3A_2831 : memref<1x1x256xi32, #tpu.memory_space<vmem>> -> memref<1x256xi32, #tpu.memory_space<vmem>>
          %dma_start3A_2833 = arith.constant 0 : i32
          %dma_start3A_2834 = tpu.memref_slice %arg3[%dma_start3A_2833, %mul3A_2828] : memref<1x819200xi32, #tpu.memory_space<hbm>> -> memref<1x256xi32, #tpu.memory_space<hbm>>
          %dma_start3A_2835 = tpu.memref_slice %run_scoped3A_9[%rem3A_2736] : memref<2x!tpu.dma_semaphore, #tpu.memory_space<semaphore_mem>> -> memref<1x!tpu.dma_semaphore, #tpu.memory_space<semaphore_mem>>
          %dma_start3A_2836 = tpu.memref_squeeze %dma_start3A_2835 : memref<1x!tpu.dma_semaphore, #tpu.memory_space<semaphore_mem>> -> memref<!tpu.dma_semaphore, #tpu.memory_space<semaphore_mem>>
          %dma_start3A_2837 = arith.constant 0 : i32
          %dma_start3A_2838 = arith.constant 0 : i32
          %dma_start3A_2839 = tpu.memref_slice %run_scoped3A_8[%rem3A_2736, %dma_start3A_2837, %dma_start3A_2838] : memref<2x1x256xi32, #tpu.memory_space<vmem>> -> memref<1x1x256xi32, #tpu.memory_space<vmem>>
          %dma_start3A_2840 = tpu.memref_squeeze %dma_start3A_2839 : memref<1x1x256xi32, #tpu.memory_space<vmem>> -> memref<1x256xi32, #tpu.memory_space<vmem>>
          %dma_start3A_2841 = arith.constant 0 : i32
          %dma_start3A_2842 = tpu.memref_slice %arg3[%dma_start3A_2841, %mul3A_2828] : memref<1x819200xi32, #tpu.memory_space<hbm>> -> memref<1x256xi32, #tpu.memory_space<hbm>>
          tpu.enqueue_dma source(%dma_start3A_2842 : memref<1x256xi32, #tpu.memory_space<hbm>>) target(%dma_start3A_2840 : memref<1x256xi32, #tpu.memory_space<vmem>>) target_semaphore(%dma_start3A_2836 : memref<!tpu.dma_semaphore, #tpu.memory_space<semaphore_mem>>)
          "tpu.trace_stop"() : () -> ()
        } else {
        }
        %and3A_745 = arith.constant true
        %and3A_746 = arith.andi %and3A_741, %and3A_745 : i1
        %add3A_747 = arith.constant 1 : i32
        %add3A_748 = arith.addi %scan3A_326, %add3A_747 : i32
        %select_n3A_749 = arith.select %and3A_746, %add3A_748, %scan3A_326 : i32
        %ne3A_750 = arith.cmpi ne, %add3A_335, %add3A_353 : i32
        %or3A_751 = arith.constant false
        %or3A_752 = arith.ori %or3A_751, %ne3A_750 : i1
        %or3A_753 = arith.constant false
        %or3A_754 = arith.ori %or3A_752, %or3A_753 : i1
        %ge3A_755 = arith.constant 29 : i32
        %ge3A_756 = arith.cmpi sge, %scan3A_323, %ge3A_755 : i32
        %not3A_757 = arith.constant true
        %not3A_758 = arith.xori %ge3A_756, %not3A_757 : i1
        %and3A_759 = arith.andi %or3A_754, %not3A_758 : i1
        %jit3A_760 = arith.constant 32 : i32
        %eq3A_761 = arith.constant 0 : i32
        %eq3A_762 = arith.cmpi eq, %jit3A_760, %eq3A_761 : i32
        %jit3A_763 = arith.constant 1 : i32
        %select_n3A_764 = arith.select %eq3A_762, %jit3A_763, %jit3A_760 : i32
        %rem3A_765 = arith.remsi %add3A_335, %select_n3A_764 : i32
        %ne3A_766 = arith.constant 0 : i32
        %ne3A_767 = arith.cmpi ne, %rem3A_765, %ne3A_766 : i32
        %lt3A_768 = arith.constant 0 : i32
        %lt3A_769 = arith.cmpi slt, %rem3A_765, %lt3A_768 : i32
        %lt3A_770 = arith.constant 0 : i32
        %lt3A_771 = arith.cmpi slt, %select_n3A_764, %lt3A_770 : i32
        %ne3A_772 = arith.xori %lt3A_769, %lt3A_771 : i1
        %and3A_773 = arith.andi %ne3A_772, %ne3A_767 : i1
        %add3A_774 = arith.addi %rem3A_765, %select_n3A_764 : i32
        %select_n3A_775 = arith.select %and3A_773, %add3A_774, %rem3A_765 : i32
        %jit3A_776 = arith.constant 32 : i32
        %div3A_777 = arith.divsi %add3A_335, %jit3A_776 : i32
        %sign3A_778 = arith.constant 0 : i32
        %sign3A_779 = arith.cmpi sgt, %add3A_335, %sign3A_778 : i32
        %sign3A_780 = arith.extui %sign3A_779 : i1 to i32
        %sign3A_781 = arith.constant 0 : i32
        %sign3A_782 = arith.cmpi slt, %add3A_335, %sign3A_781 : i32
        %sign3A_783 = arith.extui %sign3A_782 : i1 to i32
        %sign3A_784 = arith.subi %sign3A_780, %sign3A_783 : i32
        %sign3A_785 = arith.constant 0 : i32
        %sign3A_786 = arith.cmpi sgt, %jit3A_776, %sign3A_785 : i32
        %sign3A_787 = arith.extui %sign3A_786 : i1 to i32
        %sign3A_788 = arith.constant 0 : i32
        %sign3A_789 = arith.cmpi slt, %jit3A_776, %sign3A_788 : i32
        %sign3A_790 = arith.extui %sign3A_789 : i1 to i32
        %sign3A_791 = arith.subi %sign3A_787, %sign3A_790 : i32
        %ne3A_792 = arith.cmpi ne, %sign3A_784, %sign3A_791 : i32
        %rem3A_793 = arith.remsi %add3A_335, %jit3A_776 : i32
        %ne3A_794 = arith.constant 0 : i32
        %ne3A_795 = arith.cmpi ne, %rem3A_793, %ne3A_794 : i32
        %and3A_796 = arith.andi %ne3A_792, %ne3A_795 : i1
        %sub3A_797 = arith.constant 1 : i32
        %sub3A_798 = arith.subi %div3A_777, %sub3A_797 : i32
        %select_n3A_799 = arith.select %and3A_796, %sub3A_798, %div3A_777 : i32
        %add3A_800 = arith.constant 0 : i32
        %add3A_801 = arith.addi %select_n3A_799, %add3A_800 : i32
        %mul3A_802 = arith.constant 64 : i32
        %mul3A_803 = arith.muli %add3A_801, %mul3A_802 : i32
        %jit3A_804 = arith.constant 32 : i32
        %div3A_805 = arith.divsi %select_n3A_775, %jit3A_804 : i32
        %sign3A_806 = arith.constant 0 : i32
        %sign3A_807 = arith.cmpi sgt, %select_n3A_775, %sign3A_806 : i32
        %sign3A_808 = arith.extui %sign3A_807 : i1 to i32
        %sign3A_809 = arith.constant 0 : i32
        %sign3A_810 = arith.cmpi slt, %select_n3A_775, %sign3A_809 : i32
        %sign3A_811 = arith.extui %sign3A_810 : i1 to i32
        %sign3A_812 = arith.subi %sign3A_808, %sign3A_811 : i32
        %sign3A_813 = arith.constant 0 : i32
        %sign3A_814 = arith.cmpi sgt, %jit3A_804, %sign3A_813 : i32
        %sign3A_815 = arith.extui %sign3A_814 : i1 to i32
        %sign3A_816 = arith.constant 0 : i32
        %sign3A_817 = arith.cmpi slt, %jit3A_804, %sign3A_816 : i32
        %sign3A_818 = arith.extui %sign3A_817 : i1 to i32
        %sign3A_819 = arith.subi %sign3A_815, %sign3A_818 : i32
        %ne3A_820 = arith.cmpi ne, %sign3A_812, %sign3A_819 : i32
        %rem3A_821 = arith.remsi %select_n3A_775, %jit3A_804 : i32
        %ne3A_822 = arith.constant 0 : i32
        %ne3A_823 = arith.cmpi ne, %rem3A_821, %ne3A_822 : i32
        %and3A_824 = arith.andi %ne3A_820, %ne3A_823 : i1
        %sub3A_825 = arith.constant 1 : i32
        %sub3A_826 = arith.subi %div3A_805, %sub3A_825 : i32
        %select_n3A_827 = arith.select %and3A_824, %sub3A_826, %div3A_805 : i32
        %mul3A_828 = arith.constant 64 : i32
        %mul3A_829 = arith.muli %select_n3A_827, %mul3A_828 : i32
        %add3A_830 = arith.addi %mul3A_803, %mul3A_829 : i32
        %jit3A_831 = arith.constant 32 : i32
        %eq3A_832 = arith.constant 0 : i32
        %eq3A_833 = arith.cmpi eq, %jit3A_831, %eq3A_832 : i32
        %jit3A_834 = arith.constant 1 : i32
        %select_n3A_835 = arith.select %eq3A_833, %jit3A_834, %jit3A_831 : i32
        %rem3A_836 = arith.remsi %select_n3A_775, %select_n3A_835 : i32
        %ne3A_837 = arith.constant 0 : i32
        %ne3A_838 = arith.cmpi ne, %rem3A_836, %ne3A_837 : i32
        %lt3A_839 = arith.constant 0 : i32
        %lt3A_840 = arith.cmpi slt, %rem3A_836, %lt3A_839 : i32
        %lt3A_841 = arith.constant 0 : i32
        %lt3A_842 = arith.cmpi slt, %select_n3A_835, %lt3A_841 : i32
        %ne3A_843 = arith.xori %lt3A_840, %lt3A_842 : i1
        %and3A_844 = arith.andi %ne3A_843, %ne3A_838 : i1
        %add3A_845 = arith.addi %rem3A_836, %select_n3A_835 : i32
        %select_n3A_846 = arith.select %and3A_844, %add3A_845, %rem3A_836 : i32
        %add3A_847 = arith.addi %add3A_830, %select_n3A_846 : i32
        %add3A_848 = arith.constant 0 : i32
        %add3A_849 = arith.addi %add3A_847, %add3A_848 : i32
        %jit3A_850 = arith.constant 32 : i32
        %eq3A_851 = arith.constant 0 : i32
        %eq3A_852 = arith.cmpi eq, %jit3A_850, %eq3A_851 : i32
        %jit3A_853 = arith.constant 1 : i32
        %select_n3A_854 = arith.select %eq3A_852, %jit3A_853, %jit3A_850 : i32
        %rem3A_855 = arith.remsi %add3A_344, %select_n3A_854 : i32
        %ne3A_856 = arith.constant 0 : i32
        %ne3A_857 = arith.cmpi ne, %rem3A_855, %ne3A_856 : i32
        %lt3A_858 = arith.constant 0 : i32
        %lt3A_859 = arith.cmpi slt, %rem3A_855, %lt3A_858 : i32
        %lt3A_860 = arith.constant 0 : i32
        %lt3A_861 = arith.cmpi slt, %select_n3A_854, %lt3A_860 : i32
        %ne3A_862 = arith.xori %lt3A_859, %lt3A_861 : i1
        %and3A_863 = arith.andi %ne3A_862, %ne3A_857 : i1
        %add3A_864 = arith.addi %rem3A_855, %select_n3A_854 : i32
        %select_n3A_865 = arith.select %and3A_863, %add3A_864, %rem3A_855 : i32
        %jit3A_866 = arith.constant 32 : i32
        %div3A_867 = arith.divsi %add3A_344, %jit3A_866 : i32
        %sign3A_868 = arith.constant 0 : i32
        %sign3A_869 = arith.cmpi sgt, %add3A_344, %sign3A_868 : i32
        %sign3A_870 = arith.extui %sign3A_869 : i1 to i32
        %sign3A_871 = arith.constant 0 : i32
        %sign3A_872 = arith.cmpi slt, %add3A_344, %sign3A_871 : i32
        %sign3A_873 = arith.extui %sign3A_872 : i1 to i32
        %sign3A_874 = arith.subi %sign3A_870, %sign3A_873 : i32
        %sign3A_875 = arith.constant 0 : i32
        %sign3A_876 = arith.cmpi sgt, %jit3A_866, %sign3A_875 : i32
        %sign3A_877 = arith.extui %sign3A_876 : i1 to i32
        %sign3A_878 = arith.constant 0 : i32
        %sign3A_879 = arith.cmpi slt, %jit3A_866, %sign3A_878 : i32
        %sign3A_880 = arith.extui %sign3A_879 : i1 to i32
        %sign3A_881 = arith.subi %sign3A_877, %sign3A_880 : i32
        %ne3A_882 = arith.cmpi ne, %sign3A_874, %sign3A_881 : i32
        %rem3A_883 = arith.remsi %add3A_344, %jit3A_866 : i32
        %ne3A_884 = arith.constant 0 : i32
        %ne3A_885 = arith.cmpi ne, %rem3A_883, %ne3A_884 : i32
        %and3A_886 = arith.andi %ne3A_882, %ne3A_885 : i1
        %sub3A_887 = arith.constant 1 : i32
        %sub3A_888 = arith.subi %div3A_867, %sub3A_887 : i32
        %select_n3A_889 = arith.select %and3A_886, %sub3A_888, %div3A_867 : i32
        %add3A_890 = arith.constant 0 : i32
        %add3A_891 = arith.addi %select_n3A_889, %add3A_890 : i32
        %mul3A_892 = arith.constant 64 : i32
        %mul3A_893 = arith.muli %add3A_891, %mul3A_892 : i32
        %jit3A_894 = arith.constant 32 : i32
        %div3A_895 = arith.divsi %select_n3A_865, %jit3A_894 : i32
        %sign3A_896 = arith.constant 0 : i32
        %sign3A_897 = arith.cmpi sgt, %select_n3A_865, %sign3A_896 : i32
        %sign3A_898 = arith.extui %sign3A_897 : i1 to i32
        %sign3A_899 = arith.constant 0 : i32
        %sign3A_900 = arith.cmpi slt, %select_n3A_865, %sign3A_899 : i32
        %sign3A_901 = arith.extui %sign3A_900 : i1 to i32
        %sign3A_902 = arith.subi %sign3A_898, %sign3A_901 : i32
        %sign3A_903 = arith.constant 0 : i32
        %sign3A_904 = arith.cmpi sgt, %jit3A_894, %sign3A_903 : i32
        %sign3A_905 = arith.extui %sign3A_904 : i1 to i32
        %sign3A_906 = arith.constant 0 : i32
        %sign3A_907 = arith.cmpi slt, %jit3A_894, %sign3A_906 : i32
        %sign3A_908 = arith.extui %sign3A_907 : i1 to i32
        %sign3A_909 = arith.subi %sign3A_905, %sign3A_908 : i32
        %ne3A_910 = arith.cmpi ne, %sign3A_902, %sign3A_909 : i32
        %rem3A_911 = arith.remsi %select_n3A_865, %jit3A_894 : i32
        %ne3A_912 = arith.constant 0 : i32
        %ne3A_913 = arith.cmpi ne, %rem3A_911, %ne3A_912 : i32
        %and3A_914 = arith.andi %ne3A_910, %ne3A_913 : i1
        %sub3A_915 = arith.constant 1 : i32
        %sub3A_916 = arith.subi %div3A_895, %sub3A_915 : i32
        %select_n3A_917 = arith.select %and3A_914, %sub3A_916, %div3A_895 : i32
        %mul3A_918 = arith.constant 64 : i32
        %mul3A_919 = arith.muli %select_n3A_917, %mul3A_918 : i32
        %add3A_920 = arith.addi %mul3A_893, %mul3A_919 : i32
        %jit3A_921 = arith.constant 32 : i32
        %eq3A_922 = arith.constant 0 : i32
        %eq3A_923 = arith.cmpi eq, %jit3A_921, %eq3A_922 : i32
        %jit3A_924 = arith.constant 1 : i32
        %select_n3A_925 = arith.select %eq3A_923, %jit3A_924, %jit3A_921 : i32
        %rem3A_926 = arith.remsi %select_n3A_865, %select_n3A_925 : i32
        %ne3A_927 = arith.constant 0 : i32
        %ne3A_928 = arith.cmpi ne, %rem3A_926, %ne3A_927 : i32
        %lt3A_929 = arith.constant 0 : i32
        %lt3A_930 = arith.cmpi slt, %rem3A_926, %lt3A_929 : i32
        %lt3A_931 = arith.constant 0 : i32
        %lt3A_932 = arith.cmpi slt, %select_n3A_925, %lt3A_931 : i32
        %ne3A_933 = arith.xori %lt3A_930, %lt3A_932 : i1
        %and3A_934 = arith.andi %ne3A_933, %ne3A_928 : i1
        %add3A_935 = arith.addi %rem3A_926, %select_n3A_925 : i32
        %select_n3A_936 = arith.select %and3A_934, %add3A_935, %rem3A_926 : i32
        %add3A_937 = arith.addi %add3A_920, %select_n3A_936 : i32
        %add3A_938 = arith.constant 0 : i32
        %add3A_939 = arith.addi %add3A_937, %add3A_938 : i32
        %ne3A_940 = arith.cmpi ne, %add3A_849, %add3A_939 : i32
        %or3A_941 = arith.constant false
        %or3A_942 = arith.ori %or3A_941, %ne3A_940 : i1
        %or3A_943 = arith.ori %or3A_942, %eq3A_332 : i1
        %convert_element_type3A_944 = arith.extui %or3A_943 : i1 to i32
        %cond3A_945 = arith.constant 0 : i32
        %cond3A_946 = arith.cmpi ne, %convert_element_type3A_944, %cond3A_945 : i32
        scf.if %cond3A_946 {
          %jit3A_2735 = arith.constant 32 : i32
          "tpu.trace_start"() <{level = 10 : i32, message = "ep_wait_in"}> : () -> ()
          %eq3A_2736 = arith.constant 0 : i32
          %eq3A_2737 = arith.cmpi eq, %jit3A_2735, %eq3A_2736 : i32
          %jit3A_2738 = arith.constant 1 : i32
          %select_n3A_2739 = arith.select %eq3A_2737, %jit3A_2738, %jit3A_2735 : i32
          %rem3A_2740 = arith.remsi %add3A_335, %select_n3A_2739 : i32
          %ne3A_2741 = arith.constant 0 : i32
          %ne3A_2742 = arith.cmpi ne, %rem3A_2740, %ne3A_2741 : i32
          %lt3A_2743 = arith.constant 0 : i32
          %lt3A_2744 = arith.cmpi slt, %rem3A_2740, %lt3A_2743 : i32
          %lt3A_2745 = arith.constant 0 : i32
          %lt3A_2746 = arith.cmpi slt, %select_n3A_2739, %lt3A_2745 : i32
          %ne3A_2747 = arith.xori %lt3A_2744, %lt3A_2746 : i1
          %and3A_2748 = arith.andi %ne3A_2747, %ne3A_2742 : i1
          %add3A_2749 = arith.addi %rem3A_2740, %select_n3A_2739 : i32
          %select_n3A_2750 = arith.select %and3A_2748, %add3A_2749, %rem3A_2740 : i32
          %jit3A_2751 = arith.constant 32 : i32
          %div3A_2752 = arith.divsi %add3A_335, %jit3A_2751 : i32
          %sign3A_2753 = arith.constant 0 : i32
          %sign3A_2754 = arith.cmpi sgt, %add3A_335, %sign3A_2753 : i32
          %sign3A_2755 = arith.extui %sign3A_2754 : i1 to i32
          %sign3A_2756 = arith.constant 0 : i32
          %sign3A_2757 = arith.cmpi slt, %add3A_335, %sign3A_2756 : i32
          %sign3A_2758 = arith.extui %sign3A_2757 : i1 to i32
          %sign3A_2759 = arith.subi %sign3A_2755, %sign3A_2758 : i32
          %sign3A_2760 = arith.constant 0 : i32
          %sign3A_2761 = arith.cmpi sgt, %jit3A_2751, %sign3A_2760 : i32
          %sign3A_2762 = arith.extui %sign3A_2761 : i1 to i32
          %sign3A_2763 = arith.constant 0 : i32
          %sign3A_2764 = arith.cmpi slt, %jit3A_2751, %sign3A_2763 : i32
          %sign3A_2765 = arith.extui %sign3A_2764 : i1 to i32
          %sign3A_2766 = arith.subi %sign3A_2762, %sign3A_2765 : i32
          %ne3A_2767 = arith.cmpi ne, %sign3A_2759, %sign3A_2766 : i32
          %rem3A_2768 = arith.remsi %add3A_335, %jit3A_2751 : i32
          %ne3A_2769 = arith.constant 0 : i32
          %ne3A_2770 = arith.cmpi ne, %rem3A_2768, %ne3A_2769 : i32
          %and3A_2771 = arith.andi %ne3A_2767, %ne3A_2770 : i1
          %sub3A_2772 = arith.constant 1 : i32
          %sub3A_2773 = arith.subi %div3A_2752, %sub3A_2772 : i32
          %select_n3A_2774 = arith.select %and3A_2771, %sub3A_2773, %div3A_2752 : i32
          %add3A_2775 = arith.constant 0 : i32
          %add3A_2776 = arith.addi %select_n3A_2774, %add3A_2775 : i32
          %mul3A_2777 = arith.constant 64 : i32
          %mul3A_2778 = arith.muli %add3A_2776, %mul3A_2777 : i32
          %jit3A_2779 = arith.constant 32 : i32
          %div3A_2780 = arith.divsi %select_n3A_2750, %jit3A_2779 : i32
          %sign3A_2781 = arith.constant 0 : i32
          %sign3A_2782 = arith.cmpi sgt, %select_n3A_2750, %sign3A_2781 : i32
          %sign3A_2783 = arith.extui %sign3A_2782 : i1 to i32
          %sign3A_2784 = arith.constant 0 : i32
          %sign3A_2785 = arith.cmpi slt, %select_n3A_2750, %sign3A_2784 : i32
          %sign3A_2786 = arith.extui %sign3A_2785 : i1 to i32
          %sign3A_2787 = arith.subi %sign3A_2783, %sign3A_2786 : i32
          %sign3A_2788 = arith.constant 0 : i32
          %sign3A_2789 = arith.cmpi sgt, %jit3A_2779, %sign3A_2788 : i32
          %sign3A_2790 = arith.extui %sign3A_2789 : i1 to i32
          %sign3A_2791 = arith.constant 0 : i32
          %sign3A_2792 = arith.cmpi slt, %jit3A_2779, %sign3A_2791 : i32
          %sign3A_2793 = arith.extui %sign3A_2792 : i1 to i32
          %sign3A_2794 = arith.subi %sign3A_2790, %sign3A_2793 : i32
          %ne3A_2795 = arith.cmpi ne, %sign3A_2787, %sign3A_2794 : i32
          %rem3A_2796 = arith.remsi %select_n3A_2750, %jit3A_2779 : i32
          %ne3A_2797 = arith.constant 0 : i32
          %ne3A_2798 = arith.cmpi ne, %rem3A_2796, %ne3A_2797 : i32
          %and3A_2799 = arith.andi %ne3A_2795, %ne3A_2798 : i1
          %sub3A_2800 = arith.constant 1 : i32
          %sub3A_2801 = arith.subi %div3A_2780, %sub3A_2800 : i32
          %select_n3A_2802 = arith.select %and3A_2799, %sub3A_2801, %div3A_2780 : i32
          %mul3A_2803 = arith.constant 64 : i32
          %mul3A_2804 = arith.muli %select_n3A_2802, %mul3A_2803 : i32
          %add3A_2805 = arith.addi %mul3A_2778, %mul3A_2804 : i32
          %jit3A_2806 = arith.constant 32 : i32
          %eq3A_2807 = arith.constant 0 : i32
          %eq3A_2808 = arith.cmpi eq, %jit3A_2806, %eq3A_2807 : i32
          %jit3A_2809 = arith.constant 1 : i32
          %select_n3A_2810 = arith.select %eq3A_2808, %jit3A_2809, %jit3A_2806 : i32
          %rem3A_2811 = arith.remsi %select_n3A_2750, %select_n3A_2810 : i32
          %ne3A_2812 = arith.constant 0 : i32
          %ne3A_2813 = arith.cmpi ne, %rem3A_2811, %ne3A_2812 : i32
          %lt3A_2814 = arith.constant 0 : i32
          %lt3A_2815 = arith.cmpi slt, %rem3A_2811, %lt3A_2814 : i32
          %lt3A_2816 = arith.constant 0 : i32
          %lt3A_2817 = arith.cmpi slt, %select_n3A_2810, %lt3A_2816 : i32
          %ne3A_2818 = arith.xori %lt3A_2815, %lt3A_2817 : i1
          %and3A_2819 = arith.andi %ne3A_2818, %ne3A_2813 : i1
          %add3A_2820 = arith.addi %rem3A_2811, %select_n3A_2810 : i32
          %select_n3A_2821 = arith.select %and3A_2819, %add3A_2820, %rem3A_2811 : i32
          %add3A_2822 = arith.addi %add3A_2805, %select_n3A_2821 : i32
          %add3A_2823 = arith.constant 0 : i32
          %add3A_2824 = arith.addi %add3A_2822, %add3A_2823 : i32
          %mul3A_2825 = arith.constant 256 : i32
          %mul3A_2826 = arith.muli %mul3A_2825, %add3A_2824 : i32
          %rem3A_2827 = arith.constant 2 : i32
          %rem3A_2828 = arith.remui %scan3A_325, %rem3A_2827 : i32
          %dma_wait3A_2829 = arith.constant 0 : i32
          %dma_wait3A_2830 = arith.constant 0 : i32
          %dma_wait3A_2831 = tpu.memref_slice %run_scoped3A[%rem3A_2828, %dma_wait3A_2829, %dma_wait3A_2830] : memref<2x1x256xi32, #tpu.memory_space<vmem>> -> memref<1x1x256xi32, #tpu.memory_space<vmem>>
          %dma_wait3A_2832 = tpu.memref_squeeze %dma_wait3A_2831 : memref<1x1x256xi32, #tpu.memory_space<vmem>> -> memref<1x256xi32, #tpu.memory_space<vmem>>
          %dma_wait3A_2833 = arith.constant 0 : i32
          %dma_wait3A_2834 = tpu.memref_slice %arg3[%dma_wait3A_2833, %mul3A_2826] : memref<1x819200xi32, #tpu.memory_space<hbm>> -> memref<1x256xi32, #tpu.memory_space<hbm>>
          %dma_wait3A_2835 = tpu.memref_slice %run_scoped3A_7[%rem3A_2828] : memref<2x!tpu.dma_semaphore, #tpu.memory_space<semaphore_mem>> -> memref<1x!tpu.dma_semaphore, #tpu.memory_space<semaphore_mem>>
          %dma_wait3A_2836 = tpu.memref_squeeze %dma_wait3A_2835 : memref<1x!tpu.dma_semaphore, #tpu.memory_space<semaphore_mem>> -> memref<!tpu.dma_semaphore, #tpu.memory_space<semaphore_mem>>
          %dma_wait3A_2837 = arith.constant 0 : i32
          %dma_wait3A_2838 = arith.constant 0 : i32
          %dma_wait3A_2839 = tpu.memref_slice %run_scoped3A[%rem3A_2828, %dma_wait3A_2837, %dma_wait3A_2838] : memref<2x1x256xi32, #tpu.memory_space<vmem>> -> memref<1x1x256xi32, #tpu.memory_space<vmem>>
          %dma_wait3A_2840 = tpu.memref_squeeze %dma_wait3A_2839 : memref<1x1x256xi32, #tpu.memory_space<vmem>> -> memref<1x256xi32, #tpu.memory_space<vmem>>
          %dma_wait3A_2841 = arith.constant 0 : i32
          %dma_wait3A_2842 = tpu.memref_slice %arg3[%dma_wait3A_2841, %mul3A_2826] : memref<1x819200xi32, #tpu.memory_space<hbm>> -> memref<1x256xi32, #tpu.memory_space<hbm>>
          tpu.wait_dma2 semaphore(%dma_wait3A_2836 : memref<!tpu.dma_semaphore, #tpu.memory_space<semaphore_mem>>) src(%dma_wait3A_2842 : memref<1x256xi32, #tpu.memory_space<hbm>>) dst(%dma_wait3A_2840 : memref<1x256xi32, #tpu.memory_space<vmem>>)
          "tpu.trace_stop"() : () -> ()
        } else {
        }
        %jit3A_947 = arith.constant 32 : i32
        %eq3A_948 = arith.constant 0 : i32
        %eq3A_949 = arith.cmpi eq, %jit3A_947, %eq3A_948 : i32
        %jit3A_950 = arith.constant 1 : i32
        %select_n3A_951 = arith.select %eq3A_949, %jit3A_950, %jit3A_947 : i32
        %rem3A_952 = arith.remsi %add3A_335, %select_n3A_951 : i32
        %ne3A_953 = arith.constant 0 : i32
        %ne3A_954 = arith.cmpi ne, %rem3A_952, %ne3A_953 : i32
        %lt3A_955 = arith.constant 0 : i32
        %lt3A_956 = arith.cmpi slt, %rem3A_952, %lt3A_955 : i32
        %lt3A_957 = arith.constant 0 : i32
        %lt3A_958 = arith.cmpi slt, %select_n3A_951, %lt3A_957 : i32
        %ne3A_959 = arith.xori %lt3A_956, %lt3A_958 : i1
        %and3A_960 = arith.andi %ne3A_959, %ne3A_954 : i1
        %add3A_961 = arith.addi %rem3A_952, %select_n3A_951 : i32
        %select_n3A_962 = arith.select %and3A_960, %add3A_961, %rem3A_952 : i32
        %jit3A_963 = arith.constant 32 : i32
        %div3A_964 = arith.divsi %add3A_335, %jit3A_963 : i32
        %sign3A_965 = arith.constant 0 : i32
        %sign3A_966 = arith.cmpi sgt, %add3A_335, %sign3A_965 : i32
        %sign3A_967 = arith.extui %sign3A_966 : i1 to i32
        %sign3A_968 = arith.constant 0 : i32
        %sign3A_969 = arith.cmpi slt, %add3A_335, %sign3A_968 : i32
        %sign3A_970 = arith.extui %sign3A_969 : i1 to i32
        %sign3A_971 = arith.subi %sign3A_967, %sign3A_970 : i32
        %sign3A_972 = arith.constant 0 : i32
        %sign3A_973 = arith.cmpi sgt, %jit3A_963, %sign3A_972 : i32
        %sign3A_974 = arith.extui %sign3A_973 : i1 to i32
        %sign3A_975 = arith.constant 0 : i32
        %sign3A_976 = arith.cmpi slt, %jit3A_963, %sign3A_975 : i32
        %sign3A_977 = arith.extui %sign3A_976 : i1 to i32
        %sign3A_978 = arith.subi %sign3A_974, %sign3A_977 : i32
        %ne3A_979 = arith.cmpi ne, %sign3A_971, %sign3A_978 : i32
        %rem3A_980 = arith.remsi %add3A_335, %jit3A_963 : i32
        %ne3A_981 = arith.constant 0 : i32
        %ne3A_982 = arith.cmpi ne, %rem3A_980, %ne3A_981 : i32
        %and3A_983 = arith.andi %ne3A_979, %ne3A_982 : i1
        %sub3A_984 = arith.constant 1 : i32
        %sub3A_985 = arith.subi %div3A_964, %sub3A_984 : i32
        %select_n3A_986 = arith.select %and3A_983, %sub3A_985, %div3A_964 : i32
        %add3A_987 = arith.constant 0 : i32
        %add3A_988 = arith.addi %select_n3A_986, %add3A_987 : i32
        %mul3A_989 = arith.constant 64 : i32
        %mul3A_990 = arith.muli %add3A_988, %mul3A_989 : i32
        %jit3A_991 = arith.constant 32 : i32
        %div3A_992 = arith.divsi %select_n3A_962, %jit3A_991 : i32
        %sign3A_993 = arith.constant 0 : i32
        %sign3A_994 = arith.cmpi sgt, %select_n3A_962, %sign3A_993 : i32
        %sign3A_995 = arith.extui %sign3A_994 : i1 to i32
        %sign3A_996 = arith.constant 0 : i32
        %sign3A_997 = arith.cmpi slt, %select_n3A_962, %sign3A_996 : i32
        %sign3A_998 = arith.extui %sign3A_997 : i1 to i32
        %sign3A_999 = arith.subi %sign3A_995, %sign3A_998 : i32
        %sign3A_1000 = arith.constant 0 : i32
        %sign3A_1001 = arith.cmpi sgt, %jit3A_991, %sign3A_1000 : i32
        %sign3A_1002 = arith.extui %sign3A_1001 : i1 to i32
        %sign3A_1003 = arith.constant 0 : i32
        %sign3A_1004 = arith.cmpi slt, %jit3A_991, %sign3A_1003 : i32
        %sign3A_1005 = arith.extui %sign3A_1004 : i1 to i32
        %sign3A_1006 = arith.subi %sign3A_1002, %sign3A_1005 : i32
        %ne3A_1007 = arith.cmpi ne, %sign3A_999, %sign3A_1006 : i32
        %rem3A_1008 = arith.remsi %select_n3A_962, %jit3A_991 : i32
        %ne3A_1009 = arith.constant 0 : i32
        %ne3A_1010 = arith.cmpi ne, %rem3A_1008, %ne3A_1009 : i32
        %and3A_1011 = arith.andi %ne3A_1007, %ne3A_1010 : i1
        %sub3A_1012 = arith.constant 1 : i32
        %sub3A_1013 = arith.subi %div3A_992, %sub3A_1012 : i32
        %select_n3A_1014 = arith.select %and3A_1011, %sub3A_1013, %div3A_992 : i32
        %mul3A_1015 = arith.constant 64 : i32
        %mul3A_1016 = arith.muli %select_n3A_1014, %mul3A_1015 : i32
        %add3A_1017 = arith.addi %mul3A_990, %mul3A_1016 : i32
        %jit3A_1018 = arith.constant 32 : i32
        %eq3A_1019 = arith.constant 0 : i32
        %eq3A_1020 = arith.cmpi eq, %jit3A_1018, %eq3A_1019 : i32
        %jit3A_1021 = arith.constant 1 : i32
        %select_n3A_1022 = arith.select %eq3A_1020, %jit3A_1021, %jit3A_1018 : i32
        %rem3A_1023 = arith.remsi %select_n3A_962, %select_n3A_1022 : i32
        %ne3A_1024 = arith.constant 0 : i32
        %ne3A_1025 = arith.cmpi ne, %rem3A_1023, %ne3A_1024 : i32
        %lt3A_1026 = arith.constant 0 : i32
        %lt3A_1027 = arith.cmpi slt, %rem3A_1023, %lt3A_1026 : i32
        %lt3A_1028 = arith.constant 0 : i32
        %lt3A_1029 = arith.cmpi slt, %select_n3A_1022, %lt3A_1028 : i32
        %ne3A_1030 = arith.xori %lt3A_1027, %lt3A_1029 : i1
        %and3A_1031 = arith.andi %ne3A_1030, %ne3A_1025 : i1
        %add3A_1032 = arith.addi %rem3A_1023, %select_n3A_1022 : i32
        %select_n3A_1033 = arith.select %and3A_1031, %add3A_1032, %rem3A_1023 : i32
        %add3A_1034 = arith.addi %add3A_1017, %select_n3A_1033 : i32
        %add3A_1035 = arith.constant 32 : i32
        %add3A_1036 = arith.addi %add3A_1034, %add3A_1035 : i32
        %jit3A_1037 = arith.constant 32 : i32
        %eq3A_1038 = arith.constant 0 : i32
        %eq3A_1039 = arith.cmpi eq, %jit3A_1037, %eq3A_1038 : i32
        %jit3A_1040 = arith.constant 1 : i32
        %select_n3A_1041 = arith.select %eq3A_1039, %jit3A_1040, %jit3A_1037 : i32
        %rem3A_1042 = arith.remsi %add3A_344, %select_n3A_1041 : i32
        %ne3A_1043 = arith.constant 0 : i32
        %ne3A_1044 = arith.cmpi ne, %rem3A_1042, %ne3A_1043 : i32
        %lt3A_1045 = arith.constant 0 : i32
        %lt3A_1046 = arith.cmpi slt, %rem3A_1042, %lt3A_1045 : i32
        %lt3A_1047 = arith.constant 0 : i32
        %lt3A_1048 = arith.cmpi slt, %select_n3A_1041, %lt3A_1047 : i32
        %ne3A_1049 = arith.xori %lt3A_1046, %lt3A_1048 : i1
        %and3A_1050 = arith.andi %ne3A_1049, %ne3A_1044 : i1
        %add3A_1051 = arith.addi %rem3A_1042, %select_n3A_1041 : i32
        %select_n3A_1052 = arith.select %and3A_1050, %add3A_1051, %rem3A_1042 : i32
        %jit3A_1053 = arith.constant 32 : i32
        %div3A_1054 = arith.divsi %add3A_344, %jit3A_1053 : i32
        %sign3A_1055 = arith.constant 0 : i32
        %sign3A_1056 = arith.cmpi sgt, %add3A_344, %sign3A_1055 : i32
        %sign3A_1057 = arith.extui %sign3A_1056 : i1 to i32
        %sign3A_1058 = arith.constant 0 : i32
        %sign3A_1059 = arith.cmpi slt, %add3A_344, %sign3A_1058 : i32
        %sign3A_1060 = arith.extui %sign3A_1059 : i1 to i32
        %sign3A_1061 = arith.subi %sign3A_1057, %sign3A_1060 : i32
        %sign3A_1062 = arith.constant 0 : i32
        %sign3A_1063 = arith.cmpi sgt, %jit3A_1053, %sign3A_1062 : i32
        %sign3A_1064 = arith.extui %sign3A_1063 : i1 to i32
        %sign3A_1065 = arith.constant 0 : i32
        %sign3A_1066 = arith.cmpi slt, %jit3A_1053, %sign3A_1065 : i32
        %sign3A_1067 = arith.extui %sign3A_1066 : i1 to i32
        %sign3A_1068 = arith.subi %sign3A_1064, %sign3A_1067 : i32
        %ne3A_1069 = arith.cmpi ne, %sign3A_1061, %sign3A_1068 : i32
        %rem3A_1070 = arith.remsi %add3A_344, %jit3A_1053 : i32
        %ne3A_1071 = arith.constant 0 : i32
        %ne3A_1072 = arith.cmpi ne, %rem3A_1070, %ne3A_1071 : i32
        %and3A_1073 = arith.andi %ne3A_1069, %ne3A_1072 : i1
        %sub3A_1074 = arith.constant 1 : i32
        %sub3A_1075 = arith.subi %div3A_1054, %sub3A_1074 : i32
        %select_n3A_1076 = arith.select %and3A_1073, %sub3A_1075, %div3A_1054 : i32
        %add3A_1077 = arith.constant 0 : i32
        %add3A_1078 = arith.addi %select_n3A_1076, %add3A_1077 : i32
        %mul3A_1079 = arith.constant 64 : i32
        %mul3A_1080 = arith.muli %add3A_1078, %mul3A_1079 : i32
        %jit3A_1081 = arith.constant 32 : i32
        %div3A_1082 = arith.divsi %select_n3A_1052, %jit3A_1081 : i32
        %sign3A_1083 = arith.constant 0 : i32
        %sign3A_1084 = arith.cmpi sgt, %select_n3A_1052, %sign3A_1083 : i32
        %sign3A_1085 = arith.extui %sign3A_1084 : i1 to i32
        %sign3A_1086 = arith.constant 0 : i32
        %sign3A_1087 = arith.cmpi slt, %select_n3A_1052, %sign3A_1086 : i32
        %sign3A_1088 = arith.extui %sign3A_1087 : i1 to i32
        %sign3A_1089 = arith.subi %sign3A_1085, %sign3A_1088 : i32
        %sign3A_1090 = arith.constant 0 : i32
        %sign3A_1091 = arith.cmpi sgt, %jit3A_1081, %sign3A_1090 : i32
        %sign3A_1092 = arith.extui %sign3A_1091 : i1 to i32
        %sign3A_1093 = arith.constant 0 : i32
        %sign3A_1094 = arith.cmpi slt, %jit3A_1081, %sign3A_1093 : i32
        %sign3A_1095 = arith.extui %sign3A_1094 : i1 to i32
        %sign3A_1096 = arith.subi %sign3A_1092, %sign3A_1095 : i32
        %ne3A_1097 = arith.cmpi ne, %sign3A_1089, %sign3A_1096 : i32
        %rem3A_1098 = arith.remsi %select_n3A_1052, %jit3A_1081 : i32
        %ne3A_1099 = arith.constant 0 : i32
        %ne3A_1100 = arith.cmpi ne, %rem3A_1098, %ne3A_1099 : i32
        %and3A_1101 = arith.andi %ne3A_1097, %ne3A_1100 : i1
        %sub3A_1102 = arith.constant 1 : i32
        %sub3A_1103 = arith.subi %div3A_1082, %sub3A_1102 : i32
        %select_n3A_1104 = arith.select %and3A_1101, %sub3A_1103, %div3A_1082 : i32
        %mul3A_1105 = arith.constant 64 : i32
        %mul3A_1106 = arith.muli %select_n3A_1104, %mul3A_1105 : i32
        %add3A_1107 = arith.addi %mul3A_1080, %mul3A_1106 : i32
        %jit3A_1108 = arith.constant 32 : i32
        %eq3A_1109 = arith.constant 0 : i32
        %eq3A_1110 = arith.cmpi eq, %jit3A_1108, %eq3A_1109 : i32
        %jit3A_1111 = arith.constant 1 : i32
        %select_n3A_1112 = arith.select %eq3A_1110, %jit3A_1111, %jit3A_1108 : i32
        %rem3A_1113 = arith.remsi %select_n3A_1052, %select_n3A_1112 : i32
        %ne3A_1114 = arith.constant 0 : i32
        %ne3A_1115 = arith.cmpi ne, %rem3A_1113, %ne3A_1114 : i32
        %lt3A_1116 = arith.constant 0 : i32
        %lt3A_1117 = arith.cmpi slt, %rem3A_1113, %lt3A_1116 : i32
        %lt3A_1118 = arith.constant 0 : i32
        %lt3A_1119 = arith.cmpi slt, %select_n3A_1112, %lt3A_1118 : i32
        %ne3A_1120 = arith.xori %lt3A_1117, %lt3A_1119 : i1
        %and3A_1121 = arith.andi %ne3A_1120, %ne3A_1115 : i1
        %add3A_1122 = arith.addi %rem3A_1113, %select_n3A_1112 : i32
        %select_n3A_1123 = arith.select %and3A_1121, %add3A_1122, %rem3A_1113 : i32
        %add3A_1124 = arith.addi %add3A_1107, %select_n3A_1123 : i32
        %add3A_1125 = arith.constant 32 : i32
        %add3A_1126 = arith.addi %add3A_1124, %add3A_1125 : i32
        %ne3A_1127 = arith.cmpi ne, %add3A_1036, %add3A_1126 : i32
        %or3A_1128 = arith.constant false
        %or3A_1129 = arith.ori %or3A_1128, %ne3A_1127 : i1
        %or3A_1130 = arith.ori %or3A_1129, %eq3A_332 : i1
        %convert_element_type3A_1131 = arith.extui %or3A_1130 : i1 to i32
        %cond3A_1132 = arith.constant 0 : i32
        %cond3A_1133 = arith.cmpi ne, %convert_element_type3A_1131, %cond3A_1132 : i32
        scf.if %cond3A_1133 {
          %jit3A_2735 = arith.constant 32 : i32
          "tpu.trace_start"() <{level = 10 : i32, message = "ep_wait_in"}> : () -> ()
          %eq3A_2736 = arith.constant 0 : i32
          %eq3A_2737 = arith.cmpi eq, %jit3A_2735, %eq3A_2736 : i32
          %jit3A_2738 = arith.constant 1 : i32
          %select_n3A_2739 = arith.select %eq3A_2737, %jit3A_2738, %jit3A_2735 : i32
          %rem3A_2740 = arith.remsi %add3A_335, %select_n3A_2739 : i32
          %ne3A_2741 = arith.constant 0 : i32
          %ne3A_2742 = arith.cmpi ne, %rem3A_2740, %ne3A_2741 : i32
          %lt3A_2743 = arith.constant 0 : i32
          %lt3A_2744 = arith.cmpi slt, %rem3A_2740, %lt3A_2743 : i32
          %lt3A_2745 = arith.constant 0 : i32
          %lt3A_2746 = arith.cmpi slt, %select_n3A_2739, %lt3A_2745 : i32
          %ne3A_2747 = arith.xori %lt3A_2744, %lt3A_2746 : i1
          %and3A_2748 = arith.andi %ne3A_2747, %ne3A_2742 : i1
          %add3A_2749 = arith.addi %rem3A_2740, %select_n3A_2739 : i32
          %select_n3A_2750 = arith.select %and3A_2748, %add3A_2749, %rem3A_2740 : i32
          %jit3A_2751 = arith.constant 32 : i32
          %div3A_2752 = arith.divsi %add3A_335, %jit3A_2751 : i32
          %sign3A_2753 = arith.constant 0 : i32
          %sign3A_2754 = arith.cmpi sgt, %add3A_335, %sign3A_2753 : i32
          %sign3A_2755 = arith.extui %sign3A_2754 : i1 to i32
          %sign3A_2756 = arith.constant 0 : i32
          %sign3A_2757 = arith.cmpi slt, %add3A_335, %sign3A_2756 : i32
          %sign3A_2758 = arith.extui %sign3A_2757 : i1 to i32
          %sign3A_2759 = arith.subi %sign3A_2755, %sign3A_2758 : i32
          %sign3A_2760 = arith.constant 0 : i32
          %sign3A_2761 = arith.cmpi sgt, %jit3A_2751, %sign3A_2760 : i32
          %sign3A_2762 = arith.extui %sign3A_2761 : i1 to i32
          %sign3A_2763 = arith.constant 0 : i32
          %sign3A_2764 = arith.cmpi slt, %jit3A_2751, %sign3A_2763 : i32
          %sign3A_2765 = arith.extui %sign3A_2764 : i1 to i32
          %sign3A_2766 = arith.subi %sign3A_2762, %sign3A_2765 : i32
          %ne3A_2767 = arith.cmpi ne, %sign3A_2759, %sign3A_2766 : i32
          %rem3A_2768 = arith.remsi %add3A_335, %jit3A_2751 : i32
          %ne3A_2769 = arith.constant 0 : i32
          %ne3A_2770 = arith.cmpi ne, %rem3A_2768, %ne3A_2769 : i32
          %and3A_2771 = arith.andi %ne3A_2767, %ne3A_2770 : i1
          %sub3A_2772 = arith.constant 1 : i32
          %sub3A_2773 = arith.subi %div3A_2752, %sub3A_2772 : i32
          %select_n3A_2774 = arith.select %and3A_2771, %sub3A_2773, %div3A_2752 : i32
          %add3A_2775 = arith.constant 0 : i32
          %add3A_2776 = arith.addi %select_n3A_2774, %add3A_2775 : i32
          %mul3A_2777 = arith.constant 64 : i32
          %mul3A_2778 = arith.muli %add3A_2776, %mul3A_2777 : i32
          %jit3A_2779 = arith.constant 32 : i32
          %div3A_2780 = arith.divsi %select_n3A_2750, %jit3A_2779 : i32
          %sign3A_2781 = arith.constant 0 : i32
          %sign3A_2782 = arith.cmpi sgt, %select_n3A_2750, %sign3A_2781 : i32
          %sign3A_2783 = arith.extui %sign3A_2782 : i1 to i32
          %sign3A_2784 = arith.constant 0 : i32
          %sign3A_2785 = arith.cmpi slt, %select_n3A_2750, %sign3A_2784 : i32
          %sign3A_2786 = arith.extui %sign3A_2785 : i1 to i32
          %sign3A_2787 = arith.subi %sign3A_2783, %sign3A_2786 : i32
          %sign3A_2788 = arith.constant 0 : i32
          %sign3A_2789 = arith.cmpi sgt, %jit3A_2779, %sign3A_2788 : i32
          %sign3A_2790 = arith.extui %sign3A_2789 : i1 to i32
          %sign3A_2791 = arith.constant 0 : i32
          %sign3A_2792 = arith.cmpi slt, %jit3A_2779, %sign3A_2791 : i32
          %sign3A_2793 = arith.extui %sign3A_2792 : i1 to i32
          %sign3A_2794 = arith.subi %sign3A_2790, %sign3A_2793 : i32
          %ne3A_2795 = arith.cmpi ne, %sign3A_2787, %sign3A_2794 : i32
          %rem3A_2796 = arith.remsi %select_n3A_2750, %jit3A_2779 : i32
          %ne3A_2797 = arith.constant 0 : i32
          %ne3A_2798 = arith.cmpi ne, %rem3A_2796, %ne3A_2797 : i32
          %and3A_2799 = arith.andi %ne3A_2795, %ne3A_2798 : i1
          %sub3A_2800 = arith.constant 1 : i32
          %sub3A_2801 = arith.subi %div3A_2780, %sub3A_2800 : i32
          %select_n3A_2802 = arith.select %and3A_2799, %sub3A_2801, %div3A_2780 : i32
          %mul3A_2803 = arith.constant 64 : i32
          %mul3A_2804 = arith.muli %select_n3A_2802, %mul3A_2803 : i32
          %add3A_2805 = arith.addi %mul3A_2778, %mul3A_2804 : i32
          %jit3A_2806 = arith.constant 32 : i32
          %eq3A_2807 = arith.constant 0 : i32
          %eq3A_2808 = arith.cmpi eq, %jit3A_2806, %eq3A_2807 : i32
          %jit3A_2809 = arith.constant 1 : i32
          %select_n3A_2810 = arith.select %eq3A_2808, %jit3A_2809, %jit3A_2806 : i32
          %rem3A_2811 = arith.remsi %select_n3A_2750, %select_n3A_2810 : i32
          %ne3A_2812 = arith.constant 0 : i32
          %ne3A_2813 = arith.cmpi ne, %rem3A_2811, %ne3A_2812 : i32
          %lt3A_2814 = arith.constant 0 : i32
          %lt3A_2815 = arith.cmpi slt, %rem3A_2811, %lt3A_2814 : i32
          %lt3A_2816 = arith.constant 0 : i32
          %lt3A_2817 = arith.cmpi slt, %select_n3A_2810, %lt3A_2816 : i32
          %ne3A_2818 = arith.xori %lt3A_2815, %lt3A_2817 : i1
          %and3A_2819 = arith.andi %ne3A_2818, %ne3A_2813 : i1
          %add3A_2820 = arith.addi %rem3A_2811, %select_n3A_2810 : i32
          %select_n3A_2821 = arith.select %and3A_2819, %add3A_2820, %rem3A_2811 : i32
          %add3A_2822 = arith.addi %add3A_2805, %select_n3A_2821 : i32
          %add3A_2823 = arith.constant 32 : i32
          %add3A_2824 = arith.addi %add3A_2822, %add3A_2823 : i32
          %mul3A_2825 = arith.constant 256 : i32
          %mul3A_2826 = arith.muli %mul3A_2825, %add3A_2824 : i32
          %rem3A_2827 = arith.constant 2 : i32
          %rem3A_2828 = arith.remui %scan3A_327, %rem3A_2827 : i32
          %dma_wait3A_2829 = arith.constant 0 : i32
          %dma_wait3A_2830 = arith.constant 0 : i32
          %dma_wait3A_2831 = tpu.memref_slice %run_scoped3A_8[%rem3A_2828, %dma_wait3A_2829, %dma_wait3A_2830] : memref<2x1x256xi32, #tpu.memory_space<vmem>> -> memref<1x1x256xi32, #tpu.memory_space<vmem>>
          %dma_wait3A_2832 = tpu.memref_squeeze %dma_wait3A_2831 : memref<1x1x256xi32, #tpu.memory_space<vmem>> -> memref<1x256xi32, #tpu.memory_space<vmem>>
          %dma_wait3A_2833 = arith.constant 0 : i32
          %dma_wait3A_2834 = tpu.memref_slice %arg3[%dma_wait3A_2833, %mul3A_2826] : memref<1x819200xi32, #tpu.memory_space<hbm>> -> memref<1x256xi32, #tpu.memory_space<hbm>>
          %dma_wait3A_2835 = tpu.memref_slice %run_scoped3A_9[%rem3A_2828] : memref<2x!tpu.dma_semaphore, #tpu.memory_space<semaphore_mem>> -> memref<1x!tpu.dma_semaphore, #tpu.memory_space<semaphore_mem>>
          %dma_wait3A_2836 = tpu.memref_squeeze %dma_wait3A_2835 : memref<1x!tpu.dma_semaphore, #tpu.memory_space<semaphore_mem>> -> memref<!tpu.dma_semaphore, #tpu.memory_space<semaphore_mem>>
          %dma_wait3A_2837 = arith.constant 0 : i32
          %dma_wait3A_2838 = arith.constant 0 : i32
          %dma_wait3A_2839 = tpu.memref_slice %run_scoped3A_8[%rem3A_2828, %dma_wait3A_2837, %dma_wait3A_2838] : memref<2x1x256xi32, #tpu.memory_space<vmem>> -> memref<1x1x256xi32, #tpu.memory_space<vmem>>
          %dma_wait3A_2840 = tpu.memref_squeeze %dma_wait3A_2839 : memref<1x1x256xi32, #tpu.memory_space<vmem>> -> memref<1x256xi32, #tpu.memory_space<vmem>>
          %dma_wait3A_2841 = arith.constant 0 : i32
          %dma_wait3A_2842 = tpu.memref_slice %arg3[%dma_wait3A_2841, %mul3A_2826] : memref<1x819200xi32, #tpu.memory_space<hbm>> -> memref<1x256xi32, #tpu.memory_space<hbm>>
          tpu.wait_dma2 semaphore(%dma_wait3A_2836 : memref<!tpu.dma_semaphore, #tpu.memory_space<semaphore_mem>>) src(%dma_wait3A_2842 : memref<1x256xi32, #tpu.memory_space<hbm>>) dst(%dma_wait3A_2840 : memref<1x256xi32, #tpu.memory_space<vmem>>)
          "tpu.trace_stop"() : () -> ()
        } else {
        }
        %ne3A_1134 = arith.cmpi ne, %add3A_335, %add3A_344 : i32
        %or3A_1135 = arith.constant false
        %or3A_1136 = arith.ori %or3A_1135, %ne3A_1134 : i1
        %or3A_1137 = arith.constant false
        %or3A_1138 = arith.ori %or3A_1136, %or3A_1137 : i1
        %or3A_1139 = arith.ori %or3A_1138, %eq3A_332 : i1
        %convert_element_type3A_1140 = arith.extui %or3A_1139 : i1 to i32
        %cond3A_1141 = arith.constant 0 : i32
        %cond3A_1142 = arith.cmpi ne, %convert_element_type3A_1140, %cond3A_1141 : i32
        scf.if %cond3A_1142 {
        } else {
        }
        %rem3A_1143 = arith.constant 2 : i32
        %rem3A_1144 = arith.remui %scan3A_325, %rem3A_1143 : i32
        %rem3A_1145 = arith.constant 2 : i32
        %rem3A_1146 = arith.remui %scan3A_327, %rem3A_1145 : i32
        %rem3A_1147 = arith.constant 2 : i32
        %rem3A_1148 = arith.remui %scan3A_328, %rem3A_1147 : i32
        "tpu.trace_start"() <{level = 10 : i32, message = "ep_run_kernel"}> : () -> ()
        %iota3A = tpu.iota {dimensions = array<i32: 0>} : vector<16xi32>
        %mul3A_1149 = arith.constant 2 : i32
        %mul3A_1150 = vector.broadcast %mul3A_1149 : i32 to vector<16xi32>
        %mul3A_1151 = arith.muli %iota3A, %mul3A_1150 : vector<16xi32>
        %add3A_1152 = arith.constant 0 : i32
        %add3A_1153 = vector.broadcast %add3A_1152 : i32 to vector<16xi32>
        %add3A_1154 = arith.addi %mul3A_1151, %add3A_1153 : vector<16xi32>
        %get3A = arith.constant 0 : i32
        %get3A_1155 = arith.constant 0 : i32
        %get3A_1156 = arith.constant 0 : i32
        %get3A_1157 = tpu.memref_slice %run_scoped3A[%rem3A_1144, %get3A_1155, %get3A_1156] : memref<2x1x256xi32, #tpu.memory_space<vmem>> -> memref<1x1x256xi32, #tpu.memory_space<vmem>>
        %get3A_1158 = tpu.memref_squeeze %get3A_1157 : memref<1x1x256xi32, #tpu.memory_space<vmem>> -> memref<1x256xi32, #tpu.memory_space<vmem>>
        %get3A_1159 = arith.index_cast %get3A : i32 to index
        %get3A_1160 = arith.constant 0 : index
        %get3A_1161 = tpu.vector_load %get3A_1158[%get3A_1159, %get3A_1160] {strides = array<i32>} : memref<1x256xi32, #tpu.memory_space<vmem>>, vector<16xi32>,
        tpu.vector_store_idx %arg5[%add3A_1154], %get3A_1161 : memref<512xi32, #tpu.memory_space<vmem>>[vector<16xi32>], vector<16xi32>,
        %get3A_1162 = arith.constant 0 : i32
        %get3A_1163 = arith.constant 0 : i32
        %get3A_1164 = arith.constant 0 : i32
        %get3A_1165 = tpu.memref_slice %run_scoped3A_8[%rem3A_1146, %get3A_1163, %get3A_1164] : memref<2x1x256xi32, #tpu.memory_space<vmem>> -> memref<1x1x256xi32, #tpu.memory_space<vmem>>
        %get3A_1166 = tpu.memref_squeeze %get3A_1165 : memref<1x1x256xi32, #tpu.memory_space<vmem>> -> memref<1x256xi32, #tpu.memory_space<vmem>>
        %get3A_1167 = arith.index_cast %get3A_1162 : i32 to index
        %get3A_1168 = arith.constant 0 : index
        %get3A_1169 = tpu.vector_load %get3A_1166[%get3A_1167, %get3A_1168] {strides = array<i32>} : memref<1x256xi32, #tpu.memory_space<vmem>>, vector<16xi32>,
        %add3A_1170 = arith.constant 1 : i32
        %add3A_1171 = vector.broadcast %add3A_1170 : i32 to vector<16xi32>
        %add3A_1172 = arith.addi %add3A_1154, %add3A_1171 : vector<16xi32>
        tpu.vector_store_idx %arg5[%add3A_1172], %get3A_1169 : memref<512xi32, #tpu.memory_space<vmem>>[vector<16xi32>], vector<16xi32>,
        %iota3A_1173 = tpu.iota {dimensions = array<i32: 0>} : vector<16xi32>
        %mul3A_1174 = arith.constant 2 : i32
        %mul3A_1175 = vector.broadcast %mul3A_1174 : i32 to vector<16xi32>
        %mul3A_1176 = arith.muli %iota3A_1173, %mul3A_1175 : vector<16xi32>
        %add3A_1177 = arith.constant 32 : i32
        %add3A_1178 = vector.broadcast %add3A_1177 : i32 to vector<16xi32>
        %add3A_1179 = arith.addi %mul3A_1176, %add3A_1178 : vector<16xi32>
        %get3A_1180 = arith.constant 0 : i32
        %get3A_1181 = arith.constant 0 : i32
        %get3A_1182 = arith.constant 0 : i32
        %get3A_1183 = tpu.memref_slice %run_scoped3A[%rem3A_1144, %get3A_1181, %get3A_1182] : memref<2x1x256xi32, #tpu.memory_space<vmem>> -> memref<1x1x256xi32, #tpu.memory_space<vmem>>
        %get3A_1184 = tpu.memref_squeeze %get3A_1183 : memref<1x1x256xi32, #tpu.memory_space<vmem>> -> memref<1x256xi32, #tpu.memory_space<vmem>>
        %get3A_1185 = arith.index_cast %get3A_1180 : i32 to index
        %get3A_1186 = arith.constant 16 : index
        %get3A_1187 = tpu.vector_load %get3A_1184[%get3A_1185, %get3A_1186] {strides = array<i32>} : memref<1x256xi32, #tpu.memory_space<vmem>>, vector<16xi32>,
        tpu.vector_store_idx %arg5[%add3A_1179], %get3A_1187 : memref<512xi32, #tpu.memory_space<vmem>>[vector<16xi32>], vector<16xi32>,
        %get3A_1188 = arith.constant 0 : i32
        %get3A_1189 = arith.constant 0 : i32
        %get3A_1190 = arith.constant 0 : i32
        %get3A_1191 = tpu.memref_slice %run_scoped3A_8[%rem3A_1146, %get3A_1189, %get3A_1190] : memref<2x1x256xi32, #tpu.memory_space<vmem>> -> memref<1x1x256xi32, #tpu.memory_space<vmem>>
        %get3A_1192 = tpu.memref_squeeze %get3A_1191 : memref<1x1x256xi32, #tpu.memory_space<vmem>> -> memref<1x256xi32, #tpu.memory_space<vmem>>
        %get3A_1193 = arith.index_cast %get3A_1188 : i32 to index
        %get3A_1194 = arith.constant 16 : index
        %get3A_1195 = tpu.vector_load %get3A_1192[%get3A_1193, %get3A_1194] {strides = array<i32>} : memref<1x256xi32, #tpu.memory_space<vmem>>, vector<16xi32>,
        %add3A_1196 = arith.constant 1 : i32
        %add3A_1197 = vector.broadcast %add3A_1196 : i32 to vector<16xi32>
        %add3A_1198 = arith.addi %add3A_1179, %add3A_1197 : vector<16xi32>
        tpu.vector_store_idx %arg5[%add3A_1198], %get3A_1195 : memref<512xi32, #tpu.memory_space<vmem>>[vector<16xi32>], vector<16xi32>,
        %iota3A_1199 = tpu.iota {dimensions = array<i32: 0>} : vector<16xi32>
        %mul3A_1200 = arith.constant 2 : i32
        %mul3A_1201 = vector.broadcast %mul3A_1200 : i32 to vector<16xi32>
        %mul3A_1202 = arith.muli %iota3A_1199, %mul3A_1201 : vector<16xi32>
        %add3A_1203 = arith.constant 64 : i32
        %add3A_1204 = vector.broadcast %add3A_1203 : i32 to vector<16xi32>
        %add3A_1205 = arith.addi %mul3A_1202, %add3A_1204 : vector<16xi32>
        %get3A_1206 = arith.constant 0 : i32
        %get3A_1207 = arith.constant 0 : i32
        %get3A_1208 = arith.constant 0 : i32
        %get3A_1209 = tpu.memref_slice %run_scoped3A[%rem3A_1144, %get3A_1207, %get3A_1208] : memref<2x1x256xi32, #tpu.memory_space<vmem>> -> memref<1x1x256xi32, #tpu.memory_space<vmem>>
        %get3A_1210 = tpu.memref_squeeze %get3A_1209 : memref<1x1x256xi32, #tpu.memory_space<vmem>> -> memref<1x256xi32, #tpu.memory_space<vmem>>
        %get3A_1211 = arith.index_cast %get3A_1206 : i32 to index
        %get3A_1212 = arith.constant 32 : index
        %get3A_1213 = tpu.vector_load %get3A_1210[%get3A_1211, %get3A_1212] {strides = array<i32>} : memref<1x256xi32, #tpu.memory_space<vmem>>, vector<16xi32>,
        tpu.vector_store_idx %arg5[%add3A_1205], %get3A_1213 : memref<512xi32, #tpu.memory_space<vmem>>[vector<16xi32>], vector<16xi32>,
        %get3A_1214 = arith.constant 0 : i32
        %get3A_1215 = arith.constant 0 : i32
        %get3A_1216 = arith.constant 0 : i32
        %get3A_1217 = tpu.memref_slice %run_scoped3A_8[%rem3A_1146, %get3A_1215, %get3A_1216] : memref<2x1x256xi32, #tpu.memory_space<vmem>> -> memref<1x1x256xi32, #tpu.memory_space<vmem>>
        %get3A_1218 = tpu.memref_squeeze %get3A_1217 : memref<1x1x256xi32, #tpu.memory_space<vmem>> -> memref<1x256xi32, #tpu.memory_space<vmem>>
        %get3A_1219 = arith.index_cast %get3A_1214 : i32 to index
        %get3A_1220 = arith.constant 32 : index
        %get3A_1221 = tpu.vector_load %get3A_1218[%get3A_1219, %get3A_1220] {strides = array<i32>} : memref<1x256xi32, #tpu.memory_space<vmem>>, vector<16xi32>,
        %add3A_1222 = arith.constant 1 : i32
        %add3A_1223 = vector.broadcast %add3A_1222 : i32 to vector<16xi32>
        %add3A_1224 = arith.addi %add3A_1205, %add3A_1223 : vector<16xi32>
        tpu.vector_store_idx %arg5[%add3A_1224], %get3A_1221 : memref<512xi32, #tpu.memory_space<vmem>>[vector<16xi32>], vector<16xi32>,
        %iota3A_1225 = tpu.iota {dimensions = array<i32: 0>} : vector<16xi32>
        %mul3A_1226 = arith.constant 2 : i32
        %mul3A_1227 = vector.broadcast %mul3A_1226 : i32 to vector<16xi32>
        %mul3A_1228 = arith.muli %iota3A_1225, %mul3A_1227 : vector<16xi32>
        %add3A_1229 = arith.constant 96 : i32
        %add3A_1230 = vector.broadcast %add3A_1229 : i32 to vector<16xi32>
        %add3A_1231 = arith.addi %mul3A_1228, %add3A_1230 : vector<16xi32>
        %get3A_1232 = arith.constant 0 : i32
        %get3A_1233 = arith.constant 0 : i32
        %get3A_1234 = arith.constant 0 : i32
        %get3A_1235 = tpu.memref_slice %run_scoped3A[%rem3A_1144, %get3A_1233, %get3A_1234] : memref<2x1x256xi32, #tpu.memory_space<vmem>> -> memref<1x1x256xi32, #tpu.memory_space<vmem>>
        %get3A_1236 = tpu.memref_squeeze %get3A_1235 : memref<1x1x256xi32, #tpu.memory_space<vmem>> -> memref<1x256xi32, #tpu.memory_space<vmem>>
        %get3A_1237 = arith.index_cast %get3A_1232 : i32 to index
        %get3A_1238 = arith.constant 48 : index
        %get3A_1239 = tpu.vector_load %get3A_1236[%get3A_1237, %get3A_1238] {strides = array<i32>} : memref<1x256xi32, #tpu.memory_space<vmem>>, vector<16xi32>,
        tpu.vector_store_idx %arg5[%add3A_1231], %get3A_1239 : memref<512xi32, #tpu.memory_space<vmem>>[vector<16xi32>], vector<16xi32>,
        %get3A_1240 = arith.constant 0 : i32
        %get3A_1241 = arith.constant 0 : i32
        %get3A_1242 = arith.constant 0 : i32
        %get3A_1243 = tpu.memref_slice %run_scoped3A_8[%rem3A_1146, %get3A_1241, %get3A_1242] : memref<2x1x256xi32, #tpu.memory_space<vmem>> -> memref<1x1x256xi32, #tpu.memory_space<vmem>>
        %get3A_1244 = tpu.memref_squeeze %get3A_1243 : memref<1x1x256xi32, #tpu.memory_space<vmem>> -> memref<1x256xi32, #tpu.memory_space<vmem>>
        %get3A_1245 = arith.index_cast %get3A_1240 : i32 to index
        %get3A_1246 = arith.constant 48 : index
        %get3A_1247 = tpu.vector_load %get3A_1244[%get3A_1245, %get3A_1246] {strides = array<i32>} : memref<1x256xi32, #tpu.memory_space<vmem>>, vector<16xi32>,
        %add3A_1248 = arith.constant 1 : i32
        %add3A_1249 = vector.broadcast %add3A_1248 : i32 to vector<16xi32>
        %add3A_1250 = arith.addi %add3A_1231, %add3A_1249 : vector<16xi32>
        tpu.vector_store_idx %arg5[%add3A_1250], %get3A_1247 : memref<512xi32, #tpu.memory_space<vmem>>[vector<16xi32>], vector<16xi32>,
        %iota3A_1251 = tpu.iota {dimensions = array<i32: 0>} : vector<16xi32>
        %mul3A_1252 = arith.constant 2 : i32
        %mul3A_1253 = vector.broadcast %mul3A_1252 : i32 to vector<16xi32>
        %mul3A_1254 = arith.muli %iota3A_1251, %mul3A_1253 : vector<16xi32>
        %add3A_1255 = arith.constant 128 : i32
        %add3A_1256 = vector.broadcast %add3A_1255 : i32 to vector<16xi32>
        %add3A_1257 = arith.addi %mul3A_1254, %add3A_1256 : vector<16xi32>
        %get3A_1258 = arith.constant 0 : i32
        %get3A_1259 = arith.constant 0 : i32
        %get3A_1260 = arith.constant 0 : i32
        %get3A_1261 = tpu.memref_slice %run_scoped3A[%rem3A_1144, %get3A_1259, %get3A_1260] : memref<2x1x256xi32, #tpu.memory_space<vmem>> -> memref<1x1x256xi32, #tpu.memory_space<vmem>>
        %get3A_1262 = tpu.memref_squeeze %get3A_1261 : memref<1x1x256xi32, #tpu.memory_space<vmem>> -> memref<1x256xi32, #tpu.memory_space<vmem>>
        %get3A_1263 = arith.index_cast %get3A_1258 : i32 to index
        %get3A_1264 = arith.constant 64 : index
        %get3A_1265 = tpu.vector_load %get3A_1262[%get3A_1263, %get3A_1264] {strides = array<i32>} : memref<1x256xi32, #tpu.memory_space<vmem>>, vector<16xi32>,
        tpu.vector_store_idx %arg5[%add3A_1257], %get3A_1265 : memref<512xi32, #tpu.memory_space<vmem>>[vector<16xi32>], vector<16xi32>,
        %get3A_1266 = arith.constant 0 : i32
        %get3A_1267 = arith.constant 0 : i32
        %get3A_1268 = arith.constant 0 : i32
        %get3A_1269 = tpu.memref_slice %run_scoped3A_8[%rem3A_1146, %get3A_1267, %get3A_1268] : memref<2x1x256xi32, #tpu.memory_space<vmem>> -> memref<1x1x256xi32, #tpu.memory_space<vmem>>
        %get3A_1270 = tpu.memref_squeeze %get3A_1269 : memref<1x1x256xi32, #tpu.memory_space<vmem>> -> memref<1x256xi32, #tpu.memory_space<vmem>>
        %get3A_1271 = arith.index_cast %get3A_1266 : i32 to index
        %get3A_1272 = arith.constant 64 : index
        %get3A_1273 = tpu.vector_load %get3A_1270[%get3A_1271, %get3A_1272] {strides = array<i32>} : memref<1x256xi32, #tpu.memory_space<vmem>>, vector<16xi32>,
        %add3A_1274 = arith.constant 1 : i32
        %add3A_1275 = vector.broadcast %add3A_1274 : i32 to vector<16xi32>
        %add3A_1276 = arith.addi %add3A_1257, %add3A_1275 : vector<16xi32>
        tpu.vector_store_idx %arg5[%add3A_1276], %get3A_1273 : memref<512xi32, #tpu.memory_space<vmem>>[vector<16xi32>], vector<16xi32>,
        %iota3A_1277 = tpu.iota {dimensions = array<i32: 0>} : vector<16xi32>
        %mul3A_1278 = arith.constant 2 : i32
        %mul3A_1279 = vector.broadcast %mul3A_1278 : i32 to vector<16xi32>
        %mul3A_1280 = arith.muli %iota3A_1277, %mul3A_1279 : vector<16xi32>
        %add3A_1281 = arith.constant 160 : i32
        %add3A_1282 = vector.broadcast %add3A_1281 : i32 to vector<16xi32>
        %add3A_1283 = arith.addi %mul3A_1280, %add3A_1282 : vector<16xi32>
        %get3A_1284 = arith.constant 0 : i32
        %get3A_1285 = arith.constant 0 : i32
        %get3A_1286 = arith.constant 0 : i32
        %get3A_1287 = tpu.memref_slice %run_scoped3A[%rem3A_1144, %get3A_1285, %get3A_1286] : memref<2x1x256xi32, #tpu.memory_space<vmem>> -> memref<1x1x256xi32, #tpu.memory_space<vmem>>
        %get3A_1288 = tpu.memref_squeeze %get3A_1287 : memref<1x1x256xi32, #tpu.memory_space<vmem>> -> memref<1x256xi32, #tpu.memory_space<vmem>>
        %get3A_1289 = arith.index_cast %get3A_1284 : i32 to index
        %get3A_1290 = arith.constant 80 : index
        %get3A_1291 = tpu.vector_load %get3A_1288[%get3A_1289, %get3A_1290] {strides = array<i32>} : memref<1x256xi32, #tpu.memory_space<vmem>>, vector<16xi32>,
        tpu.vector_store_idx %arg5[%add3A_1283], %get3A_1291 : memref<512xi32, #tpu.memory_space<vmem>>[vector<16xi32>], vector<16xi32>,
        %get3A_1292 = arith.constant 0 : i32
        %get3A_1293 = arith.constant 0 : i32
        %get3A_1294 = arith.constant 0 : i32
        %get3A_1295 = tpu.memref_slice %run_scoped3A_8[%rem3A_1146, %get3A_1293, %get3A_1294] : memref<2x1x256xi32, #tpu.memory_space<vmem>> -> memref<1x1x256xi32, #tpu.memory_space<vmem>>
        %get3A_1296 = tpu.memref_squeeze %get3A_1295 : memref<1x1x256xi32, #tpu.memory_space<vmem>> -> memref<1x256xi32, #tpu.memory_space<vmem>>
        %get3A_1297 = arith.index_cast %get3A_1292 : i32 to index
        %get3A_1298 = arith.constant 80 : index
        %get3A_1299 = tpu.vector_load %get3A_1296[%get3A_1297, %get3A_1298] {strides = array<i32>} : memref<1x256xi32, #tpu.memory_space<vmem>>, vector<16xi32>,
        %add3A_1300 = arith.constant 1 : i32
        %add3A_1301 = vector.broadcast %add3A_1300 : i32 to vector<16xi32>
        %add3A_1302 = arith.addi %add3A_1283, %add3A_1301 : vector<16xi32>
        tpu.vector_store_idx %arg5[%add3A_1302], %get3A_1299 : memref<512xi32, #tpu.memory_space<vmem>>[vector<16xi32>], vector<16xi32>,
        %iota3A_1303 = tpu.iota {dimensions = array<i32: 0>} : vector<16xi32>
        %mul3A_1304 = arith.constant 2 : i32
        %mul3A_1305 = vector.broadcast %mul3A_1304 : i32 to vector<16xi32>
        %mul3A_1306 = arith.muli %iota3A_1303, %mul3A_1305 : vector<16xi32>
        %add3A_1307 = arith.constant 192 : i32
        %add3A_1308 = vector.broadcast %add3A_1307 : i32 to vector<16xi32>
        %add3A_1309 = arith.addi %mul3A_1306, %add3A_1308 : vector<16xi32>
        %get3A_1310 = arith.constant 0 : i32
        %get3A_1311 = arith.constant 0 : i32
        %get3A_1312 = arith.constant 0 : i32
        %get3A_1313 = tpu.memref_slice %run_scoped3A[%rem3A_1144, %get3A_1311, %get3A_1312] : memref<2x1x256xi32, #tpu.memory_space<vmem>> -> memref<1x1x256xi32, #tpu.memory_space<vmem>>
        %get3A_1314 = tpu.memref_squeeze %get3A_1313 : memref<1x1x256xi32, #tpu.memory_space<vmem>> -> memref<1x256xi32, #tpu.memory_space<vmem>>
        %get3A_1315 = arith.index_cast %get3A_1310 : i32 to index
        %get3A_1316 = arith.constant 96 : index
        %get3A_1317 = tpu.vector_load %get3A_1314[%get3A_1315, %get3A_1316] {strides = array<i32>} : memref<1x256xi32, #tpu.memory_space<vmem>>, vector<16xi32>,
        tpu.vector_store_idx %arg5[%add3A_1309], %get3A_1317 : memref<512xi32, #tpu.memory_space<vmem>>[vector<16xi32>], vector<16xi32>,
        %get3A_1318 = arith.constant 0 : i32
        %get3A_1319 = arith.constant 0 : i32
        %get3A_1320 = arith.constant 0 : i32
        %get3A_1321 = tpu.memref_slice %run_scoped3A_8[%rem3A_1146, %get3A_1319, %get3A_1320] : memref<2x1x256xi32, #tpu.memory_space<vmem>> -> memref<1x1x256xi32, #tpu.memory_space<vmem>>
        %get3A_1322 = tpu.memref_squeeze %get3A_1321 : memref<1x1x256xi32, #tpu.memory_space<vmem>> -> memref<1x256xi32, #tpu.memory_space<vmem>>
        %get3A_1323 = arith.index_cast %get3A_1318 : i32 to index
        %get3A_1324 = arith.constant 96 : index
        %get3A_1325 = tpu.vector_load %get3A_1322[%get3A_1323, %get3A_1324] {strides = array<i32>} : memref<1x256xi32, #tpu.memory_space<vmem>>, vector<16xi32>,
        %add3A_1326 = arith.constant 1 : i32
        %add3A_1327 = vector.broadcast %add3A_1326 : i32 to vector<16xi32>
        %add3A_1328 = arith.addi %add3A_1309, %add3A_1327 : vector<16xi32>
        tpu.vector_store_idx %arg5[%add3A_1328], %get3A_1325 : memref<512xi32, #tpu.memory_space<vmem>>[vector<16xi32>], vector<16xi32>,
        %iota3A_1329 = tpu.iota {dimensions = array<i32: 0>} : vector<16xi32>
        %mul3A_1330 = arith.constant 2 : i32
        %mul3A_1331 = vector.broadcast %mul3A_1330 : i32 to vector<16xi32>
        %mul3A_1332 = arith.muli %iota3A_1329, %mul3A_1331 : vector<16xi32>
        %add3A_1333 = arith.constant 224 : i32
        %add3A_1334 = vector.broadcast %add3A_1333 : i32 to vector<16xi32>
        %add3A_1335 = arith.addi %mul3A_1332, %add3A_1334 : vector<16xi32>
        %get3A_1336 = arith.constant 0 : i32
        %get3A_1337 = arith.constant 0 : i32
        %get3A_1338 = arith.constant 0 : i32
        %get3A_1339 = tpu.memref_slice %run_scoped3A[%rem3A_1144, %get3A_1337, %get3A_1338] : memref<2x1x256xi32, #tpu.memory_space<vmem>> -> memref<1x1x256xi32, #tpu.memory_space<vmem>>
        %get3A_1340 = tpu.memref_squeeze %get3A_1339 : memref<1x1x256xi32, #tpu.memory_space<vmem>> -> memref<1x256xi32, #tpu.memory_space<vmem>>
        %get3A_1341 = arith.index_cast %get3A_1336 : i32 to index
        %get3A_1342 = arith.constant 112 : index
        %get3A_1343 = tpu.vector_load %get3A_1340[%get3A_1341, %get3A_1342] {strides = array<i32>} : memref<1x256xi32, #tpu.memory_space<vmem>>, vector<16xi32>,
        tpu.vector_store_idx %arg5[%add3A_1335], %get3A_1343 : memref<512xi32, #tpu.memory_space<vmem>>[vector<16xi32>], vector<16xi32>,
        %get3A_1344 = arith.constant 0 : i32
        %get3A_1345 = arith.constant 0 : i32
        %get3A_1346 = arith.constant 0 : i32
        %get3A_1347 = tpu.memref_slice %run_scoped3A_8[%rem3A_1146, %get3A_1345, %get3A_1346] : memref<2x1x256xi32, #tpu.memory_space<vmem>> -> memref<1x1x256xi32, #tpu.memory_space<vmem>>
        %get3A_1348 = tpu.memref_squeeze %get3A_1347 : memref<1x1x256xi32, #tpu.memory_space<vmem>> -> memref<1x256xi32, #tpu.memory_space<vmem>>
        %get3A_1349 = arith.index_cast %get3A_1344 : i32 to index
        %get3A_1350 = arith.constant 112 : index
        %get3A_1351 = tpu.vector_load %get3A_1348[%get3A_1349, %get3A_1350] {strides = array<i32>} : memref<1x256xi32, #tpu.memory_space<vmem>>, vector<16xi32>,
        %add3A_1352 = arith.constant 1 : i32
        %add3A_1353 = vector.broadcast %add3A_1352 : i32 to vector<16xi32>
        %add3A_1354 = arith.addi %add3A_1335, %add3A_1353 : vector<16xi32>
        tpu.vector_store_idx %arg5[%add3A_1354], %get3A_1351 : memref<512xi32, #tpu.memory_space<vmem>>[vector<16xi32>], vector<16xi32>,
        %iota3A_1355 = tpu.iota {dimensions = array<i32: 0>} : vector<16xi32>
        %mul3A_1356 = arith.constant 2 : i32
        %mul3A_1357 = vector.broadcast %mul3A_1356 : i32 to vector<16xi32>
        %mul3A_1358 = arith.muli %iota3A_1355, %mul3A_1357 : vector<16xi32>
        %add3A_1359 = arith.constant 256 : i32
        %add3A_1360 = vector.broadcast %add3A_1359 : i32 to vector<16xi32>
        %add3A_1361 = arith.addi %mul3A_1358, %add3A_1360 : vector<16xi32>
        %get3A_1362 = arith.constant 0 : i32
        %get3A_1363 = arith.constant 0 : i32
        %get3A_1364 = arith.constant 0 : i32
        %get3A_1365 = tpu.memref_slice %run_scoped3A[%rem3A_1144, %get3A_1363, %get3A_1364] : memref<2x1x256xi32, #tpu.memory_space<vmem>> -> memref<1x1x256xi32, #tpu.memory_space<vmem>>
        %get3A_1366 = tpu.memref_squeeze %get3A_1365 : memref<1x1x256xi32, #tpu.memory_space<vmem>> -> memref<1x256xi32, #tpu.memory_space<vmem>>
        %get3A_1367 = arith.index_cast %get3A_1362 : i32 to index
        %get3A_1368 = arith.constant 128 : index
        %get3A_1369 = tpu.vector_load %get3A_1366[%get3A_1367, %get3A_1368] {strides = array<i32>} : memref<1x256xi32, #tpu.memory_space<vmem>>, vector<16xi32>,
        tpu.vector_store_idx %arg5[%add3A_1361], %get3A_1369 : memref<512xi32, #tpu.memory_space<vmem>>[vector<16xi32>], vector<16xi32>,
        %get3A_1370 = arith.constant 0 : i32
        %get3A_1371 = arith.constant 0 : i32
        %get3A_1372 = arith.constant 0 : i32
        %get3A_1373 = tpu.memref_slice %run_scoped3A_8[%rem3A_1146, %get3A_1371, %get3A_1372] : memref<2x1x256xi32, #tpu.memory_space<vmem>> -> memref<1x1x256xi32, #tpu.memory_space<vmem>>
        %get3A_1374 = tpu.memref_squeeze %get3A_1373 : memref<1x1x256xi32, #tpu.memory_space<vmem>> -> memref<1x256xi32, #tpu.memory_space<vmem>>
        %get3A_1375 = arith.index_cast %get3A_1370 : i32 to index
        %get3A_1376 = arith.constant 128 : index
        %get3A_1377 = tpu.vector_load %get3A_1374[%get3A_1375, %get3A_1376] {strides = array<i32>} : memref<1x256xi32, #tpu.memory_space<vmem>>, vector<16xi32>,
        %add3A_1378 = arith.constant 1 : i32
        %add3A_1379 = vector.broadcast %add3A_1378 : i32 to vector<16xi32>
        %add3A_1380 = arith.addi %add3A_1361, %add3A_1379 : vector<16xi32>
        tpu.vector_store_idx %arg5[%add3A_1380], %get3A_1377 : memref<512xi32, #tpu.memory_space<vmem>>[vector<16xi32>], vector<16xi32>,
        %iota3A_1381 = tpu.iota {dimensions = array<i32: 0>} : vector<16xi32>
        %mul3A_1382 = arith.constant 2 : i32
        %mul3A_1383 = vector.broadcast %mul3A_1382 : i32 to vector<16xi32>
        %mul3A_1384 = arith.muli %iota3A_1381, %mul3A_1383 : vector<16xi32>
        %add3A_1385 = arith.constant 288 : i32
        %add3A_1386 = vector.broadcast %add3A_1385 : i32 to vector<16xi32>
        %add3A_1387 = arith.addi %mul3A_1384, %add3A_1386 : vector<16xi32>
        %get3A_1388 = arith.constant 0 : i32
        %get3A_1389 = arith.constant 0 : i32
        %get3A_1390 = arith.constant 0 : i32
        %get3A_1391 = tpu.memref_slice %run_scoped3A[%rem3A_1144, %get3A_1389, %get3A_1390] : memref<2x1x256xi32, #tpu.memory_space<vmem>> -> memref<1x1x256xi32, #tpu.memory_space<vmem>>
        %get3A_1392 = tpu.memref_squeeze %get3A_1391 : memref<1x1x256xi32, #tpu.memory_space<vmem>> -> memref<1x256xi32, #tpu.memory_space<vmem>>
        %get3A_1393 = arith.index_cast %get3A_1388 : i32 to index
        %get3A_1394 = arith.constant 144 : index
        %get3A_1395 = tpu.vector_load %get3A_1392[%get3A_1393, %get3A_1394] {strides = array<i32>} : memref<1x256xi32, #tpu.memory_space<vmem>>, vector<16xi32>,
        tpu.vector_store_idx %arg5[%add3A_1387], %get3A_1395 : memref<512xi32, #tpu.memory_space<vmem>>[vector<16xi32>], vector<16xi32>,
        %get3A_1396 = arith.constant 0 : i32
        %get3A_1397 = arith.constant 0 : i32
        %get3A_1398 = arith.constant 0 : i32
        %get3A_1399 = tpu.memref_slice %run_scoped3A_8[%rem3A_1146, %get3A_1397, %get3A_1398] : memref<2x1x256xi32, #tpu.memory_space<vmem>> -> memref<1x1x256xi32, #tpu.memory_space<vmem>>
        %get3A_1400 = tpu.memref_squeeze %get3A_1399 : memref<1x1x256xi32, #tpu.memory_space<vmem>> -> memref<1x256xi32, #tpu.memory_space<vmem>>
        %get3A_1401 = arith.index_cast %get3A_1396 : i32 to index
        %get3A_1402 = arith.constant 144 : index
        %get3A_1403 = tpu.vector_load %get3A_1400[%get3A_1401, %get3A_1402] {strides = array<i32>} : memref<1x256xi32, #tpu.memory_space<vmem>>, vector<16xi32>,
        %add3A_1404 = arith.constant 1 : i32
        %add3A_1405 = vector.broadcast %add3A_1404 : i32 to vector<16xi32>
        %add3A_1406 = arith.addi %add3A_1387, %add3A_1405 : vector<16xi32>
        tpu.vector_store_idx %arg5[%add3A_1406], %get3A_1403 : memref<512xi32, #tpu.memory_space<vmem>>[vector<16xi32>], vector<16xi32>,
        %iota3A_1407 = tpu.iota {dimensions = array<i32: 0>} : vector<16xi32>
        %mul3A_1408 = arith.constant 2 : i32
        %mul3A_1409 = vector.broadcast %mul3A_1408 : i32 to vector<16xi32>
        %mul3A_1410 = arith.muli %iota3A_1407, %mul3A_1409 : vector<16xi32>
        %add3A_1411 = arith.constant 320 : i32
        %add3A_1412 = vector.broadcast %add3A_1411 : i32 to vector<16xi32>
        %add3A_1413 = arith.addi %mul3A_1410, %add3A_1412 : vector<16xi32>
        %get3A_1414 = arith.constant 0 : i32
        %get3A_1415 = arith.constant 0 : i32
        %get3A_1416 = arith.constant 0 : i32
        %get3A_1417 = tpu.memref_slice %run_scoped3A[%rem3A_1144, %get3A_1415, %get3A_1416] : memref<2x1x256xi32, #tpu.memory_space<vmem>> -> memref<1x1x256xi32, #tpu.memory_space<vmem>>
        %get3A_1418 = tpu.memref_squeeze %get3A_1417 : memref<1x1x256xi32, #tpu.memory_space<vmem>> -> memref<1x256xi32, #tpu.memory_space<vmem>>
        %get3A_1419 = arith.index_cast %get3A_1414 : i32 to index
        %get3A_1420 = arith.constant 160 : index
        %get3A_1421 = tpu.vector_load %get3A_1418[%get3A_1419, %get3A_1420] {strides = array<i32>} : memref<1x256xi32, #tpu.memory_space<vmem>>, vector<16xi32>,
        tpu.vector_store_idx %arg5[%add3A_1413], %get3A_1421 : memref<512xi32, #tpu.memory_space<vmem>>[vector<16xi32>], vector<16xi32>,
        %get3A_1422 = arith.constant 0 : i32
        %get3A_1423 = arith.constant 0 : i32
        %get3A_1424 = arith.constant 0 : i32
        %get3A_1425 = tpu.memref_slice %run_scoped3A_8[%rem3A_1146, %get3A_1423, %get3A_1424] : memref<2x1x256xi32, #tpu.memory_space<vmem>> -> memref<1x1x256xi32, #tpu.memory_space<vmem>>
        %get3A_1426 = tpu.memref_squeeze %get3A_1425 : memref<1x1x256xi32, #tpu.memory_space<vmem>> -> memref<1x256xi32, #tpu.memory_space<vmem>>
        %get3A_1427 = arith.index_cast %get3A_1422 : i32 to index
        %get3A_1428 = arith.constant 160 : index
        %get3A_1429 = tpu.vector_load %get3A_1426[%get3A_1427, %get3A_1428] {strides = array<i32>} : memref<1x256xi32, #tpu.memory_space<vmem>>, vector<16xi32>,
        %add3A_1430 = arith.constant 1 : i32
        %add3A_1431 = vector.broadcast %add3A_1430 : i32 to vector<16xi32>
        %add3A_1432 = arith.addi %add3A_1413, %add3A_1431 : vector<16xi32>
        tpu.vector_store_idx %arg5[%add3A_1432], %get3A_1429 : memref<512xi32, #tpu.memory_space<vmem>>[vector<16xi32>], vector<16xi32>,
        %iota3A_1433 = tpu.iota {dimensions = array<i32: 0>} : vector<16xi32>
        %mul3A_1434 = arith.constant 2 : i32
        %mul3A_1435 = vector.broadcast %mul3A_1434 : i32 to vector<16xi32>
        %mul3A_1436 = arith.muli %iota3A_1433, %mul3A_1435 : vector<16xi32>
        %add3A_1437 = arith.constant 352 : i32
        %add3A_1438 = vector.broadcast %add3A_1437 : i32 to vector<16xi32>
        %add3A_1439 = arith.addi %mul3A_1436, %add3A_1438 : vector<16xi32>
        %get3A_1440 = arith.constant 0 : i32
        %get3A_1441 = arith.constant 0 : i32
        %get3A_1442 = arith.constant 0 : i32
        %get3A_1443 = tpu.memref_slice %run_scoped3A[%rem3A_1144, %get3A_1441, %get3A_1442] : memref<2x1x256xi32, #tpu.memory_space<vmem>> -> memref<1x1x256xi32, #tpu.memory_space<vmem>>
        %get3A_1444 = tpu.memref_squeeze %get3A_1443 : memref<1x1x256xi32, #tpu.memory_space<vmem>> -> memref<1x256xi32, #tpu.memory_space<vmem>>
        %get3A_1445 = arith.index_cast %get3A_1440 : i32 to index
        %get3A_1446 = arith.constant 176 : index
        %get3A_1447 = tpu.vector_load %get3A_1444[%get3A_1445, %get3A_1446] {strides = array<i32>} : memref<1x256xi32, #tpu.memory_space<vmem>>, vector<16xi32>,
        tpu.vector_store_idx %arg5[%add3A_1439], %get3A_1447 : memref<512xi32, #tpu.memory_space<vmem>>[vector<16xi32>], vector<16xi32>,
        %get3A_1448 = arith.constant 0 : i32
        %get3A_1449 = arith.constant 0 : i32
        %get3A_1450 = arith.constant 0 : i32
        %get3A_1451 = tpu.memref_slice %run_scoped3A_8[%rem3A_1146, %get3A_1449, %get3A_1450] : memref<2x1x256xi32, #tpu.memory_space<vmem>> -> memref<1x1x256xi32, #tpu.memory_space<vmem>>
        %get3A_1452 = tpu.memref_squeeze %get3A_1451 : memref<1x1x256xi32, #tpu.memory_space<vmem>> -> memref<1x256xi32, #tpu.memory_space<vmem>>
        %get3A_1453 = arith.index_cast %get3A_1448 : i32 to index
        %get3A_1454 = arith.constant 176 : index
        %get3A_1455 = tpu.vector_load %get3A_1452[%get3A_1453, %get3A_1454] {strides = array<i32>} : memref<1x256xi32, #tpu.memory_space<vmem>>, vector<16xi32>,
        %add3A_1456 = arith.constant 1 : i32
        %add3A_1457 = vector.broadcast %add3A_1456 : i32 to vector<16xi32>
        %add3A_1458 = arith.addi %add3A_1439, %add3A_1457 : vector<16xi32>
        tpu.vector_store_idx %arg5[%add3A_1458], %get3A_1455 : memref<512xi32, #tpu.memory_space<vmem>>[vector<16xi32>], vector<16xi32>,
        %iota3A_1459 = tpu.iota {dimensions = array<i32: 0>} : vector<16xi32>
        %mul3A_1460 = arith.constant 2 : i32
        %mul3A_1461 = vector.broadcast %mul3A_1460 : i32 to vector<16xi32>
        %mul3A_1462 = arith.muli %iota3A_1459, %mul3A_1461 : vector<16xi32>
        %add3A_1463 = arith.constant 384 : i32
        %add3A_1464 = vector.broadcast %add3A_1463 : i32 to vector<16xi32>
        %add3A_1465 = arith.addi %mul3A_1462, %add3A_1464 : vector<16xi32>
        %get3A_1466 = arith.constant 0 : i32
        %get3A_1467 = arith.constant 0 : i32
        %get3A_1468 = arith.constant 0 : i32
        %get3A_1469 = tpu.memref_slice %run_scoped3A[%rem3A_1144, %get3A_1467, %get3A_1468] : memref<2x1x256xi32, #tpu.memory_space<vmem>> -> memref<1x1x256xi32, #tpu.memory_space<vmem>>
        %get3A_1470 = tpu.memref_squeeze %get3A_1469 : memref<1x1x256xi32, #tpu.memory_space<vmem>> -> memref<1x256xi32, #tpu.memory_space<vmem>>
        %get3A_1471 = arith.index_cast %get3A_1466 : i32 to index
        %get3A_1472 = arith.constant 192 : index
        %get3A_1473 = tpu.vector_load %get3A_1470[%get3A_1471, %get3A_1472] {strides = array<i32>} : memref<1x256xi32, #tpu.memory_space<vmem>>, vector<16xi32>,
        tpu.vector_store_idx %arg5[%add3A_1465], %get3A_1473 : memref<512xi32, #tpu.memory_space<vmem>>[vector<16xi32>], vector<16xi32>,
        %get3A_1474 = arith.constant 0 : i32
        %get3A_1475 = arith.constant 0 : i32
        %get3A_1476 = arith.constant 0 : i32
        %get3A_1477 = tpu.memref_slice %run_scoped3A_8[%rem3A_1146, %get3A_1475, %get3A_1476] : memref<2x1x256xi32, #tpu.memory_space<vmem>> -> memref<1x1x256xi32, #tpu.memory_space<vmem>>
        %get3A_1478 = tpu.memref_squeeze %get3A_1477 : memref<1x1x256xi32, #tpu.memory_space<vmem>> -> memref<1x256xi32, #tpu.memory_space<vmem>>
        %get3A_1479 = arith.index_cast %get3A_1474 : i32 to index
        %get3A_1480 = arith.constant 192 : index
        %get3A_1481 = tpu.vector_load %get3A_1478[%get3A_1479, %get3A_1480] {strides = array<i32>} : memref<1x256xi32, #tpu.memory_space<vmem>>, vector<16xi32>,
        %add3A_1482 = arith.constant 1 : i32
        %add3A_1483 = vector.broadcast %add3A_1482 : i32 to vector<16xi32>
        %add3A_1484 = arith.addi %add3A_1465, %add3A_1483 : vector<16xi32>
        tpu.vector_store_idx %arg5[%add3A_1484], %get3A_1481 : memref<512xi32, #tpu.memory_space<vmem>>[vector<16xi32>], vector<16xi32>,
        %iota3A_1485 = tpu.iota {dimensions = array<i32: 0>} : vector<16xi32>
        %mul3A_1486 = arith.constant 2 : i32
        %mul3A_1487 = vector.broadcast %mul3A_1486 : i32 to vector<16xi32>
        %mul3A_1488 = arith.muli %iota3A_1485, %mul3A_1487 : vector<16xi32>
        %add3A_1489 = arith.constant 416 : i32
        %add3A_1490 = vector.broadcast %add3A_1489 : i32 to vector<16xi32>
        %add3A_1491 = arith.addi %mul3A_1488, %add3A_1490 : vector<16xi32>
        %get3A_1492 = arith.constant 0 : i32
        %get3A_1493 = arith.constant 0 : i32
        %get3A_1494 = arith.constant 0 : i32
        %get3A_1495 = tpu.memref_slice %run_scoped3A[%rem3A_1144, %get3A_1493, %get3A_1494] : memref<2x1x256xi32, #tpu.memory_space<vmem>> -> memref<1x1x256xi32, #tpu.memory_space<vmem>>
        %get3A_1496 = tpu.memref_squeeze %get3A_1495 : memref<1x1x256xi32, #tpu.memory_space<vmem>> -> memref<1x256xi32, #tpu.memory_space<vmem>>
        %get3A_1497 = arith.index_cast %get3A_1492 : i32 to index
        %get3A_1498 = arith.constant 208 : index
        %get3A_1499 = tpu.vector_load %get3A_1496[%get3A_1497, %get3A_1498] {strides = array<i32>} : memref<1x256xi32, #tpu.memory_space<vmem>>, vector<16xi32>,
        tpu.vector_store_idx %arg5[%add3A_1491], %get3A_1499 : memref<512xi32, #tpu.memory_space<vmem>>[vector<16xi32>], vector<16xi32>,
        %get3A_1500 = arith.constant 0 : i32
        %get3A_1501 = arith.constant 0 : i32
        %get3A_1502 = arith.constant 0 : i32
        %get3A_1503 = tpu.memref_slice %run_scoped3A_8[%rem3A_1146, %get3A_1501, %get3A_1502] : memref<2x1x256xi32, #tpu.memory_space<vmem>> -> memref<1x1x256xi32, #tpu.memory_space<vmem>>
        %get3A_1504 = tpu.memref_squeeze %get3A_1503 : memref<1x1x256xi32, #tpu.memory_space<vmem>> -> memref<1x256xi32, #tpu.memory_space<vmem>>
        %get3A_1505 = arith.index_cast %get3A_1500 : i32 to index
        %get3A_1506 = arith.constant 208 : index
        %get3A_1507 = tpu.vector_load %get3A_1504[%get3A_1505, %get3A_1506] {strides = array<i32>} : memref<1x256xi32, #tpu.memory_space<vmem>>, vector<16xi32>,
        %add3A_1508 = arith.constant 1 : i32
        %add3A_1509 = vector.broadcast %add3A_1508 : i32 to vector<16xi32>
        %add3A_1510 = arith.addi %add3A_1491, %add3A_1509 : vector<16xi32>
        tpu.vector_store_idx %arg5[%add3A_1510], %get3A_1507 : memref<512xi32, #tpu.memory_space<vmem>>[vector<16xi32>], vector<16xi32>,
        %iota3A_1511 = tpu.iota {dimensions = array<i32: 0>} : vector<16xi32>
        %mul3A_1512 = arith.constant 2 : i32
        %mul3A_1513 = vector.broadcast %mul3A_1512 : i32 to vector<16xi32>
        %mul3A_1514 = arith.muli %iota3A_1511, %mul3A_1513 : vector<16xi32>
        %add3A_1515 = arith.constant 448 : i32
        %add3A_1516 = vector.broadcast %add3A_1515 : i32 to vector<16xi32>
        %add3A_1517 = arith.addi %mul3A_1514, %add3A_1516 : vector<16xi32>
        %get3A_1518 = arith.constant 0 : i32
        %get3A_1519 = arith.constant 0 : i32
        %get3A_1520 = arith.constant 0 : i32
        %get3A_1521 = tpu.memref_slice %run_scoped3A[%rem3A_1144, %get3A_1519, %get3A_1520] : memref<2x1x256xi32, #tpu.memory_space<vmem>> -> memref<1x1x256xi32, #tpu.memory_space<vmem>>
        %get3A_1522 = tpu.memref_squeeze %get3A_1521 : memref<1x1x256xi32, #tpu.memory_space<vmem>> -> memref<1x256xi32, #tpu.memory_space<vmem>>
        %get3A_1523 = arith.index_cast %get3A_1518 : i32 to index
        %get3A_1524 = arith.constant 224 : index
        %get3A_1525 = tpu.vector_load %get3A_1522[%get3A_1523, %get3A_1524] {strides = array<i32>} : memref<1x256xi32, #tpu.memory_space<vmem>>, vector<16xi32>,
        tpu.vector_store_idx %arg5[%add3A_1517], %get3A_1525 : memref<512xi32, #tpu.memory_space<vmem>>[vector<16xi32>], vector<16xi32>,
        %get3A_1526 = arith.constant 0 : i32
        %get3A_1527 = arith.constant 0 : i32
        %get3A_1528 = arith.constant 0 : i32
        %get3A_1529 = tpu.memref_slice %run_scoped3A_8[%rem3A_1146, %get3A_1527, %get3A_1528] : memref<2x1x256xi32, #tpu.memory_space<vmem>> -> memref<1x1x256xi32, #tpu.memory_space<vmem>>
        %get3A_1530 = tpu.memref_squeeze %get3A_1529 : memref<1x1x256xi32, #tpu.memory_space<vmem>> -> memref<1x256xi32, #tpu.memory_space<vmem>>
        %get3A_1531 = arith.index_cast %get3A_1526 : i32 to index
        %get3A_1532 = arith.constant 224 : index
        %get3A_1533 = tpu.vector_load %get3A_1530[%get3A_1531, %get3A_1532] {strides = array<i32>} : memref<1x256xi32, #tpu.memory_space<vmem>>, vector<16xi32>,
        %add3A_1534 = arith.constant 1 : i32
        %add3A_1535 = vector.broadcast %add3A_1534 : i32 to vector<16xi32>
        %add3A_1536 = arith.addi %add3A_1517, %add3A_1535 : vector<16xi32>
        tpu.vector_store_idx %arg5[%add3A_1536], %get3A_1533 : memref<512xi32, #tpu.memory_space<vmem>>[vector<16xi32>], vector<16xi32>,
        %iota3A_1537 = tpu.iota {dimensions = array<i32: 0>} : vector<16xi32>
        %mul3A_1538 = arith.constant 2 : i32
        %mul3A_1539 = vector.broadcast %mul3A_1538 : i32 to vector<16xi32>
        %mul3A_1540 = arith.muli %iota3A_1537, %mul3A_1539 : vector<16xi32>
        %add3A_1541 = arith.constant 480 : i32
        %add3A_1542 = vector.broadcast %add3A_1541 : i32 to vector<16xi32>
        %add3A_1543 = arith.addi %mul3A_1540, %add3A_1542 : vector<16xi32>
        %get3A_1544 = arith.constant 0 : i32
        %get3A_1545 = arith.constant 0 : i32
        %get3A_1546 = arith.constant 0 : i32
        %get3A_1547 = tpu.memref_slice %run_scoped3A[%rem3A_1144, %get3A_1545, %get3A_1546] : memref<2x1x256xi32, #tpu.memory_space<vmem>> -> memref<1x1x256xi32, #tpu.memory_space<vmem>>
        %get3A_1548 = tpu.memref_squeeze %get3A_1547 : memref<1x1x256xi32, #tpu.memory_space<vmem>> -> memref<1x256xi32, #tpu.memory_space<vmem>>
        %get3A_1549 = arith.index_cast %get3A_1544 : i32 to index
        %get3A_1550 = arith.constant 240 : index
        %get3A_1551 = tpu.vector_load %get3A_1548[%get3A_1549, %get3A_1550] {strides = array<i32>} : memref<1x256xi32, #tpu.memory_space<vmem>>, vector<16xi32>,
        tpu.vector_store_idx %arg5[%add3A_1543], %get3A_1551 : memref<512xi32, #tpu.memory_space<vmem>>[vector<16xi32>], vector<16xi32>,
        %get3A_1552 = arith.constant 0 : i32
        %get3A_1553 = arith.constant 0 : i32
        %get3A_1554 = arith.constant 0 : i32
        %get3A_1555 = tpu.memref_slice %run_scoped3A_8[%rem3A_1146, %get3A_1553, %get3A_1554] : memref<2x1x256xi32, #tpu.memory_space<vmem>> -> memref<1x1x256xi32, #tpu.memory_space<vmem>>
        %get3A_1556 = tpu.memref_squeeze %get3A_1555 : memref<1x1x256xi32, #tpu.memory_space<vmem>> -> memref<1x256xi32, #tpu.memory_space<vmem>>
        %get3A_1557 = arith.index_cast %get3A_1552 : i32 to index
        %get3A_1558 = arith.constant 240 : index
        %get3A_1559 = tpu.vector_load %get3A_1556[%get3A_1557, %get3A_1558] {strides = array<i32>} : memref<1x256xi32, #tpu.memory_space<vmem>>, vector<16xi32>,
        %add3A_1560 = arith.constant 1 : i32
        %add3A_1561 = vector.broadcast %add3A_1560 : i32 to vector<16xi32>
        %add3A_1562 = arith.addi %add3A_1543, %add3A_1561 : vector<16xi32>
        tpu.vector_store_idx %arg5[%add3A_1562], %get3A_1559 : memref<512xi32, #tpu.memory_space<vmem>>[vector<16xi32>], vector<16xi32>,
        "tpu.region"() ({
          %run_scoped3A_2735 = tpu.sem_alloc : memref<!tpu.dma_semaphore, #tpu.memory_space<semaphore_mem>>
          %dma_start3A_2736 = arith.constant 0 : i32
          %dma_start3A_2737 = arith.constant 0 : i32
          %dma_start3A_2738 = tpu.memref_slice %run_scoped3A_10[%rem3A_1148, %dma_start3A_2736, %dma_start3A_2737] : memref<2x512x64xf32, #tpu.memory_space<vmem>> -> memref<1x512x64xf32, #tpu.memory_space<vmem>>
          %dma_start3A_2739 = tpu.memref_squeeze %dma_start3A_2738 : memref<1x512x64xf32, #tpu.memory_space<vmem>> -> memref<512x64xf32, #tpu.memory_space<vmem>>
          %dma_start3A_2740 = arith.constant 0 : i32
          %dma_start3A_2741 = arith.constant 0 : i32
          %dma_start3A_2742 = tpu.memref_slice %arg2[%dma_start3A_2740, %dma_start3A_2741] : memref<1015808x64xf32, #tpu.memory_space<hbm>> -> memref<1015808x64xf32, #tpu.memory_space<hbm>>
          tpu.enqueue_indirect_dma source(%dma_start3A_2742 : memref<1015808x64xf32, #tpu.memory_space<hbm>>) target(%dma_start3A_2739 : memref<512x64xf32, #tpu.memory_space<vmem>>) offsets(%arg5 : memref<512xi32, #tpu.memory_space<vmem>>) semaphore(%run_scoped3A_2735 : memref<!tpu.dma_semaphore, #tpu.memory_space<semaphore_mem>>)
          %dma_wait3A_2743 = arith.constant 0 : i32
          %dma_wait3A_2744 = arith.constant 0 : i32
          %dma_wait3A_2745 = tpu.memref_slice %run_scoped3A_10[%rem3A_1148, %dma_wait3A_2743, %dma_wait3A_2744] : memref<2x512x64xf32, #tpu.memory_space<vmem>> -> memref<1x512x64xf32, #tpu.memory_space<vmem>>
          %dma_wait3A_2746 = tpu.memref_squeeze %dma_wait3A_2745 : memref<1x512x64xf32, #tpu.memory_space<vmem>> -> memref<512x64xf32, #tpu.memory_space<vmem>>
          %dma_wait3A_2747 = arith.constant 0 : i32
          %dma_wait3A_2748 = arith.constant 0 : i32
          %dma_wait3A_2749 = tpu.memref_slice %arg2[%dma_wait3A_2747, %dma_wait3A_2748] : memref<1015808x64xf32, #tpu.memory_space<hbm>> -> memref<1015808x64xf32, #tpu.memory_space<hbm>>
          tpu.wait_indirect_dma semaphore(%run_scoped3A_2735 : memref<!tpu.dma_semaphore, #tpu.memory_space<semaphore_mem>>) src(%dma_wait3A_2749 : memref<1015808x64xf32, #tpu.memory_space<hbm>>) dst(%dma_wait3A_2746 : memref<512x64xf32, #tpu.memory_space<vmem>>)
          tpu.yield
        }) : () -> ()
        %jit3A_1563 = arith.constant 32 : i32
        "tpu.trace_stop"() : () -> ()
        %eq3A_1564 = arith.constant 0 : i32
        %eq3A_1565 = arith.cmpi eq, %jit3A_1563, %eq3A_1564 : i32
        %jit3A_1566 = arith.constant 1 : i32
        %select_n3A_1567 = arith.select %eq3A_1565, %jit3A_1566, %jit3A_1563 : i32
        %rem3A_1568 = arith.remsi %add3A_335, %select_n3A_1567 : i32
        %ne3A_1569 = arith.constant 0 : i32
        %ne3A_1570 = arith.cmpi ne, %rem3A_1568, %ne3A_1569 : i32
        %lt3A_1571 = arith.constant 0 : i32
        %lt3A_1572 = arith.cmpi slt, %rem3A_1568, %lt3A_1571 : i32
        %lt3A_1573 = arith.constant 0 : i32
        %lt3A_1574 = arith.cmpi slt, %select_n3A_1567, %lt3A_1573 : i32
        %ne3A_1575 = arith.xori %lt3A_1572, %lt3A_1574 : i1
        %and3A_1576 = arith.andi %ne3A_1575, %ne3A_1570 : i1
        %add3A_1577 = arith.addi %rem3A_1568, %select_n3A_1567 : i32
        %select_n3A_1578 = arith.select %and3A_1576, %add3A_1577, %rem3A_1568 : i32
        %jit3A_1579 = arith.constant 32 : i32
        %div3A_1580 = arith.divsi %add3A_335, %jit3A_1579 : i32
        %sign3A_1581 = arith.constant 0 : i32
        %sign3A_1582 = arith.cmpi sgt, %add3A_335, %sign3A_1581 : i32
        %sign3A_1583 = arith.extui %sign3A_1582 : i1 to i32
        %sign3A_1584 = arith.constant 0 : i32
        %sign3A_1585 = arith.cmpi slt, %add3A_335, %sign3A_1584 : i32
        %sign3A_1586 = arith.extui %sign3A_1585 : i1 to i32
        %sign3A_1587 = arith.subi %sign3A_1583, %sign3A_1586 : i32
        %sign3A_1588 = arith.constant 0 : i32
        %sign3A_1589 = arith.cmpi sgt, %jit3A_1579, %sign3A_1588 : i32
        %sign3A_1590 = arith.extui %sign3A_1589 : i1 to i32
        %sign3A_1591 = arith.constant 0 : i32
        %sign3A_1592 = arith.cmpi slt, %jit3A_1579, %sign3A_1591 : i32
        %sign3A_1593 = arith.extui %sign3A_1592 : i1 to i32
        %sign3A_1594 = arith.subi %sign3A_1590, %sign3A_1593 : i32
        %ne3A_1595 = arith.cmpi ne, %sign3A_1587, %sign3A_1594 : i32
        %rem3A_1596 = arith.remsi %add3A_335, %jit3A_1579 : i32
        %ne3A_1597 = arith.constant 0 : i32
        %ne3A_1598 = arith.cmpi ne, %rem3A_1596, %ne3A_1597 : i32
        %and3A_1599 = arith.andi %ne3A_1595, %ne3A_1598 : i1
        %sub3A_1600 = arith.constant 1 : i32
        %sub3A_1601 = arith.subi %div3A_1580, %sub3A_1600 : i32
        %select_n3A_1602 = arith.select %and3A_1599, %sub3A_1601, %div3A_1580 : i32
        %add3A_1603 = arith.constant 0 : i32
        %add3A_1604 = arith.addi %select_n3A_1602, %add3A_1603 : i32
        %mul3A_1605 = arith.constant 64 : i32
        %mul3A_1606 = arith.muli %add3A_1604, %mul3A_1605 : i32
        %jit3A_1607 = arith.constant 32 : i32
        %div3A_1608 = arith.divsi %select_n3A_1578, %jit3A_1607 : i32
        %sign3A_1609 = arith.constant 0 : i32
        %sign3A_1610 = arith.cmpi sgt, %select_n3A_1578, %sign3A_1609 : i32
        %sign3A_1611 = arith.extui %sign3A_1610 : i1 to i32
        %sign3A_1612 = arith.constant 0 : i32
        %sign3A_1613 = arith.cmpi slt, %select_n3A_1578, %sign3A_1612 : i32
        %sign3A_1614 = arith.extui %sign3A_1613 : i1 to i32
        %sign3A_1615 = arith.subi %sign3A_1611, %sign3A_1614 : i32
        %sign3A_1616 = arith.constant 0 : i32
        %sign3A_1617 = arith.cmpi sgt, %jit3A_1607, %sign3A_1616 : i32
        %sign3A_1618 = arith.extui %sign3A_1617 : i1 to i32
        %sign3A_1619 = arith.constant 0 : i32
        %sign3A_1620 = arith.cmpi slt, %jit3A_1607, %sign3A_1619 : i32
        %sign3A_1621 = arith.extui %sign3A_1620 : i1 to i32
        %sign3A_1622 = arith.subi %sign3A_1618, %sign3A_1621 : i32
        %ne3A_1623 = arith.cmpi ne, %sign3A_1615, %sign3A_1622 : i32
        %rem3A_1624 = arith.remsi %select_n3A_1578, %jit3A_1607 : i32
        %ne3A_1625 = arith.constant 0 : i32
        %ne3A_1626 = arith.cmpi ne, %rem3A_1624, %ne3A_1625 : i32
        %and3A_1627 = arith.andi %ne3A_1623, %ne3A_1626 : i1
        %sub3A_1628 = arith.constant 1 : i32
        %sub3A_1629 = arith.subi %div3A_1608, %sub3A_1628 : i32
        %select_n3A_1630 = arith.select %and3A_1627, %sub3A_1629, %div3A_1608 : i32
        %mul3A_1631 = arith.constant 64 : i32
        %mul3A_1632 = arith.muli %select_n3A_1630, %mul3A_1631 : i32
        %add3A_1633 = arith.addi %mul3A_1606, %mul3A_1632 : i32
        %jit3A_1634 = arith.constant 32 : i32
        %eq3A_1635 = arith.constant 0 : i32
        %eq3A_1636 = arith.cmpi eq, %jit3A_1634, %eq3A_1635 : i32
        %jit3A_1637 = arith.constant 1 : i32
        %select_n3A_1638 = arith.select %eq3A_1636, %jit3A_1637, %jit3A_1634 : i32
        %rem3A_1639 = arith.remsi %select_n3A_1578, %select_n3A_1638 : i32
        %ne3A_1640 = arith.constant 0 : i32
        %ne3A_1641 = arith.cmpi ne, %rem3A_1639, %ne3A_1640 : i32
        %lt3A_1642 = arith.constant 0 : i32
        %lt3A_1643 = arith.cmpi slt, %rem3A_1639, %lt3A_1642 : i32
        %lt3A_1644 = arith.constant 0 : i32
        %lt3A_1645 = arith.cmpi slt, %select_n3A_1638, %lt3A_1644 : i32
        %ne3A_1646 = arith.xori %lt3A_1643, %lt3A_1645 : i1
        %and3A_1647 = arith.andi %ne3A_1646, %ne3A_1641 : i1
        %add3A_1648 = arith.addi %rem3A_1639, %select_n3A_1638 : i32
        %select_n3A_1649 = arith.select %and3A_1647, %add3A_1648, %rem3A_1639 : i32
        %add3A_1650 = arith.addi %add3A_1633, %select_n3A_1649 : i32
        %add3A_1651 = arith.constant 0 : i32
        %add3A_1652 = arith.addi %add3A_1650, %add3A_1651 : i32
        %jit3A_1653 = arith.constant 32 : i32
        %eq3A_1654 = arith.constant 0 : i32
        %eq3A_1655 = arith.cmpi eq, %jit3A_1653, %eq3A_1654 : i32
        %jit3A_1656 = arith.constant 1 : i32
        %select_n3A_1657 = arith.select %eq3A_1655, %jit3A_1656, %jit3A_1653 : i32
        %rem3A_1658 = arith.remsi %add3A_353, %select_n3A_1657 : i32
        %ne3A_1659 = arith.constant 0 : i32
        %ne3A_1660 = arith.cmpi ne, %rem3A_1658, %ne3A_1659 : i32
        %lt3A_1661 = arith.constant 0 : i32
        %lt3A_1662 = arith.cmpi slt, %rem3A_1658, %lt3A_1661 : i32
        %lt3A_1663 = arith.constant 0 : i32
        %lt3A_1664 = arith.cmpi slt, %select_n3A_1657, %lt3A_1663 : i32
        %ne3A_1665 = arith.xori %lt3A_1662, %lt3A_1664 : i1
        %and3A_1666 = arith.andi %ne3A_1665, %ne3A_1660 : i1
        %add3A_1667 = arith.addi %rem3A_1658, %select_n3A_1657 : i32
        %select_n3A_1668 = arith.select %and3A_1666, %add3A_1667, %rem3A_1658 : i32
        %jit3A_1669 = arith.constant 32 : i32
        %div3A_1670 = arith.divsi %add3A_353, %jit3A_1669 : i32
        %sign3A_1671 = arith.constant 0 : i32
        %sign3A_1672 = arith.cmpi sgt, %add3A_353, %sign3A_1671 : i32
        %sign3A_1673 = arith.extui %sign3A_1672 : i1 to i32
        %sign3A_1674 = arith.constant 0 : i32
        %sign3A_1675 = arith.cmpi slt, %add3A_353, %sign3A_1674 : i32
        %sign3A_1676 = arith.extui %sign3A_1675 : i1 to i32
        %sign3A_1677 = arith.subi %sign3A_1673, %sign3A_1676 : i32
        %sign3A_1678 = arith.constant 0 : i32
        %sign3A_1679 = arith.cmpi sgt, %jit3A_1669, %sign3A_1678 : i32
        %sign3A_1680 = arith.extui %sign3A_1679 : i1 to i32
        %sign3A_1681 = arith.constant 0 : i32
        %sign3A_1682 = arith.cmpi slt, %jit3A_1669, %sign3A_1681 : i32
        %sign3A_1683 = arith.extui %sign3A_1682 : i1 to i32
        %sign3A_1684 = arith.subi %sign3A_1680, %sign3A_1683 : i32
        %ne3A_1685 = arith.cmpi ne, %sign3A_1677, %sign3A_1684 : i32
        %rem3A_1686 = arith.remsi %add3A_353, %jit3A_1669 : i32
        %ne3A_1687 = arith.constant 0 : i32
        %ne3A_1688 = arith.cmpi ne, %rem3A_1686, %ne3A_1687 : i32
        %and3A_1689 = arith.andi %ne3A_1685, %ne3A_1688 : i1
        %sub3A_1690 = arith.constant 1 : i32
        %sub3A_1691 = arith.subi %div3A_1670, %sub3A_1690 : i32
        %select_n3A_1692 = arith.select %and3A_1689, %sub3A_1691, %div3A_1670 : i32
        %add3A_1693 = arith.constant 0 : i32
        %add3A_1694 = arith.addi %select_n3A_1692, %add3A_1693 : i32
        %mul3A_1695 = arith.constant 64 : i32
        %mul3A_1696 = arith.muli %add3A_1694, %mul3A_1695 : i32
        %jit3A_1697 = arith.constant 32 : i32
        %div3A_1698 = arith.divsi %select_n3A_1668, %jit3A_1697 : i32
        %sign3A_1699 = arith.constant 0 : i32
        %sign3A_1700 = arith.cmpi sgt, %select_n3A_1668, %sign3A_1699 : i32
        %sign3A_1701 = arith.extui %sign3A_1700 : i1 to i32
        %sign3A_1702 = arith.constant 0 : i32
        %sign3A_1703 = arith.cmpi slt, %select_n3A_1668, %sign3A_1702 : i32
        %sign3A_1704 = arith.extui %sign3A_1703 : i1 to i32
        %sign3A_1705 = arith.subi %sign3A_1701, %sign3A_1704 : i32
        %sign3A_1706 = arith.constant 0 : i32
        %sign3A_1707 = arith.cmpi sgt, %jit3A_1697, %sign3A_1706 : i32
        %sign3A_1708 = arith.extui %sign3A_1707 : i1 to i32
        %sign3A_1709 = arith.constant 0 : i32
        %sign3A_1710 = arith.cmpi slt, %jit3A_1697, %sign3A_1709 : i32
        %sign3A_1711 = arith.extui %sign3A_1710 : i1 to i32
        %sign3A_1712 = arith.subi %sign3A_1708, %sign3A_1711 : i32
        %ne3A_1713 = arith.cmpi ne, %sign3A_1705, %sign3A_1712 : i32
        %rem3A_1714 = arith.remsi %select_n3A_1668, %jit3A_1697 : i32
        %ne3A_1715 = arith.constant 0 : i32
        %ne3A_1716 = arith.cmpi ne, %rem3A_1714, %ne3A_1715 : i32
        %and3A_1717 = arith.andi %ne3A_1713, %ne3A_1716 : i1
        %sub3A_1718 = arith.constant 1 : i32
        %sub3A_1719 = arith.subi %div3A_1698, %sub3A_1718 : i32
        %select_n3A_1720 = arith.select %and3A_1717, %sub3A_1719, %div3A_1698 : i32
        %mul3A_1721 = arith.constant 64 : i32
        %mul3A_1722 = arith.muli %select_n3A_1720, %mul3A_1721 : i32
        %add3A_1723 = arith.addi %mul3A_1696, %mul3A_1722 : i32
        %jit3A_1724 = arith.constant 32 : i32
        %eq3A_1725 = arith.constant 0 : i32
        %eq3A_1726 = arith.cmpi eq, %jit3A_1724, %eq3A_1725 : i32
        %jit3A_1727 = arith.constant 1 : i32
        %select_n3A_1728 = arith.select %eq3A_1726, %jit3A_1727, %jit3A_1724 : i32
        %rem3A_1729 = arith.remsi %select_n3A_1668, %select_n3A_1728 : i32
        %ne3A_1730 = arith.constant 0 : i32
        %ne3A_1731 = arith.cmpi ne, %rem3A_1729, %ne3A_1730 : i32
        %lt3A_1732 = arith.constant 0 : i32
        %lt3A_1733 = arith.cmpi slt, %rem3A_1729, %lt3A_1732 : i32
        %lt3A_1734 = arith.constant 0 : i32
        %lt3A_1735 = arith.cmpi slt, %select_n3A_1728, %lt3A_1734 : i32
        %ne3A_1736 = arith.xori %lt3A_1733, %lt3A_1735 : i1
        %and3A_1737 = arith.andi %ne3A_1736, %ne3A_1731 : i1
        %add3A_1738 = arith.addi %rem3A_1729, %select_n3A_1728 : i32
        %select_n3A_1739 = arith.select %and3A_1737, %add3A_1738, %rem3A_1729 : i32
        %add3A_1740 = arith.addi %add3A_1723, %select_n3A_1739 : i32
        %add3A_1741 = arith.constant 0 : i32
        %add3A_1742 = arith.addi %add3A_1740, %add3A_1741 : i32
        %ne3A_1743 = arith.cmpi ne, %add3A_1652, %add3A_1742 : i32
        %or3A_1744 = arith.constant false
        %or3A_1745 = arith.ori %or3A_1744, %ne3A_1743 : i1
        %or3A_1746 = arith.ori %or3A_1745, %eq3A_334 : i1
        %convert_element_type3A_1747 = arith.extui %or3A_1746 : i1 to i32
        %cond3A_1748 = arith.constant 0 : i32
        %cond3A_1749 = arith.cmpi ne, %convert_element_type3A_1747, %cond3A_1748 : i32
        scf.if %cond3A_1749 {
        } else {
        }
        %and3A_1750 = arith.constant false
        %and3A_1751 = arith.andi %or3A_1746, %and3A_1750 : i1
        %jit3A_1752 = arith.constant 32 : i32
        %eq3A_1753 = arith.constant 0 : i32
        %eq3A_1754 = arith.cmpi eq, %jit3A_1752, %eq3A_1753 : i32
        %jit3A_1755 = arith.constant 1 : i32
        %select_n3A_1756 = arith.select %eq3A_1754, %jit3A_1755, %jit3A_1752 : i32
        %rem3A_1757 = arith.remsi %add3A_335, %select_n3A_1756 : i32
        %ne3A_1758 = arith.constant 0 : i32
        %ne3A_1759 = arith.cmpi ne, %rem3A_1757, %ne3A_1758 : i32
        %lt3A_1760 = arith.constant 0 : i32
        %lt3A_1761 = arith.cmpi slt, %rem3A_1757, %lt3A_1760 : i32
        %lt3A_1762 = arith.constant 0 : i32
        %lt3A_1763 = arith.cmpi slt, %select_n3A_1756, %lt3A_1762 : i32
        %ne3A_1764 = arith.xori %lt3A_1761, %lt3A_1763 : i1
        %and3A_1765 = arith.andi %ne3A_1764, %ne3A_1759 : i1
        %add3A_1766 = arith.addi %rem3A_1757, %select_n3A_1756 : i32
        %select_n3A_1767 = arith.select %and3A_1765, %add3A_1766, %rem3A_1757 : i32
        %jit3A_1768 = arith.constant 32 : i32
        %div3A_1769 = arith.divsi %add3A_335, %jit3A_1768 : i32
        %sign3A_1770 = arith.constant 0 : i32
        %sign3A_1771 = arith.cmpi sgt, %add3A_335, %sign3A_1770 : i32
        %sign3A_1772 = arith.extui %sign3A_1771 : i1 to i32
        %sign3A_1773 = arith.constant 0 : i32
        %sign3A_1774 = arith.cmpi slt, %add3A_335, %sign3A_1773 : i32
        %sign3A_1775 = arith.extui %sign3A_1774 : i1 to i32
        %sign3A_1776 = arith.subi %sign3A_1772, %sign3A_1775 : i32
        %sign3A_1777 = arith.constant 0 : i32
        %sign3A_1778 = arith.cmpi sgt, %jit3A_1768, %sign3A_1777 : i32
        %sign3A_1779 = arith.extui %sign3A_1778 : i1 to i32
        %sign3A_1780 = arith.constant 0 : i32
        %sign3A_1781 = arith.cmpi slt, %jit3A_1768, %sign3A_1780 : i32
        %sign3A_1782 = arith.extui %sign3A_1781 : i1 to i32
        %sign3A_1783 = arith.subi %sign3A_1779, %sign3A_1782 : i32
        %ne3A_1784 = arith.cmpi ne, %sign3A_1776, %sign3A_1783 : i32
        %rem3A_1785 = arith.remsi %add3A_335, %jit3A_1768 : i32
        %ne3A_1786 = arith.constant 0 : i32
        %ne3A_1787 = arith.cmpi ne, %rem3A_1785, %ne3A_1786 : i32
        %and3A_1788 = arith.andi %ne3A_1784, %ne3A_1787 : i1
        %sub3A_1789 = arith.constant 1 : i32
        %sub3A_1790 = arith.subi %div3A_1769, %sub3A_1789 : i32
        %select_n3A_1791 = arith.select %and3A_1788, %sub3A_1790, %div3A_1769 : i32
        %add3A_1792 = arith.constant 0 : i32
        %add3A_1793 = arith.addi %select_n3A_1791, %add3A_1792 : i32
        %mul3A_1794 = arith.constant 64 : i32
        %mul3A_1795 = arith.muli %add3A_1793, %mul3A_1794 : i32
        %jit3A_1796 = arith.constant 32 : i32
        %div3A_1797 = arith.divsi %select_n3A_1767, %jit3A_1796 : i32
        %sign3A_1798 = arith.constant 0 : i32
        %sign3A_1799 = arith.cmpi sgt, %select_n3A_1767, %sign3A_1798 : i32
        %sign3A_1800 = arith.extui %sign3A_1799 : i1 to i32
        %sign3A_1801 = arith.constant 0 : i32
        %sign3A_1802 = arith.cmpi slt, %select_n3A_1767, %sign3A_1801 : i32
        %sign3A_1803 = arith.extui %sign3A_1802 : i1 to i32
        %sign3A_1804 = arith.subi %sign3A_1800, %sign3A_1803 : i32
        %sign3A_1805 = arith.constant 0 : i32
        %sign3A_1806 = arith.cmpi sgt, %jit3A_1796, %sign3A_1805 : i32
        %sign3A_1807 = arith.extui %sign3A_1806 : i1 to i32
        %sign3A_1808 = arith.constant 0 : i32
        %sign3A_1809 = arith.cmpi slt, %jit3A_1796, %sign3A_1808 : i32
        %sign3A_1810 = arith.extui %sign3A_1809 : i1 to i32
        %sign3A_1811 = arith.subi %sign3A_1807, %sign3A_1810 : i32
        %ne3A_1812 = arith.cmpi ne, %sign3A_1804, %sign3A_1811 : i32
        %rem3A_1813 = arith.remsi %select_n3A_1767, %jit3A_1796 : i32
        %ne3A_1814 = arith.constant 0 : i32
        %ne3A_1815 = arith.cmpi ne, %rem3A_1813, %ne3A_1814 : i32
        %and3A_1816 = arith.andi %ne3A_1812, %ne3A_1815 : i1
        %sub3A_1817 = arith.constant 1 : i32
        %sub3A_1818 = arith.subi %div3A_1797, %sub3A_1817 : i32
        %select_n3A_1819 = arith.select %and3A_1816, %sub3A_1818, %div3A_1797 : i32
        %mul3A_1820 = arith.constant 64 : i32
        %mul3A_1821 = arith.muli %select_n3A_1819, %mul3A_1820 : i32
        %add3A_1822 = arith.addi %mul3A_1795, %mul3A_1821 : i32
        %jit3A_1823 = arith.constant 32 : i32
        %eq3A_1824 = arith.constant 0 : i32
        %eq3A_1825 = arith.cmpi eq, %jit3A_1823, %eq3A_1824 : i32
        %jit3A_1826 = arith.constant 1 : i32
        %select_n3A_1827 = arith.select %eq3A_1825, %jit3A_1826, %jit3A_1823 : i32
        %rem3A_1828 = arith.remsi %select_n3A_1767, %select_n3A_1827 : i32
        %ne3A_1829 = arith.constant 0 : i32
        %ne3A_1830 = arith.cmpi ne, %rem3A_1828, %ne3A_1829 : i32
        %lt3A_1831 = arith.constant 0 : i32
        %lt3A_1832 = arith.cmpi slt, %rem3A_1828, %lt3A_1831 : i32
        %lt3A_1833 = arith.constant 0 : i32
        %lt3A_1834 = arith.cmpi slt, %select_n3A_1827, %lt3A_1833 : i32
        %ne3A_1835 = arith.xori %lt3A_1832, %lt3A_1834 : i1
        %and3A_1836 = arith.andi %ne3A_1835, %ne3A_1830 : i1
        %add3A_1837 = arith.addi %rem3A_1828, %select_n3A_1827 : i32
        %select_n3A_1838 = arith.select %and3A_1836, %add3A_1837, %rem3A_1828 : i32
        %add3A_1839 = arith.addi %add3A_1822, %select_n3A_1838 : i32
        %add3A_1840 = arith.constant 32 : i32
        %add3A_1841 = arith.addi %add3A_1839, %add3A_1840 : i32
        %jit3A_1842 = arith.constant 32 : i32
        %eq3A_1843 = arith.constant 0 : i32
        %eq3A_1844 = arith.cmpi eq, %jit3A_1842, %eq3A_1843 : i32
        %jit3A_1845 = arith.constant 1 : i32
        %select_n3A_1846 = arith.select %eq3A_1844, %jit3A_1845, %jit3A_1842 : i32
        %rem3A_1847 = arith.remsi %add3A_353, %select_n3A_1846 : i32
        %ne3A_1848 = arith.constant 0 : i32
        %ne3A_1849 = arith.cmpi ne, %rem3A_1847, %ne3A_1848 : i32
        %lt3A_1850 = arith.constant 0 : i32
        %lt3A_1851 = arith.cmpi slt, %rem3A_1847, %lt3A_1850 : i32
        %lt3A_1852 = arith.constant 0 : i32
        %lt3A_1853 = arith.cmpi slt, %select_n3A_1846, %lt3A_1852 : i32
        %ne3A_1854 = arith.xori %lt3A_1851, %lt3A_1853 : i1
        %and3A_1855 = arith.andi %ne3A_1854, %ne3A_1849 : i1
        %add3A_1856 = arith.addi %rem3A_1847, %select_n3A_1846 : i32
        %select_n3A_1857 = arith.select %and3A_1855, %add3A_1856, %rem3A_1847 : i32
        %jit3A_1858 = arith.constant 32 : i32
        %div3A_1859 = arith.divsi %add3A_353, %jit3A_1858 : i32
        %sign3A_1860 = arith.constant 0 : i32
        %sign3A_1861 = arith.cmpi sgt, %add3A_353, %sign3A_1860 : i32
        %sign3A_1862 = arith.extui %sign3A_1861 : i1 to i32
        %sign3A_1863 = arith.constant 0 : i32
        %sign3A_1864 = arith.cmpi slt, %add3A_353, %sign3A_1863 : i32
        %sign3A_1865 = arith.extui %sign3A_1864 : i1 to i32
        %sign3A_1866 = arith.subi %sign3A_1862, %sign3A_1865 : i32
        %sign3A_1867 = arith.constant 0 : i32
        %sign3A_1868 = arith.cmpi sgt, %jit3A_1858, %sign3A_1867 : i32
        %sign3A_1869 = arith.extui %sign3A_1868 : i1 to i32
        %sign3A_1870 = arith.constant 0 : i32
        %sign3A_1871 = arith.cmpi slt, %jit3A_1858, %sign3A_1870 : i32
        %sign3A_1872 = arith.extui %sign3A_1871 : i1 to i32
        %sign3A_1873 = arith.subi %sign3A_1869, %sign3A_1872 : i32
        %ne3A_1874 = arith.cmpi ne, %sign3A_1866, %sign3A_1873 : i32
        %rem3A_1875 = arith.remsi %add3A_353, %jit3A_1858 : i32
        %ne3A_1876 = arith.constant 0 : i32
        %ne3A_1877 = arith.cmpi ne, %rem3A_1875, %ne3A_1876 : i32
        %and3A_1878 = arith.andi %ne3A_1874, %ne3A_1877 : i1
        %sub3A_1879 = arith.constant 1 : i32
        %sub3A_1880 = arith.subi %div3A_1859, %sub3A_1879 : i32
        %select_n3A_1881 = arith.select %and3A_1878, %sub3A_1880, %div3A_1859 : i32
        %add3A_1882 = arith.constant 0 : i32
        %add3A_1883 = arith.addi %select_n3A_1881, %add3A_1882 : i32
        %mul3A_1884 = arith.constant 64 : i32
        %mul3A_1885 = arith.muli %add3A_1883, %mul3A_1884 : i32
        %jit3A_1886 = arith.constant 32 : i32
        %div3A_1887 = arith.divsi %select_n3A_1857, %jit3A_1886 : i32
        %sign3A_1888 = arith.constant 0 : i32
        %sign3A_1889 = arith.cmpi sgt, %select_n3A_1857, %sign3A_1888 : i32
        %sign3A_1890 = arith.extui %sign3A_1889 : i1 to i32
        %sign3A_1891 = arith.constant 0 : i32
        %sign3A_1892 = arith.cmpi slt, %select_n3A_1857, %sign3A_1891 : i32
        %sign3A_1893 = arith.extui %sign3A_1892 : i1 to i32
        %sign3A_1894 = arith.subi %sign3A_1890, %sign3A_1893 : i32
        %sign3A_1895 = arith.constant 0 : i32
        %sign3A_1896 = arith.cmpi sgt, %jit3A_1886, %sign3A_1895 : i32
        %sign3A_1897 = arith.extui %sign3A_1896 : i1 to i32
        %sign3A_1898 = arith.constant 0 : i32
        %sign3A_1899 = arith.cmpi slt, %jit3A_1886, %sign3A_1898 : i32
        %sign3A_1900 = arith.extui %sign3A_1899 : i1 to i32
        %sign3A_1901 = arith.subi %sign3A_1897, %sign3A_1900 : i32
        %ne3A_1902 = arith.cmpi ne, %sign3A_1894, %sign3A_1901 : i32
        %rem3A_1903 = arith.remsi %select_n3A_1857, %jit3A_1886 : i32
        %ne3A_1904 = arith.constant 0 : i32
        %ne3A_1905 = arith.cmpi ne, %rem3A_1903, %ne3A_1904 : i32
        %and3A_1906 = arith.andi %ne3A_1902, %ne3A_1905 : i1
        %sub3A_1907 = arith.constant 1 : i32
        %sub3A_1908 = arith.subi %div3A_1887, %sub3A_1907 : i32
        %select_n3A_1909 = arith.select %and3A_1906, %sub3A_1908, %div3A_1887 : i32
        %mul3A_1910 = arith.constant 64 : i32
        %mul3A_1911 = arith.muli %select_n3A_1909, %mul3A_1910 : i32
        %add3A_1912 = arith.addi %mul3A_1885, %mul3A_1911 : i32
        %jit3A_1913 = arith.constant 32 : i32
        %eq3A_1914 = arith.constant 0 : i32
        %eq3A_1915 = arith.cmpi eq, %jit3A_1913, %eq3A_1914 : i32
        %jit3A_1916 = arith.constant 1 : i32
        %select_n3A_1917 = arith.select %eq3A_1915, %jit3A_1916, %jit3A_1913 : i32
        %rem3A_1918 = arith.remsi %select_n3A_1857, %select_n3A_1917 : i32
        %ne3A_1919 = arith.constant 0 : i32
        %ne3A_1920 = arith.cmpi ne, %rem3A_1918, %ne3A_1919 : i32
        %lt3A_1921 = arith.constant 0 : i32
        %lt3A_1922 = arith.cmpi slt, %rem3A_1918, %lt3A_1921 : i32
        %lt3A_1923 = arith.constant 0 : i32
        %lt3A_1924 = arith.cmpi slt, %select_n3A_1917, %lt3A_1923 : i32
        %ne3A_1925 = arith.xori %lt3A_1922, %lt3A_1924 : i1
        %and3A_1926 = arith.andi %ne3A_1925, %ne3A_1920 : i1
        %add3A_1927 = arith.addi %rem3A_1918, %select_n3A_1917 : i32
        %select_n3A_1928 = arith.select %and3A_1926, %add3A_1927, %rem3A_1918 : i32
        %add3A_1929 = arith.addi %add3A_1912, %select_n3A_1928 : i32
        %add3A_1930 = arith.constant 32 : i32
        %add3A_1931 = arith.addi %add3A_1929, %add3A_1930 : i32
        %ne3A_1932 = arith.cmpi ne, %add3A_1841, %add3A_1931 : i32
        %or3A_1933 = arith.constant false
        %or3A_1934 = arith.ori %or3A_1933, %ne3A_1932 : i1
        %or3A_1935 = arith.ori %or3A_1934, %eq3A_334 : i1
        %convert_element_type3A_1936 = arith.extui %or3A_1935 : i1 to i32
        %cond3A_1937 = arith.constant 0 : i32
        %cond3A_1938 = arith.cmpi ne, %convert_element_type3A_1936, %cond3A_1937 : i32
        scf.if %cond3A_1938 {
        } else {
        }
        %and3A_1939 = arith.constant false
        %and3A_1940 = arith.andi %or3A_1935, %and3A_1939 : i1
        %ne3A_1941 = arith.cmpi ne, %add3A_335, %add3A_353 : i32
        %or3A_1942 = arith.constant false
        %or3A_1943 = arith.ori %or3A_1942, %ne3A_1941 : i1
        %or3A_1944 = arith.constant false
        %or3A_1945 = arith.ori %or3A_1943, %or3A_1944 : i1
        %or3A_1946 = arith.ori %or3A_1945, %eq3A_334 : i1
        %convert_element_type3A_1947 = arith.extui %or3A_1946 : i1 to i32
        %cond3A_1948 = arith.constant 0 : i32
        %cond3A_1949 = arith.cmpi ne, %convert_element_type3A_1947, %cond3A_1948 : i32
        scf.if %cond3A_1949 {
          "tpu.trace_start"() <{level = 10 : i32, message = "ep_copy_out"}> : () -> ()
          %rem3A_2735 = arith.constant 2 : i32
          %rem3A_2736 = arith.remui %scan3A_328, %rem3A_2735 : i32
          %mul3A_2737 = arith.constant 512 : i32
          %mul3A_2738 = arith.muli %mul3A_2737, %add3A_335 : i32
          %dma_start3A_2739 = arith.constant 0 : i32
          %dma_start3A_2740 = arith.constant 0 : i32
          %dma_start3A_2741 = tpu.memref_slice %run_scoped3A_10[%rem3A_2736, %dma_start3A_2739, %dma_start3A_2740] : memref<2x512x64xf32, #tpu.memory_space<vmem>> -> memref<1x512x64xf32, #tpu.memory_space<vmem>>
          %dma_start3A_2742 = tpu.memref_squeeze %dma_start3A_2741 : memref<1x512x64xf32, #tpu.memory_space<vmem>> -> memref<512x64xf32, #tpu.memory_space<vmem>>
          %dma_start3A_2743 = arith.constant 0 : i32
          %dma_start3A_2744 = tpu.memref_slice %arg4[%mul3A_2738, %dma_start3A_2743] : memref<491520x64xf32, #tpu.memory_space<hbm>> -> memref<512x64xf32, #tpu.memory_space<hbm>>
          %dma_start3A_2745 = tpu.memref_slice %run_scoped3A_11[%rem3A_2736] : memref<2x!tpu.dma_semaphore, #tpu.memory_space<semaphore_mem>> -> memref<1x!tpu.dma_semaphore, #tpu.memory_space<semaphore_mem>>
          %dma_start3A_2746 = tpu.memref_squeeze %dma_start3A_2745 : memref<1x!tpu.dma_semaphore, #tpu.memory_space<semaphore_mem>> -> memref<!tpu.dma_semaphore, #tpu.memory_space<semaphore_mem>>
          %dma_start3A_2747 = arith.constant 0 : i32
          %dma_start3A_2748 = tpu.memref_slice %arg4[%mul3A_2738, %dma_start3A_2747] : memref<491520x64xf32, #tpu.memory_space<hbm>> -> memref<512x64xf32, #tpu.memory_space<hbm>>
          %dma_start3A_2749 = arith.constant 0 : i32
          %dma_start3A_2750 = arith.constant 0 : i32
          %dma_start3A_2751 = tpu.memref_slice %run_scoped3A_10[%rem3A_2736, %dma_start3A_2749, %dma_start3A_2750] : memref<2x512x64xf32, #tpu.memory_space<vmem>> -> memref<1x512x64xf32, #tpu.memory_space<vmem>>
          %dma_start3A_2752 = tpu.memref_squeeze %dma_start3A_2751 : memref<1x512x64xf32, #tpu.memory_space<vmem>> -> memref<512x64xf32, #tpu.memory_space<vmem>>
          tpu.enqueue_dma source(%dma_start3A_2752 : memref<512x64xf32, #tpu.memory_space<vmem>>) target(%dma_start3A_2748 : memref<512x64xf32, #tpu.memory_space<hbm>>) target_semaphore(%dma_start3A_2746 : memref<!tpu.dma_semaphore, #tpu.memory_space<semaphore_mem>>)
          "tpu.trace_stop"() : () -> ()
        } else {
        }
        %and3A_1950 = arith.constant true
        %and3A_1951 = arith.andi %or3A_1946, %and3A_1950 : i1
        %add3A_1952 = arith.constant 1 : i32
        %add3A_1953 = arith.addi %scan3A_328, %add3A_1952 : i32
        %select_n3A_1954 = arith.select %and3A_1951, %add3A_1953, %scan3A_328 : i32
        %jit3A_1955 = arith.constant 32 : i32
        %eq3A_1956 = arith.constant 0 : i32
        %eq3A_1957 = arith.cmpi eq, %jit3A_1955, %eq3A_1956 : i32
        %jit3A_1958 = arith.constant 1 : i32
        %select_n3A_1959 = arith.select %eq3A_1957, %jit3A_1958, %jit3A_1955 : i32
        %rem3A_1960 = arith.remsi %add3A_335, %select_n3A_1959 : i32
        %ne3A_1961 = arith.constant 0 : i32
        %ne3A_1962 = arith.cmpi ne, %rem3A_1960, %ne3A_1961 : i32
        %lt3A_1963 = arith.constant 0 : i32
        %lt3A_1964 = arith.cmpi slt, %rem3A_1960, %lt3A_1963 : i32
        %lt3A_1965 = arith.constant 0 : i32
        %lt3A_1966 = arith.cmpi slt, %select_n3A_1959, %lt3A_1965 : i32
        %ne3A_1967 = arith.xori %lt3A_1964, %lt3A_1966 : i1
        %and3A_1968 = arith.andi %ne3A_1967, %ne3A_1962 : i1
        %add3A_1969 = arith.addi %rem3A_1960, %select_n3A_1959 : i32
        %select_n3A_1970 = arith.select %and3A_1968, %add3A_1969, %rem3A_1960 : i32
        %jit3A_1971 = arith.constant 32 : i32
        %div3A_1972 = arith.divsi %add3A_335, %jit3A_1971 : i32
        %sign3A_1973 = arith.constant 0 : i32
        %sign3A_1974 = arith.cmpi sgt, %add3A_335, %sign3A_1973 : i32
        %sign3A_1975 = arith.extui %sign3A_1974 : i1 to i32
        %sign3A_1976 = arith.constant 0 : i32
        %sign3A_1977 = arith.cmpi slt, %add3A_335, %sign3A_1976 : i32
        %sign3A_1978 = arith.extui %sign3A_1977 : i1 to i32
        %sign3A_1979 = arith.subi %sign3A_1975, %sign3A_1978 : i32
        %sign3A_1980 = arith.constant 0 : i32
        %sign3A_1981 = arith.cmpi sgt, %jit3A_1971, %sign3A_1980 : i32
        %sign3A_1982 = arith.extui %sign3A_1981 : i1 to i32
        %sign3A_1983 = arith.constant 0 : i32
        %sign3A_1984 = arith.cmpi slt, %jit3A_1971, %sign3A_1983 : i32
        %sign3A_1985 = arith.extui %sign3A_1984 : i1 to i32
        %sign3A_1986 = arith.subi %sign3A_1982, %sign3A_1985 : i32
        %ne3A_1987 = arith.cmpi ne, %sign3A_1979, %sign3A_1986 : i32
        %rem3A_1988 = arith.remsi %add3A_335, %jit3A_1971 : i32
        %ne3A_1989 = arith.constant 0 : i32
        %ne3A_1990 = arith.cmpi ne, %rem3A_1988, %ne3A_1989 : i32
        %and3A_1991 = arith.andi %ne3A_1987, %ne3A_1990 : i1
        %sub3A_1992 = arith.constant 1 : i32
        %sub3A_1993 = arith.subi %div3A_1972, %sub3A_1992 : i32
        %select_n3A_1994 = arith.select %and3A_1991, %sub3A_1993, %div3A_1972 : i32
        %add3A_1995 = arith.constant 0 : i32
        %add3A_1996 = arith.addi %select_n3A_1994, %add3A_1995 : i32
        %mul3A_1997 = arith.constant 64 : i32
        %mul3A_1998 = arith.muli %add3A_1996, %mul3A_1997 : i32
        %jit3A_1999 = arith.constant 32 : i32
        %div3A_2000 = arith.divsi %select_n3A_1970, %jit3A_1999 : i32
        %sign3A_2001 = arith.constant 0 : i32
        %sign3A_2002 = arith.cmpi sgt, %select_n3A_1970, %sign3A_2001 : i32
        %sign3A_2003 = arith.extui %sign3A_2002 : i1 to i32
        %sign3A_2004 = arith.constant 0 : i32
        %sign3A_2005 = arith.cmpi slt, %select_n3A_1970, %sign3A_2004 : i32
        %sign3A_2006 = arith.extui %sign3A_2005 : i1 to i32
        %sign3A_2007 = arith.subi %sign3A_2003, %sign3A_2006 : i32
        %sign3A_2008 = arith.constant 0 : i32
        %sign3A_2009 = arith.cmpi sgt, %jit3A_1999, %sign3A_2008 : i32
        %sign3A_2010 = arith.extui %sign3A_2009 : i1 to i32
        %sign3A_2011 = arith.constant 0 : i32
        %sign3A_2012 = arith.cmpi slt, %jit3A_1999, %sign3A_2011 : i32
        %sign3A_2013 = arith.extui %sign3A_2012 : i1 to i32
        %sign3A_2014 = arith.subi %sign3A_2010, %sign3A_2013 : i32
        %ne3A_2015 = arith.cmpi ne, %sign3A_2007, %sign3A_2014 : i32
        %rem3A_2016 = arith.remsi %select_n3A_1970, %jit3A_1999 : i32
        %ne3A_2017 = arith.constant 0 : i32
        %ne3A_2018 = arith.cmpi ne, %rem3A_2016, %ne3A_2017 : i32
        %and3A_2019 = arith.andi %ne3A_2015, %ne3A_2018 : i1
        %sub3A_2020 = arith.constant 1 : i32
        %sub3A_2021 = arith.subi %div3A_2000, %sub3A_2020 : i32
        %select_n3A_2022 = arith.select %and3A_2019, %sub3A_2021, %div3A_2000 : i32
        %mul3A_2023 = arith.constant 64 : i32
        %mul3A_2024 = arith.muli %select_n3A_2022, %mul3A_2023 : i32
        %add3A_2025 = arith.addi %mul3A_1998, %mul3A_2024 : i32
        %jit3A_2026 = arith.constant 32 : i32
        %eq3A_2027 = arith.constant 0 : i32
        %eq3A_2028 = arith.cmpi eq, %jit3A_2026, %eq3A_2027 : i32
        %jit3A_2029 = arith.constant 1 : i32
        %select_n3A_2030 = arith.select %eq3A_2028, %jit3A_2029, %jit3A_2026 : i32
        %rem3A_2031 = arith.remsi %select_n3A_1970, %select_n3A_2030 : i32
        %ne3A_2032 = arith.constant 0 : i32
        %ne3A_2033 = arith.cmpi ne, %rem3A_2031, %ne3A_2032 : i32
        %lt3A_2034 = arith.constant 0 : i32
        %lt3A_2035 = arith.cmpi slt, %rem3A_2031, %lt3A_2034 : i32
        %lt3A_2036 = arith.constant 0 : i32
        %lt3A_2037 = arith.cmpi slt, %select_n3A_2030, %lt3A_2036 : i32
        %ne3A_2038 = arith.xori %lt3A_2035, %lt3A_2037 : i1
        %and3A_2039 = arith.andi %ne3A_2038, %ne3A_2033 : i1
        %add3A_2040 = arith.addi %rem3A_2031, %select_n3A_2030 : i32
        %select_n3A_2041 = arith.select %and3A_2039, %add3A_2040, %rem3A_2031 : i32
        %add3A_2042 = arith.addi %add3A_2025, %select_n3A_2041 : i32
        %add3A_2043 = arith.constant 0 : i32
        %add3A_2044 = arith.addi %add3A_2042, %add3A_2043 : i32
        %jit3A_2045 = arith.constant 32 : i32
        %eq3A_2046 = arith.constant 0 : i32
        %eq3A_2047 = arith.cmpi eq, %jit3A_2045, %eq3A_2046 : i32
        %jit3A_2048 = arith.constant 1 : i32
        %select_n3A_2049 = arith.select %eq3A_2047, %jit3A_2048, %jit3A_2045 : i32
        %rem3A_2050 = arith.remsi %add3A_344, %select_n3A_2049 : i32
        %ne3A_2051 = arith.constant 0 : i32
        %ne3A_2052 = arith.cmpi ne, %rem3A_2050, %ne3A_2051 : i32
        %lt3A_2053 = arith.constant 0 : i32
        %lt3A_2054 = arith.cmpi slt, %rem3A_2050, %lt3A_2053 : i32
        %lt3A_2055 = arith.constant 0 : i32
        %lt3A_2056 = arith.cmpi slt, %select_n3A_2049, %lt3A_2055 : i32
        %ne3A_2057 = arith.xori %lt3A_2054, %lt3A_2056 : i1
        %and3A_2058 = arith.andi %ne3A_2057, %ne3A_2052 : i1
        %add3A_2059 = arith.addi %rem3A_2050, %select_n3A_2049 : i32
        %select_n3A_2060 = arith.select %and3A_2058, %add3A_2059, %rem3A_2050 : i32
        %jit3A_2061 = arith.constant 32 : i32
        %div3A_2062 = arith.divsi %add3A_344, %jit3A_2061 : i32
        %sign3A_2063 = arith.constant 0 : i32
        %sign3A_2064 = arith.cmpi sgt, %add3A_344, %sign3A_2063 : i32
        %sign3A_2065 = arith.extui %sign3A_2064 : i1 to i32
        %sign3A_2066 = arith.constant 0 : i32
        %sign3A_2067 = arith.cmpi slt, %add3A_344, %sign3A_2066 : i32
        %sign3A_2068 = arith.extui %sign3A_2067 : i1 to i32
        %sign3A_2069 = arith.subi %sign3A_2065, %sign3A_2068 : i32
        %sign3A_2070 = arith.constant 0 : i32
        %sign3A_2071 = arith.cmpi sgt, %jit3A_2061, %sign3A_2070 : i32
        %sign3A_2072 = arith.extui %sign3A_2071 : i1 to i32
        %sign3A_2073 = arith.constant 0 : i32
        %sign3A_2074 = arith.cmpi slt, %jit3A_2061, %sign3A_2073 : i32
        %sign3A_2075 = arith.extui %sign3A_2074 : i1 to i32
        %sign3A_2076 = arith.subi %sign3A_2072, %sign3A_2075 : i32
        %ne3A_2077 = arith.cmpi ne, %sign3A_2069, %sign3A_2076 : i32
        %rem3A_2078 = arith.remsi %add3A_344, %jit3A_2061 : i32
        %ne3A_2079 = arith.constant 0 : i32
        %ne3A_2080 = arith.cmpi ne, %rem3A_2078, %ne3A_2079 : i32
        %and3A_2081 = arith.andi %ne3A_2077, %ne3A_2080 : i1
        %sub3A_2082 = arith.constant 1 : i32
        %sub3A_2083 = arith.subi %div3A_2062, %sub3A_2082 : i32
        %select_n3A_2084 = arith.select %and3A_2081, %sub3A_2083, %div3A_2062 : i32
        %add3A_2085 = arith.constant 0 : i32
        %add3A_2086 = arith.addi %select_n3A_2084, %add3A_2085 : i32
        %mul3A_2087 = arith.constant 64 : i32
        %mul3A_2088 = arith.muli %add3A_2086, %mul3A_2087 : i32
        %jit3A_2089 = arith.constant 32 : i32
        %div3A_2090 = arith.divsi %select_n3A_2060, %jit3A_2089 : i32
        %sign3A_2091 = arith.constant 0 : i32
        %sign3A_2092 = arith.cmpi sgt, %select_n3A_2060, %sign3A_2091 : i32
        %sign3A_2093 = arith.extui %sign3A_2092 : i1 to i32
        %sign3A_2094 = arith.constant 0 : i32
        %sign3A_2095 = arith.cmpi slt, %select_n3A_2060, %sign3A_2094 : i32
        %sign3A_2096 = arith.extui %sign3A_2095 : i1 to i32
        %sign3A_2097 = arith.subi %sign3A_2093, %sign3A_2096 : i32
        %sign3A_2098 = arith.constant 0 : i32
        %sign3A_2099 = arith.cmpi sgt, %jit3A_2089, %sign3A_2098 : i32
        %sign3A_2100 = arith.extui %sign3A_2099 : i1 to i32
        %sign3A_2101 = arith.constant 0 : i32
        %sign3A_2102 = arith.cmpi slt, %jit3A_2089, %sign3A_2101 : i32
        %sign3A_2103 = arith.extui %sign3A_2102 : i1 to i32
        %sign3A_2104 = arith.subi %sign3A_2100, %sign3A_2103 : i32
        %ne3A_2105 = arith.cmpi ne, %sign3A_2097, %sign3A_2104 : i32
        %rem3A_2106 = arith.remsi %select_n3A_2060, %jit3A_2089 : i32
        %ne3A_2107 = arith.constant 0 : i32
        %ne3A_2108 = arith.cmpi ne, %rem3A_2106, %ne3A_2107 : i32
        %and3A_2109 = arith.andi %ne3A_2105, %ne3A_2108 : i1
        %sub3A_2110 = arith.constant 1 : i32
        %sub3A_2111 = arith.subi %div3A_2090, %sub3A_2110 : i32
        %select_n3A_2112 = arith.select %and3A_2109, %sub3A_2111, %div3A_2090 : i32
        %mul3A_2113 = arith.constant 64 : i32
        %mul3A_2114 = arith.muli %select_n3A_2112, %mul3A_2113 : i32
        %add3A_2115 = arith.addi %mul3A_2088, %mul3A_2114 : i32
        %jit3A_2116 = arith.constant 32 : i32
        %eq3A_2117 = arith.constant 0 : i32
        %eq3A_2118 = arith.cmpi eq, %jit3A_2116, %eq3A_2117 : i32
        %jit3A_2119 = arith.constant 1 : i32
        %select_n3A_2120 = arith.select %eq3A_2118, %jit3A_2119, %jit3A_2116 : i32
        %rem3A_2121 = arith.remsi %select_n3A_2060, %select_n3A_2120 : i32
        %ne3A_2122 = arith.constant 0 : i32
        %ne3A_2123 = arith.cmpi ne, %rem3A_2121, %ne3A_2122 : i32
        %lt3A_2124 = arith.constant 0 : i32
        %lt3A_2125 = arith.cmpi slt, %rem3A_2121, %lt3A_2124 : i32
        %lt3A_2126 = arith.constant 0 : i32
        %lt3A_2127 = arith.cmpi slt, %select_n3A_2120, %lt3A_2126 : i32
        %ne3A_2128 = arith.xori %lt3A_2125, %lt3A_2127 : i1
        %and3A_2129 = arith.andi %ne3A_2128, %ne3A_2123 : i1
        %add3A_2130 = arith.addi %rem3A_2121, %select_n3A_2120 : i32
        %select_n3A_2131 = arith.select %and3A_2129, %add3A_2130, %rem3A_2121 : i32
        %add3A_2132 = arith.addi %add3A_2115, %select_n3A_2131 : i32
        %add3A_2133 = arith.constant 0 : i32
        %add3A_2134 = arith.addi %add3A_2132, %add3A_2133 : i32
        %ne3A_2135 = arith.cmpi ne, %add3A_2044, %add3A_2134 : i32
        %or3A_2136 = arith.constant false
        %or3A_2137 = arith.ori %or3A_2136, %ne3A_2135 : i1
        %not3A_2138 = arith.constant true
        %not3A_2139 = arith.xori %eq3A_332, %not3A_2138 : i1
        %and3A_2140 = arith.andi %or3A_2137, %not3A_2139 : i1
        %convert_element_type3A_2141 = arith.extui %and3A_2140 : i1 to i32
        %cond3A_2142 = arith.constant 0 : i32
        %cond3A_2143 = arith.cmpi ne, %convert_element_type3A_2141, %cond3A_2142 : i32
        scf.if %cond3A_2143 {
        } else {
        }
        %and3A_2144 = arith.constant false
        %and3A_2145 = arith.andi %and3A_2140, %and3A_2144 : i1
        %jit3A_2146 = arith.constant 32 : i32
        %eq3A_2147 = arith.constant 0 : i32
        %eq3A_2148 = arith.cmpi eq, %jit3A_2146, %eq3A_2147 : i32
        %jit3A_2149 = arith.constant 1 : i32
        %select_n3A_2150 = arith.select %eq3A_2148, %jit3A_2149, %jit3A_2146 : i32
        %rem3A_2151 = arith.remsi %add3A_335, %select_n3A_2150 : i32
        %ne3A_2152 = arith.constant 0 : i32
        %ne3A_2153 = arith.cmpi ne, %rem3A_2151, %ne3A_2152 : i32
        %lt3A_2154 = arith.constant 0 : i32
        %lt3A_2155 = arith.cmpi slt, %rem3A_2151, %lt3A_2154 : i32
        %lt3A_2156 = arith.constant 0 : i32
        %lt3A_2157 = arith.cmpi slt, %select_n3A_2150, %lt3A_2156 : i32
        %ne3A_2158 = arith.xori %lt3A_2155, %lt3A_2157 : i1
        %and3A_2159 = arith.andi %ne3A_2158, %ne3A_2153 : i1
        %add3A_2160 = arith.addi %rem3A_2151, %select_n3A_2150 : i32
        %select_n3A_2161 = arith.select %and3A_2159, %add3A_2160, %rem3A_2151 : i32
        %jit3A_2162 = arith.constant 32 : i32
        %div3A_2163 = arith.divsi %add3A_335, %jit3A_2162 : i32
        %sign3A_2164 = arith.constant 0 : i32
        %sign3A_2165 = arith.cmpi sgt, %add3A_335, %sign3A_2164 : i32
        %sign3A_2166 = arith.extui %sign3A_2165 : i1 to i32
        %sign3A_2167 = arith.constant 0 : i32
        %sign3A_2168 = arith.cmpi slt, %add3A_335, %sign3A_2167 : i32
        %sign3A_2169 = arith.extui %sign3A_2168 : i1 to i32
        %sign3A_2170 = arith.subi %sign3A_2166, %sign3A_2169 : i32
        %sign3A_2171 = arith.constant 0 : i32
        %sign3A_2172 = arith.cmpi sgt, %jit3A_2162, %sign3A_2171 : i32
        %sign3A_2173 = arith.extui %sign3A_2172 : i1 to i32
        %sign3A_2174 = arith.constant 0 : i32
        %sign3A_2175 = arith.cmpi slt, %jit3A_2162, %sign3A_2174 : i32
        %sign3A_2176 = arith.extui %sign3A_2175 : i1 to i32
        %sign3A_2177 = arith.subi %sign3A_2173, %sign3A_2176 : i32
        %ne3A_2178 = arith.cmpi ne, %sign3A_2170, %sign3A_2177 : i32
        %rem3A_2179 = arith.remsi %add3A_335, %jit3A_2162 : i32
        %ne3A_2180 = arith.constant 0 : i32
        %ne3A_2181 = arith.cmpi ne, %rem3A_2179, %ne3A_2180 : i32
        %and3A_2182 = arith.andi %ne3A_2178, %ne3A_2181 : i1
        %sub3A_2183 = arith.constant 1 : i32
        %sub3A_2184 = arith.subi %div3A_2163, %sub3A_2183 : i32
        %select_n3A_2185 = arith.select %and3A_2182, %sub3A_2184, %div3A_2163 : i32
        %add3A_2186 = arith.constant 0 : i32
        %add3A_2187 = arith.addi %select_n3A_2185, %add3A_2186 : i32
        %mul3A_2188 = arith.constant 64 : i32
        %mul3A_2189 = arith.muli %add3A_2187, %mul3A_2188 : i32
        %jit3A_2190 = arith.constant 32 : i32
        %div3A_2191 = arith.divsi %select_n3A_2161, %jit3A_2190 : i32
        %sign3A_2192 = arith.constant 0 : i32
        %sign3A_2193 = arith.cmpi sgt, %select_n3A_2161, %sign3A_2192 : i32
        %sign3A_2194 = arith.extui %sign3A_2193 : i1 to i32
        %sign3A_2195 = arith.constant 0 : i32
        %sign3A_2196 = arith.cmpi slt, %select_n3A_2161, %sign3A_2195 : i32
        %sign3A_2197 = arith.extui %sign3A_2196 : i1 to i32
        %sign3A_2198 = arith.subi %sign3A_2194, %sign3A_2197 : i32
        %sign3A_2199 = arith.constant 0 : i32
        %sign3A_2200 = arith.cmpi sgt, %jit3A_2190, %sign3A_2199 : i32
        %sign3A_2201 = arith.extui %sign3A_2200 : i1 to i32
        %sign3A_2202 = arith.constant 0 : i32
        %sign3A_2203 = arith.cmpi slt, %jit3A_2190, %sign3A_2202 : i32
        %sign3A_2204 = arith.extui %sign3A_2203 : i1 to i32
        %sign3A_2205 = arith.subi %sign3A_2201, %sign3A_2204 : i32
        %ne3A_2206 = arith.cmpi ne, %sign3A_2198, %sign3A_2205 : i32
        %rem3A_2207 = arith.remsi %select_n3A_2161, %jit3A_2190 : i32
        %ne3A_2208 = arith.constant 0 : i32
        %ne3A_2209 = arith.cmpi ne, %rem3A_2207, %ne3A_2208 : i32
        %and3A_2210 = arith.andi %ne3A_2206, %ne3A_2209 : i1
        %sub3A_2211 = arith.constant 1 : i32
        %sub3A_2212 = arith.subi %div3A_2191, %sub3A_2211 : i32
        %select_n3A_2213 = arith.select %and3A_2210, %sub3A_2212, %div3A_2191 : i32
        %mul3A_2214 = arith.constant 64 : i32
        %mul3A_2215 = arith.muli %select_n3A_2213, %mul3A_2214 : i32
        %add3A_2216 = arith.addi %mul3A_2189, %mul3A_2215 : i32
        %jit3A_2217 = arith.constant 32 : i32
        %eq3A_2218 = arith.constant 0 : i32
        %eq3A_2219 = arith.cmpi eq, %jit3A_2217, %eq3A_2218 : i32
        %jit3A_2220 = arith.constant 1 : i32
        %select_n3A_2221 = arith.select %eq3A_2219, %jit3A_2220, %jit3A_2217 : i32
        %rem3A_2222 = arith.remsi %select_n3A_2161, %select_n3A_2221 : i32
        %ne3A_2223 = arith.constant 0 : i32
        %ne3A_2224 = arith.cmpi ne, %rem3A_2222, %ne3A_2223 : i32
        %lt3A_2225 = arith.constant 0 : i32
        %lt3A_2226 = arith.cmpi slt, %rem3A_2222, %lt3A_2225 : i32
        %lt3A_2227 = arith.constant 0 : i32
        %lt3A_2228 = arith.cmpi slt, %select_n3A_2221, %lt3A_2227 : i32
        %ne3A_2229 = arith.xori %lt3A_2226, %lt3A_2228 : i1
        %and3A_2230 = arith.andi %ne3A_2229, %ne3A_2224 : i1
        %add3A_2231 = arith.addi %rem3A_2222, %select_n3A_2221 : i32
        %select_n3A_2232 = arith.select %and3A_2230, %add3A_2231, %rem3A_2222 : i32
        %add3A_2233 = arith.addi %add3A_2216, %select_n3A_2232 : i32
        %add3A_2234 = arith.constant 32 : i32
        %add3A_2235 = arith.addi %add3A_2233, %add3A_2234 : i32
        %jit3A_2236 = arith.constant 32 : i32
        %eq3A_2237 = arith.constant 0 : i32
        %eq3A_2238 = arith.cmpi eq, %jit3A_2236, %eq3A_2237 : i32
        %jit3A_2239 = arith.constant 1 : i32
        %select_n3A_2240 = arith.select %eq3A_2238, %jit3A_2239, %jit3A_2236 : i32
        %rem3A_2241 = arith.remsi %add3A_344, %select_n3A_2240 : i32
        %ne3A_2242 = arith.constant 0 : i32
        %ne3A_2243 = arith.cmpi ne, %rem3A_2241, %ne3A_2242 : i32
        %lt3A_2244 = arith.constant 0 : i32
        %lt3A_2245 = arith.cmpi slt, %rem3A_2241, %lt3A_2244 : i32
        %lt3A_2246 = arith.constant 0 : i32
        %lt3A_2247 = arith.cmpi slt, %select_n3A_2240, %lt3A_2246 : i32
        %ne3A_2248 = arith.xori %lt3A_2245, %lt3A_2247 : i1
        %and3A_2249 = arith.andi %ne3A_2248, %ne3A_2243 : i1
        %add3A_2250 = arith.addi %rem3A_2241, %select_n3A_2240 : i32
        %select_n3A_2251 = arith.select %and3A_2249, %add3A_2250, %rem3A_2241 : i32
        %jit3A_2252 = arith.constant 32 : i32
        %div3A_2253 = arith.divsi %add3A_344, %jit3A_2252 : i32
        %sign3A_2254 = arith.constant 0 : i32
        %sign3A_2255 = arith.cmpi sgt, %add3A_344, %sign3A_2254 : i32
        %sign3A_2256 = arith.extui %sign3A_2255 : i1 to i32
        %sign3A_2257 = arith.constant 0 : i32
        %sign3A_2258 = arith.cmpi slt, %add3A_344, %sign3A_2257 : i32
        %sign3A_2259 = arith.extui %sign3A_2258 : i1 to i32
        %sign3A_2260 = arith.subi %sign3A_2256, %sign3A_2259 : i32
        %sign3A_2261 = arith.constant 0 : i32
        %sign3A_2262 = arith.cmpi sgt, %jit3A_2252, %sign3A_2261 : i32
        %sign3A_2263 = arith.extui %sign3A_2262 : i1 to i32
        %sign3A_2264 = arith.constant 0 : i32
        %sign3A_2265 = arith.cmpi slt, %jit3A_2252, %sign3A_2264 : i32
        %sign3A_2266 = arith.extui %sign3A_2265 : i1 to i32
        %sign3A_2267 = arith.subi %sign3A_2263, %sign3A_2266 : i32
        %ne3A_2268 = arith.cmpi ne, %sign3A_2260, %sign3A_2267 : i32
        %rem3A_2269 = arith.remsi %add3A_344, %jit3A_2252 : i32
        %ne3A_2270 = arith.constant 0 : i32
        %ne3A_2271 = arith.cmpi ne, %rem3A_2269, %ne3A_2270 : i32
        %and3A_2272 = arith.andi %ne3A_2268, %ne3A_2271 : i1
        %sub3A_2273 = arith.constant 1 : i32
        %sub3A_2274 = arith.subi %div3A_2253, %sub3A_2273 : i32
        %select_n3A_2275 = arith.select %and3A_2272, %sub3A_2274, %div3A_2253 : i32
        %add3A_2276 = arith.constant 0 : i32
        %add3A_2277 = arith.addi %select_n3A_2275, %add3A_2276 : i32
        %mul3A_2278 = arith.constant 64 : i32
        %mul3A_2279 = arith.muli %add3A_2277, %mul3A_2278 : i32
        %jit3A_2280 = arith.constant 32 : i32
        %div3A_2281 = arith.divsi %select_n3A_2251, %jit3A_2280 : i32
        %sign3A_2282 = arith.constant 0 : i32
        %sign3A_2283 = arith.cmpi sgt, %select_n3A_2251, %sign3A_2282 : i32
        %sign3A_2284 = arith.extui %sign3A_2283 : i1 to i32
        %sign3A_2285 = arith.constant 0 : i32
        %sign3A_2286 = arith.cmpi slt, %select_n3A_2251, %sign3A_2285 : i32
        %sign3A_2287 = arith.extui %sign3A_2286 : i1 to i32
        %sign3A_2288 = arith.subi %sign3A_2284, %sign3A_2287 : i32
        %sign3A_2289 = arith.constant 0 : i32
        %sign3A_2290 = arith.cmpi sgt, %jit3A_2280, %sign3A_2289 : i32
        %sign3A_2291 = arith.extui %sign3A_2290 : i1 to i32
        %sign3A_2292 = arith.constant 0 : i32
        %sign3A_2293 = arith.cmpi slt, %jit3A_2280, %sign3A_2292 : i32
        %sign3A_2294 = arith.extui %sign3A_2293 : i1 to i32
        %sign3A_2295 = arith.subi %sign3A_2291, %sign3A_2294 : i32
        %ne3A_2296 = arith.cmpi ne, %sign3A_2288, %sign3A_2295 : i32
        %rem3A_2297 = arith.remsi %select_n3A_2251, %jit3A_2280 : i32
        %ne3A_2298 = arith.constant 0 : i32
        %ne3A_2299 = arith.cmpi ne, %rem3A_2297, %ne3A_2298 : i32
        %and3A_2300 = arith.andi %ne3A_2296, %ne3A_2299 : i1
        %sub3A_2301 = arith.constant 1 : i32
        %sub3A_2302 = arith.subi %div3A_2281, %sub3A_2301 : i32
        %select_n3A_2303 = arith.select %and3A_2300, %sub3A_2302, %div3A_2281 : i32
        %mul3A_2304 = arith.constant 64 : i32
        %mul3A_2305 = arith.muli %select_n3A_2303, %mul3A_2304 : i32
        %add3A_2306 = arith.addi %mul3A_2279, %mul3A_2305 : i32
        %jit3A_2307 = arith.constant 32 : i32
        %eq3A_2308 = arith.constant 0 : i32
        %eq3A_2309 = arith.cmpi eq, %jit3A_2307, %eq3A_2308 : i32
        %jit3A_2310 = arith.constant 1 : i32
        %select_n3A_2311 = arith.select %eq3A_2309, %jit3A_2310, %jit3A_2307 : i32
        %rem3A_2312 = arith.remsi %select_n3A_2251, %select_n3A_2311 : i32
        %ne3A_2313 = arith.constant 0 : i32
        %ne3A_2314 = arith.cmpi ne, %rem3A_2312, %ne3A_2313 : i32
        %lt3A_2315 = arith.constant 0 : i32
        %lt3A_2316 = arith.cmpi slt, %rem3A_2312, %lt3A_2315 : i32
        %lt3A_2317 = arith.constant 0 : i32
        %lt3A_2318 = arith.cmpi slt, %select_n3A_2311, %lt3A_2317 : i32
        %ne3A_2319 = arith.xori %lt3A_2316, %lt3A_2318 : i1
        %and3A_2320 = arith.andi %ne3A_2319, %ne3A_2314 : i1
        %add3A_2321 = arith.addi %rem3A_2312, %select_n3A_2311 : i32
        %select_n3A_2322 = arith.select %and3A_2320, %add3A_2321, %rem3A_2312 : i32
        %add3A_2323 = arith.addi %add3A_2306, %select_n3A_2322 : i32
        %add3A_2324 = arith.constant 32 : i32
        %add3A_2325 = arith.addi %add3A_2323, %add3A_2324 : i32
        %ne3A_2326 = arith.cmpi ne, %add3A_2235, %add3A_2325 : i32
        %or3A_2327 = arith.constant false
        %or3A_2328 = arith.ori %or3A_2327, %ne3A_2326 : i1
        %not3A_2329 = arith.constant true
        %not3A_2330 = arith.xori %eq3A_332, %not3A_2329 : i1
        %and3A_2331 = arith.andi %or3A_2328, %not3A_2330 : i1
        %convert_element_type3A_2332 = arith.extui %and3A_2331 : i1 to i32
        %cond3A_2333 = arith.constant 0 : i32
        %cond3A_2334 = arith.cmpi ne, %convert_element_type3A_2332, %cond3A_2333 : i32
        scf.if %cond3A_2334 {
        } else {
        }
        %and3A_2335 = arith.constant false
        %and3A_2336 = arith.andi %and3A_2331, %and3A_2335 : i1
        %ne3A_2337 = arith.cmpi ne, %add3A_335, %add3A_344 : i32
        %or3A_2338 = arith.constant false
        %or3A_2339 = arith.ori %or3A_2338, %ne3A_2337 : i1
        %or3A_2340 = arith.constant false
        %or3A_2341 = arith.ori %or3A_2339, %or3A_2340 : i1
        %not3A_2342 = arith.constant true
        %not3A_2343 = arith.xori %eq3A_332, %not3A_2342 : i1
        %and3A_2344 = arith.andi %or3A_2341, %not3A_2343 : i1
        %convert_element_type3A_2345 = arith.extui %and3A_2344 : i1 to i32
        %cond3A_2346 = arith.constant 0 : i32
        %cond3A_2347 = arith.cmpi ne, %convert_element_type3A_2345, %cond3A_2346 : i32
        scf.if %cond3A_2347 {
          "tpu.trace_start"() <{level = 10 : i32, message = "ep_wait_out"}> : () -> ()
          %rem3A_2735 = arith.constant 2 : i32
          %rem3A_2736 = arith.remui %scan3A_329, %rem3A_2735 : i32
          %mul3A_2737 = arith.constant 512 : i32
          %mul3A_2738 = arith.muli %mul3A_2737, %add3A_344 : i32
          %dma_wait3A_2739 = arith.constant 0 : i32
          %dma_wait3A_2740 = arith.constant 0 : i32
          %dma_wait3A_2741 = tpu.memref_slice %run_scoped3A_10[%rem3A_2736, %dma_wait3A_2739, %dma_wait3A_2740] : memref<2x512x64xf32, #tpu.memory_space<vmem>> -> memref<1x512x64xf32, #tpu.memory_space<vmem>>
          %dma_wait3A_2742 = tpu.memref_squeeze %dma_wait3A_2741 : memref<1x512x64xf32, #tpu.memory_space<vmem>> -> memref<512x64xf32, #tpu.memory_space<vmem>>
          %dma_wait3A_2743 = arith.constant 0 : i32
          %dma_wait3A_2744 = tpu.memref_slice %arg4[%mul3A_2738, %dma_wait3A_2743] : memref<491520x64xf32, #tpu.memory_space<hbm>> -> memref<512x64xf32, #tpu.memory_space<hbm>>
          %dma_wait3A_2745 = tpu.memref_slice %run_scoped3A_11[%rem3A_2736] : memref<2x!tpu.dma_semaphore, #tpu.memory_space<semaphore_mem>> -> memref<1x!tpu.dma_semaphore, #tpu.memory_space<semaphore_mem>>
          %dma_wait3A_2746 = tpu.memref_squeeze %dma_wait3A_2745 : memref<1x!tpu.dma_semaphore, #tpu.memory_space<semaphore_mem>> -> memref<!tpu.dma_semaphore, #tpu.memory_space<semaphore_mem>>
          %dma_wait3A_2747 = arith.constant 0 : i32
          %dma_wait3A_2748 = tpu.memref_slice %arg4[%mul3A_2738, %dma_wait3A_2747] : memref<491520x64xf32, #tpu.memory_space<hbm>> -> memref<512x64xf32, #tpu.memory_space<hbm>>
          %dma_wait3A_2749 = arith.constant 0 : i32
          %dma_wait3A_2750 = arith.constant 0 : i32
          %dma_wait3A_2751 = tpu.memref_slice %run_scoped3A_10[%rem3A_2736, %dma_wait3A_2749, %dma_wait3A_2750] : memref<2x512x64xf32, #tpu.memory_space<vmem>> -> memref<1x512x64xf32, #tpu.memory_space<vmem>>
          %dma_wait3A_2752 = tpu.memref_squeeze %dma_wait3A_2751 : memref<1x512x64xf32, #tpu.memory_space<vmem>> -> memref<512x64xf32, #tpu.memory_space<vmem>>
          tpu.wait_dma2 semaphore(%dma_wait3A_2746 : memref<!tpu.dma_semaphore, #tpu.memory_space<semaphore_mem>>) src(%dma_wait3A_2752 : memref<512x64xf32, #tpu.memory_space<vmem>>) dst(%dma_wait3A_2748 : memref<512x64xf32, #tpu.memory_space<hbm>>)
          "tpu.trace_stop"() : () -> ()
        } else {
        }
        %and3A_2348 = arith.constant true
        %and3A_2349 = arith.andi %and3A_2344, %and3A_2348 : i1
        %add3A_2350 = arith.constant 1 : i32
        %add3A_2351 = arith.addi %scan3A_329, %add3A_2350 : i32
        %select_n3A_2352 = arith.select %and3A_2349, %add3A_2351, %scan3A_329 : i32
        %jit3A_2353 = arith.constant 32 : i32
        %eq3A_2354 = arith.constant 0 : i32
        %eq3A_2355 = arith.cmpi eq, %jit3A_2353, %eq3A_2354 : i32
        %jit3A_2356 = arith.constant 1 : i32
        %select_n3A_2357 = arith.select %eq3A_2355, %jit3A_2356, %jit3A_2353 : i32
        %rem3A_2358 = arith.remsi %add3A_335, %select_n3A_2357 : i32
        %ne3A_2359 = arith.constant 0 : i32
        %ne3A_2360 = arith.cmpi ne, %rem3A_2358, %ne3A_2359 : i32
        %lt3A_2361 = arith.constant 0 : i32
        %lt3A_2362 = arith.cmpi slt, %rem3A_2358, %lt3A_2361 : i32
        %lt3A_2363 = arith.constant 0 : i32
        %lt3A_2364 = arith.cmpi slt, %select_n3A_2357, %lt3A_2363 : i32
        %ne3A_2365 = arith.xori %lt3A_2362, %lt3A_2364 : i1
        %and3A_2366 = arith.andi %ne3A_2365, %ne3A_2360 : i1
        %add3A_2367 = arith.addi %rem3A_2358, %select_n3A_2357 : i32
        %select_n3A_2368 = arith.select %and3A_2366, %add3A_2367, %rem3A_2358 : i32
        %jit3A_2369 = arith.constant 32 : i32
        %div3A_2370 = arith.divsi %add3A_335, %jit3A_2369 : i32
        %sign3A_2371 = arith.constant 0 : i32
        %sign3A_2372 = arith.cmpi sgt, %add3A_335, %sign3A_2371 : i32
        %sign3A_2373 = arith.extui %sign3A_2372 : i1 to i32
        %sign3A_2374 = arith.constant 0 : i32
        %sign3A_2375 = arith.cmpi slt, %add3A_335, %sign3A_2374 : i32
        %sign3A_2376 = arith.extui %sign3A_2375 : i1 to i32
        %sign3A_2377 = arith.subi %sign3A_2373, %sign3A_2376 : i32
        %sign3A_2378 = arith.constant 0 : i32
        %sign3A_2379 = arith.cmpi sgt, %jit3A_2369, %sign3A_2378 : i32
        %sign3A_2380 = arith.extui %sign3A_2379 : i1 to i32
        %sign3A_2381 = arith.constant 0 : i32
        %sign3A_2382 = arith.cmpi slt, %jit3A_2369, %sign3A_2381 : i32
        %sign3A_2383 = arith.extui %sign3A_2382 : i1 to i32
        %sign3A_2384 = arith.subi %sign3A_2380, %sign3A_2383 : i32
        %ne3A_2385 = arith.cmpi ne, %sign3A_2377, %sign3A_2384 : i32
        %rem3A_2386 = arith.remsi %add3A_335, %jit3A_2369 : i32
        %ne3A_2387 = arith.constant 0 : i32
        %ne3A_2388 = arith.cmpi ne, %rem3A_2386, %ne3A_2387 : i32
        %and3A_2389 = arith.andi %ne3A_2385, %ne3A_2388 : i1
        %sub3A_2390 = arith.constant 1 : i32
        %sub3A_2391 = arith.subi %div3A_2370, %sub3A_2390 : i32
        %select_n3A_2392 = arith.select %and3A_2389, %sub3A_2391, %div3A_2370 : i32
        %add3A_2393 = arith.constant 0 : i32
        %add3A_2394 = arith.addi %select_n3A_2392, %add3A_2393 : i32
        %mul3A_2395 = arith.constant 64 : i32
        %mul3A_2396 = arith.muli %add3A_2394, %mul3A_2395 : i32
        %jit3A_2397 = arith.constant 32 : i32
        %div3A_2398 = arith.divsi %select_n3A_2368, %jit3A_2397 : i32
        %sign3A_2399 = arith.constant 0 : i32
        %sign3A_2400 = arith.cmpi sgt, %select_n3A_2368, %sign3A_2399 : i32
        %sign3A_2401 = arith.extui %sign3A_2400 : i1 to i32
        %sign3A_2402 = arith.constant 0 : i32
        %sign3A_2403 = arith.cmpi slt, %select_n3A_2368, %sign3A_2402 : i32
        %sign3A_2404 = arith.extui %sign3A_2403 : i1 to i32
        %sign3A_2405 = arith.subi %sign3A_2401, %sign3A_2404 : i32
        %sign3A_2406 = arith.constant 0 : i32
        %sign3A_2407 = arith.cmpi sgt, %jit3A_2397, %sign3A_2406 : i32
        %sign3A_2408 = arith.extui %sign3A_2407 : i1 to i32
        %sign3A_2409 = arith.constant 0 : i32
        %sign3A_2410 = arith.cmpi slt, %jit3A_2397, %sign3A_2409 : i32
        %sign3A_2411 = arith.extui %sign3A_2410 : i1 to i32
        %sign3A_2412 = arith.subi %sign3A_2408, %sign3A_2411 : i32
        %ne3A_2413 = arith.cmpi ne, %sign3A_2405, %sign3A_2412 : i32
        %rem3A_2414 = arith.remsi %select_n3A_2368, %jit3A_2397 : i32
        %ne3A_2415 = arith.constant 0 : i32
        %ne3A_2416 = arith.cmpi ne, %rem3A_2414, %ne3A_2415 : i32
        %and3A_2417 = arith.andi %ne3A_2413, %ne3A_2416 : i1
        %sub3A_2418 = arith.constant 1 : i32
        %sub3A_2419 = arith.subi %div3A_2398, %sub3A_2418 : i32
        %select_n3A_2420 = arith.select %and3A_2417, %sub3A_2419, %div3A_2398 : i32
        %mul3A_2421 = arith.constant 64 : i32
        %mul3A_2422 = arith.muli %select_n3A_2420, %mul3A_2421 : i32
        %add3A_2423 = arith.addi %mul3A_2396, %mul3A_2422 : i32
        %jit3A_2424 = arith.constant 32 : i32
        %eq3A_2425 = arith.constant 0 : i32
        %eq3A_2426 = arith.cmpi eq, %jit3A_2424, %eq3A_2425 : i32
        %jit3A_2427 = arith.constant 1 : i32
        %select_n3A_2428 = arith.select %eq3A_2426, %jit3A_2427, %jit3A_2424 : i32
        %rem3A_2429 = arith.remsi %select_n3A_2368, %select_n3A_2428 : i32
        %ne3A_2430 = arith.constant 0 : i32
        %ne3A_2431 = arith.cmpi ne, %rem3A_2429, %ne3A_2430 : i32
        %lt3A_2432 = arith.constant 0 : i32
        %lt3A_2433 = arith.cmpi slt, %rem3A_2429, %lt3A_2432 : i32
        %lt3A_2434 = arith.constant 0 : i32
        %lt3A_2435 = arith.cmpi slt, %select_n3A_2428, %lt3A_2434 : i32
        %ne3A_2436 = arith.xori %lt3A_2433, %lt3A_2435 : i1
        %and3A_2437 = arith.andi %ne3A_2436, %ne3A_2431 : i1
        %add3A_2438 = arith.addi %rem3A_2429, %select_n3A_2428 : i32
        %select_n3A_2439 = arith.select %and3A_2437, %add3A_2438, %rem3A_2429 : i32
        %add3A_2440 = arith.addi %add3A_2423, %select_n3A_2439 : i32
        %add3A_2441 = arith.constant 0 : i32
        %add3A_2442 = arith.addi %add3A_2440, %add3A_2441 : i32
        %jit3A_2443 = arith.constant 32 : i32
        %eq3A_2444 = arith.constant 0 : i32
        %eq3A_2445 = arith.cmpi eq, %jit3A_2443, %eq3A_2444 : i32
        %jit3A_2446 = arith.constant 1 : i32
        %select_n3A_2447 = arith.select %eq3A_2445, %jit3A_2446, %jit3A_2443 : i32
        %rem3A_2448 = arith.remsi %add3A_353, %select_n3A_2447 : i32
        %ne3A_2449 = arith.constant 0 : i32
        %ne3A_2450 = arith.cmpi ne, %rem3A_2448, %ne3A_2449 : i32
        %lt3A_2451 = arith.constant 0 : i32
        %lt3A_2452 = arith.cmpi slt, %rem3A_2448, %lt3A_2451 : i32
        %lt3A_2453 = arith.constant 0 : i32
        %lt3A_2454 = arith.cmpi slt, %select_n3A_2447, %lt3A_2453 : i32
        %ne3A_2455 = arith.xori %lt3A_2452, %lt3A_2454 : i1
        %and3A_2456 = arith.andi %ne3A_2455, %ne3A_2450 : i1
        %add3A_2457 = arith.addi %rem3A_2448, %select_n3A_2447 : i32
        %select_n3A_2458 = arith.select %and3A_2456, %add3A_2457, %rem3A_2448 : i32
        %jit3A_2459 = arith.constant 32 : i32
        %div3A_2460 = arith.divsi %add3A_353, %jit3A_2459 : i32
        %sign3A_2461 = arith.constant 0 : i32
        %sign3A_2462 = arith.cmpi sgt, %add3A_353, %sign3A_2461 : i32
        %sign3A_2463 = arith.extui %sign3A_2462 : i1 to i32
        %sign3A_2464 = arith.constant 0 : i32
        %sign3A_2465 = arith.cmpi slt, %add3A_353, %sign3A_2464 : i32
        %sign3A_2466 = arith.extui %sign3A_2465 : i1 to i32
        %sign3A_2467 = arith.subi %sign3A_2463, %sign3A_2466 : i32
        %sign3A_2468 = arith.constant 0 : i32
        %sign3A_2469 = arith.cmpi sgt, %jit3A_2459, %sign3A_2468 : i32
        %sign3A_2470 = arith.extui %sign3A_2469 : i1 to i32
        %sign3A_2471 = arith.constant 0 : i32
        %sign3A_2472 = arith.cmpi slt, %jit3A_2459, %sign3A_2471 : i32
        %sign3A_2473 = arith.extui %sign3A_2472 : i1 to i32
        %sign3A_2474 = arith.subi %sign3A_2470, %sign3A_2473 : i32
        %ne3A_2475 = arith.cmpi ne, %sign3A_2467, %sign3A_2474 : i32
        %rem3A_2476 = arith.remsi %add3A_353, %jit3A_2459 : i32
        %ne3A_2477 = arith.constant 0 : i32
        %ne3A_2478 = arith.cmpi ne, %rem3A_2476, %ne3A_2477 : i32
        %and3A_2479 = arith.andi %ne3A_2475, %ne3A_2478 : i1
        %sub3A_2480 = arith.constant 1 : i32
        %sub3A_2481 = arith.subi %div3A_2460, %sub3A_2480 : i32
        %select_n3A_2482 = arith.select %and3A_2479, %sub3A_2481, %div3A_2460 : i32
        %add3A_2483 = arith.constant 0 : i32
        %add3A_2484 = arith.addi %select_n3A_2482, %add3A_2483 : i32
        %mul3A_2485 = arith.constant 64 : i32
        %mul3A_2486 = arith.muli %add3A_2484, %mul3A_2485 : i32
        %jit3A_2487 = arith.constant 32 : i32
        %div3A_2488 = arith.divsi %select_n3A_2458, %jit3A_2487 : i32
        %sign3A_2489 = arith.constant 0 : i32
        %sign3A_2490 = arith.cmpi sgt, %select_n3A_2458, %sign3A_2489 : i32
        %sign3A_2491 = arith.extui %sign3A_2490 : i1 to i32
        %sign3A_2492 = arith.constant 0 : i32
        %sign3A_2493 = arith.cmpi slt, %select_n3A_2458, %sign3A_2492 : i32
        %sign3A_2494 = arith.extui %sign3A_2493 : i1 to i32
        %sign3A_2495 = arith.subi %sign3A_2491, %sign3A_2494 : i32
        %sign3A_2496 = arith.constant 0 : i32
        %sign3A_2497 = arith.cmpi sgt, %jit3A_2487, %sign3A_2496 : i32
        %sign3A_2498 = arith.extui %sign3A_2497 : i1 to i32
        %sign3A_2499 = arith.constant 0 : i32
        %sign3A_2500 = arith.cmpi slt, %jit3A_2487, %sign3A_2499 : i32
        %sign3A_2501 = arith.extui %sign3A_2500 : i1 to i32
        %sign3A_2502 = arith.subi %sign3A_2498, %sign3A_2501 : i32
        %ne3A_2503 = arith.cmpi ne, %sign3A_2495, %sign3A_2502 : i32
        %rem3A_2504 = arith.remsi %select_n3A_2458, %jit3A_2487 : i32
        %ne3A_2505 = arith.constant 0 : i32
        %ne3A_2506 = arith.cmpi ne, %rem3A_2504, %ne3A_2505 : i32
        %and3A_2507 = arith.andi %ne3A_2503, %ne3A_2506 : i1
        %sub3A_2508 = arith.constant 1 : i32
        %sub3A_2509 = arith.subi %div3A_2488, %sub3A_2508 : i32
        %select_n3A_2510 = arith.select %and3A_2507, %sub3A_2509, %div3A_2488 : i32
        %mul3A_2511 = arith.constant 64 : i32
        %mul3A_2512 = arith.muli %select_n3A_2510, %mul3A_2511 : i32
        %add3A_2513 = arith.addi %mul3A_2486, %mul3A_2512 : i32
        %jit3A_2514 = arith.constant 32 : i32
        %eq3A_2515 = arith.constant 0 : i32
        %eq3A_2516 = arith.cmpi eq, %jit3A_2514, %eq3A_2515 : i32
        %jit3A_2517 = arith.constant 1 : i32
        %select_n3A_2518 = arith.select %eq3A_2516, %jit3A_2517, %jit3A_2514 : i32
        %rem3A_2519 = arith.remsi %select_n3A_2458, %select_n3A_2518 : i32
        %ne3A_2520 = arith.constant 0 : i32
        %ne3A_2521 = arith.cmpi ne, %rem3A_2519, %ne3A_2520 : i32
        %lt3A_2522 = arith.constant 0 : i32
        %lt3A_2523 = arith.cmpi slt, %rem3A_2519, %lt3A_2522 : i32
        %lt3A_2524 = arith.constant 0 : i32
        %lt3A_2525 = arith.cmpi slt, %select_n3A_2518, %lt3A_2524 : i32
        %ne3A_2526 = arith.xori %lt3A_2523, %lt3A_2525 : i1
        %and3A_2527 = arith.andi %ne3A_2526, %ne3A_2521 : i1
        %add3A_2528 = arith.addi %rem3A_2519, %select_n3A_2518 : i32
        %select_n3A_2529 = arith.select %and3A_2527, %add3A_2528, %rem3A_2519 : i32
        %add3A_2530 = arith.addi %add3A_2513, %select_n3A_2529 : i32
        %add3A_2531 = arith.constant 0 : i32
        %add3A_2532 = arith.addi %add3A_2530, %add3A_2531 : i32
        %ne3A_2533 = arith.cmpi ne, %add3A_2442, %add3A_2532 : i32
        %or3A_2534 = arith.constant false
        %or3A_2535 = arith.ori %or3A_2534, %ne3A_2533 : i1
        %or3A_2536 = arith.ori %or3A_2535, %eq3A_334 : i1
        %add3A_2537 = arith.constant 1 : i32
        %add3A_2538 = arith.addi %scan3A_325, %add3A_2537 : i32
        %select_n3A_2539 = arith.select %or3A_2536, %add3A_2538, %scan3A_325 : i32
        %jit3A_2540 = arith.constant 32 : i32
        %eq3A_2541 = arith.constant 0 : i32
        %eq3A_2542 = arith.cmpi eq, %jit3A_2540, %eq3A_2541 : i32
        %jit3A_2543 = arith.constant 1 : i32
        %select_n3A_2544 = arith.select %eq3A_2542, %jit3A_2543, %jit3A_2540 : i32
        %rem3A_2545 = arith.remsi %add3A_335, %select_n3A_2544 : i32
        %ne3A_2546 = arith.constant 0 : i32
        %ne3A_2547 = arith.cmpi ne, %rem3A_2545, %ne3A_2546 : i32
        %lt3A_2548 = arith.constant 0 : i32
        %lt3A_2549 = arith.cmpi slt, %rem3A_2545, %lt3A_2548 : i32
        %lt3A_2550 = arith.constant 0 : i32
        %lt3A_2551 = arith.cmpi slt, %select_n3A_2544, %lt3A_2550 : i32
        %ne3A_2552 = arith.xori %lt3A_2549, %lt3A_2551 : i1
        %and3A_2553 = arith.andi %ne3A_2552, %ne3A_2547 : i1
        %add3A_2554 = arith.addi %rem3A_2545, %select_n3A_2544 : i32
        %select_n3A_2555 = arith.select %and3A_2553, %add3A_2554, %rem3A_2545 : i32
        %jit3A_2556 = arith.constant 32 : i32
        %div3A_2557 = arith.divsi %add3A_335, %jit3A_2556 : i32
        %sign3A_2558 = arith.constant 0 : i32
        %sign3A_2559 = arith.cmpi sgt, %add3A_335, %sign3A_2558 : i32
        %sign3A_2560 = arith.extui %sign3A_2559 : i1 to i32
        %sign3A_2561 = arith.constant 0 : i32
        %sign3A_2562 = arith.cmpi slt, %add3A_335, %sign3A_2561 : i32
        %sign3A_2563 = arith.extui %sign3A_2562 : i1 to i32
        %sign3A_2564 = arith.subi %sign3A_2560, %sign3A_2563 : i32
        %sign3A_2565 = arith.constant 0 : i32
        %sign3A_2566 = arith.cmpi sgt, %jit3A_2556, %sign3A_2565 : i32
        %sign3A_2567 = arith.extui %sign3A_2566 : i1 to i32
        %sign3A_2568 = arith.constant 0 : i32
        %sign3A_2569 = arith.cmpi slt, %jit3A_2556, %sign3A_2568 : i32
        %sign3A_2570 = arith.extui %sign3A_2569 : i1 to i32
        %sign3A_2571 = arith.subi %sign3A_2567, %sign3A_2570 : i32
        %ne3A_2572 = arith.cmpi ne, %sign3A_2564, %sign3A_2571 : i32
        %rem3A_2573 = arith.remsi %add3A_335, %jit3A_2556 : i32
        %ne3A_2574 = arith.constant 0 : i32
        %ne3A_2575 = arith.cmpi ne, %rem3A_2573, %ne3A_2574 : i32
        %and3A_2576 = arith.andi %ne3A_2572, %ne3A_2575 : i1
        %sub3A_2577 = arith.constant 1 : i32
        %sub3A_2578 = arith.subi %div3A_2557, %sub3A_2577 : i32
        %select_n3A_2579 = arith.select %and3A_2576, %sub3A_2578, %div3A_2557 : i32
        %add3A_2580 = arith.constant 0 : i32
        %add3A_2581 = arith.addi %select_n3A_2579, %add3A_2580 : i32
        %mul3A_2582 = arith.constant 64 : i32
        %mul3A_2583 = arith.muli %add3A_2581, %mul3A_2582 : i32
        %jit3A_2584 = arith.constant 32 : i32
        %div3A_2585 = arith.divsi %select_n3A_2555, %jit3A_2584 : i32
        %sign3A_2586 = arith.constant 0 : i32
        %sign3A_2587 = arith.cmpi sgt, %select_n3A_2555, %sign3A_2586 : i32
        %sign3A_2588 = arith.extui %sign3A_2587 : i1 to i32
        %sign3A_2589 = arith.constant 0 : i32
        %sign3A_2590 = arith.cmpi slt, %select_n3A_2555, %sign3A_2589 : i32
        %sign3A_2591 = arith.extui %sign3A_2590 : i1 to i32
        %sign3A_2592 = arith.subi %sign3A_2588, %sign3A_2591 : i32
        %sign3A_2593 = arith.constant 0 : i32
        %sign3A_2594 = arith.cmpi sgt, %jit3A_2584, %sign3A_2593 : i32
        %sign3A_2595 = arith.extui %sign3A_2594 : i1 to i32
        %sign3A_2596 = arith.constant 0 : i32
        %sign3A_2597 = arith.cmpi slt, %jit3A_2584, %sign3A_2596 : i32
        %sign3A_2598 = arith.extui %sign3A_2597 : i1 to i32
        %sign3A_2599 = arith.subi %sign3A_2595, %sign3A_2598 : i32
        %ne3A_2600 = arith.cmpi ne, %sign3A_2592, %sign3A_2599 : i32
        %rem3A_2601 = arith.remsi %select_n3A_2555, %jit3A_2584 : i32
        %ne3A_2602 = arith.constant 0 : i32
        %ne3A_2603 = arith.cmpi ne, %rem3A_2601, %ne3A_2602 : i32
        %and3A_2604 = arith.andi %ne3A_2600, %ne3A_2603 : i1
        %sub3A_2605 = arith.constant 1 : i32
        %sub3A_2606 = arith.subi %div3A_2585, %sub3A_2605 : i32
        %select_n3A_2607 = arith.select %and3A_2604, %sub3A_2606, %div3A_2585 : i32
        %mul3A_2608 = arith.constant 64 : i32
        %mul3A_2609 = arith.muli %select_n3A_2607, %mul3A_2608 : i32
        %add3A_2610 = arith.addi %mul3A_2583, %mul3A_2609 : i32
        %jit3A_2611 = arith.constant 32 : i32
        %eq3A_2612 = arith.constant 0 : i32
        %eq3A_2613 = arith.cmpi eq, %jit3A_2611, %eq3A_2612 : i32
        %jit3A_2614 = arith.constant 1 : i32
        %select_n3A_2615 = arith.select %eq3A_2613, %jit3A_2614, %jit3A_2611 : i32
        %rem3A_2616 = arith.remsi %select_n3A_2555, %select_n3A_2615 : i32
        %ne3A_2617 = arith.constant 0 : i32
        %ne3A_2618 = arith.cmpi ne, %rem3A_2616, %ne3A_2617 : i32
        %lt3A_2619 = arith.constant 0 : i32
        %lt3A_2620 = arith.cmpi slt, %rem3A_2616, %lt3A_2619 : i32
        %lt3A_2621 = arith.constant 0 : i32
        %lt3A_2622 = arith.cmpi slt, %select_n3A_2615, %lt3A_2621 : i32
        %ne3A_2623 = arith.xori %lt3A_2620, %lt3A_2622 : i1
        %and3A_2624 = arith.andi %ne3A_2623, %ne3A_2618 : i1
        %add3A_2625 = arith.addi %rem3A_2616, %select_n3A_2615 : i32
        %select_n3A_2626 = arith.select %and3A_2624, %add3A_2625, %rem3A_2616 : i32
        %add3A_2627 = arith.addi %add3A_2610, %select_n3A_2626 : i32
        %add3A_2628 = arith.constant 32 : i32
        %add3A_2629 = arith.addi %add3A_2627, %add3A_2628 : i32
        %jit3A_2630 = arith.constant 32 : i32
        %eq3A_2631 = arith.constant 0 : i32
        %eq3A_2632 = arith.cmpi eq, %jit3A_2630, %eq3A_2631 : i32
        %jit3A_2633 = arith.constant 1 : i32
        %select_n3A_2634 = arith.select %eq3A_2632, %jit3A_2633, %jit3A_2630 : i32
        %rem3A_2635 = arith.remsi %add3A_353, %select_n3A_2634 : i32
        %ne3A_2636 = arith.constant 0 : i32
        %ne3A_2637 = arith.cmpi ne, %rem3A_2635, %ne3A_2636 : i32
        %lt3A_2638 = arith.constant 0 : i32
        %lt3A_2639 = arith.cmpi slt, %rem3A_2635, %lt3A_2638 : i32
        %lt3A_2640 = arith.constant 0 : i32
        %lt3A_2641 = arith.cmpi slt, %select_n3A_2634, %lt3A_2640 : i32
        %ne3A_2642 = arith.xori %lt3A_2639, %lt3A_2641 : i1
        %and3A_2643 = arith.andi %ne3A_2642, %ne3A_2637 : i1
        %add3A_2644 = arith.addi %rem3A_2635, %select_n3A_2634 : i32
        %select_n3A_2645 = arith.select %and3A_2643, %add3A_2644, %rem3A_2635 : i32
        %jit3A_2646 = arith.constant 32 : i32
        %div3A_2647 = arith.divsi %add3A_353, %jit3A_2646 : i32
        %sign3A_2648 = arith.constant 0 : i32
        %sign3A_2649 = arith.cmpi sgt, %add3A_353, %sign3A_2648 : i32
        %sign3A_2650 = arith.extui %sign3A_2649 : i1 to i32
        %sign3A_2651 = arith.constant 0 : i32
        %sign3A_2652 = arith.cmpi slt, %add3A_353, %sign3A_2651 : i32
        %sign3A_2653 = arith.extui %sign3A_2652 : i1 to i32
        %sign3A_2654 = arith.subi %sign3A_2650, %sign3A_2653 : i32
        %sign3A_2655 = arith.constant 0 : i32
        %sign3A_2656 = arith.cmpi sgt, %jit3A_2646, %sign3A_2655 : i32
        %sign3A_2657 = arith.extui %sign3A_2656 : i1 to i32
        %sign3A_2658 = arith.constant 0 : i32
        %sign3A_2659 = arith.cmpi slt, %jit3A_2646, %sign3A_2658 : i32
        %sign3A_2660 = arith.extui %sign3A_2659 : i1 to i32
        %sign3A_2661 = arith.subi %sign3A_2657, %sign3A_2660 : i32
        %ne3A_2662 = arith.cmpi ne, %sign3A_2654, %sign3A_2661 : i32
        %rem3A_2663 = arith.remsi %add3A_353, %jit3A_2646 : i32
        %ne3A_2664 = arith.constant 0 : i32
        %ne3A_2665 = arith.cmpi ne, %rem3A_2663, %ne3A_2664 : i32
        %and3A_2666 = arith.andi %ne3A_2662, %ne3A_2665 : i1
        %sub3A_2667 = arith.constant 1 : i32
        %sub3A_2668 = arith.subi %div3A_2647, %sub3A_2667 : i32
        %select_n3A_2669 = arith.select %and3A_2666, %sub3A_2668, %div3A_2647 : i32
        %add3A_2670 = arith.constant 0 : i32
        %add3A_2671 = arith.addi %select_n3A_2669, %add3A_2670 : i32
        %mul3A_2672 = arith.constant 64 : i32
        %mul3A_2673 = arith.muli %add3A_2671, %mul3A_2672 : i32
        %jit3A_2674 = arith.constant 32 : i32
        %div3A_2675 = arith.divsi %select_n3A_2645, %jit3A_2674 : i32
        %sign3A_2676 = arith.constant 0 : i32
        %sign3A_2677 = arith.cmpi sgt, %select_n3A_2645, %sign3A_2676 : i32
        %sign3A_2678 = arith.extui %sign3A_2677 : i1 to i32
        %sign3A_2679 = arith.constant 0 : i32
        %sign3A_2680 = arith.cmpi slt, %select_n3A_2645, %sign3A_2679 : i32
        %sign3A_2681 = arith.extui %sign3A_2680 : i1 to i32
        %sign3A_2682 = arith.subi %sign3A_2678, %sign3A_2681 : i32
        %sign3A_2683 = arith.constant 0 : i32
        %sign3A_2684 = arith.cmpi sgt, %jit3A_2674, %sign3A_2683 : i32
        %sign3A_2685 = arith.extui %sign3A_2684 : i1 to i32
        %sign3A_2686 = arith.constant 0 : i32
        %sign3A_2687 = arith.cmpi slt, %jit3A_2674, %sign3A_2686 : i32
        %sign3A_2688 = arith.extui %sign3A_2687 : i1 to i32
        %sign3A_2689 = arith.subi %sign3A_2685, %sign3A_2688 : i32
        %ne3A_2690 = arith.cmpi ne, %sign3A_2682, %sign3A_2689 : i32
        %rem3A_2691 = arith.remsi %select_n3A_2645, %jit3A_2674 : i32
        %ne3A_2692 = arith.constant 0 : i32
        %ne3A_2693 = arith.cmpi ne, %rem3A_2691, %ne3A_2692 : i32
        %and3A_2694 = arith.andi %ne3A_2690, %ne3A_2693 : i1
        %sub3A_2695 = arith.constant 1 : i32
        %sub3A_2696 = arith.subi %div3A_2675, %sub3A_2695 : i32
        %select_n3A_2697 = arith.select %and3A_2694, %sub3A_2696, %div3A_2675 : i32
        %mul3A_2698 = arith.constant 64 : i32
        %mul3A_2699 = arith.muli %select_n3A_2697, %mul3A_2698 : i32
        %add3A_2700 = arith.addi %mul3A_2673, %mul3A_2699 : i32
        %jit3A_2701 = arith.constant 32 : i32
        %eq3A_2702 = arith.constant 0 : i32
        %eq3A_2703 = arith.cmpi eq, %jit3A_2701, %eq3A_2702 : i32
        %jit3A_2704 = arith.constant 1 : i32
        %select_n3A_2705 = arith.select %eq3A_2703, %jit3A_2704, %jit3A_2701 : i32
        %rem3A_2706 = arith.remsi %select_n3A_2645, %select_n3A_2705 : i32
        %ne3A_2707 = arith.constant 0 : i32
        %ne3A_2708 = arith.cmpi ne, %rem3A_2706, %ne3A_2707 : i32
        %lt3A_2709 = arith.constant 0 : i32
        %lt3A_2710 = arith.cmpi slt, %rem3A_2706, %lt3A_2709 : i32
        %lt3A_2711 = arith.constant 0 : i32
        %lt3A_2712 = arith.cmpi slt, %select_n3A_2705, %lt3A_2711 : i32
        %ne3A_2713 = arith.xori %lt3A_2710, %lt3A_2712 : i1
        %and3A_2714 = arith.andi %ne3A_2713, %ne3A_2708 : i1
        %add3A_2715 = arith.addi %rem3A_2706, %select_n3A_2705 : i32
        %select_n3A_2716 = arith.select %and3A_2714, %add3A_2715, %rem3A_2706 : i32
        %add3A_2717 = arith.addi %add3A_2700, %select_n3A_2716 : i32
        %add3A_2718 = arith.constant 32 : i32
        %add3A_2719 = arith.addi %add3A_2717, %add3A_2718 : i32
        %ne3A_2720 = arith.cmpi ne, %add3A_2629, %add3A_2719 : i32
        %or3A_2721 = arith.constant false
        %or3A_2722 = arith.ori %or3A_2721, %ne3A_2720 : i1
        %or3A_2723 = arith.ori %or3A_2722, %eq3A_334 : i1
        %add3A_2724 = arith.constant 1 : i32
        %add3A_2725 = arith.addi %scan3A_327, %add3A_2724 : i32
        %select_n3A_2726 = arith.select %or3A_2723, %add3A_2725, %scan3A_327 : i32
        %add3A_2727 = arith.constant 1 : i32
        %add3A_2728 = arith.addi %scan3A_330, %add3A_2727 : i32
        %select_n3A_2729 = arith.constant true
        %select_n3A_2730 = arith.select %select_n3A_2729, %add3A_2728, %scan3A_330 : i32
        %eq3A_2731 = arith.constant 30 : i32
        %eq3A_2732 = arith.cmpi eq, %select_n3A_2730, %eq3A_2731 : i32
        %select_n3A_2733 = arith.constant 0 : i32
        %select_n3A_2734 = arith.select %eq3A_2732, %select_n3A_2733, %select_n3A_2730 : i32
        scf.yield %select_n3A_553, %select_n3A_2539, %select_n3A_749, %select_n3A_2726, %select_n3A_1954, %select_n3A_2352, %select_n3A_2734 : i32, i32, i32, i32, i32, i32, i32
      }
      %scan3A_269 = arith.constant 30 : i32
      %sub3A_270 = arith.constant 1 : i32
      %sub3A_271 = arith.subi %scan3A_268#6, %sub3A_270 : i32
      %select_n3A_272 = arith.constant true
      %select_n3A_273 = arith.select %select_n3A_272, %sub3A_271, %scan3A_268#6 : i32
      %eq3A_274 = arith.constant -1 : i32
      %eq3A_275 = arith.cmpi eq, %select_n3A_273, %eq3A_274 : i32
      %select_n3A_276 = arith.constant 29 : i32
      %select_n3A_277 = arith.select %eq3A_275, %select_n3A_276, %select_n3A_273 : i32
      %add3A_278 = arith.addi %select_n3A_277, %mul3A_6 : i32
      %sub3A_279 = arith.constant 1 : i32
      %sub3A_280 = arith.subi %select_n3A_277, %sub3A_279 : i32
      %select_n3A_281 = arith.constant true
      %select_n3A_282 = arith.select %select_n3A_281, %sub3A_280, %select_n3A_277 : i32
      %eq3A_283 = arith.constant -1 : i32
      %eq3A_284 = arith.cmpi eq, %select_n3A_282, %eq3A_283 : i32
      %select_n3A_285 = arith.constant 29 : i32
      %select_n3A_286 = arith.select %eq3A_284, %select_n3A_285, %select_n3A_282 : i32
      %add3A_287 = arith.addi %select_n3A_286, %mul3A_6 : i32
      %add3A_288 = arith.constant 1 : i32
      %add3A_289 = arith.addi %select_n3A_277, %add3A_288 : i32
      %select_n3A_290 = arith.constant true
      %select_n3A_291 = arith.select %select_n3A_290, %add3A_289, %select_n3A_277 : i32
      %eq3A_292 = arith.constant 30 : i32
      %eq3A_293 = arith.cmpi eq, %select_n3A_291, %eq3A_292 : i32
      %select_n3A_294 = arith.constant 0 : i32
      %select_n3A_295 = arith.select %eq3A_293, %select_n3A_294, %select_n3A_291 : i32
      %add3A_296 = arith.addi %select_n3A_295, %mul3A_6 : i32
      %add3A_297 = arith.constant 1 : i32
      %add3A_298 = arith.addi %select_n3A_295, %add3A_297 : i32
      %select_n3A_299 = arith.constant true
      %select_n3A_300 = arith.select %select_n3A_299, %add3A_298, %select_n3A_295 : i32
      %eq3A_301 = arith.constant 30 : i32
      %eq3A_302 = arith.cmpi eq, %select_n3A_300, %eq3A_301 : i32
      %select_n3A_303 = arith.constant 0 : i32
      %select_n3A_304 = arith.select %eq3A_302, %select_n3A_303, %select_n3A_300 : i32
      %add3A_305 = arith.addi %select_n3A_304, %mul3A_6 : i32
      "tpu.trace_start"() <{level = 10 : i32, message = "ep_finalize"}> : () -> ()
      %rem3A_306 = arith.constant 2 : i32
      %rem3A_307 = arith.remui %scan3A_268#5, %rem3A_306 : i32
      %mul3A_308 = arith.constant 512 : i32
      %mul3A_309 = arith.muli %mul3A_308, %add3A_278 : i32
      %dma_wait3A = arith.constant 0 : i32
      %dma_wait3A_310 = arith.constant 0 : i32
      %dma_wait3A_311 = tpu.memref_slice %run_scoped3A_10[%rem3A_307, %dma_wait3A, %dma_wait3A_310] : memref<2x512x64xf32, #tpu.memory_space<vmem>> -> memref<1x512x64xf32, #tpu.memory_space<vmem>>
      %dma_wait3A_312 = tpu.memref_squeeze %dma_wait3A_311 : memref<1x512x64xf32, #tpu.memory_space<vmem>> -> memref<512x64xf32, #tpu.memory_space<vmem>>
      %dma_wait3A_313 = arith.constant 0 : i32
      %dma_wait3A_314 = tpu.memref_slice %arg4[%mul3A_309, %dma_wait3A_313] : memref<491520x64xf32, #tpu.memory_space<hbm>> -> memref<512x64xf32, #tpu.memory_space<hbm>>
      %dma_wait3A_315 = tpu.memref_slice %run_scoped3A_11[%rem3A_307] : memref<2x!tpu.dma_semaphore, #tpu.memory_space<semaphore_mem>> -> memref<1x!tpu.dma_semaphore, #tpu.memory_space<semaphore_mem>>
      %dma_wait3A_316 = tpu.memref_squeeze %dma_wait3A_315 : memref<1x!tpu.dma_semaphore, #tpu.memory_space<semaphore_mem>> -> memref<!tpu.dma_semaphore, #tpu.memory_space<semaphore_mem>>
      %dma_wait3A_317 = arith.constant 0 : i32
      %dma_wait3A_318 = tpu.memref_slice %arg4[%mul3A_309, %dma_wait3A_317] : memref<491520x64xf32, #tpu.memory_space<hbm>> -> memref<512x64xf32, #tpu.memory_space<hbm>>
      %dma_wait3A_319 = arith.constant 0 : i32
      %dma_wait3A_320 = arith.constant 0 : i32
      %dma_wait3A_321 = tpu.memref_slice %run_scoped3A_10[%rem3A_307, %dma_wait3A_319, %dma_wait3A_320] : memref<2x512x64xf32, #tpu.memory_space<vmem>> -> memref<1x512x64xf32, #tpu.memory_space<vmem>>
      %dma_wait3A_322 = tpu.memref_squeeze %dma_wait3A_321 : memref<1x512x64xf32, #tpu.memory_space<vmem>> -> memref<512x64xf32, #tpu.memory_space<vmem>>
      tpu.wait_dma2 semaphore(%dma_wait3A_316 : memref<!tpu.dma_semaphore, #tpu.memory_space<semaphore_mem>>) src(%dma_wait3A_322 : memref<512x64xf32, #tpu.memory_space<vmem>>) dst(%dma_wait3A_318 : memref<512x64xf32, #tpu.memory_space<hbm>>)
      "tpu.trace_stop"() : () -> ()
      tpu.yield
    }) : () -> ()
    return
  }
}

#map = affine_map<(d0, d1) -> (0, 0)>
module attributes {stable_mosaic.version = 14 : i64} {
  func.func @kern(%arg0: i32, %arg1: i32, %arg2: memref<1015808x64xf32, #tpu.memory_space<hbm>>, %arg3: memref<1x819200xi32, #tpu.memory_space<hbm>>, %arg4: memref<327680x64xf32, #tpu.memory_space<hbm>>, %arg5: memref<512xi32, #tpu.memory_space<vmem>>) attributes {dimension_semantics = [#tpu.dimension_semantics<core_parallel>, #tpu.dimension_semantics<subcore_parallel>], iteration_bounds = array<i64: 2, 16>, scalar_prefetch = 0 : i64, scratch_operands = 1 : i64, tpu.core_type = #tpu.core_type<sc_vector_subcore>, window_params = [{transform_indices = #map}, {transform_indices = #map}, {transform_indices = #map}]} {
    %mul3A = arith.constant 1 : i32
    %mul3A_0 = arith.muli %arg1, %mul3A : i32
    %add3A = arith.constant 0 : i32
    %add3A_1 = arith.addi %add3A, %mul3A_0 : i32
    %mul3A_2 = arith.constant 16 : i32
    %mul3A_3 = arith.muli %arg0, %mul3A_2 : i32
    %add3A_4 = arith.addi %add3A_1, %mul3A_3 : i32
    %mul3A_5 = arith.constant 20 : i32
    %mul3A_6 = arith.muli %add3A_4, %mul3A_5 : i32
    "tpu.region"() ({
      %run_scoped3A = memref.alloca() : memref<2x1x256xi32, #tpu.memory_space<vmem>>
      %run_scoped3A_7 = tpu.sem_alloc : memref<2x!tpu.dma_semaphore, #tpu.memory_space<semaphore_mem>>
      %run_scoped3A_8 = memref.alloca() : memref<2x1x256xi32, #tpu.memory_space<vmem>>
      %run_scoped3A_9 = tpu.sem_alloc : memref<2x!tpu.dma_semaphore, #tpu.memory_space<semaphore_mem>>
      %run_scoped3A_10 = memref.alloca() : memref<2x512x64xf32, #tpu.memory_space<vmem>>
      %run_scoped3A_11 = tpu.sem_alloc : memref<2x!tpu.dma_semaphore, #tpu.memory_space<semaphore_mem>>
      %add3A_12 = arith.constant 0 : i32
      %add3A_13 = arith.addi %add3A_12, %mul3A_6 : i32
      %select_n3A = arith.constant true
      %select_n3A_14 = arith.constant 0 : i32
      %select_n3A_15 = arith.constant -1 : i32
      %select_n3A_16 = arith.select %select_n3A, %select_n3A_15, %select_n3A_14 : i32
      %eq3A = arith.constant -1 : i32
      %eq3A_17 = arith.cmpi eq, %select_n3A_16, %eq3A : i32
      %select_n3A_18 = arith.constant 19 : i32
      %select_n3A_19 = arith.select %eq3A_17, %select_n3A_18, %select_n3A_16 : i32
      %add3A_20 = arith.addi %select_n3A_19, %mul3A_6 : i32
      %select_n3A_21 = arith.constant true
      %select_n3A_22 = arith.constant 0 : i32
      %select_n3A_23 = arith.constant 1 : i32
      %select_n3A_24 = arith.select %select_n3A_21, %select_n3A_23, %select_n3A_22 : i32
      %eq3A_25 = arith.constant 20 : i32
      %eq3A_26 = arith.cmpi eq, %select_n3A_24, %eq3A_25 : i32
      %select_n3A_27 = arith.constant 0 : i32
      %select_n3A_28 = arith.select %eq3A_26, %select_n3A_27, %select_n3A_24 : i32
      %add3A_29 = arith.addi %select_n3A_28, %mul3A_6 : i32
      %add3A_30 = arith.constant 1 : i32
      %add3A_31 = arith.addi %select_n3A_28, %add3A_30 : i32
      %select_n3A_32 = arith.constant true
      %select_n3A_33 = arith.select %select_n3A_32, %add3A_31, %select_n3A_28 : i32
      %eq3A_34 = arith.constant 20 : i32
      %eq3A_35 = arith.cmpi eq, %select_n3A_33, %eq3A_34 : i32
      %select_n3A_36 = arith.constant 0 : i32
      %select_n3A_37 = arith.select %eq3A_35, %select_n3A_36, %select_n3A_33 : i32
      %add3A_38 = arith.addi %select_n3A_37, %mul3A_6 : i32
      "tpu.trace_start"() <{level = 10 : i32, message = "ep_initialize_0"}> : () -> ()
      %rem3A = arith.constant 0 : i32
      %rem3A_39 = arith.constant 2 : i32
      %rem3A_40 = arith.remui %rem3A, %rem3A_39 : i32
      %jit3A = arith.constant 32 : i32
      %eq3A_41 = arith.constant 0 : i32
      %eq3A_42 = arith.cmpi eq, %jit3A, %eq3A_41 : i32
      %jit3A_43 = arith.constant 1 : i32
      %select_n3A_44 = arith.select %eq3A_42, %jit3A_43, %jit3A : i32
      %rem3A_45 = arith.remsi %add3A_13, %select_n3A_44 : i32
      %ne3A = arith.constant 0 : i32
      %ne3A_46 = arith.cmpi ne, %rem3A_45, %ne3A : i32
      %lt3A = arith.constant 0 : i32
      %lt3A_47 = arith.cmpi slt, %rem3A_45, %lt3A : i32
      %lt3A_48 = arith.constant 0 : i32
      %lt3A_49 = arith.cmpi slt, %select_n3A_44, %lt3A_48 : i32
      %ne3A_50 = arith.xori %lt3A_47, %lt3A_49 : i1
      %and3A = arith.andi %ne3A_50, %ne3A_46 : i1
      %add3A_51 = arith.addi %rem3A_45, %select_n3A_44 : i32
      %select_n3A_52 = arith.select %and3A, %add3A_51, %rem3A_45 : i32
      %jit3A_53 = arith.constant 32 : i32
      %div3A = arith.divsi %add3A_13, %jit3A_53 : i32
      %sign3A = arith.constant 0 : i32
      %sign3A_54 = arith.cmpi sgt, %add3A_13, %sign3A : i32
      %sign3A_55 = arith.extui %sign3A_54 : i1 to i32
      %sign3A_56 = arith.constant 0 : i32
      %sign3A_57 = arith.cmpi slt, %add3A_13, %sign3A_56 : i32
      %sign3A_58 = arith.extui %sign3A_57 : i1 to i32
      %sign3A_59 = arith.subi %sign3A_55, %sign3A_58 : i32
      %sign3A_60 = arith.constant 0 : i32
      %sign3A_61 = arith.cmpi sgt, %jit3A_53, %sign3A_60 : i32
      %sign3A_62 = arith.extui %sign3A_61 : i1 to i32
      %sign3A_63 = arith.constant 0 : i32
      %sign3A_64 = arith.cmpi slt, %jit3A_53, %sign3A_63 : i32
      %sign3A_65 = arith.extui %sign3A_64 : i1 to i32
      %sign3A_66 = arith.subi %sign3A_62, %sign3A_65 : i32
      %ne3A_67 = arith.cmpi ne, %sign3A_59, %sign3A_66 : i32
      %rem3A_68 = arith.remsi %add3A_13, %jit3A_53 : i32
      %ne3A_69 = arith.constant 0 : i32
      %ne3A_70 = arith.cmpi ne, %rem3A_68, %ne3A_69 : i32
      %and3A_71 = arith.andi %ne3A_67, %ne3A_70 : i1
      %sub3A = arith.constant 1 : i32
      %sub3A_72 = arith.subi %div3A, %sub3A : i32
      %select_n3A_73 = arith.select %and3A_71, %sub3A_72, %div3A : i32
      %add3A_74 = arith.constant 30 : i32
      %add3A_75 = arith.addi %select_n3A_73, %add3A_74 : i32
      %mul3A_76 = arith.constant 64 : i32
      %mul3A_77 = arith.muli %add3A_75, %mul3A_76 : i32
      %jit3A_78 = arith.constant 32 : i32
      %div3A_79 = arith.divsi %select_n3A_52, %jit3A_78 : i32
      %sign3A_80 = arith.constant 0 : i32
      %sign3A_81 = arith.cmpi sgt, %select_n3A_52, %sign3A_80 : i32
      %sign3A_82 = arith.extui %sign3A_81 : i1 to i32
      %sign3A_83 = arith.constant 0 : i32
      %sign3A_84 = arith.cmpi slt, %select_n3A_52, %sign3A_83 : i32
      %sign3A_85 = arith.extui %sign3A_84 : i1 to i32
      %sign3A_86 = arith.subi %sign3A_82, %sign3A_85 : i32
      %sign3A_87 = arith.constant 0 : i32
      %sign3A_88 = arith.cmpi sgt, %jit3A_78, %sign3A_87 : i32
      %sign3A_89 = arith.extui %sign3A_88 : i1 to i32
      %sign3A_90 = arith.constant 0 : i32
      %sign3A_91 = arith.cmpi slt, %jit3A_78, %sign3A_90 : i32
      %sign3A_92 = arith.extui %sign3A_91 : i1 to i32
      %sign3A_93 = arith.subi %sign3A_89, %sign3A_92 : i32
      %ne3A_94 = arith.cmpi ne, %sign3A_86, %sign3A_93 : i32
      %rem3A_95 = arith.remsi %select_n3A_52, %jit3A_78 : i32
      %ne3A_96 = arith.constant 0 : i32
      %ne3A_97 = arith.cmpi ne, %rem3A_95, %ne3A_96 : i32
      %and3A_98 = arith.andi %ne3A_94, %ne3A_97 : i1
      %sub3A_99 = arith.constant 1 : i32
      %sub3A_100 = arith.subi %div3A_79, %sub3A_99 : i32
      %select_n3A_101 = arith.select %and3A_98, %sub3A_100, %div3A_79 : i32
      %mul3A_102 = arith.constant 64 : i32
      %mul3A_103 = arith.muli %select_n3A_101, %mul3A_102 : i32
      %add3A_104 = arith.addi %mul3A_77, %mul3A_103 : i32
      %jit3A_105 = arith.constant 32 : i32
      %eq3A_106 = arith.constant 0 : i32
      %eq3A_107 = arith.cmpi eq, %jit3A_105, %eq3A_106 : i32
      %jit3A_108 = arith.constant 1 : i32
      %select_n3A_109 = arith.select %eq3A_107, %jit3A_108, %jit3A_105 : i32
      %rem3A_110 = arith.remsi %select_n3A_52, %select_n3A_109 : i32
      %ne3A_111 = arith.constant 0 : i32
      %ne3A_112 = arith.cmpi ne, %rem3A_110, %ne3A_111 : i32
      %lt3A_113 = arith.constant 0 : i32
      %lt3A_114 = arith.cmpi slt, %rem3A_110, %lt3A_113 : i32
      %lt3A_115 = arith.constant 0 : i32
      %lt3A_116 = arith.cmpi slt, %select_n3A_109, %lt3A_115 : i32
      %ne3A_117 = arith.xori %lt3A_114, %lt3A_116 : i1
      %and3A_118 = arith.andi %ne3A_117, %ne3A_112 : i1
      %add3A_119 = arith.addi %rem3A_110, %select_n3A_109 : i32
      %select_n3A_120 = arith.select %and3A_118, %add3A_119, %rem3A_110 : i32
      %add3A_121 = arith.addi %add3A_104, %select_n3A_120 : i32
      %add3A_122 = arith.constant 0 : i32
      %add3A_123 = arith.addi %add3A_121, %add3A_122 : i32
      %mul3A_124 = arith.constant 256 : i32
      %mul3A_125 = arith.muli %mul3A_124, %add3A_123 : i32
      %dma_start3A = arith.constant 0 : i32
      %dma_start3A_126 = arith.constant 0 : i32
      %dma_start3A_127 = tpu.memref_slice %run_scoped3A[%rem3A_40, %dma_start3A, %dma_start3A_126] : memref<2x1x256xi32, #tpu.memory_space<vmem>> -> memref<1x1x256xi32, #tpu.memory_space<vmem>>
      %dma_start3A_128 = tpu.memref_squeeze %dma_start3A_127 : memref<1x1x256xi32, #tpu.memory_space<vmem>> -> memref<1x256xi32, #tpu.memory_space<vmem>>
      %dma_start3A_129 = arith.constant 0 : i32
      %dma_start3A_130 = tpu.memref_slice %arg3[%dma_start3A_129, %mul3A_125] : memref<1x819200xi32, #tpu.memory_space<hbm>> -> memref<1x256xi32, #tpu.memory_space<hbm>>
      %dma_start3A_131 = tpu.memref_slice %run_scoped3A_7[%rem3A_40] : memref<2x!tpu.dma_semaphore, #tpu.memory_space<semaphore_mem>> -> memref<1x!tpu.dma_semaphore, #tpu.memory_space<semaphore_mem>>
      %dma_start3A_132 = tpu.memref_squeeze %dma_start3A_131 : memref<1x!tpu.dma_semaphore, #tpu.memory_space<semaphore_mem>> -> memref<!tpu.dma_semaphore, #tpu.memory_space<semaphore_mem>>
      %dma_start3A_133 = arith.constant 0 : i32
      %dma_start3A_134 = arith.constant 0 : i32
      %dma_start3A_135 = tpu.memref_slice %run_scoped3A[%rem3A_40, %dma_start3A_133, %dma_start3A_134] : memref<2x1x256xi32, #tpu.memory_space<vmem>> -> memref<1x1x256xi32, #tpu.memory_space<vmem>>
      %dma_start3A_136 = tpu.memref_squeeze %dma_start3A_135 : memref<1x1x256xi32, #tpu.memory_space<vmem>> -> memref<1x256xi32, #tpu.memory_space<vmem>>
      %dma_start3A_137 = arith.constant 0 : i32
      %dma_start3A_138 = tpu.memref_slice %arg3[%dma_start3A_137, %mul3A_125] : memref<1x819200xi32, #tpu.memory_space<hbm>> -> memref<1x256xi32, #tpu.memory_space<hbm>>
      tpu.enqueue_dma source(%dma_start3A_138 : memref<1x256xi32, #tpu.memory_space<hbm>>) target(%dma_start3A_136 : memref<1x256xi32, #tpu.memory_space<vmem>>) target_semaphore(%dma_start3A_132 : memref<!tpu.dma_semaphore, #tpu.memory_space<semaphore_mem>>)
      %add3A_139 = arith.constant 0 : i32
      %add3A_140 = arith.constant 1 : i32
      %add3A_141 = arith.addi %add3A_139, %add3A_140 : i32
      %select_n3A_142 = arith.constant true
      %select_n3A_143 = arith.constant 0 : i32
      %select_n3A_144 = arith.select %select_n3A_142, %add3A_141, %select_n3A_143 : i32
      %rem3A_145 = arith.constant 0 : i32
      %rem3A_146 = arith.constant 2 : i32
      %rem3A_147 = arith.remui %rem3A_145, %rem3A_146 : i32
      %jit3A_148 = arith.constant 32 : i32
      %eq3A_149 = arith.constant 0 : i32
      %eq3A_150 = arith.cmpi eq, %jit3A_148, %eq3A_149 : i32
      %jit3A_151 = arith.constant 1 : i32
      %select_n3A_152 = arith.select %eq3A_150, %jit3A_151, %jit3A_148 : i32
      %rem3A_153 = arith.remsi %add3A_13, %select_n3A_152 : i32
      %ne3A_154 = arith.constant 0 : i32
      %ne3A_155 = arith.cmpi ne, %rem3A_153, %ne3A_154 : i32
      %lt3A_156 = arith.constant 0 : i32
      %lt3A_157 = arith.cmpi slt, %rem3A_153, %lt3A_156 : i32
      %lt3A_158 = arith.constant 0 : i32
      %lt3A_159 = arith.cmpi slt, %select_n3A_152, %lt3A_158 : i32
      %ne3A_160 = arith.xori %lt3A_157, %lt3A_159 : i1
      %and3A_161 = arith.andi %ne3A_160, %ne3A_155 : i1
      %add3A_162 = arith.addi %rem3A_153, %select_n3A_152 : i32
      %select_n3A_163 = arith.select %and3A_161, %add3A_162, %rem3A_153 : i32
      %jit3A_164 = arith.constant 32 : i32
      %div3A_165 = arith.divsi %add3A_13, %jit3A_164 : i32
      %sign3A_166 = arith.constant 0 : i32
      %sign3A_167 = arith.cmpi sgt, %add3A_13, %sign3A_166 : i32
      %sign3A_168 = arith.extui %sign3A_167 : i1 to i32
      %sign3A_169 = arith.constant 0 : i32
      %sign3A_170 = arith.cmpi slt, %add3A_13, %sign3A_169 : i32
      %sign3A_171 = arith.extui %sign3A_170 : i1 to i32
      %sign3A_172 = arith.subi %sign3A_168, %sign3A_171 : i32
      %sign3A_173 = arith.constant 0 : i32
      %sign3A_174 = arith.cmpi sgt, %jit3A_164, %sign3A_173 : i32
      %sign3A_175 = arith.extui %sign3A_174 : i1 to i32
      %sign3A_176 = arith.constant 0 : i32
      %sign3A_177 = arith.cmpi slt, %jit3A_164, %sign3A_176 : i32
      %sign3A_178 = arith.extui %sign3A_177 : i1 to i32
      %sign3A_179 = arith.subi %sign3A_175, %sign3A_178 : i32
      %ne3A_180 = arith.cmpi ne, %sign3A_172, %sign3A_179 : i32
      %rem3A_181 = arith.remsi %add3A_13, %jit3A_164 : i32
      %ne3A_182 = arith.constant 0 : i32
      %ne3A_183 = arith.cmpi ne, %rem3A_181, %ne3A_182 : i32
      %and3A_184 = arith.andi %ne3A_180, %ne3A_183 : i1
      %sub3A_185 = arith.constant 1 : i32
      %sub3A_186 = arith.subi %div3A_165, %sub3A_185 : i32
      %select_n3A_187 = arith.select %and3A_184, %sub3A_186, %div3A_165 : i32
      %add3A_188 = arith.constant 30 : i32
      %add3A_189 = arith.addi %select_n3A_187, %add3A_188 : i32
      %mul3A_190 = arith.constant 64 : i32
      %mul3A_191 = arith.muli %add3A_189, %mul3A_190 : i32
      %jit3A_192 = arith.constant 32 : i32
      %div3A_193 = arith.divsi %select_n3A_163, %jit3A_192 : i32
      %sign3A_194 = arith.constant 0 : i32
      %sign3A_195 = arith.cmpi sgt, %select_n3A_163, %sign3A_194 : i32
      %sign3A_196 = arith.extui %sign3A_195 : i1 to i32
      %sign3A_197 = arith.constant 0 : i32
      %sign3A_198 = arith.cmpi slt, %select_n3A_163, %sign3A_197 : i32
      %sign3A_199 = arith.extui %sign3A_198 : i1 to i32
      %sign3A_200 = arith.subi %sign3A_196, %sign3A_199 : i32
      %sign3A_201 = arith.constant 0 : i32
      %sign3A_202 = arith.cmpi sgt, %jit3A_192, %sign3A_201 : i32
      %sign3A_203 = arith.extui %sign3A_202 : i1 to i32
      %sign3A_204 = arith.constant 0 : i32
      %sign3A_205 = arith.cmpi slt, %jit3A_192, %sign3A_204 : i32
      %sign3A_206 = arith.extui %sign3A_205 : i1 to i32
      %sign3A_207 = arith.subi %sign3A_203, %sign3A_206 : i32
      %ne3A_208 = arith.cmpi ne, %sign3A_200, %sign3A_207 : i32
      %rem3A_209 = arith.remsi %select_n3A_163, %jit3A_192 : i32
      %ne3A_210 = arith.constant 0 : i32
      %ne3A_211 = arith.cmpi ne, %rem3A_209, %ne3A_210 : i32
      %and3A_212 = arith.andi %ne3A_208, %ne3A_211 : i1
      %sub3A_213 = arith.constant 1 : i32
      %sub3A_214 = arith.subi %div3A_193, %sub3A_213 : i32
      %select_n3A_215 = arith.select %and3A_212, %sub3A_214, %div3A_193 : i32
      %mul3A_216 = arith.constant 64 : i32
      %mul3A_217 = arith.muli %select_n3A_215, %mul3A_216 : i32
      %add3A_218 = arith.addi %mul3A_191, %mul3A_217 : i32
      %jit3A_219 = arith.constant 32 : i32
      %eq3A_220 = arith.constant 0 : i32
      %eq3A_221 = arith.cmpi eq, %jit3A_219, %eq3A_220 : i32
      %jit3A_222 = arith.constant 1 : i32
      %select_n3A_223 = arith.select %eq3A_221, %jit3A_222, %jit3A_219 : i32
      %rem3A_224 = arith.remsi %select_n3A_163, %select_n3A_223 : i32
      %ne3A_225 = arith.constant 0 : i32
      %ne3A_226 = arith.cmpi ne, %rem3A_224, %ne3A_225 : i32
      %lt3A_227 = arith.constant 0 : i32
      %lt3A_228 = arith.cmpi slt, %rem3A_224, %lt3A_227 : i32
      %lt3A_229 = arith.constant 0 : i32
      %lt3A_230 = arith.cmpi slt, %select_n3A_223, %lt3A_229 : i32
      %ne3A_231 = arith.xori %lt3A_228, %lt3A_230 : i1
      %and3A_232 = arith.andi %ne3A_231, %ne3A_226 : i1
      %add3A_233 = arith.addi %rem3A_224, %select_n3A_223 : i32
      %select_n3A_234 = arith.select %and3A_232, %add3A_233, %rem3A_224 : i32
      %add3A_235 = arith.addi %add3A_218, %select_n3A_234 : i32
      %add3A_236 = arith.constant 32 : i32
      %add3A_237 = arith.addi %add3A_235, %add3A_236 : i32
      %mul3A_238 = arith.constant 256 : i32
      %mul3A_239 = arith.muli %mul3A_238, %add3A_237 : i32
      %dma_start3A_240 = arith.constant 0 : i32
      %dma_start3A_241 = arith.constant 0 : i32
      %dma_start3A_242 = tpu.memref_slice %run_scoped3A_8[%rem3A_147, %dma_start3A_240, %dma_start3A_241] : memref<2x1x256xi32, #tpu.memory_space<vmem>> -> memref<1x1x256xi32, #tpu.memory_space<vmem>>
      %dma_start3A_243 = tpu.memref_squeeze %dma_start3A_242 : memref<1x1x256xi32, #tpu.memory_space<vmem>> -> memref<1x256xi32, #tpu.memory_space<vmem>>
      %dma_start3A_244 = arith.constant 0 : i32
      %dma_start3A_245 = tpu.memref_slice %arg3[%dma_start3A_244, %mul3A_239] : memref<1x819200xi32, #tpu.memory_space<hbm>> -> memref<1x256xi32, #tpu.memory_space<hbm>>
      %dma_start3A_246 = tpu.memref_slice %run_scoped3A_9[%rem3A_147] : memref<2x!tpu.dma_semaphore, #tpu.memory_space<semaphore_mem>> -> memref<1x!tpu.dma_semaphore, #tpu.memory_space<semaphore_mem>>
      %dma_start3A_247 = tpu.memref_squeeze %dma_start3A_246 : memref<1x!tpu.dma_semaphore, #tpu.memory_space<semaphore_mem>> -> memref<!tpu.dma_semaphore, #tpu.memory_space<semaphore_mem>>
      %dma_start3A_248 = arith.constant 0 : i32
      %dma_start3A_249 = arith.constant 0 : i32
      %dma_start3A_250 = tpu.memref_slice %run_scoped3A_8[%rem3A_147, %dma_start3A_248, %dma_start3A_249] : memref<2x1x256xi32, #tpu.memory_space<vmem>> -> memref<1x1x256xi32, #tpu.memory_space<vmem>>
      %dma_start3A_251 = tpu.memref_squeeze %dma_start3A_250 : memref<1x1x256xi32, #tpu.memory_space<vmem>> -> memref<1x256xi32, #tpu.memory_space<vmem>>
      %dma_start3A_252 = arith.constant 0 : i32
      %dma_start3A_253 = tpu.memref_slice %arg3[%dma_start3A_252, %mul3A_239] : memref<1x819200xi32, #tpu.memory_space<hbm>> -> memref<1x256xi32, #tpu.memory_space<hbm>>
      tpu.enqueue_dma source(%dma_start3A_253 : memref<1x256xi32, #tpu.memory_space<hbm>>) target(%dma_start3A_251 : memref<1x256xi32, #tpu.memory_space<vmem>>) target_semaphore(%dma_start3A_247 : memref<!tpu.dma_semaphore, #tpu.memory_space<semaphore_mem>>)
      %add3A_254 = arith.constant 0 : i32
      %add3A_255 = arith.constant 1 : i32
      %add3A_256 = arith.addi %add3A_254, %add3A_255 : i32
      %select_n3A_257 = arith.constant true
      %select_n3A_258 = arith.constant 0 : i32
      %select_n3A_259 = arith.select %select_n3A_257, %add3A_256, %select_n3A_258 : i32
      "tpu.trace_stop"() : () -> ()
      %scan3A = arith.constant 0 : i32
      %scan3A_260 = arith.constant 0 : i32
      %scan3A_261 = arith.constant 0 : i32
      %scan3A_262 = arith.constant 0 : i32
      %scan3A_263 = arith.constant 0 : i32
      %scan3A_264 = arith.constant 0 : i32
      %scan3A_265 = arith.constant 20 : i32
      %scan3A_266 = arith.addi %scan3A_264, %scan3A_265 : i32
      %scan3A_267 = arith.constant 1 : i32
      %scan3A_268:7 = scf.for %scan3A_323 = %scan3A_264 to %scan3A_266 step %scan3A_267 iter_args(%scan3A_324 = %select_n3A_144, %scan3A_325 = %scan3A, %scan3A_326 = %select_n3A_259, %scan3A_327 = %scan3A_260, %scan3A_328 = %scan3A_261, %scan3A_329 = %scan3A_262, %scan3A_330 = %scan3A_263) -> (i32, i32, i32, i32, i32, i32, i32)  : i32 {
        %eq3A_331 = arith.constant 0 : i32
        %eq3A_332 = arith.cmpi eq, %scan3A_323, %eq3A_331 : i32
        %eq3A_333 = arith.constant 19 : i32
        %eq3A_334 = arith.cmpi eq, %scan3A_323, %eq3A_333 : i32
        %add3A_335 = arith.addi %scan3A_330, %mul3A_6 : i32
        %sub3A_336 = arith.constant 1 : i32
        %sub3A_337 = arith.subi %scan3A_330, %sub3A_336 : i32
        %select_n3A_338 = arith.constant true
        %select_n3A_339 = arith.select %select_n3A_338, %sub3A_337, %scan3A_330 : i32
        %eq3A_340 = arith.constant -1 : i32
        %eq3A_341 = arith.cmpi eq, %select_n3A_339, %eq3A_340 : i32
        %select_n3A_342 = arith.constant 19 : i32
        %select_n3A_343 = arith.select %eq3A_341, %select_n3A_342, %select_n3A_339 : i32
        %add3A_344 = arith.addi %select_n3A_343, %mul3A_6 : i32
        %add3A_345 = arith.constant 1 : i32
        %add3A_346 = arith.addi %scan3A_330, %add3A_345 : i32
        %select_n3A_347 = arith.constant true
        %select_n3A_348 = arith.select %select_n3A_347, %add3A_346, %scan3A_330 : i32
        %eq3A_349 = arith.constant 20 : i32
        %eq3A_350 = arith.cmpi eq, %select_n3A_348, %eq3A_349 : i32
        %select_n3A_351 = arith.constant 0 : i32
        %select_n3A_352 = arith.select %eq3A_350, %select_n3A_351, %select_n3A_348 : i32
        %add3A_353 = arith.addi %select_n3A_352, %mul3A_6 : i32
        %add3A_354 = arith.constant 1 : i32
        %add3A_355 = arith.addi %select_n3A_352, %add3A_354 : i32
        %select_n3A_356 = arith.constant true
        %select_n3A_357 = arith.select %select_n3A_356, %add3A_355, %select_n3A_352 : i32
        %eq3A_358 = arith.constant 20 : i32
        %eq3A_359 = arith.cmpi eq, %select_n3A_357, %eq3A_358 : i32
        %select_n3A_360 = arith.constant 0 : i32
        %select_n3A_361 = arith.select %eq3A_359, %select_n3A_360, %select_n3A_357 : i32
        %add3A_362 = arith.addi %select_n3A_361, %mul3A_6 : i32
        %jit3A_363 = arith.constant 32 : i32
        %eq3A_364 = arith.constant 0 : i32
        %eq3A_365 = arith.cmpi eq, %jit3A_363, %eq3A_364 : i32
        %jit3A_366 = arith.constant 1 : i32
        %select_n3A_367 = arith.select %eq3A_365, %jit3A_366, %jit3A_363 : i32
        %rem3A_368 = arith.remsi %add3A_335, %select_n3A_367 : i32
        %ne3A_369 = arith.constant 0 : i32
        %ne3A_370 = arith.cmpi ne, %rem3A_368, %ne3A_369 : i32
        %lt3A_371 = arith.constant 0 : i32
        %lt3A_372 = arith.cmpi slt, %rem3A_368, %lt3A_371 : i32
        %lt3A_373 = arith.constant 0 : i32
        %lt3A_374 = arith.cmpi slt, %select_n3A_367, %lt3A_373 : i32
        %ne3A_375 = arith.xori %lt3A_372, %lt3A_374 : i1
        %and3A_376 = arith.andi %ne3A_375, %ne3A_370 : i1
        %add3A_377 = arith.addi %rem3A_368, %select_n3A_367 : i32
        %select_n3A_378 = arith.select %and3A_376, %add3A_377, %rem3A_368 : i32
        %jit3A_379 = arith.constant 32 : i32
        %div3A_380 = arith.divsi %add3A_335, %jit3A_379 : i32
        %sign3A_381 = arith.constant 0 : i32
        %sign3A_382 = arith.cmpi sgt, %add3A_335, %sign3A_381 : i32
        %sign3A_383 = arith.extui %sign3A_382 : i1 to i32
        %sign3A_384 = arith.constant 0 : i32
        %sign3A_385 = arith.cmpi slt, %add3A_335, %sign3A_384 : i32
        %sign3A_386 = arith.extui %sign3A_385 : i1 to i32
        %sign3A_387 = arith.subi %sign3A_383, %sign3A_386 : i32
        %sign3A_388 = arith.constant 0 : i32
        %sign3A_389 = arith.cmpi sgt, %jit3A_379, %sign3A_388 : i32
        %sign3A_390 = arith.extui %sign3A_389 : i1 to i32
        %sign3A_391 = arith.constant 0 : i32
        %sign3A_392 = arith.cmpi slt, %jit3A_379, %sign3A_391 : i32
        %sign3A_393 = arith.extui %sign3A_392 : i1 to i32
        %sign3A_394 = arith.subi %sign3A_390, %sign3A_393 : i32
        %ne3A_395 = arith.cmpi ne, %sign3A_387, %sign3A_394 : i32
        %rem3A_396 = arith.remsi %add3A_335, %jit3A_379 : i32
        %ne3A_397 = arith.constant 0 : i32
        %ne3A_398 = arith.cmpi ne, %rem3A_396, %ne3A_397 : i32
        %and3A_399 = arith.andi %ne3A_395, %ne3A_398 : i1
        %sub3A_400 = arith.constant 1 : i32
        %sub3A_401 = arith.subi %div3A_380, %sub3A_400 : i32
        %select_n3A_402 = arith.select %and3A_399, %sub3A_401, %div3A_380 : i32
        %add3A_403 = arith.constant 30 : i32
        %add3A_404 = arith.addi %select_n3A_402, %add3A_403 : i32
        %mul3A_405 = arith.constant 64 : i32
        %mul3A_406 = arith.muli %add3A_404, %mul3A_405 : i32
        %jit3A_407 = arith.constant 32 : i32
        %div3A_408 = arith.divsi %select_n3A_378, %jit3A_407 : i32
        %sign3A_409 = arith.constant 0 : i32
        %sign3A_410 = arith.cmpi sgt, %select_n3A_378, %sign3A_409 : i32
        %sign3A_411 = arith.extui %sign3A_410 : i1 to i32
        %sign3A_412 = arith.constant 0 : i32
        %sign3A_413 = arith.cmpi slt, %select_n3A_378, %sign3A_412 : i32
        %sign3A_414 = arith.extui %sign3A_413 : i1 to i32
        %sign3A_415 = arith.subi %sign3A_411, %sign3A_414 : i32
        %sign3A_416 = arith.constant 0 : i32
        %sign3A_417 = arith.cmpi sgt, %jit3A_407, %sign3A_416 : i32
        %sign3A_418 = arith.extui %sign3A_417 : i1 to i32
        %sign3A_419 = arith.constant 0 : i32
        %sign3A_420 = arith.cmpi slt, %jit3A_407, %sign3A_419 : i32
        %sign3A_421 = arith.extui %sign3A_420 : i1 to i32
        %sign3A_422 = arith.subi %sign3A_418, %sign3A_421 : i32
        %ne3A_423 = arith.cmpi ne, %sign3A_415, %sign3A_422 : i32
        %rem3A_424 = arith.remsi %select_n3A_378, %jit3A_407 : i32
        %ne3A_425 = arith.constant 0 : i32
        %ne3A_426 = arith.cmpi ne, %rem3A_424, %ne3A_425 : i32
        %and3A_427 = arith.andi %ne3A_423, %ne3A_426 : i1
        %sub3A_428 = arith.constant 1 : i32
        %sub3A_429 = arith.subi %div3A_408, %sub3A_428 : i32
        %select_n3A_430 = arith.select %and3A_427, %sub3A_429, %div3A_408 : i32
        %mul3A_431 = arith.constant 64 : i32
        %mul3A_432 = arith.muli %select_n3A_430, %mul3A_431 : i32
        %add3A_433 = arith.addi %mul3A_406, %mul3A_432 : i32
        %jit3A_434 = arith.constant 32 : i32
        %eq3A_435 = arith.constant 0 : i32
        %eq3A_436 = arith.cmpi eq, %jit3A_434, %eq3A_435 : i32
        %jit3A_437 = arith.constant 1 : i32
        %select_n3A_438 = arith.select %eq3A_436, %jit3A_437, %jit3A_434 : i32
        %rem3A_439 = arith.remsi %select_n3A_378, %select_n3A_438 : i32
        %ne3A_440 = arith.constant 0 : i32
        %ne3A_441 = arith.cmpi ne, %rem3A_439, %ne3A_440 : i32
        %lt3A_442 = arith.constant 0 : i32
        %lt3A_443 = arith.cmpi slt, %rem3A_439, %lt3A_442 : i32
        %lt3A_444 = arith.constant 0 : i32
        %lt3A_445 = arith.cmpi slt, %select_n3A_438, %lt3A_444 : i32
        %ne3A_446 = arith.xori %lt3A_443, %lt3A_445 : i1
        %and3A_447 = arith.andi %ne3A_446, %ne3A_441 : i1
        %add3A_448 = arith.addi %rem3A_439, %select_n3A_438 : i32
        %select_n3A_449 = arith.select %and3A_447, %add3A_448, %rem3A_439 : i32
        %add3A_450 = arith.addi %add3A_433, %select_n3A_449 : i32
        %add3A_451 = arith.constant 0 : i32
        %add3A_452 = arith.addi %add3A_450, %add3A_451 : i32
        %jit3A_453 = arith.constant 32 : i32
        %eq3A_454 = arith.constant 0 : i32
        %eq3A_455 = arith.cmpi eq, %jit3A_453, %eq3A_454 : i32
        %jit3A_456 = arith.constant 1 : i32
        %select_n3A_457 = arith.select %eq3A_455, %jit3A_456, %jit3A_453 : i32
        %rem3A_458 = arith.remsi %add3A_353, %select_n3A_457 : i32
        %ne3A_459 = arith.constant 0 : i32
        %ne3A_460 = arith.cmpi ne, %rem3A_458, %ne3A_459 : i32
        %lt3A_461 = arith.constant 0 : i32
        %lt3A_462 = arith.cmpi slt, %rem3A_458, %lt3A_461 : i32
        %lt3A_463 = arith.constant 0 : i32
        %lt3A_464 = arith.cmpi slt, %select_n3A_457, %lt3A_463 : i32
        %ne3A_465 = arith.xori %lt3A_462, %lt3A_464 : i1
        %and3A_466 = arith.andi %ne3A_465, %ne3A_460 : i1
        %add3A_467 = arith.addi %rem3A_458, %select_n3A_457 : i32
        %select_n3A_468 = arith.select %and3A_466, %add3A_467, %rem3A_458 : i32
        %jit3A_469 = arith.constant 32 : i32
        %div3A_470 = arith.divsi %add3A_353, %jit3A_469 : i32
        %sign3A_471 = arith.constant 0 : i32
        %sign3A_472 = arith.cmpi sgt, %add3A_353, %sign3A_471 : i32
        %sign3A_473 = arith.extui %sign3A_472 : i1 to i32
        %sign3A_474 = arith.constant 0 : i32
        %sign3A_475 = arith.cmpi slt, %add3A_353, %sign3A_474 : i32
        %sign3A_476 = arith.extui %sign3A_475 : i1 to i32
        %sign3A_477 = arith.subi %sign3A_473, %sign3A_476 : i32
        %sign3A_478 = arith.constant 0 : i32
        %sign3A_479 = arith.cmpi sgt, %jit3A_469, %sign3A_478 : i32
        %sign3A_480 = arith.extui %sign3A_479 : i1 to i32
        %sign3A_481 = arith.constant 0 : i32
        %sign3A_482 = arith.cmpi slt, %jit3A_469, %sign3A_481 : i32
        %sign3A_483 = arith.extui %sign3A_482 : i1 to i32
        %sign3A_484 = arith.subi %sign3A_480, %sign3A_483 : i32
        %ne3A_485 = arith.cmpi ne, %sign3A_477, %sign3A_484 : i32
        %rem3A_486 = arith.remsi %add3A_353, %jit3A_469 : i32
        %ne3A_487 = arith.constant 0 : i32
        %ne3A_488 = arith.cmpi ne, %rem3A_486, %ne3A_487 : i32
        %and3A_489 = arith.andi %ne3A_485, %ne3A_488 : i1
        %sub3A_490 = arith.constant 1 : i32
        %sub3A_491 = arith.subi %div3A_470, %sub3A_490 : i32
        %select_n3A_492 = arith.select %and3A_489, %sub3A_491, %div3A_470 : i32
        %add3A_493 = arith.constant 30 : i32
        %add3A_494 = arith.addi %select_n3A_492, %add3A_493 : i32
        %mul3A_495 = arith.constant 64 : i32
        %mul3A_496 = arith.muli %add3A_494, %mul3A_495 : i32
        %jit3A_497 = arith.constant 32 : i32
        %div3A_498 = arith.divsi %select_n3A_468, %jit3A_497 : i32
        %sign3A_499 = arith.constant 0 : i32
        %sign3A_500 = arith.cmpi sgt, %select_n3A_468, %sign3A_499 : i32
        %sign3A_501 = arith.extui %sign3A_500 : i1 to i32
        %sign3A_502 = arith.constant 0 : i32
        %sign3A_503 = arith.cmpi slt, %select_n3A_468, %sign3A_502 : i32
        %sign3A_504 = arith.extui %sign3A_503 : i1 to i32
        %sign3A_505 = arith.subi %sign3A_501, %sign3A_504 : i32
        %sign3A_506 = arith.constant 0 : i32
        %sign3A_507 = arith.cmpi sgt, %jit3A_497, %sign3A_506 : i32
        %sign3A_508 = arith.extui %sign3A_507 : i1 to i32
        %sign3A_509 = arith.constant 0 : i32
        %sign3A_510 = arith.cmpi slt, %jit3A_497, %sign3A_509 : i32
        %sign3A_511 = arith.extui %sign3A_510 : i1 to i32
        %sign3A_512 = arith.subi %sign3A_508, %sign3A_511 : i32
        %ne3A_513 = arith.cmpi ne, %sign3A_505, %sign3A_512 : i32
        %rem3A_514 = arith.remsi %select_n3A_468, %jit3A_497 : i32
        %ne3A_515 = arith.constant 0 : i32
        %ne3A_516 = arith.cmpi ne, %rem3A_514, %ne3A_515 : i32
        %and3A_517 = arith.andi %ne3A_513, %ne3A_516 : i1
        %sub3A_518 = arith.constant 1 : i32
        %sub3A_519 = arith.subi %div3A_498, %sub3A_518 : i32
        %select_n3A_520 = arith.select %and3A_517, %sub3A_519, %div3A_498 : i32
        %mul3A_521 = arith.constant 64 : i32
        %mul3A_522 = arith.muli %select_n3A_520, %mul3A_521 : i32
        %add3A_523 = arith.addi %mul3A_496, %mul3A_522 : i32
        %jit3A_524 = arith.constant 32 : i32
        %eq3A_525 = arith.constant 0 : i32
        %eq3A_526 = arith.cmpi eq, %jit3A_524, %eq3A_525 : i32
        %jit3A_527 = arith.constant 1 : i32
        %select_n3A_528 = arith.select %eq3A_526, %jit3A_527, %jit3A_524 : i32
        %rem3A_529 = arith.remsi %select_n3A_468, %select_n3A_528 : i32
        %ne3A_530 = arith.constant 0 : i32
        %ne3A_531 = arith.cmpi ne, %rem3A_529, %ne3A_530 : i32
        %lt3A_532 = arith.constant 0 : i32
        %lt3A_533 = arith.cmpi slt, %rem3A_529, %lt3A_532 : i32
        %lt3A_534 = arith.constant 0 : i32
        %lt3A_535 = arith.cmpi slt, %select_n3A_528, %lt3A_534 : i32
        %ne3A_536 = arith.xori %lt3A_533, %lt3A_535 : i1
        %and3A_537 = arith.andi %ne3A_536, %ne3A_531 : i1
        %add3A_538 = arith.addi %rem3A_529, %select_n3A_528 : i32
        %select_n3A_539 = arith.select %and3A_537, %add3A_538, %rem3A_529 : i32
        %add3A_540 = arith.addi %add3A_523, %select_n3A_539 : i32
        %add3A_541 = arith.constant 0 : i32
        %add3A_542 = arith.addi %add3A_540, %add3A_541 : i32
        %ne3A_543 = arith.cmpi ne, %add3A_452, %add3A_542 : i32
        %or3A = arith.constant false
        %or3A_544 = arith.ori %or3A, %ne3A_543 : i1
        %ge3A = arith.constant 19 : i32
        %ge3A_545 = arith.cmpi sge, %scan3A_323, %ge3A : i32
        %not3A = arith.constant true
        %not3A_546 = arith.xori %ge3A_545, %not3A : i1
        %and3A_547 = arith.andi %or3A_544, %not3A_546 : i1
        %convert_element_type3A = arith.extui %and3A_547 : i1 to i32
        %cond3A = arith.constant 0 : i32
        %cond3A_548 = arith.cmpi ne, %convert_element_type3A, %cond3A : i32
        scf.if %cond3A_548 {
          "tpu.trace_start"() <{level = 10 : i32, message = "ep_copy_in"}> : () -> ()
          %rem3A_2735 = arith.constant 2 : i32
          %rem3A_2736 = arith.remui %scan3A_324, %rem3A_2735 : i32
          %jit3A_2737 = arith.constant 32 : i32
          %eq3A_2738 = arith.constant 0 : i32
          %eq3A_2739 = arith.cmpi eq, %jit3A_2737, %eq3A_2738 : i32
          %jit3A_2740 = arith.constant 1 : i32
          %select_n3A_2741 = arith.select %eq3A_2739, %jit3A_2740, %jit3A_2737 : i32
          %rem3A_2742 = arith.remsi %add3A_353, %select_n3A_2741 : i32
          %ne3A_2743 = arith.constant 0 : i32
          %ne3A_2744 = arith.cmpi ne, %rem3A_2742, %ne3A_2743 : i32
          %lt3A_2745 = arith.constant 0 : i32
          %lt3A_2746 = arith.cmpi slt, %rem3A_2742, %lt3A_2745 : i32
          %lt3A_2747 = arith.constant 0 : i32
          %lt3A_2748 = arith.cmpi slt, %select_n3A_2741, %lt3A_2747 : i32
          %ne3A_2749 = arith.xori %lt3A_2746, %lt3A_2748 : i1
          %and3A_2750 = arith.andi %ne3A_2749, %ne3A_2744 : i1
          %add3A_2751 = arith.addi %rem3A_2742, %select_n3A_2741 : i32
          %select_n3A_2752 = arith.select %and3A_2750, %add3A_2751, %rem3A_2742 : i32
          %jit3A_2753 = arith.constant 32 : i32
          %div3A_2754 = arith.divsi %add3A_353, %jit3A_2753 : i32
          %sign3A_2755 = arith.constant 0 : i32
          %sign3A_2756 = arith.cmpi sgt, %add3A_353, %sign3A_2755 : i32
          %sign3A_2757 = arith.extui %sign3A_2756 : i1 to i32
          %sign3A_2758 = arith.constant 0 : i32
          %sign3A_2759 = arith.cmpi slt, %add3A_353, %sign3A_2758 : i32
          %sign3A_2760 = arith.extui %sign3A_2759 : i1 to i32
          %sign3A_2761 = arith.subi %sign3A_2757, %sign3A_2760 : i32
          %sign3A_2762 = arith.constant 0 : i32
          %sign3A_2763 = arith.cmpi sgt, %jit3A_2753, %sign3A_2762 : i32
          %sign3A_2764 = arith.extui %sign3A_2763 : i1 to i32
          %sign3A_2765 = arith.constant 0 : i32
          %sign3A_2766 = arith.cmpi slt, %jit3A_2753, %sign3A_2765 : i32
          %sign3A_2767 = arith.extui %sign3A_2766 : i1 to i32
          %sign3A_2768 = arith.subi %sign3A_2764, %sign3A_2767 : i32
          %ne3A_2769 = arith.cmpi ne, %sign3A_2761, %sign3A_2768 : i32
          %rem3A_2770 = arith.remsi %add3A_353, %jit3A_2753 : i32
          %ne3A_2771 = arith.constant 0 : i32
          %ne3A_2772 = arith.cmpi ne, %rem3A_2770, %ne3A_2771 : i32
          %and3A_2773 = arith.andi %ne3A_2769, %ne3A_2772 : i1
          %sub3A_2774 = arith.constant 1 : i32
          %sub3A_2775 = arith.subi %div3A_2754, %sub3A_2774 : i32
          %select_n3A_2776 = arith.select %and3A_2773, %sub3A_2775, %div3A_2754 : i32
          %add3A_2777 = arith.constant 30 : i32
          %add3A_2778 = arith.addi %select_n3A_2776, %add3A_2777 : i32
          %mul3A_2779 = arith.constant 64 : i32
          %mul3A_2780 = arith.muli %add3A_2778, %mul3A_2779 : i32
          %jit3A_2781 = arith.constant 32 : i32
          %div3A_2782 = arith.divsi %select_n3A_2752, %jit3A_2781 : i32
          %sign3A_2783 = arith.constant 0 : i32
          %sign3A_2784 = arith.cmpi sgt, %select_n3A_2752, %sign3A_2783 : i32
          %sign3A_2785 = arith.extui %sign3A_2784 : i1 to i32
          %sign3A_2786 = arith.constant 0 : i32
          %sign3A_2787 = arith.cmpi slt, %select_n3A_2752, %sign3A_2786 : i32
          %sign3A_2788 = arith.extui %sign3A_2787 : i1 to i32
          %sign3A_2789 = arith.subi %sign3A_2785, %sign3A_2788 : i32
          %sign3A_2790 = arith.constant 0 : i32
          %sign3A_2791 = arith.cmpi sgt, %jit3A_2781, %sign3A_2790 : i32
          %sign3A_2792 = arith.extui %sign3A_2791 : i1 to i32
          %sign3A_2793 = arith.constant 0 : i32
          %sign3A_2794 = arith.cmpi slt, %jit3A_2781, %sign3A_2793 : i32
          %sign3A_2795 = arith.extui %sign3A_2794 : i1 to i32
          %sign3A_2796 = arith.subi %sign3A_2792, %sign3A_2795 : i32
          %ne3A_2797 = arith.cmpi ne, %sign3A_2789, %sign3A_2796 : i32
          %rem3A_2798 = arith.remsi %select_n3A_2752, %jit3A_2781 : i32
          %ne3A_2799 = arith.constant 0 : i32
          %ne3A_2800 = arith.cmpi ne, %rem3A_2798, %ne3A_2799 : i32
          %and3A_2801 = arith.andi %ne3A_2797, %ne3A_2800 : i1
          %sub3A_2802 = arith.constant 1 : i32
          %sub3A_2803 = arith.subi %div3A_2782, %sub3A_2802 : i32
          %select_n3A_2804 = arith.select %and3A_2801, %sub3A_2803, %div3A_2782 : i32
          %mul3A_2805 = arith.constant 64 : i32
          %mul3A_2806 = arith.muli %select_n3A_2804, %mul3A_2805 : i32
          %add3A_2807 = arith.addi %mul3A_2780, %mul3A_2806 : i32
          %jit3A_2808 = arith.constant 32 : i32
          %eq3A_2809 = arith.constant 0 : i32
          %eq3A_2810 = arith.cmpi eq, %jit3A_2808, %eq3A_2809 : i32
          %jit3A_2811 = arith.constant 1 : i32
          %select_n3A_2812 = arith.select %eq3A_2810, %jit3A_2811, %jit3A_2808 : i32
          %rem3A_2813 = arith.remsi %select_n3A_2752, %select_n3A_2812 : i32
          %ne3A_2814 = arith.constant 0 : i32
          %ne3A_2815 = arith.cmpi ne, %rem3A_2813, %ne3A_2814 : i32
          %lt3A_2816 = arith.constant 0 : i32
          %lt3A_2817 = arith.cmpi slt, %rem3A_2813, %lt3A_2816 : i32
          %lt3A_2818 = arith.constant 0 : i32
          %lt3A_2819 = arith.cmpi slt, %select_n3A_2812, %lt3A_2818 : i32
          %ne3A_2820 = arith.xori %lt3A_2817, %lt3A_2819 : i1
          %and3A_2821 = arith.andi %ne3A_2820, %ne3A_2815 : i1
          %add3A_2822 = arith.addi %rem3A_2813, %select_n3A_2812 : i32
          %select_n3A_2823 = arith.select %and3A_2821, %add3A_2822, %rem3A_2813 : i32
          %add3A_2824 = arith.addi %add3A_2807, %select_n3A_2823 : i32
          %add3A_2825 = arith.constant 0 : i32
          %add3A_2826 = arith.addi %add3A_2824, %add3A_2825 : i32
          %mul3A_2827 = arith.constant 256 : i32
          %mul3A_2828 = arith.muli %mul3A_2827, %add3A_2826 : i32
          %dma_start3A_2829 = arith.constant 0 : i32
          %dma_start3A_2830 = arith.constant 0 : i32
          %dma_start3A_2831 = tpu.memref_slice %run_scoped3A[%rem3A_2736, %dma_start3A_2829, %dma_start3A_2830] : memref<2x1x256xi32, #tpu.memory_space<vmem>> -> memref<1x1x256xi32, #tpu.memory_space<vmem>>
          %dma_start3A_2832 = tpu.memref_squeeze %dma_start3A_2831 : memref<1x1x256xi32, #tpu.memory_space<vmem>> -> memref<1x256xi32, #tpu.memory_space<vmem>>
          %dma_start3A_2833 = arith.constant 0 : i32
          %dma_start3A_2834 = tpu.memref_slice %arg3[%dma_start3A_2833, %mul3A_2828] : memref<1x819200xi32, #tpu.memory_space<hbm>> -> memref<1x256xi32, #tpu.memory_space<hbm>>
          %dma_start3A_2835 = tpu.memref_slice %run_scoped3A_7[%rem3A_2736] : memref<2x!tpu.dma_semaphore, #tpu.memory_space<semaphore_mem>> -> memref<1x!tpu.dma_semaphore, #tpu.memory_space<semaphore_mem>>
          %dma_start3A_2836 = tpu.memref_squeeze %dma_start3A_2835 : memref<1x!tpu.dma_semaphore, #tpu.memory_space<semaphore_mem>> -> memref<!tpu.dma_semaphore, #tpu.memory_space<semaphore_mem>>
          %dma_start3A_2837 = arith.constant 0 : i32
          %dma_start3A_2838 = arith.constant 0 : i32
          %dma_start3A_2839 = tpu.memref_slice %run_scoped3A[%rem3A_2736, %dma_start3A_2837, %dma_start3A_2838] : memref<2x1x256xi32, #tpu.memory_space<vmem>> -> memref<1x1x256xi32, #tpu.memory_space<vmem>>
          %dma_start3A_2840 = tpu.memref_squeeze %dma_start3A_2839 : memref<1x1x256xi32, #tpu.memory_space<vmem>> -> memref<1x256xi32, #tpu.memory_space<vmem>>
          %dma_start3A_2841 = arith.constant 0 : i32
          %dma_start3A_2842 = tpu.memref_slice %arg3[%dma_start3A_2841, %mul3A_2828] : memref<1x819200xi32, #tpu.memory_space<hbm>> -> memref<1x256xi32, #tpu.memory_space<hbm>>
          tpu.enqueue_dma source(%dma_start3A_2842 : memref<1x256xi32, #tpu.memory_space<hbm>>) target(%dma_start3A_2840 : memref<1x256xi32, #tpu.memory_space<vmem>>) target_semaphore(%dma_start3A_2836 : memref<!tpu.dma_semaphore, #tpu.memory_space<semaphore_mem>>)
          "tpu.trace_stop"() : () -> ()
        } else {
        }
        %and3A_549 = arith.constant true
        %and3A_550 = arith.andi %and3A_547, %and3A_549 : i1
        %add3A_551 = arith.constant 1 : i32
        %add3A_552 = arith.addi %scan3A_324, %add3A_551 : i32
        %select_n3A_553 = arith.select %and3A_550, %add3A_552, %scan3A_324 : i32
        %jit3A_554 = arith.constant 32 : i32
        %eq3A_555 = arith.constant 0 : i32
        %eq3A_556 = arith.cmpi eq, %jit3A_554, %eq3A_555 : i32
        %jit3A_557 = arith.constant 1 : i32
        %select_n3A_558 = arith.select %eq3A_556, %jit3A_557, %jit3A_554 : i32
        %rem3A_559 = arith.remsi %add3A_335, %select_n3A_558 : i32
        %ne3A_560 = arith.constant 0 : i32
        %ne3A_561 = arith.cmpi ne, %rem3A_559, %ne3A_560 : i32
        %lt3A_562 = arith.constant 0 : i32
        %lt3A_563 = arith.cmpi slt, %rem3A_559, %lt3A_562 : i32
        %lt3A_564 = arith.constant 0 : i32
        %lt3A_565 = arith.cmpi slt, %select_n3A_558, %lt3A_564 : i32
        %ne3A_566 = arith.xori %lt3A_563, %lt3A_565 : i1
        %and3A_567 = arith.andi %ne3A_566, %ne3A_561 : i1
        %add3A_568 = arith.addi %rem3A_559, %select_n3A_558 : i32
        %select_n3A_569 = arith.select %and3A_567, %add3A_568, %rem3A_559 : i32
        %jit3A_570 = arith.constant 32 : i32
        %div3A_571 = arith.divsi %add3A_335, %jit3A_570 : i32
        %sign3A_572 = arith.constant 0 : i32
        %sign3A_573 = arith.cmpi sgt, %add3A_335, %sign3A_572 : i32
        %sign3A_574 = arith.extui %sign3A_573 : i1 to i32
        %sign3A_575 = arith.constant 0 : i32
        %sign3A_576 = arith.cmpi slt, %add3A_335, %sign3A_575 : i32
        %sign3A_577 = arith.extui %sign3A_576 : i1 to i32
        %sign3A_578 = arith.subi %sign3A_574, %sign3A_577 : i32
        %sign3A_579 = arith.constant 0 : i32
        %sign3A_580 = arith.cmpi sgt, %jit3A_570, %sign3A_579 : i32
        %sign3A_581 = arith.extui %sign3A_580 : i1 to i32
        %sign3A_582 = arith.constant 0 : i32
        %sign3A_583 = arith.cmpi slt, %jit3A_570, %sign3A_582 : i32
        %sign3A_584 = arith.extui %sign3A_583 : i1 to i32
        %sign3A_585 = arith.subi %sign3A_581, %sign3A_584 : i32
        %ne3A_586 = arith.cmpi ne, %sign3A_578, %sign3A_585 : i32
        %rem3A_587 = arith.remsi %add3A_335, %jit3A_570 : i32
        %ne3A_588 = arith.constant 0 : i32
        %ne3A_589 = arith.cmpi ne, %rem3A_587, %ne3A_588 : i32
        %and3A_590 = arith.andi %ne3A_586, %ne3A_589 : i1
        %sub3A_591 = arith.constant 1 : i32
        %sub3A_592 = arith.subi %div3A_571, %sub3A_591 : i32
        %select_n3A_593 = arith.select %and3A_590, %sub3A_592, %div3A_571 : i32
        %add3A_594 = arith.constant 30 : i32
        %add3A_595 = arith.addi %select_n3A_593, %add3A_594 : i32
        %mul3A_596 = arith.constant 64 : i32
        %mul3A_597 = arith.muli %add3A_595, %mul3A_596 : i32
        %jit3A_598 = arith.constant 32 : i32
        %div3A_599 = arith.divsi %select_n3A_569, %jit3A_598 : i32
        %sign3A_600 = arith.constant 0 : i32
        %sign3A_601 = arith.cmpi sgt, %select_n3A_569, %sign3A_600 : i32
        %sign3A_602 = arith.extui %sign3A_601 : i1 to i32
        %sign3A_603 = arith.constant 0 : i32
        %sign3A_604 = arith.cmpi slt, %select_n3A_569, %sign3A_603 : i32
        %sign3A_605 = arith.extui %sign3A_604 : i1 to i32
        %sign3A_606 = arith.subi %sign3A_602, %sign3A_605 : i32
        %sign3A_607 = arith.constant 0 : i32
        %sign3A_608 = arith.cmpi sgt, %jit3A_598, %sign3A_607 : i32
        %sign3A_609 = arith.extui %sign3A_608 : i1 to i32
        %sign3A_610 = arith.constant 0 : i32
        %sign3A_611 = arith.cmpi slt, %jit3A_598, %sign3A_610 : i32
        %sign3A_612 = arith.extui %sign3A_611 : i1 to i32
        %sign3A_613 = arith.subi %sign3A_609, %sign3A_612 : i32
        %ne3A_614 = arith.cmpi ne, %sign3A_606, %sign3A_613 : i32
        %rem3A_615 = arith.remsi %select_n3A_569, %jit3A_598 : i32
        %ne3A_616 = arith.constant 0 : i32
        %ne3A_617 = arith.cmpi ne, %rem3A_615, %ne3A_616 : i32
        %and3A_618 = arith.andi %ne3A_614, %ne3A_617 : i1
        %sub3A_619 = arith.constant 1 : i32
        %sub3A_620 = arith.subi %div3A_599, %sub3A_619 : i32
        %select_n3A_621 = arith.select %and3A_618, %sub3A_620, %div3A_599 : i32
        %mul3A_622 = arith.constant 64 : i32
        %mul3A_623 = arith.muli %select_n3A_621, %mul3A_622 : i32
        %add3A_624 = arith.addi %mul3A_597, %mul3A_623 : i32
        %jit3A_625 = arith.constant 32 : i32
        %eq3A_626 = arith.constant 0 : i32
        %eq3A_627 = arith.cmpi eq, %jit3A_625, %eq3A_626 : i32
        %jit3A_628 = arith.constant 1 : i32
        %select_n3A_629 = arith.select %eq3A_627, %jit3A_628, %jit3A_625 : i32
        %rem3A_630 = arith.remsi %select_n3A_569, %select_n3A_629 : i32
        %ne3A_631 = arith.constant 0 : i32
        %ne3A_632 = arith.cmpi ne, %rem3A_630, %ne3A_631 : i32
        %lt3A_633 = arith.constant 0 : i32
        %lt3A_634 = arith.cmpi slt, %rem3A_630, %lt3A_633 : i32
        %lt3A_635 = arith.constant 0 : i32
        %lt3A_636 = arith.cmpi slt, %select_n3A_629, %lt3A_635 : i32
        %ne3A_637 = arith.xori %lt3A_634, %lt3A_636 : i1
        %and3A_638 = arith.andi %ne3A_637, %ne3A_632 : i1
        %add3A_639 = arith.addi %rem3A_630, %select_n3A_629 : i32
        %select_n3A_640 = arith.select %and3A_638, %add3A_639, %rem3A_630 : i32
        %add3A_641 = arith.addi %add3A_624, %select_n3A_640 : i32
        %add3A_642 = arith.constant 32 : i32
        %add3A_643 = arith.addi %add3A_641, %add3A_642 : i32
        %jit3A_644 = arith.constant 32 : i32
        %eq3A_645 = arith.constant 0 : i32
        %eq3A_646 = arith.cmpi eq, %jit3A_644, %eq3A_645 : i32
        %jit3A_647 = arith.constant 1 : i32
        %select_n3A_648 = arith.select %eq3A_646, %jit3A_647, %jit3A_644 : i32
        %rem3A_649 = arith.remsi %add3A_353, %select_n3A_648 : i32
        %ne3A_650 = arith.constant 0 : i32
        %ne3A_651 = arith.cmpi ne, %rem3A_649, %ne3A_650 : i32
        %lt3A_652 = arith.constant 0 : i32
        %lt3A_653 = arith.cmpi slt, %rem3A_649, %lt3A_652 : i32
        %lt3A_654 = arith.constant 0 : i32
        %lt3A_655 = arith.cmpi slt, %select_n3A_648, %lt3A_654 : i32
        %ne3A_656 = arith.xori %lt3A_653, %lt3A_655 : i1
        %and3A_657 = arith.andi %ne3A_656, %ne3A_651 : i1
        %add3A_658 = arith.addi %rem3A_649, %select_n3A_648 : i32
        %select_n3A_659 = arith.select %and3A_657, %add3A_658, %rem3A_649 : i32
        %jit3A_660 = arith.constant 32 : i32
        %div3A_661 = arith.divsi %add3A_353, %jit3A_660 : i32
        %sign3A_662 = arith.constant 0 : i32
        %sign3A_663 = arith.cmpi sgt, %add3A_353, %sign3A_662 : i32
        %sign3A_664 = arith.extui %sign3A_663 : i1 to i32
        %sign3A_665 = arith.constant 0 : i32
        %sign3A_666 = arith.cmpi slt, %add3A_353, %sign3A_665 : i32
        %sign3A_667 = arith.extui %sign3A_666 : i1 to i32
        %sign3A_668 = arith.subi %sign3A_664, %sign3A_667 : i32
        %sign3A_669 = arith.constant 0 : i32
        %sign3A_670 = arith.cmpi sgt, %jit3A_660, %sign3A_669 : i32
        %sign3A_671 = arith.extui %sign3A_670 : i1 to i32
        %sign3A_672 = arith.constant 0 : i32
        %sign3A_673 = arith.cmpi slt, %jit3A_660, %sign3A_672 : i32
        %sign3A_674 = arith.extui %sign3A_673 : i1 to i32
        %sign3A_675 = arith.subi %sign3A_671, %sign3A_674 : i32
        %ne3A_676 = arith.cmpi ne, %sign3A_668, %sign3A_675 : i32
        %rem3A_677 = arith.remsi %add3A_353, %jit3A_660 : i32
        %ne3A_678 = arith.constant 0 : i32
        %ne3A_679 = arith.cmpi ne, %rem3A_677, %ne3A_678 : i32
        %and3A_680 = arith.andi %ne3A_676, %ne3A_679 : i1
        %sub3A_681 = arith.constant 1 : i32
        %sub3A_682 = arith.subi %div3A_661, %sub3A_681 : i32
        %select_n3A_683 = arith.select %and3A_680, %sub3A_682, %div3A_661 : i32
        %add3A_684 = arith.constant 30 : i32
        %add3A_685 = arith.addi %select_n3A_683, %add3A_684 : i32
        %mul3A_686 = arith.constant 64 : i32
        %mul3A_687 = arith.muli %add3A_685, %mul3A_686 : i32
        %jit3A_688 = arith.constant 32 : i32
        %div3A_689 = arith.divsi %select_n3A_659, %jit3A_688 : i32
        %sign3A_690 = arith.constant 0 : i32
        %sign3A_691 = arith.cmpi sgt, %select_n3A_659, %sign3A_690 : i32
        %sign3A_692 = arith.extui %sign3A_691 : i1 to i32
        %sign3A_693 = arith.constant 0 : i32
        %sign3A_694 = arith.cmpi slt, %select_n3A_659, %sign3A_693 : i32
        %sign3A_695 = arith.extui %sign3A_694 : i1 to i32
        %sign3A_696 = arith.subi %sign3A_692, %sign3A_695 : i32
        %sign3A_697 = arith.constant 0 : i32
        %sign3A_698 = arith.cmpi sgt, %jit3A_688, %sign3A_697 : i32
        %sign3A_699 = arith.extui %sign3A_698 : i1 to i32
        %sign3A_700 = arith.constant 0 : i32
        %sign3A_701 = arith.cmpi slt, %jit3A_688, %sign3A_700 : i32
        %sign3A_702 = arith.extui %sign3A_701 : i1 to i32
        %sign3A_703 = arith.subi %sign3A_699, %sign3A_702 : i32
        %ne3A_704 = arith.cmpi ne, %sign3A_696, %sign3A_703 : i32
        %rem3A_705 = arith.remsi %select_n3A_659, %jit3A_688 : i32
        %ne3A_706 = arith.constant 0 : i32
        %ne3A_707 = arith.cmpi ne, %rem3A_705, %ne3A_706 : i32
        %and3A_708 = arith.andi %ne3A_704, %ne3A_707 : i1
        %sub3A_709 = arith.constant 1 : i32
        %sub3A_710 = arith.subi %div3A_689, %sub3A_709 : i32
        %select_n3A_711 = arith.select %and3A_708, %sub3A_710, %div3A_689 : i32
        %mul3A_712 = arith.constant 64 : i32
        %mul3A_713 = arith.muli %select_n3A_711, %mul3A_712 : i32
        %add3A_714 = arith.addi %mul3A_687, %mul3A_713 : i32
        %jit3A_715 = arith.constant 32 : i32
        %eq3A_716 = arith.constant 0 : i32
        %eq3A_717 = arith.cmpi eq, %jit3A_715, %eq3A_716 : i32
        %jit3A_718 = arith.constant 1 : i32
        %select_n3A_719 = arith.select %eq3A_717, %jit3A_718, %jit3A_715 : i32
        %rem3A_720 = arith.remsi %select_n3A_659, %select_n3A_719 : i32
        %ne3A_721 = arith.constant 0 : i32
        %ne3A_722 = arith.cmpi ne, %rem3A_720, %ne3A_721 : i32
        %lt3A_723 = arith.constant 0 : i32
        %lt3A_724 = arith.cmpi slt, %rem3A_720, %lt3A_723 : i32
        %lt3A_725 = arith.constant 0 : i32
        %lt3A_726 = arith.cmpi slt, %select_n3A_719, %lt3A_725 : i32
        %ne3A_727 = arith.xori %lt3A_724, %lt3A_726 : i1
        %and3A_728 = arith.andi %ne3A_727, %ne3A_722 : i1
        %add3A_729 = arith.addi %rem3A_720, %select_n3A_719 : i32
        %select_n3A_730 = arith.select %and3A_728, %add3A_729, %rem3A_720 : i32
        %add3A_731 = arith.addi %add3A_714, %select_n3A_730 : i32
        %add3A_732 = arith.constant 32 : i32
        %add3A_733 = arith.addi %add3A_731, %add3A_732 : i32
        %ne3A_734 = arith.cmpi ne, %add3A_643, %add3A_733 : i32
        %or3A_735 = arith.constant false
        %or3A_736 = arith.ori %or3A_735, %ne3A_734 : i1
        %ge3A_737 = arith.constant 19 : i32
        %ge3A_738 = arith.cmpi sge, %scan3A_323, %ge3A_737 : i32
        %not3A_739 = arith.constant true
        %not3A_740 = arith.xori %ge3A_738, %not3A_739 : i1
        %and3A_741 = arith.andi %or3A_736, %not3A_740 : i1
        %convert_element_type3A_742 = arith.extui %and3A_741 : i1 to i32
        %cond3A_743 = arith.constant 0 : i32
        %cond3A_744 = arith.cmpi ne, %convert_element_type3A_742, %cond3A_743 : i32
        scf.if %cond3A_744 {
          "tpu.trace_start"() <{level = 10 : i32, message = "ep_copy_in"}> : () -> ()
          %rem3A_2735 = arith.constant 2 : i32
          %rem3A_2736 = arith.remui %scan3A_326, %rem3A_2735 : i32
          %jit3A_2737 = arith.constant 32 : i32
          %eq3A_2738 = arith.constant 0 : i32
          %eq3A_2739 = arith.cmpi eq, %jit3A_2737, %eq3A_2738 : i32
          %jit3A_2740 = arith.constant 1 : i32
          %select_n3A_2741 = arith.select %eq3A_2739, %jit3A_2740, %jit3A_2737 : i32
          %rem3A_2742 = arith.remsi %add3A_353, %select_n3A_2741 : i32
          %ne3A_2743 = arith.constant 0 : i32
          %ne3A_2744 = arith.cmpi ne, %rem3A_2742, %ne3A_2743 : i32
          %lt3A_2745 = arith.constant 0 : i32
          %lt3A_2746 = arith.cmpi slt, %rem3A_2742, %lt3A_2745 : i32
          %lt3A_2747 = arith.constant 0 : i32
          %lt3A_2748 = arith.cmpi slt, %select_n3A_2741, %lt3A_2747 : i32
          %ne3A_2749 = arith.xori %lt3A_2746, %lt3A_2748 : i1
          %and3A_2750 = arith.andi %ne3A_2749, %ne3A_2744 : i1
          %add3A_2751 = arith.addi %rem3A_2742, %select_n3A_2741 : i32
          %select_n3A_2752 = arith.select %and3A_2750, %add3A_2751, %rem3A_2742 : i32
          %jit3A_2753 = arith.constant 32 : i32
          %div3A_2754 = arith.divsi %add3A_353, %jit3A_2753 : i32
          %sign3A_2755 = arith.constant 0 : i32
          %sign3A_2756 = arith.cmpi sgt, %add3A_353, %sign3A_2755 : i32
          %sign3A_2757 = arith.extui %sign3A_2756 : i1 to i32
          %sign3A_2758 = arith.constant 0 : i32
          %sign3A_2759 = arith.cmpi slt, %add3A_353, %sign3A_2758 : i32
          %sign3A_2760 = arith.extui %sign3A_2759 : i1 to i32
          %sign3A_2761 = arith.subi %sign3A_2757, %sign3A_2760 : i32
          %sign3A_2762 = arith.constant 0 : i32
          %sign3A_2763 = arith.cmpi sgt, %jit3A_2753, %sign3A_2762 : i32
          %sign3A_2764 = arith.extui %sign3A_2763 : i1 to i32
          %sign3A_2765 = arith.constant 0 : i32
          %sign3A_2766 = arith.cmpi slt, %jit3A_2753, %sign3A_2765 : i32
          %sign3A_2767 = arith.extui %sign3A_2766 : i1 to i32
          %sign3A_2768 = arith.subi %sign3A_2764, %sign3A_2767 : i32
          %ne3A_2769 = arith.cmpi ne, %sign3A_2761, %sign3A_2768 : i32
          %rem3A_2770 = arith.remsi %add3A_353, %jit3A_2753 : i32
          %ne3A_2771 = arith.constant 0 : i32
          %ne3A_2772 = arith.cmpi ne, %rem3A_2770, %ne3A_2771 : i32
          %and3A_2773 = arith.andi %ne3A_2769, %ne3A_2772 : i1
          %sub3A_2774 = arith.constant 1 : i32
          %sub3A_2775 = arith.subi %div3A_2754, %sub3A_2774 : i32
          %select_n3A_2776 = arith.select %and3A_2773, %sub3A_2775, %div3A_2754 : i32
          %add3A_2777 = arith.constant 30 : i32
          %add3A_2778 = arith.addi %select_n3A_2776, %add3A_2777 : i32
          %mul3A_2779 = arith.constant 64 : i32
          %mul3A_2780 = arith.muli %add3A_2778, %mul3A_2779 : i32
          %jit3A_2781 = arith.constant 32 : i32
          %div3A_2782 = arith.divsi %select_n3A_2752, %jit3A_2781 : i32
          %sign3A_2783 = arith.constant 0 : i32
          %sign3A_2784 = arith.cmpi sgt, %select_n3A_2752, %sign3A_2783 : i32
          %sign3A_2785 = arith.extui %sign3A_2784 : i1 to i32
          %sign3A_2786 = arith.constant 0 : i32
          %sign3A_2787 = arith.cmpi slt, %select_n3A_2752, %sign3A_2786 : i32
          %sign3A_2788 = arith.extui %sign3A_2787 : i1 to i32
          %sign3A_2789 = arith.subi %sign3A_2785, %sign3A_2788 : i32
          %sign3A_2790 = arith.constant 0 : i32
          %sign3A_2791 = arith.cmpi sgt, %jit3A_2781, %sign3A_2790 : i32
          %sign3A_2792 = arith.extui %sign3A_2791 : i1 to i32
          %sign3A_2793 = arith.constant 0 : i32
          %sign3A_2794 = arith.cmpi slt, %jit3A_2781, %sign3A_2793 : i32
          %sign3A_2795 = arith.extui %sign3A_2794 : i1 to i32
          %sign3A_2796 = arith.subi %sign3A_2792, %sign3A_2795 : i32
          %ne3A_2797 = arith.cmpi ne, %sign3A_2789, %sign3A_2796 : i32
          %rem3A_2798 = arith.remsi %select_n3A_2752, %jit3A_2781 : i32
          %ne3A_2799 = arith.constant 0 : i32
          %ne3A_2800 = arith.cmpi ne, %rem3A_2798, %ne3A_2799 : i32
          %and3A_2801 = arith.andi %ne3A_2797, %ne3A_2800 : i1
          %sub3A_2802 = arith.constant 1 : i32
          %sub3A_2803 = arith.subi %div3A_2782, %sub3A_2802 : i32
          %select_n3A_2804 = arith.select %and3A_2801, %sub3A_2803, %div3A_2782 : i32
          %mul3A_2805 = arith.constant 64 : i32
          %mul3A_2806 = arith.muli %select_n3A_2804, %mul3A_2805 : i32
          %add3A_2807 = arith.addi %mul3A_2780, %mul3A_2806 : i32
          %jit3A_2808 = arith.constant 32 : i32
          %eq3A_2809 = arith.constant 0 : i32
          %eq3A_2810 = arith.cmpi eq, %jit3A_2808, %eq3A_2809 : i32
          %jit3A_2811 = arith.constant 1 : i32
          %select_n3A_2812 = arith.select %eq3A_2810, %jit3A_2811, %jit3A_2808 : i32
          %rem3A_2813 = arith.remsi %select_n3A_2752, %select_n3A_2812 : i32
          %ne3A_2814 = arith.constant 0 : i32
          %ne3A_2815 = arith.cmpi ne, %rem3A_2813, %ne3A_2814 : i32
          %lt3A_2816 = arith.constant 0 : i32
          %lt3A_2817 = arith.cmpi slt, %rem3A_2813, %lt3A_2816 : i32
          %lt3A_2818 = arith.constant 0 : i32
          %lt3A_2819 = arith.cmpi slt, %select_n3A_2812, %lt3A_2818 : i32
          %ne3A_2820 = arith.xori %lt3A_2817, %lt3A_2819 : i1
          %and3A_2821 = arith.andi %ne3A_2820, %ne3A_2815 : i1
          %add3A_2822 = arith.addi %rem3A_2813, %select_n3A_2812 : i32
          %select_n3A_2823 = arith.select %and3A_2821, %add3A_2822, %rem3A_2813 : i32
          %add3A_2824 = arith.addi %add3A_2807, %select_n3A_2823 : i32
          %add3A_2825 = arith.constant 32 : i32
          %add3A_2826 = arith.addi %add3A_2824, %add3A_2825 : i32
          %mul3A_2827 = arith.constant 256 : i32
          %mul3A_2828 = arith.muli %mul3A_2827, %add3A_2826 : i32
          %dma_start3A_2829 = arith.constant 0 : i32
          %dma_start3A_2830 = arith.constant 0 : i32
          %dma_start3A_2831 = tpu.memref_slice %run_scoped3A_8[%rem3A_2736, %dma_start3A_2829, %dma_start3A_2830] : memref<2x1x256xi32, #tpu.memory_space<vmem>> -> memref<1x1x256xi32, #tpu.memory_space<vmem>>
          %dma_start3A_2832 = tpu.memref_squeeze %dma_start3A_2831 : memref<1x1x256xi32, #tpu.memory_space<vmem>> -> memref<1x256xi32, #tpu.memory_space<vmem>>
          %dma_start3A_2833 = arith.constant 0 : i32
          %dma_start3A_2834 = tpu.memref_slice %arg3[%dma_start3A_2833, %mul3A_2828] : memref<1x819200xi32, #tpu.memory_space<hbm>> -> memref<1x256xi32, #tpu.memory_space<hbm>>
          %dma_start3A_2835 = tpu.memref_slice %run_scoped3A_9[%rem3A_2736] : memref<2x!tpu.dma_semaphore, #tpu.memory_space<semaphore_mem>> -> memref<1x!tpu.dma_semaphore, #tpu.memory_space<semaphore_mem>>
          %dma_start3A_2836 = tpu.memref_squeeze %dma_start3A_2835 : memref<1x!tpu.dma_semaphore, #tpu.memory_space<semaphore_mem>> -> memref<!tpu.dma_semaphore, #tpu.memory_space<semaphore_mem>>
          %dma_start3A_2837 = arith.constant 0 : i32
          %dma_start3A_2838 = arith.constant 0 : i32
          %dma_start3A_2839 = tpu.memref_slice %run_scoped3A_8[%rem3A_2736, %dma_start3A_2837, %dma_start3A_2838] : memref<2x1x256xi32, #tpu.memory_space<vmem>> -> memref<1x1x256xi32, #tpu.memory_space<vmem>>
          %dma_start3A_2840 = tpu.memref_squeeze %dma_start3A_2839 : memref<1x1x256xi32, #tpu.memory_space<vmem>> -> memref<1x256xi32, #tpu.memory_space<vmem>>
          %dma_start3A_2841 = arith.constant 0 : i32
          %dma_start3A_2842 = tpu.memref_slice %arg3[%dma_start3A_2841, %mul3A_2828] : memref<1x819200xi32, #tpu.memory_space<hbm>> -> memref<1x256xi32, #tpu.memory_space<hbm>>
          tpu.enqueue_dma source(%dma_start3A_2842 : memref<1x256xi32, #tpu.memory_space<hbm>>) target(%dma_start3A_2840 : memref<1x256xi32, #tpu.memory_space<vmem>>) target_semaphore(%dma_start3A_2836 : memref<!tpu.dma_semaphore, #tpu.memory_space<semaphore_mem>>)
          "tpu.trace_stop"() : () -> ()
        } else {
        }
        %and3A_745 = arith.constant true
        %and3A_746 = arith.andi %and3A_741, %and3A_745 : i1
        %add3A_747 = arith.constant 1 : i32
        %add3A_748 = arith.addi %scan3A_326, %add3A_747 : i32
        %select_n3A_749 = arith.select %and3A_746, %add3A_748, %scan3A_326 : i32
        %ne3A_750 = arith.cmpi ne, %add3A_335, %add3A_353 : i32
        %or3A_751 = arith.constant false
        %or3A_752 = arith.ori %or3A_751, %ne3A_750 : i1
        %or3A_753 = arith.constant false
        %or3A_754 = arith.ori %or3A_752, %or3A_753 : i1
        %ge3A_755 = arith.constant 19 : i32
        %ge3A_756 = arith.cmpi sge, %scan3A_323, %ge3A_755 : i32
        %not3A_757 = arith.constant true
        %not3A_758 = arith.xori %ge3A_756, %not3A_757 : i1
        %and3A_759 = arith.andi %or3A_754, %not3A_758 : i1
        %jit3A_760 = arith.constant 32 : i32
        %eq3A_761 = arith.constant 0 : i32
        %eq3A_762 = arith.cmpi eq, %jit3A_760, %eq3A_761 : i32
        %jit3A_763 = arith.constant 1 : i32
        %select_n3A_764 = arith.select %eq3A_762, %jit3A_763, %jit3A_760 : i32
        %rem3A_765 = arith.remsi %add3A_335, %select_n3A_764 : i32
        %ne3A_766 = arith.constant 0 : i32
        %ne3A_767 = arith.cmpi ne, %rem3A_765, %ne3A_766 : i32
        %lt3A_768 = arith.constant 0 : i32
        %lt3A_769 = arith.cmpi slt, %rem3A_765, %lt3A_768 : i32
        %lt3A_770 = arith.constant 0 : i32
        %lt3A_771 = arith.cmpi slt, %select_n3A_764, %lt3A_770 : i32
        %ne3A_772 = arith.xori %lt3A_769, %lt3A_771 : i1
        %and3A_773 = arith.andi %ne3A_772, %ne3A_767 : i1
        %add3A_774 = arith.addi %rem3A_765, %select_n3A_764 : i32
        %select_n3A_775 = arith.select %and3A_773, %add3A_774, %rem3A_765 : i32
        %jit3A_776 = arith.constant 32 : i32
        %div3A_777 = arith.divsi %add3A_335, %jit3A_776 : i32
        %sign3A_778 = arith.constant 0 : i32
        %sign3A_779 = arith.cmpi sgt, %add3A_335, %sign3A_778 : i32
        %sign3A_780 = arith.extui %sign3A_779 : i1 to i32
        %sign3A_781 = arith.constant 0 : i32
        %sign3A_782 = arith.cmpi slt, %add3A_335, %sign3A_781 : i32
        %sign3A_783 = arith.extui %sign3A_782 : i1 to i32
        %sign3A_784 = arith.subi %sign3A_780, %sign3A_783 : i32
        %sign3A_785 = arith.constant 0 : i32
        %sign3A_786 = arith.cmpi sgt, %jit3A_776, %sign3A_785 : i32
        %sign3A_787 = arith.extui %sign3A_786 : i1 to i32
        %sign3A_788 = arith.constant 0 : i32
        %sign3A_789 = arith.cmpi slt, %jit3A_776, %sign3A_788 : i32
        %sign3A_790 = arith.extui %sign3A_789 : i1 to i32
        %sign3A_791 = arith.subi %sign3A_787, %sign3A_790 : i32
        %ne3A_792 = arith.cmpi ne, %sign3A_784, %sign3A_791 : i32
        %rem3A_793 = arith.remsi %add3A_335, %jit3A_776 : i32
        %ne3A_794 = arith.constant 0 : i32
        %ne3A_795 = arith.cmpi ne, %rem3A_793, %ne3A_794 : i32
        %and3A_796 = arith.andi %ne3A_792, %ne3A_795 : i1
        %sub3A_797 = arith.constant 1 : i32
        %sub3A_798 = arith.subi %div3A_777, %sub3A_797 : i32
        %select_n3A_799 = arith.select %and3A_796, %sub3A_798, %div3A_777 : i32
        %add3A_800 = arith.constant 30 : i32
        %add3A_801 = arith.addi %select_n3A_799, %add3A_800 : i32
        %mul3A_802 = arith.constant 64 : i32
        %mul3A_803 = arith.muli %add3A_801, %mul3A_802 : i32
        %jit3A_804 = arith.constant 32 : i32
        %div3A_805 = arith.divsi %select_n3A_775, %jit3A_804 : i32
        %sign3A_806 = arith.constant 0 : i32
        %sign3A_807 = arith.cmpi sgt, %select_n3A_775, %sign3A_806 : i32
        %sign3A_808 = arith.extui %sign3A_807 : i1 to i32
        %sign3A_809 = arith.constant 0 : i32
        %sign3A_810 = arith.cmpi slt, %select_n3A_775, %sign3A_809 : i32
        %sign3A_811 = arith.extui %sign3A_810 : i1 to i32
        %sign3A_812 = arith.subi %sign3A_808, %sign3A_811 : i32
        %sign3A_813 = arith.constant 0 : i32
        %sign3A_814 = arith.cmpi sgt, %jit3A_804, %sign3A_813 : i32
        %sign3A_815 = arith.extui %sign3A_814 : i1 to i32
        %sign3A_816 = arith.constant 0 : i32
        %sign3A_817 = arith.cmpi slt, %jit3A_804, %sign3A_816 : i32
        %sign3A_818 = arith.extui %sign3A_817 : i1 to i32
        %sign3A_819 = arith.subi %sign3A_815, %sign3A_818 : i32
        %ne3A_820 = arith.cmpi ne, %sign3A_812, %sign3A_819 : i32
        %rem3A_821 = arith.remsi %select_n3A_775, %jit3A_804 : i32
        %ne3A_822 = arith.constant 0 : i32
        %ne3A_823 = arith.cmpi ne, %rem3A_821, %ne3A_822 : i32
        %and3A_824 = arith.andi %ne3A_820, %ne3A_823 : i1
        %sub3A_825 = arith.constant 1 : i32
        %sub3A_826 = arith.subi %div3A_805, %sub3A_825 : i32
        %select_n3A_827 = arith.select %and3A_824, %sub3A_826, %div3A_805 : i32
        %mul3A_828 = arith.constant 64 : i32
        %mul3A_829 = arith.muli %select_n3A_827, %mul3A_828 : i32
        %add3A_830 = arith.addi %mul3A_803, %mul3A_829 : i32
        %jit3A_831 = arith.constant 32 : i32
        %eq3A_832 = arith.constant 0 : i32
        %eq3A_833 = arith.cmpi eq, %jit3A_831, %eq3A_832 : i32
        %jit3A_834 = arith.constant 1 : i32
        %select_n3A_835 = arith.select %eq3A_833, %jit3A_834, %jit3A_831 : i32
        %rem3A_836 = arith.remsi %select_n3A_775, %select_n3A_835 : i32
        %ne3A_837 = arith.constant 0 : i32
        %ne3A_838 = arith.cmpi ne, %rem3A_836, %ne3A_837 : i32
        %lt3A_839 = arith.constant 0 : i32
        %lt3A_840 = arith.cmpi slt, %rem3A_836, %lt3A_839 : i32
        %lt3A_841 = arith.constant 0 : i32
        %lt3A_842 = arith.cmpi slt, %select_n3A_835, %lt3A_841 : i32
        %ne3A_843 = arith.xori %lt3A_840, %lt3A_842 : i1
        %and3A_844 = arith.andi %ne3A_843, %ne3A_838 : i1
        %add3A_845 = arith.addi %rem3A_836, %select_n3A_835 : i32
        %select_n3A_846 = arith.select %and3A_844, %add3A_845, %rem3A_836 : i32
        %add3A_847 = arith.addi %add3A_830, %select_n3A_846 : i32
        %add3A_848 = arith.constant 0 : i32
        %add3A_849 = arith.addi %add3A_847, %add3A_848 : i32
        %jit3A_850 = arith.constant 32 : i32
        %eq3A_851 = arith.constant 0 : i32
        %eq3A_852 = arith.cmpi eq, %jit3A_850, %eq3A_851 : i32
        %jit3A_853 = arith.constant 1 : i32
        %select_n3A_854 = arith.select %eq3A_852, %jit3A_853, %jit3A_850 : i32
        %rem3A_855 = arith.remsi %add3A_344, %select_n3A_854 : i32
        %ne3A_856 = arith.constant 0 : i32
        %ne3A_857 = arith.cmpi ne, %rem3A_855, %ne3A_856 : i32
        %lt3A_858 = arith.constant 0 : i32
        %lt3A_859 = arith.cmpi slt, %rem3A_855, %lt3A_858 : i32
        %lt3A_860 = arith.constant 0 : i32
        %lt3A_861 = arith.cmpi slt, %select_n3A_854, %lt3A_860 : i32
        %ne3A_862 = arith.xori %lt3A_859, %lt3A_861 : i1
        %and3A_863 = arith.andi %ne3A_862, %ne3A_857 : i1
        %add3A_864 = arith.addi %rem3A_855, %select_n3A_854 : i32
        %select_n3A_865 = arith.select %and3A_863, %add3A_864, %rem3A_855 : i32
        %jit3A_866 = arith.constant 32 : i32
        %div3A_867 = arith.divsi %add3A_344, %jit3A_866 : i32
        %sign3A_868 = arith.constant 0 : i32
        %sign3A_869 = arith.cmpi sgt, %add3A_344, %sign3A_868 : i32
        %sign3A_870 = arith.extui %sign3A_869 : i1 to i32
        %sign3A_871 = arith.constant 0 : i32
        %sign3A_872 = arith.cmpi slt, %add3A_344, %sign3A_871 : i32
        %sign3A_873 = arith.extui %sign3A_872 : i1 to i32
        %sign3A_874 = arith.subi %sign3A_870, %sign3A_873 : i32
        %sign3A_875 = arith.constant 0 : i32
        %sign3A_876 = arith.cmpi sgt, %jit3A_866, %sign3A_875 : i32
        %sign3A_877 = arith.extui %sign3A_876 : i1 to i32
        %sign3A_878 = arith.constant 0 : i32
        %sign3A_879 = arith.cmpi slt, %jit3A_866, %sign3A_878 : i32
        %sign3A_880 = arith.extui %sign3A_879 : i1 to i32
        %sign3A_881 = arith.subi %sign3A_877, %sign3A_880 : i32
        %ne3A_882 = arith.cmpi ne, %sign3A_874, %sign3A_881 : i32
        %rem3A_883 = arith.remsi %add3A_344, %jit3A_866 : i32
        %ne3A_884 = arith.constant 0 : i32
        %ne3A_885 = arith.cmpi ne, %rem3A_883, %ne3A_884 : i32
        %and3A_886 = arith.andi %ne3A_882, %ne3A_885 : i1
        %sub3A_887 = arith.constant 1 : i32
        %sub3A_888 = arith.subi %div3A_867, %sub3A_887 : i32
        %select_n3A_889 = arith.select %and3A_886, %sub3A_888, %div3A_867 : i32
        %add3A_890 = arith.constant 30 : i32
        %add3A_891 = arith.addi %select_n3A_889, %add3A_890 : i32
        %mul3A_892 = arith.constant 64 : i32
        %mul3A_893 = arith.muli %add3A_891, %mul3A_892 : i32
        %jit3A_894 = arith.constant 32 : i32
        %div3A_895 = arith.divsi %select_n3A_865, %jit3A_894 : i32
        %sign3A_896 = arith.constant 0 : i32
        %sign3A_897 = arith.cmpi sgt, %select_n3A_865, %sign3A_896 : i32
        %sign3A_898 = arith.extui %sign3A_897 : i1 to i32
        %sign3A_899 = arith.constant 0 : i32
        %sign3A_900 = arith.cmpi slt, %select_n3A_865, %sign3A_899 : i32
        %sign3A_901 = arith.extui %sign3A_900 : i1 to i32
        %sign3A_902 = arith.subi %sign3A_898, %sign3A_901 : i32
        %sign3A_903 = arith.constant 0 : i32
        %sign3A_904 = arith.cmpi sgt, %jit3A_894, %sign3A_903 : i32
        %sign3A_905 = arith.extui %sign3A_904 : i1 to i32
        %sign3A_906 = arith.constant 0 : i32
        %sign3A_907 = arith.cmpi slt, %jit3A_894, %sign3A_906 : i32
        %sign3A_908 = arith.extui %sign3A_907 : i1 to i32
        %sign3A_909 = arith.subi %sign3A_905, %sign3A_908 : i32
        %ne3A_910 = arith.cmpi ne, %sign3A_902, %sign3A_909 : i32
        %rem3A_911 = arith.remsi %select_n3A_865, %jit3A_894 : i32
        %ne3A_912 = arith.constant 0 : i32
        %ne3A_913 = arith.cmpi ne, %rem3A_911, %ne3A_912 : i32
        %and3A_914 = arith.andi %ne3A_910, %ne3A_913 : i1
        %sub3A_915 = arith.constant 1 : i32
        %sub3A_916 = arith.subi %div3A_895, %sub3A_915 : i32
        %select_n3A_917 = arith.select %and3A_914, %sub3A_916, %div3A_895 : i32
        %mul3A_918 = arith.constant 64 : i32
        %mul3A_919 = arith.muli %select_n3A_917, %mul3A_918 : i32
        %add3A_920 = arith.addi %mul3A_893, %mul3A_919 : i32
        %jit3A_921 = arith.constant 32 : i32
        %eq3A_922 = arith.constant 0 : i32
        %eq3A_923 = arith.cmpi eq, %jit3A_921, %eq3A_922 : i32
        %jit3A_924 = arith.constant 1 : i32
        %select_n3A_925 = arith.select %eq3A_923, %jit3A_924, %jit3A_921 : i32
        %rem3A_926 = arith.remsi %select_n3A_865, %select_n3A_925 : i32
        %ne3A_927 = arith.constant 0 : i32
        %ne3A_928 = arith.cmpi ne, %rem3A_926, %ne3A_927 : i32
        %lt3A_929 = arith.constant 0 : i32
        %lt3A_930 = arith.cmpi slt, %rem3A_926, %lt3A_929 : i32
        %lt3A_931 = arith.constant 0 : i32
        %lt3A_932 = arith.cmpi slt, %select_n3A_925, %lt3A_931 : i32
        %ne3A_933 = arith.xori %lt3A_930, %lt3A_932 : i1
        %and3A_934 = arith.andi %ne3A_933, %ne3A_928 : i1
        %add3A_935 = arith.addi %rem3A_926, %select_n3A_925 : i32
        %select_n3A_936 = arith.select %and3A_934, %add3A_935, %rem3A_926 : i32
        %add3A_937 = arith.addi %add3A_920, %select_n3A_936 : i32
        %add3A_938 = arith.constant 0 : i32
        %add3A_939 = arith.addi %add3A_937, %add3A_938 : i32
        %ne3A_940 = arith.cmpi ne, %add3A_849, %add3A_939 : i32
        %or3A_941 = arith.constant false
        %or3A_942 = arith.ori %or3A_941, %ne3A_940 : i1
        %or3A_943 = arith.ori %or3A_942, %eq3A_332 : i1
        %convert_element_type3A_944 = arith.extui %or3A_943 : i1 to i32
        %cond3A_945 = arith.constant 0 : i32
        %cond3A_946 = arith.cmpi ne, %convert_element_type3A_944, %cond3A_945 : i32
        scf.if %cond3A_946 {
          %jit3A_2735 = arith.constant 32 : i32
          "tpu.trace_start"() <{level = 10 : i32, message = "ep_wait_in"}> : () -> ()
          %eq3A_2736 = arith.constant 0 : i32
          %eq3A_2737 = arith.cmpi eq, %jit3A_2735, %eq3A_2736 : i32
          %jit3A_2738 = arith.constant 1 : i32
          %select_n3A_2739 = arith.select %eq3A_2737, %jit3A_2738, %jit3A_2735 : i32
          %rem3A_2740 = arith.remsi %add3A_335, %select_n3A_2739 : i32
          %ne3A_2741 = arith.constant 0 : i32
          %ne3A_2742 = arith.cmpi ne, %rem3A_2740, %ne3A_2741 : i32
          %lt3A_2743 = arith.constant 0 : i32
          %lt3A_2744 = arith.cmpi slt, %rem3A_2740, %lt3A_2743 : i32
          %lt3A_2745 = arith.constant 0 : i32
          %lt3A_2746 = arith.cmpi slt, %select_n3A_2739, %lt3A_2745 : i32
          %ne3A_2747 = arith.xori %lt3A_2744, %lt3A_2746 : i1
          %and3A_2748 = arith.andi %ne3A_2747, %ne3A_2742 : i1
          %add3A_2749 = arith.addi %rem3A_2740, %select_n3A_2739 : i32
          %select_n3A_2750 = arith.select %and3A_2748, %add3A_2749, %rem3A_2740 : i32
          %jit3A_2751 = arith.constant 32 : i32
          %div3A_2752 = arith.divsi %add3A_335, %jit3A_2751 : i32
          %sign3A_2753 = arith.constant 0 : i32
          %sign3A_2754 = arith.cmpi sgt, %add3A_335, %sign3A_2753 : i32
          %sign3A_2755 = arith.extui %sign3A_2754 : i1 to i32
          %sign3A_2756 = arith.constant 0 : i32
          %sign3A_2757 = arith.cmpi slt, %add3A_335, %sign3A_2756 : i32
          %sign3A_2758 = arith.extui %sign3A_2757 : i1 to i32
          %sign3A_2759 = arith.subi %sign3A_2755, %sign3A_2758 : i32
          %sign3A_2760 = arith.constant 0 : i32
          %sign3A_2761 = arith.cmpi sgt, %jit3A_2751, %sign3A_2760 : i32
          %sign3A_2762 = arith.extui %sign3A_2761 : i1 to i32
          %sign3A_2763 = arith.constant 0 : i32
          %sign3A_2764 = arith.cmpi slt, %jit3A_2751, %sign3A_2763 : i32
          %sign3A_2765 = arith.extui %sign3A_2764 : i1 to i32
          %sign3A_2766 = arith.subi %sign3A_2762, %sign3A_2765 : i32
          %ne3A_2767 = arith.cmpi ne, %sign3A_2759, %sign3A_2766 : i32
          %rem3A_2768 = arith.remsi %add3A_335, %jit3A_2751 : i32
          %ne3A_2769 = arith.constant 0 : i32
          %ne3A_2770 = arith.cmpi ne, %rem3A_2768, %ne3A_2769 : i32
          %and3A_2771 = arith.andi %ne3A_2767, %ne3A_2770 : i1
          %sub3A_2772 = arith.constant 1 : i32
          %sub3A_2773 = arith.subi %div3A_2752, %sub3A_2772 : i32
          %select_n3A_2774 = arith.select %and3A_2771, %sub3A_2773, %div3A_2752 : i32
          %add3A_2775 = arith.constant 30 : i32
          %add3A_2776 = arith.addi %select_n3A_2774, %add3A_2775 : i32
          %mul3A_2777 = arith.constant 64 : i32
          %mul3A_2778 = arith.muli %add3A_2776, %mul3A_2777 : i32
          %jit3A_2779 = arith.constant 32 : i32
          %div3A_2780 = arith.divsi %select_n3A_2750, %jit3A_2779 : i32
          %sign3A_2781 = arith.constant 0 : i32
          %sign3A_2782 = arith.cmpi sgt, %select_n3A_2750, %sign3A_2781 : i32
          %sign3A_2783 = arith.extui %sign3A_2782 : i1 to i32
          %sign3A_2784 = arith.constant 0 : i32
          %sign3A_2785 = arith.cmpi slt, %select_n3A_2750, %sign3A_2784 : i32
          %sign3A_2786 = arith.extui %sign3A_2785 : i1 to i32
          %sign3A_2787 = arith.subi %sign3A_2783, %sign3A_2786 : i32
          %sign3A_2788 = arith.constant 0 : i32
          %sign3A_2789 = arith.cmpi sgt, %jit3A_2779, %sign3A_2788 : i32
          %sign3A_2790 = arith.extui %sign3A_2789 : i1 to i32
          %sign3A_2791 = arith.constant 0 : i32
          %sign3A_2792 = arith.cmpi slt, %jit3A_2779, %sign3A_2791 : i32
          %sign3A_2793 = arith.extui %sign3A_2792 : i1 to i32
          %sign3A_2794 = arith.subi %sign3A_2790, %sign3A_2793 : i32
          %ne3A_2795 = arith.cmpi ne, %sign3A_2787, %sign3A_2794 : i32
          %rem3A_2796 = arith.remsi %select_n3A_2750, %jit3A_2779 : i32
          %ne3A_2797 = arith.constant 0 : i32
          %ne3A_2798 = arith.cmpi ne, %rem3A_2796, %ne3A_2797 : i32
          %and3A_2799 = arith.andi %ne3A_2795, %ne3A_2798 : i1
          %sub3A_2800 = arith.constant 1 : i32
          %sub3A_2801 = arith.subi %div3A_2780, %sub3A_2800 : i32
          %select_n3A_2802 = arith.select %and3A_2799, %sub3A_2801, %div3A_2780 : i32
          %mul3A_2803 = arith.constant 64 : i32
          %mul3A_2804 = arith.muli %select_n3A_2802, %mul3A_2803 : i32
          %add3A_2805 = arith.addi %mul3A_2778, %mul3A_2804 : i32
          %jit3A_2806 = arith.constant 32 : i32
          %eq3A_2807 = arith.constant 0 : i32
          %eq3A_2808 = arith.cmpi eq, %jit3A_2806, %eq3A_2807 : i32
          %jit3A_2809 = arith.constant 1 : i32
          %select_n3A_2810 = arith.select %eq3A_2808, %jit3A_2809, %jit3A_2806 : i32
          %rem3A_2811 = arith.remsi %select_n3A_2750, %select_n3A_2810 : i32
          %ne3A_2812 = arith.constant 0 : i32
          %ne3A_2813 = arith.cmpi ne, %rem3A_2811, %ne3A_2812 : i32
          %lt3A_2814 = arith.constant 0 : i32
          %lt3A_2815 = arith.cmpi slt, %rem3A_2811, %lt3A_2814 : i32
          %lt3A_2816 = arith.constant 0 : i32
          %lt3A_2817 = arith.cmpi slt, %select_n3A_2810, %lt3A_2816 : i32
          %ne3A_2818 = arith.xori %lt3A_2815, %lt3A_2817 : i1
          %and3A_2819 = arith.andi %ne3A_2818, %ne3A_2813 : i1
          %add3A_2820 = arith.addi %rem3A_2811, %select_n3A_2810 : i32
          %select_n3A_2821 = arith.select %and3A_2819, %add3A_2820, %rem3A_2811 : i32
          %add3A_2822 = arith.addi %add3A_2805, %select_n3A_2821 : i32
          %add3A_2823 = arith.constant 0 : i32
          %add3A_2824 = arith.addi %add3A_2822, %add3A_2823 : i32
          %mul3A_2825 = arith.constant 256 : i32
          %mul3A_2826 = arith.muli %mul3A_2825, %add3A_2824 : i32
          %rem3A_2827 = arith.constant 2 : i32
          %rem3A_2828 = arith.remui %scan3A_325, %rem3A_2827 : i32
          %dma_wait3A_2829 = arith.constant 0 : i32
          %dma_wait3A_2830 = arith.constant 0 : i32
          %dma_wait3A_2831 = tpu.memref_slice %run_scoped3A[%rem3A_2828, %dma_wait3A_2829, %dma_wait3A_2830] : memref<2x1x256xi32, #tpu.memory_space<vmem>> -> memref<1x1x256xi32, #tpu.memory_space<vmem>>
          %dma_wait3A_2832 = tpu.memref_squeeze %dma_wait3A_2831 : memref<1x1x256xi32, #tpu.memory_space<vmem>> -> memref<1x256xi32, #tpu.memory_space<vmem>>
          %dma_wait3A_2833 = arith.constant 0 : i32
          %dma_wait3A_2834 = tpu.memref_slice %arg3[%dma_wait3A_2833, %mul3A_2826] : memref<1x819200xi32, #tpu.memory_space<hbm>> -> memref<1x256xi32, #tpu.memory_space<hbm>>
          %dma_wait3A_2835 = tpu.memref_slice %run_scoped3A_7[%rem3A_2828] : memref<2x!tpu.dma_semaphore, #tpu.memory_space<semaphore_mem>> -> memref<1x!tpu.dma_semaphore, #tpu.memory_space<semaphore_mem>>
          %dma_wait3A_2836 = tpu.memref_squeeze %dma_wait3A_2835 : memref<1x!tpu.dma_semaphore, #tpu.memory_space<semaphore_mem>> -> memref<!tpu.dma_semaphore, #tpu.memory_space<semaphore_mem>>
          %dma_wait3A_2837 = arith.constant 0 : i32
          %dma_wait3A_2838 = arith.constant 0 : i32
          %dma_wait3A_2839 = tpu.memref_slice %run_scoped3A[%rem3A_2828, %dma_wait3A_2837, %dma_wait3A_2838] : memref<2x1x256xi32, #tpu.memory_space<vmem>> -> memref<1x1x256xi32, #tpu.memory_space<vmem>>
          %dma_wait3A_2840 = tpu.memref_squeeze %dma_wait3A_2839 : memref<1x1x256xi32, #tpu.memory_space<vmem>> -> memref<1x256xi32, #tpu.memory_space<vmem>>
          %dma_wait3A_2841 = arith.constant 0 : i32
          %dma_wait3A_2842 = tpu.memref_slice %arg3[%dma_wait3A_2841, %mul3A_2826] : memref<1x819200xi32, #tpu.memory_space<hbm>> -> memref<1x256xi32, #tpu.memory_space<hbm>>
          tpu.wait_dma2 semaphore(%dma_wait3A_2836 : memref<!tpu.dma_semaphore, #tpu.memory_space<semaphore_mem>>) src(%dma_wait3A_2842 : memref<1x256xi32, #tpu.memory_space<hbm>>) dst(%dma_wait3A_2840 : memref<1x256xi32, #tpu.memory_space<vmem>>)
          "tpu.trace_stop"() : () -> ()
        } else {
        }
        %jit3A_947 = arith.constant 32 : i32
        %eq3A_948 = arith.constant 0 : i32
        %eq3A_949 = arith.cmpi eq, %jit3A_947, %eq3A_948 : i32
        %jit3A_950 = arith.constant 1 : i32
        %select_n3A_951 = arith.select %eq3A_949, %jit3A_950, %jit3A_947 : i32
        %rem3A_952 = arith.remsi %add3A_335, %select_n3A_951 : i32
        %ne3A_953 = arith.constant 0 : i32
        %ne3A_954 = arith.cmpi ne, %rem3A_952, %ne3A_953 : i32
        %lt3A_955 = arith.constant 0 : i32
        %lt3A_956 = arith.cmpi slt, %rem3A_952, %lt3A_955 : i32
        %lt3A_957 = arith.constant 0 : i32
        %lt3A_958 = arith.cmpi slt, %select_n3A_951, %lt3A_957 : i32
        %ne3A_959 = arith.xori %lt3A_956, %lt3A_958 : i1
        %and3A_960 = arith.andi %ne3A_959, %ne3A_954 : i1
        %add3A_961 = arith.addi %rem3A_952, %select_n3A_951 : i32
        %select_n3A_962 = arith.select %and3A_960, %add3A_961, %rem3A_952 : i32
        %jit3A_963 = arith.constant 32 : i32
        %div3A_964 = arith.divsi %add3A_335, %jit3A_963 : i32
        %sign3A_965 = arith.constant 0 : i32
        %sign3A_966 = arith.cmpi sgt, %add3A_335, %sign3A_965 : i32
        %sign3A_967 = arith.extui %sign3A_966 : i1 to i32
        %sign3A_968 = arith.constant 0 : i32
        %sign3A_969 = arith.cmpi slt, %add3A_335, %sign3A_968 : i32
        %sign3A_970 = arith.extui %sign3A_969 : i1 to i32
        %sign3A_971 = arith.subi %sign3A_967, %sign3A_970 : i32
        %sign3A_972 = arith.constant 0 : i32
        %sign3A_973 = arith.cmpi sgt, %jit3A_963, %sign3A_972 : i32
        %sign3A_974 = arith.extui %sign3A_973 : i1 to i32
        %sign3A_975 = arith.constant 0 : i32
        %sign3A_976 = arith.cmpi slt, %jit3A_963, %sign3A_975 : i32
        %sign3A_977 = arith.extui %sign3A_976 : i1 to i32
        %sign3A_978 = arith.subi %sign3A_974, %sign3A_977 : i32
        %ne3A_979 = arith.cmpi ne, %sign3A_971, %sign3A_978 : i32
        %rem3A_980 = arith.remsi %add3A_335, %jit3A_963 : i32
        %ne3A_981 = arith.constant 0 : i32
        %ne3A_982 = arith.cmpi ne, %rem3A_980, %ne3A_981 : i32
        %and3A_983 = arith.andi %ne3A_979, %ne3A_982 : i1
        %sub3A_984 = arith.constant 1 : i32
        %sub3A_985 = arith.subi %div3A_964, %sub3A_984 : i32
        %select_n3A_986 = arith.select %and3A_983, %sub3A_985, %div3A_964 : i32
        %add3A_987 = arith.constant 30 : i32
        %add3A_988 = arith.addi %select_n3A_986, %add3A_987 : i32
        %mul3A_989 = arith.constant 64 : i32
        %mul3A_990 = arith.muli %add3A_988, %mul3A_989 : i32
        %jit3A_991 = arith.constant 32 : i32
        %div3A_992 = arith.divsi %select_n3A_962, %jit3A_991 : i32
        %sign3A_993 = arith.constant 0 : i32
        %sign3A_994 = arith.cmpi sgt, %select_n3A_962, %sign3A_993 : i32
        %sign3A_995 = arith.extui %sign3A_994 : i1 to i32
        %sign3A_996 = arith.constant 0 : i32
        %sign3A_997 = arith.cmpi slt, %select_n3A_962, %sign3A_996 : i32
        %sign3A_998 = arith.extui %sign3A_997 : i1 to i32
        %sign3A_999 = arith.subi %sign3A_995, %sign3A_998 : i32
        %sign3A_1000 = arith.constant 0 : i32
        %sign3A_1001 = arith.cmpi sgt, %jit3A_991, %sign3A_1000 : i32
        %sign3A_1002 = arith.extui %sign3A_1001 : i1 to i32
        %sign3A_1003 = arith.constant 0 : i32
        %sign3A_1004 = arith.cmpi slt, %jit3A_991, %sign3A_1003 : i32
        %sign3A_1005 = arith.extui %sign3A_1004 : i1 to i32
        %sign3A_1006 = arith.subi %sign3A_1002, %sign3A_1005 : i32
        %ne3A_1007 = arith.cmpi ne, %sign3A_999, %sign3A_1006 : i32
        %rem3A_1008 = arith.remsi %select_n3A_962, %jit3A_991 : i32
        %ne3A_1009 = arith.constant 0 : i32
        %ne3A_1010 = arith.cmpi ne, %rem3A_1008, %ne3A_1009 : i32
        %and3A_1011 = arith.andi %ne3A_1007, %ne3A_1010 : i1
        %sub3A_1012 = arith.constant 1 : i32
        %sub3A_1013 = arith.subi %div3A_992, %sub3A_1012 : i32
        %select_n3A_1014 = arith.select %and3A_1011, %sub3A_1013, %div3A_992 : i32
        %mul3A_1015 = arith.constant 64 : i32
        %mul3A_1016 = arith.muli %select_n3A_1014, %mul3A_1015 : i32
        %add3A_1017 = arith.addi %mul3A_990, %mul3A_1016 : i32
        %jit3A_1018 = arith.constant 32 : i32
        %eq3A_1019 = arith.constant 0 : i32
        %eq3A_1020 = arith.cmpi eq, %jit3A_1018, %eq3A_1019 : i32
        %jit3A_1021 = arith.constant 1 : i32
        %select_n3A_1022 = arith.select %eq3A_1020, %jit3A_1021, %jit3A_1018 : i32
        %rem3A_1023 = arith.remsi %select_n3A_962, %select_n3A_1022 : i32
        %ne3A_1024 = arith.constant 0 : i32
        %ne3A_1025 = arith.cmpi ne, %rem3A_1023, %ne3A_1024 : i32
        %lt3A_1026 = arith.constant 0 : i32
        %lt3A_1027 = arith.cmpi slt, %rem3A_1023, %lt3A_1026 : i32
        %lt3A_1028 = arith.constant 0 : i32
        %lt3A_1029 = arith.cmpi slt, %select_n3A_1022, %lt3A_1028 : i32
        %ne3A_1030 = arith.xori %lt3A_1027, %lt3A_1029 : i1
        %and3A_1031 = arith.andi %ne3A_1030, %ne3A_1025 : i1
        %add3A_1032 = arith.addi %rem3A_1023, %select_n3A_1022 : i32
        %select_n3A_1033 = arith.select %and3A_1031, %add3A_1032, %rem3A_1023 : i32
        %add3A_1034 = arith.addi %add3A_1017, %select_n3A_1033 : i32
        %add3A_1035 = arith.constant 32 : i32
        %add3A_1036 = arith.addi %add3A_1034, %add3A_1035 : i32
        %jit3A_1037 = arith.constant 32 : i32
        %eq3A_1038 = arith.constant 0 : i32
        %eq3A_1039 = arith.cmpi eq, %jit3A_1037, %eq3A_1038 : i32
        %jit3A_1040 = arith.constant 1 : i32
        %select_n3A_1041 = arith.select %eq3A_1039, %jit3A_1040, %jit3A_1037 : i32
        %rem3A_1042 = arith.remsi %add3A_344, %select_n3A_1041 : i32
        %ne3A_1043 = arith.constant 0 : i32
        %ne3A_1044 = arith.cmpi ne, %rem3A_1042, %ne3A_1043 : i32
        %lt3A_1045 = arith.constant 0 : i32
        %lt3A_1046 = arith.cmpi slt, %rem3A_1042, %lt3A_1045 : i32
        %lt3A_1047 = arith.constant 0 : i32
        %lt3A_1048 = arith.cmpi slt, %select_n3A_1041, %lt3A_1047 : i32
        %ne3A_1049 = arith.xori %lt3A_1046, %lt3A_1048 : i1
        %and3A_1050 = arith.andi %ne3A_1049, %ne3A_1044 : i1
        %add3A_1051 = arith.addi %rem3A_1042, %select_n3A_1041 : i32
        %select_n3A_1052 = arith.select %and3A_1050, %add3A_1051, %rem3A_1042 : i32
        %jit3A_1053 = arith.constant 32 : i32
        %div3A_1054 = arith.divsi %add3A_344, %jit3A_1053 : i32
        %sign3A_1055 = arith.constant 0 : i32
        %sign3A_1056 = arith.cmpi sgt, %add3A_344, %sign3A_1055 : i32
        %sign3A_1057 = arith.extui %sign3A_1056 : i1 to i32
        %sign3A_1058 = arith.constant 0 : i32
        %sign3A_1059 = arith.cmpi slt, %add3A_344, %sign3A_1058 : i32
        %sign3A_1060 = arith.extui %sign3A_1059 : i1 to i32
        %sign3A_1061 = arith.subi %sign3A_1057, %sign3A_1060 : i32
        %sign3A_1062 = arith.constant 0 : i32
        %sign3A_1063 = arith.cmpi sgt, %jit3A_1053, %sign3A_1062 : i32
        %sign3A_1064 = arith.extui %sign3A_1063 : i1 to i32
        %sign3A_1065 = arith.constant 0 : i32
        %sign3A_1066 = arith.cmpi slt, %jit3A_1053, %sign3A_1065 : i32
        %sign3A_1067 = arith.extui %sign3A_1066 : i1 to i32
        %sign3A_1068 = arith.subi %sign3A_1064, %sign3A_1067 : i32
        %ne3A_1069 = arith.cmpi ne, %sign3A_1061, %sign3A_1068 : i32
        %rem3A_1070 = arith.remsi %add3A_344, %jit3A_1053 : i32
        %ne3A_1071 = arith.constant 0 : i32
        %ne3A_1072 = arith.cmpi ne, %rem3A_1070, %ne3A_1071 : i32
        %and3A_1073 = arith.andi %ne3A_1069, %ne3A_1072 : i1
        %sub3A_1074 = arith.constant 1 : i32
        %sub3A_1075 = arith.subi %div3A_1054, %sub3A_1074 : i32
        %select_n3A_1076 = arith.select %and3A_1073, %sub3A_1075, %div3A_1054 : i32
        %add3A_1077 = arith.constant 30 : i32
        %add3A_1078 = arith.addi %select_n3A_1076, %add3A_1077 : i32
        %mul3A_1079 = arith.constant 64 : i32
        %mul3A_1080 = arith.muli %add3A_1078, %mul3A_1079 : i32
        %jit3A_1081 = arith.constant 32 : i32
        %div3A_1082 = arith.divsi %select_n3A_1052, %jit3A_1081 : i32
        %sign3A_1083 = arith.constant 0 : i32
        %sign3A_1084 = arith.cmpi sgt, %select_n3A_1052, %sign3A_1083 : i32
        %sign3A_1085 = arith.extui %sign3A_1084 : i1 to i32
        %sign3A_1086 = arith.constant 0 : i32
        %sign3A_1087 = arith.cmpi slt, %select_n3A_1052, %sign3A_1086 : i32
        %sign3A_1088 = arith.extui %sign3A_1087 : i1 to i32
        %sign3A_1089 = arith.subi %sign3A_1085, %sign3A_1088 : i32
        %sign3A_1090 = arith.constant 0 : i32
        %sign3A_1091 = arith.cmpi sgt, %jit3A_1081, %sign3A_1090 : i32
        %sign3A_1092 = arith.extui %sign3A_1091 : i1 to i32
        %sign3A_1093 = arith.constant 0 : i32
        %sign3A_1094 = arith.cmpi slt, %jit3A_1081, %sign3A_1093 : i32
        %sign3A_1095 = arith.extui %sign3A_1094 : i1 to i32
        %sign3A_1096 = arith.subi %sign3A_1092, %sign3A_1095 : i32
        %ne3A_1097 = arith.cmpi ne, %sign3A_1089, %sign3A_1096 : i32
        %rem3A_1098 = arith.remsi %select_n3A_1052, %jit3A_1081 : i32
        %ne3A_1099 = arith.constant 0 : i32
        %ne3A_1100 = arith.cmpi ne, %rem3A_1098, %ne3A_1099 : i32
        %and3A_1101 = arith.andi %ne3A_1097, %ne3A_1100 : i1
        %sub3A_1102 = arith.constant 1 : i32
        %sub3A_1103 = arith.subi %div3A_1082, %sub3A_1102 : i32
        %select_n3A_1104 = arith.select %and3A_1101, %sub3A_1103, %div3A_1082 : i32
        %mul3A_1105 = arith.constant 64 : i32
        %mul3A_1106 = arith.muli %select_n3A_1104, %mul3A_1105 : i32
        %add3A_1107 = arith.addi %mul3A_1080, %mul3A_1106 : i32
        %jit3A_1108 = arith.constant 32 : i32
        %eq3A_1109 = arith.constant 0 : i32
        %eq3A_1110 = arith.cmpi eq, %jit3A_1108, %eq3A_1109 : i32
        %jit3A_1111 = arith.constant 1 : i32
        %select_n3A_1112 = arith.select %eq3A_1110, %jit3A_1111, %jit3A_1108 : i32
        %rem3A_1113 = arith.remsi %select_n3A_1052, %select_n3A_1112 : i32
        %ne3A_1114 = arith.constant 0 : i32
        %ne3A_1115 = arith.cmpi ne, %rem3A_1113, %ne3A_1114 : i32
        %lt3A_1116 = arith.constant 0 : i32
        %lt3A_1117 = arith.cmpi slt, %rem3A_1113, %lt3A_1116 : i32
        %lt3A_1118 = arith.constant 0 : i32
        %lt3A_1119 = arith.cmpi slt, %select_n3A_1112, %lt3A_1118 : i32
        %ne3A_1120 = arith.xori %lt3A_1117, %lt3A_1119 : i1
        %and3A_1121 = arith.andi %ne3A_1120, %ne3A_1115 : i1
        %add3A_1122 = arith.addi %rem3A_1113, %select_n3A_1112 : i32
        %select_n3A_1123 = arith.select %and3A_1121, %add3A_1122, %rem3A_1113 : i32
        %add3A_1124 = arith.addi %add3A_1107, %select_n3A_1123 : i32
        %add3A_1125 = arith.constant 32 : i32
        %add3A_1126 = arith.addi %add3A_1124, %add3A_1125 : i32
        %ne3A_1127 = arith.cmpi ne, %add3A_1036, %add3A_1126 : i32
        %or3A_1128 = arith.constant false
        %or3A_1129 = arith.ori %or3A_1128, %ne3A_1127 : i1
        %or3A_1130 = arith.ori %or3A_1129, %eq3A_332 : i1
        %convert_element_type3A_1131 = arith.extui %or3A_1130 : i1 to i32
        %cond3A_1132 = arith.constant 0 : i32
        %cond3A_1133 = arith.cmpi ne, %convert_element_type3A_1131, %cond3A_1132 : i32
        scf.if %cond3A_1133 {
          %jit3A_2735 = arith.constant 32 : i32
          "tpu.trace_start"() <{level = 10 : i32, message = "ep_wait_in"}> : () -> ()
          %eq3A_2736 = arith.constant 0 : i32
          %eq3A_2737 = arith.cmpi eq, %jit3A_2735, %eq3A_2736 : i32
          %jit3A_2738 = arith.constant 1 : i32
          %select_n3A_2739 = arith.select %eq3A_2737, %jit3A_2738, %jit3A_2735 : i32
          %rem3A_2740 = arith.remsi %add3A_335, %select_n3A_2739 : i32
          %ne3A_2741 = arith.constant 0 : i32
          %ne3A_2742 = arith.cmpi ne, %rem3A_2740, %ne3A_2741 : i32
          %lt3A_2743 = arith.constant 0 : i32
          %lt3A_2744 = arith.cmpi slt, %rem3A_2740, %lt3A_2743 : i32
          %lt3A_2745 = arith.constant 0 : i32
          %lt3A_2746 = arith.cmpi slt, %select_n3A_2739, %lt3A_2745 : i32
          %ne3A_2747 = arith.xori %lt3A_2744, %lt3A_2746 : i1
          %and3A_2748 = arith.andi %ne3A_2747, %ne3A_2742 : i1
          %add3A_2749 = arith.addi %rem3A_2740, %select_n3A_2739 : i32
          %select_n3A_2750 = arith.select %and3A_2748, %add3A_2749, %rem3A_2740 : i32
          %jit3A_2751 = arith.constant 32 : i32
          %div3A_2752 = arith.divsi %add3A_335, %jit3A_2751 : i32
          %sign3A_2753 = arith.constant 0 : i32
          %sign3A_2754 = arith.cmpi sgt, %add3A_335, %sign3A_2753 : i32
          %sign3A_2755 = arith.extui %sign3A_2754 : i1 to i32
          %sign3A_2756 = arith.constant 0 : i32
          %sign3A_2757 = arith.cmpi slt, %add3A_335, %sign3A_2756 : i32
          %sign3A_2758 = arith.extui %sign3A_2757 : i1 to i32
          %sign3A_2759 = arith.subi %sign3A_2755, %sign3A_2758 : i32
          %sign3A_2760 = arith.constant 0 : i32
          %sign3A_2761 = arith.cmpi sgt, %jit3A_2751, %sign3A_2760 : i32
          %sign3A_2762 = arith.extui %sign3A_2761 : i1 to i32
          %sign3A_2763 = arith.constant 0 : i32
          %sign3A_2764 = arith.cmpi slt, %jit3A_2751, %sign3A_2763 : i32
          %sign3A_2765 = arith.extui %sign3A_2764 : i1 to i32
          %sign3A_2766 = arith.subi %sign3A_2762, %sign3A_2765 : i32
          %ne3A_2767 = arith.cmpi ne, %sign3A_2759, %sign3A_2766 : i32
          %rem3A_2768 = arith.remsi %add3A_335, %jit3A_2751 : i32
          %ne3A_2769 = arith.constant 0 : i32
          %ne3A_2770 = arith.cmpi ne, %rem3A_2768, %ne3A_2769 : i32
          %and3A_2771 = arith.andi %ne3A_2767, %ne3A_2770 : i1
          %sub3A_2772 = arith.constant 1 : i32
          %sub3A_2773 = arith.subi %div3A_2752, %sub3A_2772 : i32
          %select_n3A_2774 = arith.select %and3A_2771, %sub3A_2773, %div3A_2752 : i32
          %add3A_2775 = arith.constant 30 : i32
          %add3A_2776 = arith.addi %select_n3A_2774, %add3A_2775 : i32
          %mul3A_2777 = arith.constant 64 : i32
          %mul3A_2778 = arith.muli %add3A_2776, %mul3A_2777 : i32
          %jit3A_2779 = arith.constant 32 : i32
          %div3A_2780 = arith.divsi %select_n3A_2750, %jit3A_2779 : i32
          %sign3A_2781 = arith.constant 0 : i32
          %sign3A_2782 = arith.cmpi sgt, %select_n3A_2750, %sign3A_2781 : i32
          %sign3A_2783 = arith.extui %sign3A_2782 : i1 to i32
          %sign3A_2784 = arith.constant 0 : i32
          %sign3A_2785 = arith.cmpi slt, %select_n3A_2750, %sign3A_2784 : i32
          %sign3A_2786 = arith.extui %sign3A_2785 : i1 to i32
          %sign3A_2787 = arith.subi %sign3A_2783, %sign3A_2786 : i32
          %sign3A_2788 = arith.constant 0 : i32
          %sign3A_2789 = arith.cmpi sgt, %jit3A_2779, %sign3A_2788 : i32
          %sign3A_2790 = arith.extui %sign3A_2789 : i1 to i32
          %sign3A_2791 = arith.constant 0 : i32
          %sign3A_2792 = arith.cmpi slt, %jit3A_2779, %sign3A_2791 : i32
          %sign3A_2793 = arith.extui %sign3A_2792 : i1 to i32
          %sign3A_2794 = arith.subi %sign3A_2790, %sign3A_2793 : i32
          %ne3A_2795 = arith.cmpi ne, %sign3A_2787, %sign3A_2794 : i32
          %rem3A_2796 = arith.remsi %select_n3A_2750, %jit3A_2779 : i32
          %ne3A_2797 = arith.constant 0 : i32
          %ne3A_2798 = arith.cmpi ne, %rem3A_2796, %ne3A_2797 : i32
          %and3A_2799 = arith.andi %ne3A_2795, %ne3A_2798 : i1
          %sub3A_2800 = arith.constant 1 : i32
          %sub3A_2801 = arith.subi %div3A_2780, %sub3A_2800 : i32
          %select_n3A_2802 = arith.select %and3A_2799, %sub3A_2801, %div3A_2780 : i32
          %mul3A_2803 = arith.constant 64 : i32
          %mul3A_2804 = arith.muli %select_n3A_2802, %mul3A_2803 : i32
          %add3A_2805 = arith.addi %mul3A_2778, %mul3A_2804 : i32
          %jit3A_2806 = arith.constant 32 : i32
          %eq3A_2807 = arith.constant 0 : i32
          %eq3A_2808 = arith.cmpi eq, %jit3A_2806, %eq3A_2807 : i32
          %jit3A_2809 = arith.constant 1 : i32
          %select_n3A_2810 = arith.select %eq3A_2808, %jit3A_2809, %jit3A_2806 : i32
          %rem3A_2811 = arith.remsi %select_n3A_2750, %select_n3A_2810 : i32
          %ne3A_2812 = arith.constant 0 : i32
          %ne3A_2813 = arith.cmpi ne, %rem3A_2811, %ne3A_2812 : i32
          %lt3A_2814 = arith.constant 0 : i32
          %lt3A_2815 = arith.cmpi slt, %rem3A_2811, %lt3A_2814 : i32
          %lt3A_2816 = arith.constant 0 : i32
          %lt3A_2817 = arith.cmpi slt, %select_n3A_2810, %lt3A_2816 : i32
          %ne3A_2818 = arith.xori %lt3A_2815, %lt3A_2817 : i1
          %and3A_2819 = arith.andi %ne3A_2818, %ne3A_2813 : i1
          %add3A_2820 = arith.addi %rem3A_2811, %select_n3A_2810 : i32
          %select_n3A_2821 = arith.select %and3A_2819, %add3A_2820, %rem3A_2811 : i32
          %add3A_2822 = arith.addi %add3A_2805, %select_n3A_2821 : i32
          %add3A_2823 = arith.constant 32 : i32
          %add3A_2824 = arith.addi %add3A_2822, %add3A_2823 : i32
          %mul3A_2825 = arith.constant 256 : i32
          %mul3A_2826 = arith.muli %mul3A_2825, %add3A_2824 : i32
          %rem3A_2827 = arith.constant 2 : i32
          %rem3A_2828 = arith.remui %scan3A_327, %rem3A_2827 : i32
          %dma_wait3A_2829 = arith.constant 0 : i32
          %dma_wait3A_2830 = arith.constant 0 : i32
          %dma_wait3A_2831 = tpu.memref_slice %run_scoped3A_8[%rem3A_2828, %dma_wait3A_2829, %dma_wait3A_2830] : memref<2x1x256xi32, #tpu.memory_space<vmem>> -> memref<1x1x256xi32, #tpu.memory_space<vmem>>
          %dma_wait3A_2832 = tpu.memref_squeeze %dma_wait3A_2831 : memref<1x1x256xi32, #tpu.memory_space<vmem>> -> memref<1x256xi32, #tpu.memory_space<vmem>>
          %dma_wait3A_2833 = arith.constant 0 : i32
          %dma_wait3A_2834 = tpu.memref_slice %arg3[%dma_wait3A_2833, %mul3A_2826] : memref<1x819200xi32, #tpu.memory_space<hbm>> -> memref<1x256xi32, #tpu.memory_space<hbm>>
          %dma_wait3A_2835 = tpu.memref_slice %run_scoped3A_9[%rem3A_2828] : memref<2x!tpu.dma_semaphore, #tpu.memory_space<semaphore_mem>> -> memref<1x!tpu.dma_semaphore, #tpu.memory_space<semaphore_mem>>
          %dma_wait3A_2836 = tpu.memref_squeeze %dma_wait3A_2835 : memref<1x!tpu.dma_semaphore, #tpu.memory_space<semaphore_mem>> -> memref<!tpu.dma_semaphore, #tpu.memory_space<semaphore_mem>>
          %dma_wait3A_2837 = arith.constant 0 : i32
          %dma_wait3A_2838 = arith.constant 0 : i32
          %dma_wait3A_2839 = tpu.memref_slice %run_scoped3A_8[%rem3A_2828, %dma_wait3A_2837, %dma_wait3A_2838] : memref<2x1x256xi32, #tpu.memory_space<vmem>> -> memref<1x1x256xi32, #tpu.memory_space<vmem>>
          %dma_wait3A_2840 = tpu.memref_squeeze %dma_wait3A_2839 : memref<1x1x256xi32, #tpu.memory_space<vmem>> -> memref<1x256xi32, #tpu.memory_space<vmem>>
          %dma_wait3A_2841 = arith.constant 0 : i32
          %dma_wait3A_2842 = tpu.memref_slice %arg3[%dma_wait3A_2841, %mul3A_2826] : memref<1x819200xi32, #tpu.memory_space<hbm>> -> memref<1x256xi32, #tpu.memory_space<hbm>>
          tpu.wait_dma2 semaphore(%dma_wait3A_2836 : memref<!tpu.dma_semaphore, #tpu.memory_space<semaphore_mem>>) src(%dma_wait3A_2842 : memref<1x256xi32, #tpu.memory_space<hbm>>) dst(%dma_wait3A_2840 : memref<1x256xi32, #tpu.memory_space<vmem>>)
          "tpu.trace_stop"() : () -> ()
        } else {
        }
        %ne3A_1134 = arith.cmpi ne, %add3A_335, %add3A_344 : i32
        %or3A_1135 = arith.constant false
        %or3A_1136 = arith.ori %or3A_1135, %ne3A_1134 : i1
        %or3A_1137 = arith.constant false
        %or3A_1138 = arith.ori %or3A_1136, %or3A_1137 : i1
        %or3A_1139 = arith.ori %or3A_1138, %eq3A_332 : i1
        %convert_element_type3A_1140 = arith.extui %or3A_1139 : i1 to i32
        %cond3A_1141 = arith.constant 0 : i32
        %cond3A_1142 = arith.cmpi ne, %convert_element_type3A_1140, %cond3A_1141 : i32
        scf.if %cond3A_1142 {
        } else {
        }
        %rem3A_1143 = arith.constant 2 : i32
        %rem3A_1144 = arith.remui %scan3A_325, %rem3A_1143 : i32
        %rem3A_1145 = arith.constant 2 : i32
        %rem3A_1146 = arith.remui %scan3A_327, %rem3A_1145 : i32
        %rem3A_1147 = arith.constant 2 : i32
        %rem3A_1148 = arith.remui %scan3A_328, %rem3A_1147 : i32
        "tpu.trace_start"() <{level = 10 : i32, message = "ep_run_kernel"}> : () -> ()
        %iota3A = tpu.iota {dimensions = array<i32: 0>} : vector<16xi32>
        %mul3A_1149 = arith.constant 2 : i32
        %mul3A_1150 = vector.broadcast %mul3A_1149 : i32 to vector<16xi32>
        %mul3A_1151 = arith.muli %iota3A, %mul3A_1150 : vector<16xi32>
        %add3A_1152 = arith.constant 0 : i32
        %add3A_1153 = vector.broadcast %add3A_1152 : i32 to vector<16xi32>
        %add3A_1154 = arith.addi %mul3A_1151, %add3A_1153 : vector<16xi32>
        %get3A = arith.constant 0 : i32
        %get3A_1155 = arith.constant 0 : i32
        %get3A_1156 = arith.constant 0 : i32
        %get3A_1157 = tpu.memref_slice %run_scoped3A[%rem3A_1144, %get3A_1155, %get3A_1156] : memref<2x1x256xi32, #tpu.memory_space<vmem>> -> memref<1x1x256xi32, #tpu.memory_space<vmem>>
        %get3A_1158 = tpu.memref_squeeze %get3A_1157 : memref<1x1x256xi32, #tpu.memory_space<vmem>> -> memref<1x256xi32, #tpu.memory_space<vmem>>
        %get3A_1159 = arith.index_cast %get3A : i32 to index
        %get3A_1160 = arith.constant 0 : index
        %get3A_1161 = tpu.vector_load %get3A_1158[%get3A_1159, %get3A_1160] {strides = array<i32>} : memref<1x256xi32, #tpu.memory_space<vmem>>, vector<16xi32>,
        tpu.vector_store_idx %arg5[%add3A_1154], %get3A_1161 : memref<512xi32, #tpu.memory_space<vmem>>[vector<16xi32>], vector<16xi32>,
        %get3A_1162 = arith.constant 0 : i32
        %get3A_1163 = arith.constant 0 : i32
        %get3A_1164 = arith.constant 0 : i32
        %get3A_1165 = tpu.memref_slice %run_scoped3A_8[%rem3A_1146, %get3A_1163, %get3A_1164] : memref<2x1x256xi32, #tpu.memory_space<vmem>> -> memref<1x1x256xi32, #tpu.memory_space<vmem>>
        %get3A_1166 = tpu.memref_squeeze %get3A_1165 : memref<1x1x256xi32, #tpu.memory_space<vmem>> -> memref<1x256xi32, #tpu.memory_space<vmem>>
        %get3A_1167 = arith.index_cast %get3A_1162 : i32 to index
        %get3A_1168 = arith.constant 0 : index
        %get3A_1169 = tpu.vector_load %get3A_1166[%get3A_1167, %get3A_1168] {strides = array<i32>} : memref<1x256xi32, #tpu.memory_space<vmem>>, vector<16xi32>,
        %add3A_1170 = arith.constant 1 : i32
        %add3A_1171 = vector.broadcast %add3A_1170 : i32 to vector<16xi32>
        %add3A_1172 = arith.addi %add3A_1154, %add3A_1171 : vector<16xi32>
        tpu.vector_store_idx %arg5[%add3A_1172], %get3A_1169 : memref<512xi32, #tpu.memory_space<vmem>>[vector<16xi32>], vector<16xi32>,
        %iota3A_1173 = tpu.iota {dimensions = array<i32: 0>} : vector<16xi32>
        %mul3A_1174 = arith.constant 2 : i32
        %mul3A_1175 = vector.broadcast %mul3A_1174 : i32 to vector<16xi32>
        %mul3A_1176 = arith.muli %iota3A_1173, %mul3A_1175 : vector<16xi32>
        %add3A_1177 = arith.constant 32 : i32
        %add3A_1178 = vector.broadcast %add3A_1177 : i32 to vector<16xi32>
        %add3A_1179 = arith.addi %mul3A_1176, %add3A_1178 : vector<16xi32>
        %get3A_1180 = arith.constant 0 : i32
        %get3A_1181 = arith.constant 0 : i32
        %get3A_1182 = arith.constant 0 : i32
        %get3A_1183 = tpu.memref_slice %run_scoped3A[%rem3A_1144, %get3A_1181, %get3A_1182] : memref<2x1x256xi32, #tpu.memory_space<vmem>> -> memref<1x1x256xi32, #tpu.memory_space<vmem>>
        %get3A_1184 = tpu.memref_squeeze %get3A_1183 : memref<1x1x256xi32, #tpu.memory_space<vmem>> -> memref<1x256xi32, #tpu.memory_space<vmem>>
        %get3A_1185 = arith.index_cast %get3A_1180 : i32 to index
        %get3A_1186 = arith.constant 16 : index
        %get3A_1187 = tpu.vector_load %get3A_1184[%get3A_1185, %get3A_1186] {strides = array<i32>} : memref<1x256xi32, #tpu.memory_space<vmem>>, vector<16xi32>,
        tpu.vector_store_idx %arg5[%add3A_1179], %get3A_1187 : memref<512xi32, #tpu.memory_space<vmem>>[vector<16xi32>], vector<16xi32>,
        %get3A_1188 = arith.constant 0 : i32
        %get3A_1189 = arith.constant 0 : i32
        %get3A_1190 = arith.constant 0 : i32
        %get3A_1191 = tpu.memref_slice %run_scoped3A_8[%rem3A_1146, %get3A_1189, %get3A_1190] : memref<2x1x256xi32, #tpu.memory_space<vmem>> -> memref<1x1x256xi32, #tpu.memory_space<vmem>>
        %get3A_1192 = tpu.memref_squeeze %get3A_1191 : memref<1x1x256xi32, #tpu.memory_space<vmem>> -> memref<1x256xi32, #tpu.memory_space<vmem>>
        %get3A_1193 = arith.index_cast %get3A_1188 : i32 to index
        %get3A_1194 = arith.constant 16 : index
        %get3A_1195 = tpu.vector_load %get3A_1192[%get3A_1193, %get3A_1194] {strides = array<i32>} : memref<1x256xi32, #tpu.memory_space<vmem>>, vector<16xi32>,
        %add3A_1196 = arith.constant 1 : i32
        %add3A_1197 = vector.broadcast %add3A_1196 : i32 to vector<16xi32>
        %add3A_1198 = arith.addi %add3A_1179, %add3A_1197 : vector<16xi32>
        tpu.vector_store_idx %arg5[%add3A_1198], %get3A_1195 : memref<512xi32, #tpu.memory_space<vmem>>[vector<16xi32>], vector<16xi32>,
        %iota3A_1199 = tpu.iota {dimensions = array<i32: 0>} : vector<16xi32>
        %mul3A_1200 = arith.constant 2 : i32
        %mul3A_1201 = vector.broadcast %mul3A_1200 : i32 to vector<16xi32>
        %mul3A_1202 = arith.muli %iota3A_1199, %mul3A_1201 : vector<16xi32>
        %add3A_1203 = arith.constant 64 : i32
        %add3A_1204 = vector.broadcast %add3A_1203 : i32 to vector<16xi32>
        %add3A_1205 = arith.addi %mul3A_1202, %add3A_1204 : vector<16xi32>
        %get3A_1206 = arith.constant 0 : i32
        %get3A_1207 = arith.constant 0 : i32
        %get3A_1208 = arith.constant 0 : i32
        %get3A_1209 = tpu.memref_slice %run_scoped3A[%rem3A_1144, %get3A_1207, %get3A_1208] : memref<2x1x256xi32, #tpu.memory_space<vmem>> -> memref<1x1x256xi32, #tpu.memory_space<vmem>>
        %get3A_1210 = tpu.memref_squeeze %get3A_1209 : memref<1x1x256xi32, #tpu.memory_space<vmem>> -> memref<1x256xi32, #tpu.memory_space<vmem>>
        %get3A_1211 = arith.index_cast %get3A_1206 : i32 to index
        %get3A_1212 = arith.constant 32 : index
        %get3A_1213 = tpu.vector_load %get3A_1210[%get3A_1211, %get3A_1212] {strides = array<i32>} : memref<1x256xi32, #tpu.memory_space<vmem>>, vector<16xi32>,
        tpu.vector_store_idx %arg5[%add3A_1205], %get3A_1213 : memref<512xi32, #tpu.memory_space<vmem>>[vector<16xi32>], vector<16xi32>,
        %get3A_1214 = arith.constant 0 : i32
        %get3A_1215 = arith.constant 0 : i32
        %get3A_1216 = arith.constant 0 : i32
        %get3A_1217 = tpu.memref_slice %run_scoped3A_8[%rem3A_1146, %get3A_1215, %get3A_1216] : memref<2x1x256xi32, #tpu.memory_space<vmem>> -> memref<1x1x256xi32, #tpu.memory_space<vmem>>
        %get3A_1218 = tpu.memref_squeeze %get3A_1217 : memref<1x1x256xi32, #tpu.memory_space<vmem>> -> memref<1x256xi32, #tpu.memory_space<vmem>>
        %get3A_1219 = arith.index_cast %get3A_1214 : i32 to index
        %get3A_1220 = arith.constant 32 : index
        %get3A_1221 = tpu.vector_load %get3A_1218[%get3A_1219, %get3A_1220] {strides = array<i32>} : memref<1x256xi32, #tpu.memory_space<vmem>>, vector<16xi32>,
        %add3A_1222 = arith.constant 1 : i32
        %add3A_1223 = vector.broadcast %add3A_1222 : i32 to vector<16xi32>
        %add3A_1224 = arith.addi %add3A_1205, %add3A_1223 : vector<16xi32>
        tpu.vector_store_idx %arg5[%add3A_1224], %get3A_1221 : memref<512xi32, #tpu.memory_space<vmem>>[vector<16xi32>], vector<16xi32>,
        %iota3A_1225 = tpu.iota {dimensions = array<i32: 0>} : vector<16xi32>
        %mul3A_1226 = arith.constant 2 : i32
        %mul3A_1227 = vector.broadcast %mul3A_1226 : i32 to vector<16xi32>
        %mul3A_1228 = arith.muli %iota3A_1225, %mul3A_1227 : vector<16xi32>
        %add3A_1229 = arith.constant 96 : i32
        %add3A_1230 = vector.broadcast %add3A_1229 : i32 to vector<16xi32>
        %add3A_1231 = arith.addi %mul3A_1228, %add3A_1230 : vector<16xi32>
        %get3A_1232 = arith.constant 0 : i32
        %get3A_1233 = arith.constant 0 : i32
        %get3A_1234 = arith.constant 0 : i32
        %get3A_1235 = tpu.memref_slice %run_scoped3A[%rem3A_1144, %get3A_1233, %get3A_1234] : memref<2x1x256xi32, #tpu.memory_space<vmem>> -> memref<1x1x256xi32, #tpu.memory_space<vmem>>
        %get3A_1236 = tpu.memref_squeeze %get3A_1235 : memref<1x1x256xi32, #tpu.memory_space<vmem>> -> memref<1x256xi32, #tpu.memory_space<vmem>>
        %get3A_1237 = arith.index_cast %get3A_1232 : i32 to index
        %get3A_1238 = arith.constant 48 : index
        %get3A_1239 = tpu.vector_load %get3A_1236[%get3A_1237, %get3A_1238] {strides = array<i32>} : memref<1x256xi32, #tpu.memory_space<vmem>>, vector<16xi32>,
        tpu.vector_store_idx %arg5[%add3A_1231], %get3A_1239 : memref<512xi32, #tpu.memory_space<vmem>>[vector<16xi32>], vector<16xi32>,
        %get3A_1240 = arith.constant 0 : i32
        %get3A_1241 = arith.constant 0 : i32
        %get3A_1242 = arith.constant 0 : i32
        %get3A_1243 = tpu.memref_slice %run_scoped3A_8[%rem3A_1146, %get3A_1241, %get3A_1242] : memref<2x1x256xi32, #tpu.memory_space<vmem>> -> memref<1x1x256xi32, #tpu.memory_space<vmem>>
        %get3A_1244 = tpu.memref_squeeze %get3A_1243 : memref<1x1x256xi32, #tpu.memory_space<vmem>> -> memref<1x256xi32, #tpu.memory_space<vmem>>
        %get3A_1245 = arith.index_cast %get3A_1240 : i32 to index
        %get3A_1246 = arith.constant 48 : index
        %get3A_1247 = tpu.vector_load %get3A_1244[%get3A_1245, %get3A_1246] {strides = array<i32>} : memref<1x256xi32, #tpu.memory_space<vmem>>, vector<16xi32>,
        %add3A_1248 = arith.constant 1 : i32
        %add3A_1249 = vector.broadcast %add3A_1248 : i32 to vector<16xi32>
        %add3A_1250 = arith.addi %add3A_1231, %add3A_1249 : vector<16xi32>
        tpu.vector_store_idx %arg5[%add3A_1250], %get3A_1247 : memref<512xi32, #tpu.memory_space<vmem>>[vector<16xi32>], vector<16xi32>,
        %iota3A_1251 = tpu.iota {dimensions = array<i32: 0>} : vector<16xi32>
        %mul3A_1252 = arith.constant 2 : i32
        %mul3A_1253 = vector.broadcast %mul3A_1252 : i32 to vector<16xi32>
        %mul3A_1254 = arith.muli %iota3A_1251, %mul3A_1253 : vector<16xi32>
        %add3A_1255 = arith.constant 128 : i32
        %add3A_1256 = vector.broadcast %add3A_1255 : i32 to vector<16xi32>
        %add3A_1257 = arith.addi %mul3A_1254, %add3A_1256 : vector<16xi32>
        %get3A_1258 = arith.constant 0 : i32
        %get3A_1259 = arith.constant 0 : i32
        %get3A_1260 = arith.constant 0 : i32
        %get3A_1261 = tpu.memref_slice %run_scoped3A[%rem3A_1144, %get3A_1259, %get3A_1260] : memref<2x1x256xi32, #tpu.memory_space<vmem>> -> memref<1x1x256xi32, #tpu.memory_space<vmem>>
        %get3A_1262 = tpu.memref_squeeze %get3A_1261 : memref<1x1x256xi32, #tpu.memory_space<vmem>> -> memref<1x256xi32, #tpu.memory_space<vmem>>
        %get3A_1263 = arith.index_cast %get3A_1258 : i32 to index
        %get3A_1264 = arith.constant 64 : index
        %get3A_1265 = tpu.vector_load %get3A_1262[%get3A_1263, %get3A_1264] {strides = array<i32>} : memref<1x256xi32, #tpu.memory_space<vmem>>, vector<16xi32>,
        tpu.vector_store_idx %arg5[%add3A_1257], %get3A_1265 : memref<512xi32, #tpu.memory_space<vmem>>[vector<16xi32>], vector<16xi32>,
        %get3A_1266 = arith.constant 0 : i32
        %get3A_1267 = arith.constant 0 : i32
        %get3A_1268 = arith.constant 0 : i32
        %get3A_1269 = tpu.memref_slice %run_scoped3A_8[%rem3A_1146, %get3A_1267, %get3A_1268] : memref<2x1x256xi32, #tpu.memory_space<vmem>> -> memref<1x1x256xi32, #tpu.memory_space<vmem>>
        %get3A_1270 = tpu.memref_squeeze %get3A_1269 : memref<1x1x256xi32, #tpu.memory_space<vmem>> -> memref<1x256xi32, #tpu.memory_space<vmem>>
        %get3A_1271 = arith.index_cast %get3A_1266 : i32 to index
        %get3A_1272 = arith.constant 64 : index
        %get3A_1273 = tpu.vector_load %get3A_1270[%get3A_1271, %get3A_1272] {strides = array<i32>} : memref<1x256xi32, #tpu.memory_space<vmem>>, vector<16xi32>,
        %add3A_1274 = arith.constant 1 : i32
        %add3A_1275 = vector.broadcast %add3A_1274 : i32 to vector<16xi32>
        %add3A_1276 = arith.addi %add3A_1257, %add3A_1275 : vector<16xi32>
        tpu.vector_store_idx %arg5[%add3A_1276], %get3A_1273 : memref<512xi32, #tpu.memory_space<vmem>>[vector<16xi32>], vector<16xi32>,
        %iota3A_1277 = tpu.iota {dimensions = array<i32: 0>} : vector<16xi32>
        %mul3A_1278 = arith.constant 2 : i32
        %mul3A_1279 = vector.broadcast %mul3A_1278 : i32 to vector<16xi32>
        %mul3A_1280 = arith.muli %iota3A_1277, %mul3A_1279 : vector<16xi32>
        %add3A_1281 = arith.constant 160 : i32
        %add3A_1282 = vector.broadcast %add3A_1281 : i32 to vector<16xi32>
        %add3A_1283 = arith.addi %mul3A_1280, %add3A_1282 : vector<16xi32>
        %get3A_1284 = arith.constant 0 : i32
        %get3A_1285 = arith.constant 0 : i32
        %get3A_1286 = arith.constant 0 : i32
        %get3A_1287 = tpu.memref_slice %run_scoped3A[%rem3A_1144, %get3A_1285, %get3A_1286] : memref<2x1x256xi32, #tpu.memory_space<vmem>> -> memref<1x1x256xi32, #tpu.memory_space<vmem>>
        %get3A_1288 = tpu.memref_squeeze %get3A_1287 : memref<1x1x256xi32, #tpu.memory_space<vmem>> -> memref<1x256xi32, #tpu.memory_space<vmem>>
        %get3A_1289 = arith.index_cast %get3A_1284 : i32 to index
        %get3A_1290 = arith.constant 80 : index
        %get3A_1291 = tpu.vector_load %get3A_1288[%get3A_1289, %get3A_1290] {strides = array<i32>} : memref<1x256xi32, #tpu.memory_space<vmem>>, vector<16xi32>,
        tpu.vector_store_idx %arg5[%add3A_1283], %get3A_1291 : memref<512xi32, #tpu.memory_space<vmem>>[vector<16xi32>], vector<16xi32>,
        %get3A_1292 = arith.constant 0 : i32
        %get3A_1293 = arith.constant 0 : i32
        %get3A_1294 = arith.constant 0 : i32
        %get3A_1295 = tpu.memref_slice %run_scoped3A_8[%rem3A_1146, %get3A_1293, %get3A_1294] : memref<2x1x256xi32, #tpu.memory_space<vmem>> -> memref<1x1x256xi32, #tpu.memory_space<vmem>>
        %get3A_1296 = tpu.memref_squeeze %get3A_1295 : memref<1x1x256xi32, #tpu.memory_space<vmem>> -> memref<1x256xi32, #tpu.memory_space<vmem>>
        %get3A_1297 = arith.index_cast %get3A_1292 : i32 to index
        %get3A_1298 = arith.constant 80 : index
        %get3A_1299 = tpu.vector_load %get3A_1296[%get3A_1297, %get3A_1298] {strides = array<i32>} : memref<1x256xi32, #tpu.memory_space<vmem>>, vector<16xi32>,
        %add3A_1300 = arith.constant 1 : i32
        %add3A_1301 = vector.broadcast %add3A_1300 : i32 to vector<16xi32>
        %add3A_1302 = arith.addi %add3A_1283, %add3A_1301 : vector<16xi32>
        tpu.vector_store_idx %arg5[%add3A_1302], %get3A_1299 : memref<512xi32, #tpu.memory_space<vmem>>[vector<16xi32>], vector<16xi32>,
        %iota3A_1303 = tpu.iota {dimensions = array<i32: 0>} : vector<16xi32>
        %mul3A_1304 = arith.constant 2 : i32
        %mul3A_1305 = vector.broadcast %mul3A_1304 : i32 to vector<16xi32>
        %mul3A_1306 = arith.muli %iota3A_1303, %mul3A_1305 : vector<16xi32>
        %add3A_1307 = arith.constant 192 : i32
        %add3A_1308 = vector.broadcast %add3A_1307 : i32 to vector<16xi32>
        %add3A_1309 = arith.addi %mul3A_1306, %add3A_1308 : vector<16xi32>
        %get3A_1310 = arith.constant 0 : i32
        %get3A_1311 = arith.constant 0 : i32
        %get3A_1312 = arith.constant 0 : i32
        %get3A_1313 = tpu.memref_slice %run_scoped3A[%rem3A_1144, %get3A_1311, %get3A_1312] : memref<2x1x256xi32, #tpu.memory_space<vmem>> -> memref<1x1x256xi32, #tpu.memory_space<vmem>>
        %get3A_1314 = tpu.memref_squeeze %get3A_1313 : memref<1x1x256xi32, #tpu.memory_space<vmem>> -> memref<1x256xi32, #tpu.memory_space<vmem>>
        %get3A_1315 = arith.index_cast %get3A_1310 : i32 to index
        %get3A_1316 = arith.constant 96 : index
        %get3A_1317 = tpu.vector_load %get3A_1314[%get3A_1315, %get3A_1316] {strides = array<i32>} : memref<1x256xi32, #tpu.memory_space<vmem>>, vector<16xi32>,
        tpu.vector_store_idx %arg5[%add3A_1309], %get3A_1317 : memref<512xi32, #tpu.memory_space<vmem>>[vector<16xi32>], vector<16xi32>,
        %get3A_1318 = arith.constant 0 : i32
        %get3A_1319 = arith.constant 0 : i32
        %get3A_1320 = arith.constant 0 : i32
        %get3A_1321 = tpu.memref_slice %run_scoped3A_8[%rem3A_1146, %get3A_1319, %get3A_1320] : memref<2x1x256xi32, #tpu.memory_space<vmem>> -> memref<1x1x256xi32, #tpu.memory_space<vmem>>
        %get3A_1322 = tpu.memref_squeeze %get3A_1321 : memref<1x1x256xi32, #tpu.memory_space<vmem>> -> memref<1x256xi32, #tpu.memory_space<vmem>>
        %get3A_1323 = arith.index_cast %get3A_1318 : i32 to index
        %get3A_1324 = arith.constant 96 : index
        %get3A_1325 = tpu.vector_load %get3A_1322[%get3A_1323, %get3A_1324] {strides = array<i32>} : memref<1x256xi32, #tpu.memory_space<vmem>>, vector<16xi32>,
        %add3A_1326 = arith.constant 1 : i32
        %add3A_1327 = vector.broadcast %add3A_1326 : i32 to vector<16xi32>
        %add3A_1328 = arith.addi %add3A_1309, %add3A_1327 : vector<16xi32>
        tpu.vector_store_idx %arg5[%add3A_1328], %get3A_1325 : memref<512xi32, #tpu.memory_space<vmem>>[vector<16xi32>], vector<16xi32>,
        %iota3A_1329 = tpu.iota {dimensions = array<i32: 0>} : vector<16xi32>
        %mul3A_1330 = arith.constant 2 : i32
        %mul3A_1331 = vector.broadcast %mul3A_1330 : i32 to vector<16xi32>
        %mul3A_1332 = arith.muli %iota3A_1329, %mul3A_1331 : vector<16xi32>
        %add3A_1333 = arith.constant 224 : i32
        %add3A_1334 = vector.broadcast %add3A_1333 : i32 to vector<16xi32>
        %add3A_1335 = arith.addi %mul3A_1332, %add3A_1334 : vector<16xi32>
        %get3A_1336 = arith.constant 0 : i32
        %get3A_1337 = arith.constant 0 : i32
        %get3A_1338 = arith.constant 0 : i32
        %get3A_1339 = tpu.memref_slice %run_scoped3A[%rem3A_1144, %get3A_1337, %get3A_1338] : memref<2x1x256xi32, #tpu.memory_space<vmem>> -> memref<1x1x256xi32, #tpu.memory_space<vmem>>
        %get3A_1340 = tpu.memref_squeeze %get3A_1339 : memref<1x1x256xi32, #tpu.memory_space<vmem>> -> memref<1x256xi32, #tpu.memory_space<vmem>>
        %get3A_1341 = arith.index_cast %get3A_1336 : i32 to index
        %get3A_1342 = arith.constant 112 : index
        %get3A_1343 = tpu.vector_load %get3A_1340[%get3A_1341, %get3A_1342] {strides = array<i32>} : memref<1x256xi32, #tpu.memory_space<vmem>>, vector<16xi32>,
        tpu.vector_store_idx %arg5[%add3A_1335], %get3A_1343 : memref<512xi32, #tpu.memory_space<vmem>>[vector<16xi32>], vector<16xi32>,
        %get3A_1344 = arith.constant 0 : i32
        %get3A_1345 = arith.constant 0 : i32
        %get3A_1346 = arith.constant 0 : i32
        %get3A_1347 = tpu.memref_slice %run_scoped3A_8[%rem3A_1146, %get3A_1345, %get3A_1346] : memref<2x1x256xi32, #tpu.memory_space<vmem>> -> memref<1x1x256xi32, #tpu.memory_space<vmem>>
        %get3A_1348 = tpu.memref_squeeze %get3A_1347 : memref<1x1x256xi32, #tpu.memory_space<vmem>> -> memref<1x256xi32, #tpu.memory_space<vmem>>
        %get3A_1349 = arith.index_cast %get3A_1344 : i32 to index
        %get3A_1350 = arith.constant 112 : index
        %get3A_1351 = tpu.vector_load %get3A_1348[%get3A_1349, %get3A_1350] {strides = array<i32>} : memref<1x256xi32, #tpu.memory_space<vmem>>, vector<16xi32>,
        %add3A_1352 = arith.constant 1 : i32
        %add3A_1353 = vector.broadcast %add3A_1352 : i32 to vector<16xi32>
        %add3A_1354 = arith.addi %add3A_1335, %add3A_1353 : vector<16xi32>
        tpu.vector_store_idx %arg5[%add3A_1354], %get3A_1351 : memref<512xi32, #tpu.memory_space<vmem>>[vector<16xi32>], vector<16xi32>,
        %iota3A_1355 = tpu.iota {dimensions = array<i32: 0>} : vector<16xi32>
        %mul3A_1356 = arith.constant 2 : i32
        %mul3A_1357 = vector.broadcast %mul3A_1356 : i32 to vector<16xi32>
        %mul3A_1358 = arith.muli %iota3A_1355, %mul3A_1357 : vector<16xi32>
        %add3A_1359 = arith.constant 256 : i32
        %add3A_1360 = vector.broadcast %add3A_1359 : i32 to vector<16xi32>
        %add3A_1361 = arith.addi %mul3A_1358, %add3A_1360 : vector<16xi32>
        %get3A_1362 = arith.constant 0 : i32
        %get3A_1363 = arith.constant 0 : i32
        %get3A_1364 = arith.constant 0 : i32
        %get3A_1365 = tpu.memref_slice %run_scoped3A[%rem3A_1144, %get3A_1363, %get3A_1364] : memref<2x1x256xi32, #tpu.memory_space<vmem>> -> memref<1x1x256xi32, #tpu.memory_space<vmem>>
        %get3A_1366 = tpu.memref_squeeze %get3A_1365 : memref<1x1x256xi32, #tpu.memory_space<vmem>> -> memref<1x256xi32, #tpu.memory_space<vmem>>
        %get3A_1367 = arith.index_cast %get3A_1362 : i32 to index
        %get3A_1368 = arith.constant 128 : index
        %get3A_1369 = tpu.vector_load %get3A_1366[%get3A_1367, %get3A_1368] {strides = array<i32>} : memref<1x256xi32, #tpu.memory_space<vmem>>, vector<16xi32>,
        tpu.vector_store_idx %arg5[%add3A_1361], %get3A_1369 : memref<512xi32, #tpu.memory_space<vmem>>[vector<16xi32>], vector<16xi32>,
        %get3A_1370 = arith.constant 0 : i32
        %get3A_1371 = arith.constant 0 : i32
        %get3A_1372 = arith.constant 0 : i32
        %get3A_1373 = tpu.memref_slice %run_scoped3A_8[%rem3A_1146, %get3A_1371, %get3A_1372] : memref<2x1x256xi32, #tpu.memory_space<vmem>> -> memref<1x1x256xi32, #tpu.memory_space<vmem>>
        %get3A_1374 = tpu.memref_squeeze %get3A_1373 : memref<1x1x256xi32, #tpu.memory_space<vmem>> -> memref<1x256xi32, #tpu.memory_space<vmem>>
        %get3A_1375 = arith.index_cast %get3A_1370 : i32 to index
        %get3A_1376 = arith.constant 128 : index
        %get3A_1377 = tpu.vector_load %get3A_1374[%get3A_1375, %get3A_1376] {strides = array<i32>} : memref<1x256xi32, #tpu.memory_space<vmem>>, vector<16xi32>,
        %add3A_1378 = arith.constant 1 : i32
        %add3A_1379 = vector.broadcast %add3A_1378 : i32 to vector<16xi32>
        %add3A_1380 = arith.addi %add3A_1361, %add3A_1379 : vector<16xi32>
        tpu.vector_store_idx %arg5[%add3A_1380], %get3A_1377 : memref<512xi32, #tpu.memory_space<vmem>>[vector<16xi32>], vector<16xi32>,
        %iota3A_1381 = tpu.iota {dimensions = array<i32: 0>} : vector<16xi32>
        %mul3A_1382 = arith.constant 2 : i32
        %mul3A_1383 = vector.broadcast %mul3A_1382 : i32 to vector<16xi32>
        %mul3A_1384 = arith.muli %iota3A_1381, %mul3A_1383 : vector<16xi32>
        %add3A_1385 = arith.constant 288 : i32
        %add3A_1386 = vector.broadcast %add3A_1385 : i32 to vector<16xi32>
        %add3A_1387 = arith.addi %mul3A_1384, %add3A_1386 : vector<16xi32>
        %get3A_1388 = arith.constant 0 : i32
        %get3A_1389 = arith.constant 0 : i32
        %get3A_1390 = arith.constant 0 : i32
        %get3A_1391 = tpu.memref_slice %run_scoped3A[%rem3A_1144, %get3A_1389, %get3A_1390] : memref<2x1x256xi32, #tpu.memory_space<vmem>> -> memref<1x1x256xi32, #tpu.memory_space<vmem>>
        %get3A_1392 = tpu.memref_squeeze %get3A_1391 : memref<1x1x256xi32, #tpu.memory_space<vmem>> -> memref<1x256xi32, #tpu.memory_space<vmem>>
        %get3A_1393 = arith.index_cast %get3A_1388 : i32 to index
        %get3A_1394 = arith.constant 144 : index
        %get3A_1395 = tpu.vector_load %get3A_1392[%get3A_1393, %get3A_1394] {strides = array<i32>} : memref<1x256xi32, #tpu.memory_space<vmem>>, vector<16xi32>,
        tpu.vector_store_idx %arg5[%add3A_1387], %get3A_1395 : memref<512xi32, #tpu.memory_space<vmem>>[vector<16xi32>], vector<16xi32>,
        %get3A_1396 = arith.constant 0 : i32
        %get3A_1397 = arith.constant 0 : i32
        %get3A_1398 = arith.constant 0 : i32
        %get3A_1399 = tpu.memref_slice %run_scoped3A_8[%rem3A_1146, %get3A_1397, %get3A_1398] : memref<2x1x256xi32, #tpu.memory_space<vmem>> -> memref<1x1x256xi32, #tpu.memory_space<vmem>>
        %get3A_1400 = tpu.memref_squeeze %get3A_1399 : memref<1x1x256xi32, #tpu.memory_space<vmem>> -> memref<1x256xi32, #tpu.memory_space<vmem>>
        %get3A_1401 = arith.index_cast %get3A_1396 : i32 to index
        %get3A_1402 = arith.constant 144 : index
        %get3A_1403 = tpu.vector_load %get3A_1400[%get3A_1401, %get3A_1402] {strides = array<i32>} : memref<1x256xi32, #tpu.memory_space<vmem>>, vector<16xi32>,
        %add3A_1404 = arith.constant 1 : i32
        %add3A_1405 = vector.broadcast %add3A_1404 : i32 to vector<16xi32>
        %add3A_1406 = arith.addi %add3A_1387, %add3A_1405 : vector<16xi32>
        tpu.vector_store_idx %arg5[%add3A_1406], %get3A_1403 : memref<512xi32, #tpu.memory_space<vmem>>[vector<16xi32>], vector<16xi32>,
        %iota3A_1407 = tpu.iota {dimensions = array<i32: 0>} : vector<16xi32>
        %mul3A_1408 = arith.constant 2 : i32
        %mul3A_1409 = vector.broadcast %mul3A_1408 : i32 to vector<16xi32>
        %mul3A_1410 = arith.muli %iota3A_1407, %mul3A_1409 : vector<16xi32>
        %add3A_1411 = arith.constant 320 : i32
        %add3A_1412 = vector.broadcast %add3A_1411 : i32 to vector<16xi32>
        %add3A_1413 = arith.addi %mul3A_1410, %add3A_1412 : vector<16xi32>
        %get3A_1414 = arith.constant 0 : i32
        %get3A_1415 = arith.constant 0 : i32
        %get3A_1416 = arith.constant 0 : i32
        %get3A_1417 = tpu.memref_slice %run_scoped3A[%rem3A_1144, %get3A_1415, %get3A_1416] : memref<2x1x256xi32, #tpu.memory_space<vmem>> -> memref<1x1x256xi32, #tpu.memory_space<vmem>>
        %get3A_1418 = tpu.memref_squeeze %get3A_1417 : memref<1x1x256xi32, #tpu.memory_space<vmem>> -> memref<1x256xi32, #tpu.memory_space<vmem>>
        %get3A_1419 = arith.index_cast %get3A_1414 : i32 to index
        %get3A_1420 = arith.constant 160 : index
        %get3A_1421 = tpu.vector_load %get3A_1418[%get3A_1419, %get3A_1420] {strides = array<i32>} : memref<1x256xi32, #tpu.memory_space<vmem>>, vector<16xi32>,
        tpu.vector_store_idx %arg5[%add3A_1413], %get3A_1421 : memref<512xi32, #tpu.memory_space<vmem>>[vector<16xi32>], vector<16xi32>,
        %get3A_1422 = arith.constant 0 : i32
        %get3A_1423 = arith.constant 0 : i32
        %get3A_1424 = arith.constant 0 : i32
        %get3A_1425 = tpu.memref_slice %run_scoped3A_8[%rem3A_1146, %get3A_1423, %get3A_1424] : memref<2x1x256xi32, #tpu.memory_space<vmem>> -> memref<1x1x256xi32, #tpu.memory_space<vmem>>
        %get3A_1426 = tpu.memref_squeeze %get3A_1425 : memref<1x1x256xi32, #tpu.memory_space<vmem>> -> memref<1x256xi32, #tpu.memory_space<vmem>>
        %get3A_1427 = arith.index_cast %get3A_1422 : i32 to index
        %get3A_1428 = arith.constant 160 : index
        %get3A_1429 = tpu.vector_load %get3A_1426[%get3A_1427, %get3A_1428] {strides = array<i32>} : memref<1x256xi32, #tpu.memory_space<vmem>>, vector<16xi32>,
        %add3A_1430 = arith.constant 1 : i32
        %add3A_1431 = vector.broadcast %add3A_1430 : i32 to vector<16xi32>
        %add3A_1432 = arith.addi %add3A_1413, %add3A_1431 : vector<16xi32>
        tpu.vector_store_idx %arg5[%add3A_1432], %get3A_1429 : memref<512xi32, #tpu.memory_space<vmem>>[vector<16xi32>], vector<16xi32>,
        %iota3A_1433 = tpu.iota {dimensions = array<i32: 0>} : vector<16xi32>
        %mul3A_1434 = arith.constant 2 : i32
        %mul3A_1435 = vector.broadcast %mul3A_1434 : i32 to vector<16xi32>
        %mul3A_1436 = arith.muli %iota3A_1433, %mul3A_1435 : vector<16xi32>
        %add3A_1437 = arith.constant 352 : i32
        %add3A_1438 = vector.broadcast %add3A_1437 : i32 to vector<16xi32>
        %add3A_1439 = arith.addi %mul3A_1436, %add3A_1438 : vector<16xi32>
        %get3A_1440 = arith.constant 0 : i32
        %get3A_1441 = arith.constant 0 : i32
        %get3A_1442 = arith.constant 0 : i32
        %get3A_1443 = tpu.memref_slice %run_scoped3A[%rem3A_1144, %get3A_1441, %get3A_1442] : memref<2x1x256xi32, #tpu.memory_space<vmem>> -> memref<1x1x256xi32, #tpu.memory_space<vmem>>
        %get3A_1444 = tpu.memref_squeeze %get3A_1443 : memref<1x1x256xi32, #tpu.memory_space<vmem>> -> memref<1x256xi32, #tpu.memory_space<vmem>>
        %get3A_1445 = arith.index_cast %get3A_1440 : i32 to index
        %get3A_1446 = arith.constant 176 : index
        %get3A_1447 = tpu.vector_load %get3A_1444[%get3A_1445, %get3A_1446] {strides = array<i32>} : memref<1x256xi32, #tpu.memory_space<vmem>>, vector<16xi32>,
        tpu.vector_store_idx %arg5[%add3A_1439], %get3A_1447 : memref<512xi32, #tpu.memory_space<vmem>>[vector<16xi32>], vector<16xi32>,
        %get3A_1448 = arith.constant 0 : i32
        %get3A_1449 = arith.constant 0 : i32
        %get3A_1450 = arith.constant 0 : i32
        %get3A_1451 = tpu.memref_slice %run_scoped3A_8[%rem3A_1146, %get3A_1449, %get3A_1450] : memref<2x1x256xi32, #tpu.memory_space<vmem>> -> memref<1x1x256xi32, #tpu.memory_space<vmem>>
        %get3A_1452 = tpu.memref_squeeze %get3A_1451 : memref<1x1x256xi32, #tpu.memory_space<vmem>> -> memref<1x256xi32, #tpu.memory_space<vmem>>
        %get3A_1453 = arith.index_cast %get3A_1448 : i32 to index
        %get3A_1454 = arith.constant 176 : index
        %get3A_1455 = tpu.vector_load %get3A_1452[%get3A_1453, %get3A_1454] {strides = array<i32>} : memref<1x256xi32, #tpu.memory_space<vmem>>, vector<16xi32>,
        %add3A_1456 = arith.constant 1 : i32
        %add3A_1457 = vector.broadcast %add3A_1456 : i32 to vector<16xi32>
        %add3A_1458 = arith.addi %add3A_1439, %add3A_1457 : vector<16xi32>
        tpu.vector_store_idx %arg5[%add3A_1458], %get3A_1455 : memref<512xi32, #tpu.memory_space<vmem>>[vector<16xi32>], vector<16xi32>,
        %iota3A_1459 = tpu.iota {dimensions = array<i32: 0>} : vector<16xi32>
        %mul3A_1460 = arith.constant 2 : i32
        %mul3A_1461 = vector.broadcast %mul3A_1460 : i32 to vector<16xi32>
        %mul3A_1462 = arith.muli %iota3A_1459, %mul3A_1461 : vector<16xi32>
        %add3A_1463 = arith.constant 384 : i32
        %add3A_1464 = vector.broadcast %add3A_1463 : i32 to vector<16xi32>
        %add3A_1465 = arith.addi %mul3A_1462, %add3A_1464 : vector<16xi32>
        %get3A_1466 = arith.constant 0 : i32
        %get3A_1467 = arith.constant 0 : i32
        %get3A_1468 = arith.constant 0 : i32
        %get3A_1469 = tpu.memref_slice %run_scoped3A[%rem3A_1144, %get3A_1467, %get3A_1468] : memref<2x1x256xi32, #tpu.memory_space<vmem>> -> memref<1x1x256xi32, #tpu.memory_space<vmem>>
        %get3A_1470 = tpu.memref_squeeze %get3A_1469 : memref<1x1x256xi32, #tpu.memory_space<vmem>> -> memref<1x256xi32, #tpu.memory_space<vmem>>
        %get3A_1471 = arith.index_cast %get3A_1466 : i32 to index
        %get3A_1472 = arith.constant 192 : index
        %get3A_1473 = tpu.vector_load %get3A_1470[%get3A_1471, %get3A_1472] {strides = array<i32>} : memref<1x256xi32, #tpu.memory_space<vmem>>, vector<16xi32>,
        tpu.vector_store_idx %arg5[%add3A_1465], %get3A_1473 : memref<512xi32, #tpu.memory_space<vmem>>[vector<16xi32>], vector<16xi32>,
        %get3A_1474 = arith.constant 0 : i32
        %get3A_1475 = arith.constant 0 : i32
        %get3A_1476 = arith.constant 0 : i32
        %get3A_1477 = tpu.memref_slice %run_scoped3A_8[%rem3A_1146, %get3A_1475, %get3A_1476] : memref<2x1x256xi32, #tpu.memory_space<vmem>> -> memref<1x1x256xi32, #tpu.memory_space<vmem>>
        %get3A_1478 = tpu.memref_squeeze %get3A_1477 : memref<1x1x256xi32, #tpu.memory_space<vmem>> -> memref<1x256xi32, #tpu.memory_space<vmem>>
        %get3A_1479 = arith.index_cast %get3A_1474 : i32 to index
        %get3A_1480 = arith.constant 192 : index
        %get3A_1481 = tpu.vector_load %get3A_1478[%get3A_1479, %get3A_1480] {strides = array<i32>} : memref<1x256xi32, #tpu.memory_space<vmem>>, vector<16xi32>,
        %add3A_1482 = arith.constant 1 : i32
        %add3A_1483 = vector.broadcast %add3A_1482 : i32 to vector<16xi32>
        %add3A_1484 = arith.addi %add3A_1465, %add3A_1483 : vector<16xi32>
        tpu.vector_store_idx %arg5[%add3A_1484], %get3A_1481 : memref<512xi32, #tpu.memory_space<vmem>>[vector<16xi32>], vector<16xi32>,
        %iota3A_1485 = tpu.iota {dimensions = array<i32: 0>} : vector<16xi32>
        %mul3A_1486 = arith.constant 2 : i32
        %mul3A_1487 = vector.broadcast %mul3A_1486 : i32 to vector<16xi32>
        %mul3A_1488 = arith.muli %iota3A_1485, %mul3A_1487 : vector<16xi32>
        %add3A_1489 = arith.constant 416 : i32
        %add3A_1490 = vector.broadcast %add3A_1489 : i32 to vector<16xi32>
        %add3A_1491 = arith.addi %mul3A_1488, %add3A_1490 : vector<16xi32>
        %get3A_1492 = arith.constant 0 : i32
        %get3A_1493 = arith.constant 0 : i32
        %get3A_1494 = arith.constant 0 : i32
        %get3A_1495 = tpu.memref_slice %run_scoped3A[%rem3A_1144, %get3A_1493, %get3A_1494] : memref<2x1x256xi32, #tpu.memory_space<vmem>> -> memref<1x1x256xi32, #tpu.memory_space<vmem>>
        %get3A_1496 = tpu.memref_squeeze %get3A_1495 : memref<1x1x256xi32, #tpu.memory_space<vmem>> -> memref<1x256xi32, #tpu.memory_space<vmem>>
        %get3A_1497 = arith.index_cast %get3A_1492 : i32 to index
        %get3A_1498 = arith.constant 208 : index
        %get3A_1499 = tpu.vector_load %get3A_1496[%get3A_1497, %get3A_1498] {strides = array<i32>} : memref<1x256xi32, #tpu.memory_space<vmem>>, vector<16xi32>,
        tpu.vector_store_idx %arg5[%add3A_1491], %get3A_1499 : memref<512xi32, #tpu.memory_space<vmem>>[vector<16xi32>], vector<16xi32>,
        %get3A_1500 = arith.constant 0 : i32
        %get3A_1501 = arith.constant 0 : i32
        %get3A_1502 = arith.constant 0 : i32
        %get3A_1503 = tpu.memref_slice %run_scoped3A_8[%rem3A_1146, %get3A_1501, %get3A_1502] : memref<2x1x256xi32, #tpu.memory_space<vmem>> -> memref<1x1x256xi32, #tpu.memory_space<vmem>>
        %get3A_1504 = tpu.memref_squeeze %get3A_1503 : memref<1x1x256xi32, #tpu.memory_space<vmem>> -> memref<1x256xi32, #tpu.memory_space<vmem>>
        %get3A_1505 = arith.index_cast %get3A_1500 : i32 to index
        %get3A_1506 = arith.constant 208 : index
        %get3A_1507 = tpu.vector_load %get3A_1504[%get3A_1505, %get3A_1506] {strides = array<i32>} : memref<1x256xi32, #tpu.memory_space<vmem>>, vector<16xi32>,
        %add3A_1508 = arith.constant 1 : i32
        %add3A_1509 = vector.broadcast %add3A_1508 : i32 to vector<16xi32>
        %add3A_1510 = arith.addi %add3A_1491, %add3A_1509 : vector<16xi32>
        tpu.vector_store_idx %arg5[%add3A_1510], %get3A_1507 : memref<512xi32, #tpu.memory_space<vmem>>[vector<16xi32>], vector<16xi32>,
        %iota3A_1511 = tpu.iota {dimensions = array<i32: 0>} : vector<16xi32>
        %mul3A_1512 = arith.constant 2 : i32
        %mul3A_1513 = vector.broadcast %mul3A_1512 : i32 to vector<16xi32>
        %mul3A_1514 = arith.muli %iota3A_1511, %mul3A_1513 : vector<16xi32>
        %add3A_1515 = arith.constant 448 : i32
        %add3A_1516 = vector.broadcast %add3A_1515 : i32 to vector<16xi32>
        %add3A_1517 = arith.addi %mul3A_1514, %add3A_1516 : vector<16xi32>
        %get3A_1518 = arith.constant 0 : i32
        %get3A_1519 = arith.constant 0 : i32
        %get3A_1520 = arith.constant 0 : i32
        %get3A_1521 = tpu.memref_slice %run_scoped3A[%rem3A_1144, %get3A_1519, %get3A_1520] : memref<2x1x256xi32, #tpu.memory_space<vmem>> -> memref<1x1x256xi32, #tpu.memory_space<vmem>>
        %get3A_1522 = tpu.memref_squeeze %get3A_1521 : memref<1x1x256xi32, #tpu.memory_space<vmem>> -> memref<1x256xi32, #tpu.memory_space<vmem>>
        %get3A_1523 = arith.index_cast %get3A_1518 : i32 to index
        %get3A_1524 = arith.constant 224 : index
        %get3A_1525 = tpu.vector_load %get3A_1522[%get3A_1523, %get3A_1524] {strides = array<i32>} : memref<1x256xi32, #tpu.memory_space<vmem>>, vector<16xi32>,
        tpu.vector_store_idx %arg5[%add3A_1517], %get3A_1525 : memref<512xi32, #tpu.memory_space<vmem>>[vector<16xi32>], vector<16xi32>,
        %get3A_1526 = arith.constant 0 : i32
        %get3A_1527 = arith.constant 0 : i32
        %get3A_1528 = arith.constant 0 : i32
        %get3A_1529 = tpu.memref_slice %run_scoped3A_8[%rem3A_1146, %get3A_1527, %get3A_1528] : memref<2x1x256xi32, #tpu.memory_space<vmem>> -> memref<1x1x256xi32, #tpu.memory_space<vmem>>
        %get3A_1530 = tpu.memref_squeeze %get3A_1529 : memref<1x1x256xi32, #tpu.memory_space<vmem>> -> memref<1x256xi32, #tpu.memory_space<vmem>>
        %get3A_1531 = arith.index_cast %get3A_1526 : i32 to index
        %get3A_1532 = arith.constant 224 : index
        %get3A_1533 = tpu.vector_load %get3A_1530[%get3A_1531, %get3A_1532] {strides = array<i32>} : memref<1x256xi32, #tpu.memory_space<vmem>>, vector<16xi32>,
        %add3A_1534 = arith.constant 1 : i32
        %add3A_1535 = vector.broadcast %add3A_1534 : i32 to vector<16xi32>
        %add3A_1536 = arith.addi %add3A_1517, %add3A_1535 : vector<16xi32>
        tpu.vector_store_idx %arg5[%add3A_1536], %get3A_1533 : memref<512xi32, #tpu.memory_space<vmem>>[vector<16xi32>], vector<16xi32>,
        %iota3A_1537 = tpu.iota {dimensions = array<i32: 0>} : vector<16xi32>
        %mul3A_1538 = arith.constant 2 : i32
        %mul3A_1539 = vector.broadcast %mul3A_1538 : i32 to vector<16xi32>
        %mul3A_1540 = arith.muli %iota3A_1537, %mul3A_1539 : vector<16xi32>
        %add3A_1541 = arith.constant 480 : i32
        %add3A_1542 = vector.broadcast %add3A_1541 : i32 to vector<16xi32>
        %add3A_1543 = arith.addi %mul3A_1540, %add3A_1542 : vector<16xi32>
        %get3A_1544 = arith.constant 0 : i32
        %get3A_1545 = arith.constant 0 : i32
        %get3A_1546 = arith.constant 0 : i32
        %get3A_1547 = tpu.memref_slice %run_scoped3A[%rem3A_1144, %get3A_1545, %get3A_1546] : memref<2x1x256xi32, #tpu.memory_space<vmem>> -> memref<1x1x256xi32, #tpu.memory_space<vmem>>
        %get3A_1548 = tpu.memref_squeeze %get3A_1547 : memref<1x1x256xi32, #tpu.memory_space<vmem>> -> memref<1x256xi32, #tpu.memory_space<vmem>>
        %get3A_1549 = arith.index_cast %get3A_1544 : i32 to index
        %get3A_1550 = arith.constant 240 : index
        %get3A_1551 = tpu.vector_load %get3A_1548[%get3A_1549, %get3A_1550] {strides = array<i32>} : memref<1x256xi32, #tpu.memory_space<vmem>>, vector<16xi32>,
        tpu.vector_store_idx %arg5[%add3A_1543], %get3A_1551 : memref<512xi32, #tpu.memory_space<vmem>>[vector<16xi32>], vector<16xi32>,
        %get3A_1552 = arith.constant 0 : i32
        %get3A_1553 = arith.constant 0 : i32
        %get3A_1554 = arith.constant 0 : i32
        %get3A_1555 = tpu.memref_slice %run_scoped3A_8[%rem3A_1146, %get3A_1553, %get3A_1554] : memref<2x1x256xi32, #tpu.memory_space<vmem>> -> memref<1x1x256xi32, #tpu.memory_space<vmem>>
        %get3A_1556 = tpu.memref_squeeze %get3A_1555 : memref<1x1x256xi32, #tpu.memory_space<vmem>> -> memref<1x256xi32, #tpu.memory_space<vmem>>
        %get3A_1557 = arith.index_cast %get3A_1552 : i32 to index
        %get3A_1558 = arith.constant 240 : index
        %get3A_1559 = tpu.vector_load %get3A_1556[%get3A_1557, %get3A_1558] {strides = array<i32>} : memref<1x256xi32, #tpu.memory_space<vmem>>, vector<16xi32>,
        %add3A_1560 = arith.constant 1 : i32
        %add3A_1561 = vector.broadcast %add3A_1560 : i32 to vector<16xi32>
        %add3A_1562 = arith.addi %add3A_1543, %add3A_1561 : vector<16xi32>
        tpu.vector_store_idx %arg5[%add3A_1562], %get3A_1559 : memref<512xi32, #tpu.memory_space<vmem>>[vector<16xi32>], vector<16xi32>,
        "tpu.region"() ({
          %run_scoped3A_2735 = tpu.sem_alloc : memref<!tpu.dma_semaphore, #tpu.memory_space<semaphore_mem>>
          %dma_start3A_2736 = arith.constant 0 : i32
          %dma_start3A_2737 = arith.constant 0 : i32
          %dma_start3A_2738 = tpu.memref_slice %run_scoped3A_10[%rem3A_1148, %dma_start3A_2736, %dma_start3A_2737] : memref<2x512x64xf32, #tpu.memory_space<vmem>> -> memref<1x512x64xf32, #tpu.memory_space<vmem>>
          %dma_start3A_2739 = tpu.memref_squeeze %dma_start3A_2738 : memref<1x512x64xf32, #tpu.memory_space<vmem>> -> memref<512x64xf32, #tpu.memory_space<vmem>>
          %dma_start3A_2740 = arith.constant 0 : i32
          %dma_start3A_2741 = arith.constant 0 : i32
          %dma_start3A_2742 = tpu.memref_slice %arg2[%dma_start3A_2740, %dma_start3A_2741] : memref<1015808x64xf32, #tpu.memory_space<hbm>> -> memref<1015808x64xf32, #tpu.memory_space<hbm>>
          tpu.enqueue_indirect_dma source(%dma_start3A_2742 : memref<1015808x64xf32, #tpu.memory_space<hbm>>) target(%dma_start3A_2739 : memref<512x64xf32, #tpu.memory_space<vmem>>) offsets(%arg5 : memref<512xi32, #tpu.memory_space<vmem>>) semaphore(%run_scoped3A_2735 : memref<!tpu.dma_semaphore, #tpu.memory_space<semaphore_mem>>)
          %dma_wait3A_2743 = arith.constant 0 : i32
          %dma_wait3A_2744 = arith.constant 0 : i32
          %dma_wait3A_2745 = tpu.memref_slice %run_scoped3A_10[%rem3A_1148, %dma_wait3A_2743, %dma_wait3A_2744] : memref<2x512x64xf32, #tpu.memory_space<vmem>> -> memref<1x512x64xf32, #tpu.memory_space<vmem>>
          %dma_wait3A_2746 = tpu.memref_squeeze %dma_wait3A_2745 : memref<1x512x64xf32, #tpu.memory_space<vmem>> -> memref<512x64xf32, #tpu.memory_space<vmem>>
          %dma_wait3A_2747 = arith.constant 0 : i32
          %dma_wait3A_2748 = arith.constant 0 : i32
          %dma_wait3A_2749 = tpu.memref_slice %arg2[%dma_wait3A_2747, %dma_wait3A_2748] : memref<1015808x64xf32, #tpu.memory_space<hbm>> -> memref<1015808x64xf32, #tpu.memory_space<hbm>>
          tpu.wait_indirect_dma semaphore(%run_scoped3A_2735 : memref<!tpu.dma_semaphore, #tpu.memory_space<semaphore_mem>>) src(%dma_wait3A_2749 : memref<1015808x64xf32, #tpu.memory_space<hbm>>) dst(%dma_wait3A_2746 : memref<512x64xf32, #tpu.memory_space<vmem>>)
          tpu.yield
        }) : () -> ()
        %jit3A_1563 = arith.constant 32 : i32
        "tpu.trace_stop"() : () -> ()
        %eq3A_1564 = arith.constant 0 : i32
        %eq3A_1565 = arith.cmpi eq, %jit3A_1563, %eq3A_1564 : i32
        %jit3A_1566 = arith.constant 1 : i32
        %select_n3A_1567 = arith.select %eq3A_1565, %jit3A_1566, %jit3A_1563 : i32
        %rem3A_1568 = arith.remsi %add3A_335, %select_n3A_1567 : i32
        %ne3A_1569 = arith.constant 0 : i32
        %ne3A_1570 = arith.cmpi ne, %rem3A_1568, %ne3A_1569 : i32
        %lt3A_1571 = arith.constant 0 : i32
        %lt3A_1572 = arith.cmpi slt, %rem3A_1568, %lt3A_1571 : i32
        %lt3A_1573 = arith.constant 0 : i32
        %lt3A_1574 = arith.cmpi slt, %select_n3A_1567, %lt3A_1573 : i32
        %ne3A_1575 = arith.xori %lt3A_1572, %lt3A_1574 : i1
        %and3A_1576 = arith.andi %ne3A_1575, %ne3A_1570 : i1
        %add3A_1577 = arith.addi %rem3A_1568, %select_n3A_1567 : i32
        %select_n3A_1578 = arith.select %and3A_1576, %add3A_1577, %rem3A_1568 : i32
        %jit3A_1579 = arith.constant 32 : i32
        %div3A_1580 = arith.divsi %add3A_335, %jit3A_1579 : i32
        %sign3A_1581 = arith.constant 0 : i32
        %sign3A_1582 = arith.cmpi sgt, %add3A_335, %sign3A_1581 : i32
        %sign3A_1583 = arith.extui %sign3A_1582 : i1 to i32
        %sign3A_1584 = arith.constant 0 : i32
        %sign3A_1585 = arith.cmpi slt, %add3A_335, %sign3A_1584 : i32
        %sign3A_1586 = arith.extui %sign3A_1585 : i1 to i32
        %sign3A_1587 = arith.subi %sign3A_1583, %sign3A_1586 : i32
        %sign3A_1588 = arith.constant 0 : i32
        %sign3A_1589 = arith.cmpi sgt, %jit3A_1579, %sign3A_1588 : i32
        %sign3A_1590 = arith.extui %sign3A_1589 : i1 to i32
        %sign3A_1591 = arith.constant 0 : i32
        %sign3A_1592 = arith.cmpi slt, %jit3A_1579, %sign3A_1591 : i32
        %sign3A_1593 = arith.extui %sign3A_1592 : i1 to i32
        %sign3A_1594 = arith.subi %sign3A_1590, %sign3A_1593 : i32
        %ne3A_1595 = arith.cmpi ne, %sign3A_1587, %sign3A_1594 : i32
        %rem3A_1596 = arith.remsi %add3A_335, %jit3A_1579 : i32
        %ne3A_1597 = arith.constant 0 : i32
        %ne3A_1598 = arith.cmpi ne, %rem3A_1596, %ne3A_1597 : i32
        %and3A_1599 = arith.andi %ne3A_1595, %ne3A_1598 : i1
        %sub3A_1600 = arith.constant 1 : i32
        %sub3A_1601 = arith.subi %div3A_1580, %sub3A_1600 : i32
        %select_n3A_1602 = arith.select %and3A_1599, %sub3A_1601, %div3A_1580 : i32
        %add3A_1603 = arith.constant 30 : i32
        %add3A_1604 = arith.addi %select_n3A_1602, %add3A_1603 : i32
        %mul3A_1605 = arith.constant 64 : i32
        %mul3A_1606 = arith.muli %add3A_1604, %mul3A_1605 : i32
        %jit3A_1607 = arith.constant 32 : i32
        %div3A_1608 = arith.divsi %select_n3A_1578, %jit3A_1607 : i32
        %sign3A_1609 = arith.constant 0 : i32
        %sign3A_1610 = arith.cmpi sgt, %select_n3A_1578, %sign3A_1609 : i32
        %sign3A_1611 = arith.extui %sign3A_1610 : i1 to i32
        %sign3A_1612 = arith.constant 0 : i32
        %sign3A_1613 = arith.cmpi slt, %select_n3A_1578, %sign3A_1612 : i32
        %sign3A_1614 = arith.extui %sign3A_1613 : i1 to i32
        %sign3A_1615 = arith.subi %sign3A_1611, %sign3A_1614 : i32
        %sign3A_1616 = arith.constant 0 : i32
        %sign3A_1617 = arith.cmpi sgt, %jit3A_1607, %sign3A_1616 : i32
        %sign3A_1618 = arith.extui %sign3A_1617 : i1 to i32
        %sign3A_1619 = arith.constant 0 : i32
        %sign3A_1620 = arith.cmpi slt, %jit3A_1607, %sign3A_1619 : i32
        %sign3A_1621 = arith.extui %sign3A_1620 : i1 to i32
        %sign3A_1622 = arith.subi %sign3A_1618, %sign3A_1621 : i32
        %ne3A_1623 = arith.cmpi ne, %sign3A_1615, %sign3A_1622 : i32
        %rem3A_1624 = arith.remsi %select_n3A_1578, %jit3A_1607 : i32
        %ne3A_1625 = arith.constant 0 : i32
        %ne3A_1626 = arith.cmpi ne, %rem3A_1624, %ne3A_1625 : i32
        %and3A_1627 = arith.andi %ne3A_1623, %ne3A_1626 : i1
        %sub3A_1628 = arith.constant 1 : i32
        %sub3A_1629 = arith.subi %div3A_1608, %sub3A_1628 : i32
        %select_n3A_1630 = arith.select %and3A_1627, %sub3A_1629, %div3A_1608 : i32
        %mul3A_1631 = arith.constant 64 : i32
        %mul3A_1632 = arith.muli %select_n3A_1630, %mul3A_1631 : i32
        %add3A_1633 = arith.addi %mul3A_1606, %mul3A_1632 : i32
        %jit3A_1634 = arith.constant 32 : i32
        %eq3A_1635 = arith.constant 0 : i32
        %eq3A_1636 = arith.cmpi eq, %jit3A_1634, %eq3A_1635 : i32
        %jit3A_1637 = arith.constant 1 : i32
        %select_n3A_1638 = arith.select %eq3A_1636, %jit3A_1637, %jit3A_1634 : i32
        %rem3A_1639 = arith.remsi %select_n3A_1578, %select_n3A_1638 : i32
        %ne3A_1640 = arith.constant 0 : i32
        %ne3A_1641 = arith.cmpi ne, %rem3A_1639, %ne3A_1640 : i32
        %lt3A_1642 = arith.constant 0 : i32
        %lt3A_1643 = arith.cmpi slt, %rem3A_1639, %lt3A_1642 : i32
        %lt3A_1644 = arith.constant 0 : i32
        %lt3A_1645 = arith.cmpi slt, %select_n3A_1638, %lt3A_1644 : i32
        %ne3A_1646 = arith.xori %lt3A_1643, %lt3A_1645 : i1
        %and3A_1647 = arith.andi %ne3A_1646, %ne3A_1641 : i1
        %add3A_1648 = arith.addi %rem3A_1639, %select_n3A_1638 : i32
        %select_n3A_1649 = arith.select %and3A_1647, %add3A_1648, %rem3A_1639 : i32
        %add3A_1650 = arith.addi %add3A_1633, %select_n3A_1649 : i32
        %add3A_1651 = arith.constant 0 : i32
        %add3A_1652 = arith.addi %add3A_1650, %add3A_1651 : i32
        %jit3A_1653 = arith.constant 32 : i32
        %eq3A_1654 = arith.constant 0 : i32
        %eq3A_1655 = arith.cmpi eq, %jit3A_1653, %eq3A_1654 : i32
        %jit3A_1656 = arith.constant 1 : i32
        %select_n3A_1657 = arith.select %eq3A_1655, %jit3A_1656, %jit3A_1653 : i32
        %rem3A_1658 = arith.remsi %add3A_353, %select_n3A_1657 : i32
        %ne3A_1659 = arith.constant 0 : i32
        %ne3A_1660 = arith.cmpi ne, %rem3A_1658, %ne3A_1659 : i32
        %lt3A_1661 = arith.constant 0 : i32
        %lt3A_1662 = arith.cmpi slt, %rem3A_1658, %lt3A_1661 : i32
        %lt3A_1663 = arith.constant 0 : i32
        %lt3A_1664 = arith.cmpi slt, %select_n3A_1657, %lt3A_1663 : i32
        %ne3A_1665 = arith.xori %lt3A_1662, %lt3A_1664 : i1
        %and3A_1666 = arith.andi %ne3A_1665, %ne3A_1660 : i1
        %add3A_1667 = arith.addi %rem3A_1658, %select_n3A_1657 : i32
        %select_n3A_1668 = arith.select %and3A_1666, %add3A_1667, %rem3A_1658 : i32
        %jit3A_1669 = arith.constant 32 : i32
        %div3A_1670 = arith.divsi %add3A_353, %jit3A_1669 : i32
        %sign3A_1671 = arith.constant 0 : i32
        %sign3A_1672 = arith.cmpi sgt, %add3A_353, %sign3A_1671 : i32
        %sign3A_1673 = arith.extui %sign3A_1672 : i1 to i32
        %sign3A_1674 = arith.constant 0 : i32
        %sign3A_1675 = arith.cmpi slt, %add3A_353, %sign3A_1674 : i32
        %sign3A_1676 = arith.extui %sign3A_1675 : i1 to i32
        %sign3A_1677 = arith.subi %sign3A_1673, %sign3A_1676 : i32
        %sign3A_1678 = arith.constant 0 : i32
        %sign3A_1679 = arith.cmpi sgt, %jit3A_1669, %sign3A_1678 : i32
        %sign3A_1680 = arith.extui %sign3A_1679 : i1 to i32
        %sign3A_1681 = arith.constant 0 : i32
        %sign3A_1682 = arith.cmpi slt, %jit3A_1669, %sign3A_1681 : i32
        %sign3A_1683 = arith.extui %sign3A_1682 : i1 to i32
        %sign3A_1684 = arith.subi %sign3A_1680, %sign3A_1683 : i32
        %ne3A_1685 = arith.cmpi ne, %sign3A_1677, %sign3A_1684 : i32
        %rem3A_1686 = arith.remsi %add3A_353, %jit3A_1669 : i32
        %ne3A_1687 = arith.constant 0 : i32
        %ne3A_1688 = arith.cmpi ne, %rem3A_1686, %ne3A_1687 : i32
        %and3A_1689 = arith.andi %ne3A_1685, %ne3A_1688 : i1
        %sub3A_1690 = arith.constant 1 : i32
        %sub3A_1691 = arith.subi %div3A_1670, %sub3A_1690 : i32
        %select_n3A_1692 = arith.select %and3A_1689, %sub3A_1691, %div3A_1670 : i32
        %add3A_1693 = arith.constant 30 : i32
        %add3A_1694 = arith.addi %select_n3A_1692, %add3A_1693 : i32
        %mul3A_1695 = arith.constant 64 : i32
        %mul3A_1696 = arith.muli %add3A_1694, %mul3A_1695 : i32
        %jit3A_1697 = arith.constant 32 : i32
        %div3A_1698 = arith.divsi %select_n3A_1668, %jit3A_1697 : i32
        %sign3A_1699 = arith.constant 0 : i32
        %sign3A_1700 = arith.cmpi sgt, %select_n3A_1668, %sign3A_1699 : i32
        %sign3A_1701 = arith.extui %sign3A_1700 : i1 to i32
        %sign3A_1702 = arith.constant 0 : i32
        %sign3A_1703 = arith.cmpi slt, %select_n3A_1668, %sign3A_1702 : i32
        %sign3A_1704 = arith.extui %sign3A_1703 : i1 to i32
        %sign3A_1705 = arith.subi %sign3A_1701, %sign3A_1704 : i32
        %sign3A_1706 = arith.constant 0 : i32
        %sign3A_1707 = arith.cmpi sgt, %jit3A_1697, %sign3A_1706 : i32
        %sign3A_1708 = arith.extui %sign3A_1707 : i1 to i32
        %sign3A_1709 = arith.constant 0 : i32
        %sign3A_1710 = arith.cmpi slt, %jit3A_1697, %sign3A_1709 : i32
        %sign3A_1711 = arith.extui %sign3A_1710 : i1 to i32
        %sign3A_1712 = arith.subi %sign3A_1708, %sign3A_1711 : i32
        %ne3A_1713 = arith.cmpi ne, %sign3A_1705, %sign3A_1712 : i32
        %rem3A_1714 = arith.remsi %select_n3A_1668, %jit3A_1697 : i32
        %ne3A_1715 = arith.constant 0 : i32
        %ne3A_1716 = arith.cmpi ne, %rem3A_1714, %ne3A_1715 : i32
        %and3A_1717 = arith.andi %ne3A_1713, %ne3A_1716 : i1
        %sub3A_1718 = arith.constant 1 : i32
        %sub3A_1719 = arith.subi %div3A_1698, %sub3A_1718 : i32
        %select_n3A_1720 = arith.select %and3A_1717, %sub3A_1719, %div3A_1698 : i32
        %mul3A_1721 = arith.constant 64 : i32
        %mul3A_1722 = arith.muli %select_n3A_1720, %mul3A_1721 : i32
        %add3A_1723 = arith.addi %mul3A_1696, %mul3A_1722 : i32
        %jit3A_1724 = arith.constant 32 : i32
        %eq3A_1725 = arith.constant 0 : i32
        %eq3A_1726 = arith.cmpi eq, %jit3A_1724, %eq3A_1725 : i32
        %jit3A_1727 = arith.constant 1 : i32
        %select_n3A_1728 = arith.select %eq3A_1726, %jit3A_1727, %jit3A_1724 : i32
        %rem3A_1729 = arith.remsi %select_n3A_1668, %select_n3A_1728 : i32
        %ne3A_1730 = arith.constant 0 : i32
        %ne3A_1731 = arith.cmpi ne, %rem3A_1729, %ne3A_1730 : i32
        %lt3A_1732 = arith.constant 0 : i32
        %lt3A_1733 = arith.cmpi slt, %rem3A_1729, %lt3A_1732 : i32
        %lt3A_1734 = arith.constant 0 : i32
        %lt3A_1735 = arith.cmpi slt, %select_n3A_1728, %lt3A_1734 : i32
        %ne3A_1736 = arith.xori %lt3A_1733, %lt3A_1735 : i1
        %and3A_1737 = arith.andi %ne3A_1736, %ne3A_1731 : i1
        %add3A_1738 = arith.addi %rem3A_1729, %select_n3A_1728 : i32
        %select_n3A_1739 = arith.select %and3A_1737, %add3A_1738, %rem3A_1729 : i32
        %add3A_1740 = arith.addi %add3A_1723, %select_n3A_1739 : i32
        %add3A_1741 = arith.constant 0 : i32
        %add3A_1742 = arith.addi %add3A_1740, %add3A_1741 : i32
        %ne3A_1743 = arith.cmpi ne, %add3A_1652, %add3A_1742 : i32
        %or3A_1744 = arith.constant false
        %or3A_1745 = arith.ori %or3A_1744, %ne3A_1743 : i1
        %or3A_1746 = arith.ori %or3A_1745, %eq3A_334 : i1
        %convert_element_type3A_1747 = arith.extui %or3A_1746 : i1 to i32
        %cond3A_1748 = arith.constant 0 : i32
        %cond3A_1749 = arith.cmpi ne, %convert_element_type3A_1747, %cond3A_1748 : i32
        scf.if %cond3A_1749 {
        } else {
        }
        %and3A_1750 = arith.constant false
        %and3A_1751 = arith.andi %or3A_1746, %and3A_1750 : i1
        %jit3A_1752 = arith.constant 32 : i32
        %eq3A_1753 = arith.constant 0 : i32
        %eq3A_1754 = arith.cmpi eq, %jit3A_1752, %eq3A_1753 : i32
        %jit3A_1755 = arith.constant 1 : i32
        %select_n3A_1756 = arith.select %eq3A_1754, %jit3A_1755, %jit3A_1752 : i32
        %rem3A_1757 = arith.remsi %add3A_335, %select_n3A_1756 : i32
        %ne3A_1758 = arith.constant 0 : i32
        %ne3A_1759 = arith.cmpi ne, %rem3A_1757, %ne3A_1758 : i32
        %lt3A_1760 = arith.constant 0 : i32
        %lt3A_1761 = arith.cmpi slt, %rem3A_1757, %lt3A_1760 : i32
        %lt3A_1762 = arith.constant 0 : i32
        %lt3A_1763 = arith.cmpi slt, %select_n3A_1756, %lt3A_1762 : i32
        %ne3A_1764 = arith.xori %lt3A_1761, %lt3A_1763 : i1
        %and3A_1765 = arith.andi %ne3A_1764, %ne3A_1759 : i1
        %add3A_1766 = arith.addi %rem3A_1757, %select_n3A_1756 : i32
        %select_n3A_1767 = arith.select %and3A_1765, %add3A_1766, %rem3A_1757 : i32
        %jit3A_1768 = arith.constant 32 : i32
        %div3A_1769 = arith.divsi %add3A_335, %jit3A_1768 : i32
        %sign3A_1770 = arith.constant 0 : i32
        %sign3A_1771 = arith.cmpi sgt, %add3A_335, %sign3A_1770 : i32
        %sign3A_1772 = arith.extui %sign3A_1771 : i1 to i32
        %sign3A_1773 = arith.constant 0 : i32
        %sign3A_1774 = arith.cmpi slt, %add3A_335, %sign3A_1773 : i32
        %sign3A_1775 = arith.extui %sign3A_1774 : i1 to i32
        %sign3A_1776 = arith.subi %sign3A_1772, %sign3A_1775 : i32
        %sign3A_1777 = arith.constant 0 : i32
        %sign3A_1778 = arith.cmpi sgt, %jit3A_1768, %sign3A_1777 : i32
        %sign3A_1779 = arith.extui %sign3A_1778 : i1 to i32
        %sign3A_1780 = arith.constant 0 : i32
        %sign3A_1781 = arith.cmpi slt, %jit3A_1768, %sign3A_1780 : i32
        %sign3A_1782 = arith.extui %sign3A_1781 : i1 to i32
        %sign3A_1783 = arith.subi %sign3A_1779, %sign3A_1782 : i32
        %ne3A_1784 = arith.cmpi ne, %sign3A_1776, %sign3A_1783 : i32
        %rem3A_1785 = arith.remsi %add3A_335, %jit3A_1768 : i32
        %ne3A_1786 = arith.constant 0 : i32
        %ne3A_1787 = arith.cmpi ne, %rem3A_1785, %ne3A_1786 : i32
        %and3A_1788 = arith.andi %ne3A_1784, %ne3A_1787 : i1
        %sub3A_1789 = arith.constant 1 : i32
        %sub3A_1790 = arith.subi %div3A_1769, %sub3A_1789 : i32
        %select_n3A_1791 = arith.select %and3A_1788, %sub3A_1790, %div3A_1769 : i32
        %add3A_1792 = arith.constant 30 : i32
        %add3A_1793 = arith.addi %select_n3A_1791, %add3A_1792 : i32
        %mul3A_1794 = arith.constant 64 : i32
        %mul3A_1795 = arith.muli %add3A_1793, %mul3A_1794 : i32
        %jit3A_1796 = arith.constant 32 : i32
        %div3A_1797 = arith.divsi %select_n3A_1767, %jit3A_1796 : i32
        %sign3A_1798 = arith.constant 0 : i32
        %sign3A_1799 = arith.cmpi sgt, %select_n3A_1767, %sign3A_1798 : i32
        %sign3A_1800 = arith.extui %sign3A_1799 : i1 to i32
        %sign3A_1801 = arith.constant 0 : i32
        %sign3A_1802 = arith.cmpi slt, %select_n3A_1767, %sign3A_1801 : i32
        %sign3A_1803 = arith.extui %sign3A_1802 : i1 to i32
        %sign3A_1804 = arith.subi %sign3A_1800, %sign3A_1803 : i32
        %sign3A_1805 = arith.constant 0 : i32
        %sign3A_1806 = arith.cmpi sgt, %jit3A_1796, %sign3A_1805 : i32
        %sign3A_1807 = arith.extui %sign3A_1806 : i1 to i32
        %sign3A_1808 = arith.constant 0 : i32
        %sign3A_1809 = arith.cmpi slt, %jit3A_1796, %sign3A_1808 : i32
        %sign3A_1810 = arith.extui %sign3A_1809 : i1 to i32
        %sign3A_1811 = arith.subi %sign3A_1807, %sign3A_1810 : i32
        %ne3A_1812 = arith.cmpi ne, %sign3A_1804, %sign3A_1811 : i32
        %rem3A_1813 = arith.remsi %select_n3A_1767, %jit3A_1796 : i32
        %ne3A_1814 = arith.constant 0 : i32
        %ne3A_1815 = arith.cmpi ne, %rem3A_1813, %ne3A_1814 : i32
        %and3A_1816 = arith.andi %ne3A_1812, %ne3A_1815 : i1
        %sub3A_1817 = arith.constant 1 : i32
        %sub3A_1818 = arith.subi %div3A_1797, %sub3A_1817 : i32
        %select_n3A_1819 = arith.select %and3A_1816, %sub3A_1818, %div3A_1797 : i32
        %mul3A_1820 = arith.constant 64 : i32
        %mul3A_1821 = arith.muli %select_n3A_1819, %mul3A_1820 : i32
        %add3A_1822 = arith.addi %mul3A_1795, %mul3A_1821 : i32
        %jit3A_1823 = arith.constant 32 : i32
        %eq3A_1824 = arith.constant 0 : i32
        %eq3A_1825 = arith.cmpi eq, %jit3A_1823, %eq3A_1824 : i32
        %jit3A_1826 = arith.constant 1 : i32
        %select_n3A_1827 = arith.select %eq3A_1825, %jit3A_1826, %jit3A_1823 : i32
        %rem3A_1828 = arith.remsi %select_n3A_1767, %select_n3A_1827 : i32
        %ne3A_1829 = arith.constant 0 : i32
        %ne3A_1830 = arith.cmpi ne, %rem3A_1828, %ne3A_1829 : i32
        %lt3A_1831 = arith.constant 0 : i32
        %lt3A_1832 = arith.cmpi slt, %rem3A_1828, %lt3A_1831 : i32
        %lt3A_1833 = arith.constant 0 : i32
        %lt3A_1834 = arith.cmpi slt, %select_n3A_1827, %lt3A_1833 : i32
        %ne3A_1835 = arith.xori %lt3A_1832, %lt3A_1834 : i1
        %and3A_1836 = arith.andi %ne3A_1835, %ne3A_1830 : i1
        %add3A_1837 = arith.addi %rem3A_1828, %select_n3A_1827 : i32
        %select_n3A_1838 = arith.select %and3A_1836, %add3A_1837, %rem3A_1828 : i32
        %add3A_1839 = arith.addi %add3A_1822, %select_n3A_1838 : i32
        %add3A_1840 = arith.constant 32 : i32
        %add3A_1841 = arith.addi %add3A_1839, %add3A_1840 : i32
        %jit3A_1842 = arith.constant 32 : i32
        %eq3A_1843 = arith.constant 0 : i32
        %eq3A_1844 = arith.cmpi eq, %jit3A_1842, %eq3A_1843 : i32
        %jit3A_1845 = arith.constant 1 : i32
        %select_n3A_1846 = arith.select %eq3A_1844, %jit3A_1845, %jit3A_1842 : i32
        %rem3A_1847 = arith.remsi %add3A_353, %select_n3A_1846 : i32
        %ne3A_1848 = arith.constant 0 : i32
        %ne3A_1849 = arith.cmpi ne, %rem3A_1847, %ne3A_1848 : i32
        %lt3A_1850 = arith.constant 0 : i32
        %lt3A_1851 = arith.cmpi slt, %rem3A_1847, %lt3A_1850 : i32
        %lt3A_1852 = arith.constant 0 : i32
        %lt3A_1853 = arith.cmpi slt, %select_n3A_1846, %lt3A_1852 : i32
        %ne3A_1854 = arith.xori %lt3A_1851, %lt3A_1853 : i1
        %and3A_1855 = arith.andi %ne3A_1854, %ne3A_1849 : i1
        %add3A_1856 = arith.addi %rem3A_1847, %select_n3A_1846 : i32
        %select_n3A_1857 = arith.select %and3A_1855, %add3A_1856, %rem3A_1847 : i32
        %jit3A_1858 = arith.constant 32 : i32
        %div3A_1859 = arith.divsi %add3A_353, %jit3A_1858 : i32
        %sign3A_1860 = arith.constant 0 : i32
        %sign3A_1861 = arith.cmpi sgt, %add3A_353, %sign3A_1860 : i32
        %sign3A_1862 = arith.extui %sign3A_1861 : i1 to i32
        %sign3A_1863 = arith.constant 0 : i32
        %sign3A_1864 = arith.cmpi slt, %add3A_353, %sign3A_1863 : i32
        %sign3A_1865 = arith.extui %sign3A_1864 : i1 to i32
        %sign3A_1866 = arith.subi %sign3A_1862, %sign3A_1865 : i32
        %sign3A_1867 = arith.constant 0 : i32
        %sign3A_1868 = arith.cmpi sgt, %jit3A_1858, %sign3A_1867 : i32
        %sign3A_1869 = arith.extui %sign3A_1868 : i1 to i32
        %sign3A_1870 = arith.constant 0 : i32
        %sign3A_1871 = arith.cmpi slt, %jit3A_1858, %sign3A_1870 : i32
        %sign3A_1872 = arith.extui %sign3A_1871 : i1 to i32
        %sign3A_1873 = arith.subi %sign3A_1869, %sign3A_1872 : i32
        %ne3A_1874 = arith.cmpi ne, %sign3A_1866, %sign3A_1873 : i32
        %rem3A_1875 = arith.remsi %add3A_353, %jit3A_1858 : i32
        %ne3A_1876 = arith.constant 0 : i32
        %ne3A_1877 = arith.cmpi ne, %rem3A_1875, %ne3A_1876 : i32
        %and3A_1878 = arith.andi %ne3A_1874, %ne3A_1877 : i1
        %sub3A_1879 = arith.constant 1 : i32
        %sub3A_1880 = arith.subi %div3A_1859, %sub3A_1879 : i32
        %select_n3A_1881 = arith.select %and3A_1878, %sub3A_1880, %div3A_1859 : i32
        %add3A_1882 = arith.constant 30 : i32
        %add3A_1883 = arith.addi %select_n3A_1881, %add3A_1882 : i32
        %mul3A_1884 = arith.constant 64 : i32
        %mul3A_1885 = arith.muli %add3A_1883, %mul3A_1884 : i32
        %jit3A_1886 = arith.constant 32 : i32
        %div3A_1887 = arith.divsi %select_n3A_1857, %jit3A_1886 : i32
        %sign3A_1888 = arith.constant 0 : i32
        %sign3A_1889 = arith.cmpi sgt, %select_n3A_1857, %sign3A_1888 : i32
        %sign3A_1890 = arith.extui %sign3A_1889 : i1 to i32
        %sign3A_1891 = arith.constant 0 : i32
        %sign3A_1892 = arith.cmpi slt, %select_n3A_1857, %sign3A_1891 : i32
        %sign3A_1893 = arith.extui %sign3A_1892 : i1 to i32
        %sign3A_1894 = arith.subi %sign3A_1890, %sign3A_1893 : i32
        %sign3A_1895 = arith.constant 0 : i32
        %sign3A_1896 = arith.cmpi sgt, %jit3A_1886, %sign3A_1895 : i32
        %sign3A_1897 = arith.extui %sign3A_1896 : i1 to i32
        %sign3A_1898 = arith.constant 0 : i32
        %sign3A_1899 = arith.cmpi slt, %jit3A_1886, %sign3A_1898 : i32
        %sign3A_1900 = arith.extui %sign3A_1899 : i1 to i32
        %sign3A_1901 = arith.subi %sign3A_1897, %sign3A_1900 : i32
        %ne3A_1902 = arith.cmpi ne, %sign3A_1894, %sign3A_1901 : i32
        %rem3A_1903 = arith.remsi %select_n3A_1857, %jit3A_1886 : i32
        %ne3A_1904 = arith.constant 0 : i32
        %ne3A_1905 = arith.cmpi ne, %rem3A_1903, %ne3A_1904 : i32
        %and3A_1906 = arith.andi %ne3A_1902, %ne3A_1905 : i1
        %sub3A_1907 = arith.constant 1 : i32
        %sub3A_1908 = arith.subi %div3A_1887, %sub3A_1907 : i32
        %select_n3A_1909 = arith.select %and3A_1906, %sub3A_1908, %div3A_1887 : i32
        %mul3A_1910 = arith.constant 64 : i32
        %mul3A_1911 = arith.muli %select_n3A_1909, %mul3A_1910 : i32
        %add3A_1912 = arith.addi %mul3A_1885, %mul3A_1911 : i32
        %jit3A_1913 = arith.constant 32 : i32
        %eq3A_1914 = arith.constant 0 : i32
        %eq3A_1915 = arith.cmpi eq, %jit3A_1913, %eq3A_1914 : i32
        %jit3A_1916 = arith.constant 1 : i32
        %select_n3A_1917 = arith.select %eq3A_1915, %jit3A_1916, %jit3A_1913 : i32
        %rem3A_1918 = arith.remsi %select_n3A_1857, %select_n3A_1917 : i32
        %ne3A_1919 = arith.constant 0 : i32
        %ne3A_1920 = arith.cmpi ne, %rem3A_1918, %ne3A_1919 : i32
        %lt3A_1921 = arith.constant 0 : i32
        %lt3A_1922 = arith.cmpi slt, %rem3A_1918, %lt3A_1921 : i32
        %lt3A_1923 = arith.constant 0 : i32
        %lt3A_1924 = arith.cmpi slt, %select_n3A_1917, %lt3A_1923 : i32
        %ne3A_1925 = arith.xori %lt3A_1922, %lt3A_1924 : i1
        %and3A_1926 = arith.andi %ne3A_1925, %ne3A_1920 : i1
        %add3A_1927 = arith.addi %rem3A_1918, %select_n3A_1917 : i32
        %select_n3A_1928 = arith.select %and3A_1926, %add3A_1927, %rem3A_1918 : i32
        %add3A_1929 = arith.addi %add3A_1912, %select_n3A_1928 : i32
        %add3A_1930 = arith.constant 32 : i32
        %add3A_1931 = arith.addi %add3A_1929, %add3A_1930 : i32
        %ne3A_1932 = arith.cmpi ne, %add3A_1841, %add3A_1931 : i32
        %or3A_1933 = arith.constant false
        %or3A_1934 = arith.ori %or3A_1933, %ne3A_1932 : i1
        %or3A_1935 = arith.ori %or3A_1934, %eq3A_334 : i1
        %convert_element_type3A_1936 = arith.extui %or3A_1935 : i1 to i32
        %cond3A_1937 = arith.constant 0 : i32
        %cond3A_1938 = arith.cmpi ne, %convert_element_type3A_1936, %cond3A_1937 : i32
        scf.if %cond3A_1938 {
        } else {
        }
        %and3A_1939 = arith.constant false
        %and3A_1940 = arith.andi %or3A_1935, %and3A_1939 : i1
        %ne3A_1941 = arith.cmpi ne, %add3A_335, %add3A_353 : i32
        %or3A_1942 = arith.constant false
        %or3A_1943 = arith.ori %or3A_1942, %ne3A_1941 : i1
        %or3A_1944 = arith.constant false
        %or3A_1945 = arith.ori %or3A_1943, %or3A_1944 : i1
        %or3A_1946 = arith.ori %or3A_1945, %eq3A_334 : i1
        %convert_element_type3A_1947 = arith.extui %or3A_1946 : i1 to i32
        %cond3A_1948 = arith.constant 0 : i32
        %cond3A_1949 = arith.cmpi ne, %convert_element_type3A_1947, %cond3A_1948 : i32
        scf.if %cond3A_1949 {
          "tpu.trace_start"() <{level = 10 : i32, message = "ep_copy_out"}> : () -> ()
          %rem3A_2735 = arith.constant 2 : i32
          %rem3A_2736 = arith.remui %scan3A_328, %rem3A_2735 : i32
          %mul3A_2737 = arith.constant 512 : i32
          %mul3A_2738 = arith.muli %mul3A_2737, %add3A_335 : i32
          %dma_start3A_2739 = arith.constant 0 : i32
          %dma_start3A_2740 = arith.constant 0 : i32
          %dma_start3A_2741 = tpu.memref_slice %run_scoped3A_10[%rem3A_2736, %dma_start3A_2739, %dma_start3A_2740] : memref<2x512x64xf32, #tpu.memory_space<vmem>> -> memref<1x512x64xf32, #tpu.memory_space<vmem>>
          %dma_start3A_2742 = tpu.memref_squeeze %dma_start3A_2741 : memref<1x512x64xf32, #tpu.memory_space<vmem>> -> memref<512x64xf32, #tpu.memory_space<vmem>>
          %dma_start3A_2743 = arith.constant 0 : i32
          %dma_start3A_2744 = tpu.memref_slice %arg4[%mul3A_2738, %dma_start3A_2743] : memref<327680x64xf32, #tpu.memory_space<hbm>> -> memref<512x64xf32, #tpu.memory_space<hbm>>
          %dma_start3A_2745 = tpu.memref_slice %run_scoped3A_11[%rem3A_2736] : memref<2x!tpu.dma_semaphore, #tpu.memory_space<semaphore_mem>> -> memref<1x!tpu.dma_semaphore, #tpu.memory_space<semaphore_mem>>
          %dma_start3A_2746 = tpu.memref_squeeze %dma_start3A_2745 : memref<1x!tpu.dma_semaphore, #tpu.memory_space<semaphore_mem>> -> memref<!tpu.dma_semaphore, #tpu.memory_space<semaphore_mem>>
          %dma_start3A_2747 = arith.constant 0 : i32
          %dma_start3A_2748 = tpu.memref_slice %arg4[%mul3A_2738, %dma_start3A_2747] : memref<327680x64xf32, #tpu.memory_space<hbm>> -> memref<512x64xf32, #tpu.memory_space<hbm>>
          %dma_start3A_2749 = arith.constant 0 : i32
          %dma_start3A_2750 = arith.constant 0 : i32
          %dma_start3A_2751 = tpu.memref_slice %run_scoped3A_10[%rem3A_2736, %dma_start3A_2749, %dma_start3A_2750] : memref<2x512x64xf32, #tpu.memory_space<vmem>> -> memref<1x512x64xf32, #tpu.memory_space<vmem>>
          %dma_start3A_2752 = tpu.memref_squeeze %dma_start3A_2751 : memref<1x512x64xf32, #tpu.memory_space<vmem>> -> memref<512x64xf32, #tpu.memory_space<vmem>>
          tpu.enqueue_dma source(%dma_start3A_2752 : memref<512x64xf32, #tpu.memory_space<vmem>>) target(%dma_start3A_2748 : memref<512x64xf32, #tpu.memory_space<hbm>>) target_semaphore(%dma_start3A_2746 : memref<!tpu.dma_semaphore, #tpu.memory_space<semaphore_mem>>)
          "tpu.trace_stop"() : () -> ()
        } else {
        }
        %and3A_1950 = arith.constant true
        %and3A_1951 = arith.andi %or3A_1946, %and3A_1950 : i1
        %add3A_1952 = arith.constant 1 : i32
        %add3A_1953 = arith.addi %scan3A_328, %add3A_1952 : i32
        %select_n3A_1954 = arith.select %and3A_1951, %add3A_1953, %scan3A_328 : i32
        %jit3A_1955 = arith.constant 32 : i32
        %eq3A_1956 = arith.constant 0 : i32
        %eq3A_1957 = arith.cmpi eq, %jit3A_1955, %eq3A_1956 : i32
        %jit3A_1958 = arith.constant 1 : i32
        %select_n3A_1959 = arith.select %eq3A_1957, %jit3A_1958, %jit3A_1955 : i32
        %rem3A_1960 = arith.remsi %add3A_335, %select_n3A_1959 : i32
        %ne3A_1961 = arith.constant 0 : i32
        %ne3A_1962 = arith.cmpi ne, %rem3A_1960, %ne3A_1961 : i32
        %lt3A_1963 = arith.constant 0 : i32
        %lt3A_1964 = arith.cmpi slt, %rem3A_1960, %lt3A_1963 : i32
        %lt3A_1965 = arith.constant 0 : i32
        %lt3A_1966 = arith.cmpi slt, %select_n3A_1959, %lt3A_1965 : i32
        %ne3A_1967 = arith.xori %lt3A_1964, %lt3A_1966 : i1
        %and3A_1968 = arith.andi %ne3A_1967, %ne3A_1962 : i1
        %add3A_1969 = arith.addi %rem3A_1960, %select_n3A_1959 : i32
        %select_n3A_1970 = arith.select %and3A_1968, %add3A_1969, %rem3A_1960 : i32
        %jit3A_1971 = arith.constant 32 : i32
        %div3A_1972 = arith.divsi %add3A_335, %jit3A_1971 : i32
        %sign3A_1973 = arith.constant 0 : i32
        %sign3A_1974 = arith.cmpi sgt, %add3A_335, %sign3A_1973 : i32
        %sign3A_1975 = arith.extui %sign3A_1974 : i1 to i32
        %sign3A_1976 = arith.constant 0 : i32
        %sign3A_1977 = arith.cmpi slt, %add3A_335, %sign3A_1976 : i32
        %sign3A_1978 = arith.extui %sign3A_1977 : i1 to i32
        %sign3A_1979 = arith.subi %sign3A_1975, %sign3A_1978 : i32
        %sign3A_1980 = arith.constant 0 : i32
        %sign3A_1981 = arith.cmpi sgt, %jit3A_1971, %sign3A_1980 : i32
        %sign3A_1982 = arith.extui %sign3A_1981 : i1 to i32
        %sign3A_1983 = arith.constant 0 : i32
        %sign3A_1984 = arith.cmpi slt, %jit3A_1971, %sign3A_1983 : i32
        %sign3A_1985 = arith.extui %sign3A_1984 : i1 to i32
        %sign3A_1986 = arith.subi %sign3A_1982, %sign3A_1985 : i32
        %ne3A_1987 = arith.cmpi ne, %sign3A_1979, %sign3A_1986 : i32
        %rem3A_1988 = arith.remsi %add3A_335, %jit3A_1971 : i32
        %ne3A_1989 = arith.constant 0 : i32
        %ne3A_1990 = arith.cmpi ne, %rem3A_1988, %ne3A_1989 : i32
        %and3A_1991 = arith.andi %ne3A_1987, %ne3A_1990 : i1
        %sub3A_1992 = arith.constant 1 : i32
        %sub3A_1993 = arith.subi %div3A_1972, %sub3A_1992 : i32
        %select_n3A_1994 = arith.select %and3A_1991, %sub3A_1993, %div3A_1972 : i32
        %add3A_1995 = arith.constant 30 : i32
        %add3A_1996 = arith.addi %select_n3A_1994, %add3A_1995 : i32
        %mul3A_1997 = arith.constant 64 : i32
        %mul3A_1998 = arith.muli %add3A_1996, %mul3A_1997 : i32
        %jit3A_1999 = arith.constant 32 : i32
        %div3A_2000 = arith.divsi %select_n3A_1970, %jit3A_1999 : i32
        %sign3A_2001 = arith.constant 0 : i32
        %sign3A_2002 = arith.cmpi sgt, %select_n3A_1970, %sign3A_2001 : i32
        %sign3A_2003 = arith.extui %sign3A_2002 : i1 to i32
        %sign3A_2004 = arith.constant 0 : i32
        %sign3A_2005 = arith.cmpi slt, %select_n3A_1970, %sign3A_2004 : i32
        %sign3A_2006 = arith.extui %sign3A_2005 : i1 to i32
        %sign3A_2007 = arith.subi %sign3A_2003, %sign3A_2006 : i32
        %sign3A_2008 = arith.constant 0 : i32
        %sign3A_2009 = arith.cmpi sgt, %jit3A_1999, %sign3A_2008 : i32
        %sign3A_2010 = arith.extui %sign3A_2009 : i1 to i32
        %sign3A_2011 = arith.constant 0 : i32
        %sign3A_2012 = arith.cmpi slt, %jit3A_1999, %sign3A_2011 : i32
        %sign3A_2013 = arith.extui %sign3A_2012 : i1 to i32
        %sign3A_2014 = arith.subi %sign3A_2010, %sign3A_2013 : i32
        %ne3A_2015 = arith.cmpi ne, %sign3A_2007, %sign3A_2014 : i32
        %rem3A_2016 = arith.remsi %select_n3A_1970, %jit3A_1999 : i32
        %ne3A_2017 = arith.constant 0 : i32
        %ne3A_2018 = arith.cmpi ne, %rem3A_2016, %ne3A_2017 : i32
        %and3A_2019 = arith.andi %ne3A_2015, %ne3A_2018 : i1
        %sub3A_2020 = arith.constant 1 : i32
        %sub3A_2021 = arith.subi %div3A_2000, %sub3A_2020 : i32
        %select_n3A_2022 = arith.select %and3A_2019, %sub3A_2021, %div3A_2000 : i32
        %mul3A_2023 = arith.constant 64 : i32
        %mul3A_2024 = arith.muli %select_n3A_2022, %mul3A_2023 : i32
        %add3A_2025 = arith.addi %mul3A_1998, %mul3A_2024 : i32
        %jit3A_2026 = arith.constant 32 : i32
        %eq3A_2027 = arith.constant 0 : i32
        %eq3A_2028 = arith.cmpi eq, %jit3A_2026, %eq3A_2027 : i32
        %jit3A_2029 = arith.constant 1 : i32
        %select_n3A_2030 = arith.select %eq3A_2028, %jit3A_2029, %jit3A_2026 : i32
        %rem3A_2031 = arith.remsi %select_n3A_1970, %select_n3A_2030 : i32
        %ne3A_2032 = arith.constant 0 : i32
        %ne3A_2033 = arith.cmpi ne, %rem3A_2031, %ne3A_2032 : i32
        %lt3A_2034 = arith.constant 0 : i32
        %lt3A_2035 = arith.cmpi slt, %rem3A_2031, %lt3A_2034 : i32
        %lt3A_2036 = arith.constant 0 : i32
        %lt3A_2037 = arith.cmpi slt, %select_n3A_2030, %lt3A_2036 : i32
        %ne3A_2038 = arith.xori %lt3A_2035, %lt3A_2037 : i1
        %and3A_2039 = arith.andi %ne3A_2038, %ne3A_2033 : i1
        %add3A_2040 = arith.addi %rem3A_2031, %select_n3A_2030 : i32
        %select_n3A_2041 = arith.select %and3A_2039, %add3A_2040, %rem3A_2031 : i32
        %add3A_2042 = arith.addi %add3A_2025, %select_n3A_2041 : i32
        %add3A_2043 = arith.constant 0 : i32
        %add3A_2044 = arith.addi %add3A_2042, %add3A_2043 : i32
        %jit3A_2045 = arith.constant 32 : i32
        %eq3A_2046 = arith.constant 0 : i32
        %eq3A_2047 = arith.cmpi eq, %jit3A_2045, %eq3A_2046 : i32
        %jit3A_2048 = arith.constant 1 : i32
        %select_n3A_2049 = arith.select %eq3A_2047, %jit3A_2048, %jit3A_2045 : i32
        %rem3A_2050 = arith.remsi %add3A_344, %select_n3A_2049 : i32
        %ne3A_2051 = arith.constant 0 : i32
        %ne3A_2052 = arith.cmpi ne, %rem3A_2050, %ne3A_2051 : i32
        %lt3A_2053 = arith.constant 0 : i32
        %lt3A_2054 = arith.cmpi slt, %rem3A_2050, %lt3A_2053 : i32
        %lt3A_2055 = arith.constant 0 : i32
        %lt3A_2056 = arith.cmpi slt, %select_n3A_2049, %lt3A_2055 : i32
        %ne3A_2057 = arith.xori %lt3A_2054, %lt3A_2056 : i1
        %and3A_2058 = arith.andi %ne3A_2057, %ne3A_2052 : i1
        %add3A_2059 = arith.addi %rem3A_2050, %select_n3A_2049 : i32
        %select_n3A_2060 = arith.select %and3A_2058, %add3A_2059, %rem3A_2050 : i32
        %jit3A_2061 = arith.constant 32 : i32
        %div3A_2062 = arith.divsi %add3A_344, %jit3A_2061 : i32
        %sign3A_2063 = arith.constant 0 : i32
        %sign3A_2064 = arith.cmpi sgt, %add3A_344, %sign3A_2063 : i32
        %sign3A_2065 = arith.extui %sign3A_2064 : i1 to i32
        %sign3A_2066 = arith.constant 0 : i32
        %sign3A_2067 = arith.cmpi slt, %add3A_344, %sign3A_2066 : i32
        %sign3A_2068 = arith.extui %sign3A_2067 : i1 to i32
        %sign3A_2069 = arith.subi %sign3A_2065, %sign3A_2068 : i32
        %sign3A_2070 = arith.constant 0 : i32
        %sign3A_2071 = arith.cmpi sgt, %jit3A_2061, %sign3A_2070 : i32
        %sign3A_2072 = arith.extui %sign3A_2071 : i1 to i32
        %sign3A_2073 = arith.constant 0 : i32
        %sign3A_2074 = arith.cmpi slt, %jit3A_2061, %sign3A_2073 : i32
        %sign3A_2075 = arith.extui %sign3A_2074 : i1 to i32
        %sign3A_2076 = arith.subi %sign3A_2072, %sign3A_2075 : i32
        %ne3A_2077 = arith.cmpi ne, %sign3A_2069, %sign3A_2076 : i32
        %rem3A_2078 = arith.remsi %add3A_344, %jit3A_2061 : i32
        %ne3A_2079 = arith.constant 0 : i32
        %ne3A_2080 = arith.cmpi ne, %rem3A_2078, %ne3A_2079 : i32
        %and3A_2081 = arith.andi %ne3A_2077, %ne3A_2080 : i1
        %sub3A_2082 = arith.constant 1 : i32
        %sub3A_2083 = arith.subi %div3A_2062, %sub3A_2082 : i32
        %select_n3A_2084 = arith.select %and3A_2081, %sub3A_2083, %div3A_2062 : i32
        %add3A_2085 = arith.constant 30 : i32
        %add3A_2086 = arith.addi %select_n3A_2084, %add3A_2085 : i32
        %mul3A_2087 = arith.constant 64 : i32
        %mul3A_2088 = arith.muli %add3A_2086, %mul3A_2087 : i32
        %jit3A_2089 = arith.constant 32 : i32
        %div3A_2090 = arith.divsi %select_n3A_2060, %jit3A_2089 : i32
        %sign3A_2091 = arith.constant 0 : i32
        %sign3A_2092 = arith.cmpi sgt, %select_n3A_2060, %sign3A_2091 : i32
        %sign3A_2093 = arith.extui %sign3A_2092 : i1 to i32
        %sign3A_2094 = arith.constant 0 : i32
        %sign3A_2095 = arith.cmpi slt, %select_n3A_2060, %sign3A_2094 : i32
        %sign3A_2096 = arith.extui %sign3A_2095 : i1 to i32
        %sign3A_2097 = arith.subi %sign3A_2093, %sign3A_2096 : i32
        %sign3A_2098 = arith.constant 0 : i32
        %sign3A_2099 = arith.cmpi sgt, %jit3A_2089, %sign3A_2098 : i32
        %sign3A_2100 = arith.extui %sign3A_2099 : i1 to i32
        %sign3A_2101 = arith.constant 0 : i32
        %sign3A_2102 = arith.cmpi slt, %jit3A_2089, %sign3A_2101 : i32
        %sign3A_2103 = arith.extui %sign3A_2102 : i1 to i32
        %sign3A_2104 = arith.subi %sign3A_2100, %sign3A_2103 : i32
        %ne3A_2105 = arith.cmpi ne, %sign3A_2097, %sign3A_2104 : i32
        %rem3A_2106 = arith.remsi %select_n3A_2060, %jit3A_2089 : i32
        %ne3A_2107 = arith.constant 0 : i32
        %ne3A_2108 = arith.cmpi ne, %rem3A_2106, %ne3A_2107 : i32
        %and3A_2109 = arith.andi %ne3A_2105, %ne3A_2108 : i1
        %sub3A_2110 = arith.constant 1 : i32
        %sub3A_2111 = arith.subi %div3A_2090, %sub3A_2110 : i32
        %select_n3A_2112 = arith.select %and3A_2109, %sub3A_2111, %div3A_2090 : i32
        %mul3A_2113 = arith.constant 64 : i32
        %mul3A_2114 = arith.muli %select_n3A_2112, %mul3A_2113 : i32
        %add3A_2115 = arith.addi %mul3A_2088, %mul3A_2114 : i32
        %jit3A_2116 = arith.constant 32 : i32
        %eq3A_2117 = arith.constant 0 : i32
        %eq3A_2118 = arith.cmpi eq, %jit3A_2116, %eq3A_2117 : i32
        %jit3A_2119 = arith.constant 1 : i32
        %select_n3A_2120 = arith.select %eq3A_2118, %jit3A_2119, %jit3A_2116 : i32
        %rem3A_2121 = arith.remsi %select_n3A_2060, %select_n3A_2120 : i32
        %ne3A_2122 = arith.constant 0 : i32
        %ne3A_2123 = arith.cmpi ne, %rem3A_2121, %ne3A_2122 : i32
        %lt3A_2124 = arith.constant 0 : i32
        %lt3A_2125 = arith.cmpi slt, %rem3A_2121, %lt3A_2124 : i32
        %lt3A_2126 = arith.constant 0 : i32
        %lt3A_2127 = arith.cmpi slt, %select_n3A_2120, %lt3A_2126 : i32
        %ne3A_2128 = arith.xori %lt3A_2125, %lt3A_2127 : i1
        %and3A_2129 = arith.andi %ne3A_2128, %ne3A_2123 : i1
        %add3A_2130 = arith.addi %rem3A_2121, %select_n3A_2120 : i32
        %select_n3A_2131 = arith.select %and3A_2129, %add3A_2130, %rem3A_2121 : i32
        %add3A_2132 = arith.addi %add3A_2115, %select_n3A_2131 : i32
        %add3A_2133 = arith.constant 0 : i32
        %add3A_2134 = arith.addi %add3A_2132, %add3A_2133 : i32
        %ne3A_2135 = arith.cmpi ne, %add3A_2044, %add3A_2134 : i32
        %or3A_2136 = arith.constant false
        %or3A_2137 = arith.ori %or3A_2136, %ne3A_2135 : i1
        %not3A_2138 = arith.constant true
        %not3A_2139 = arith.xori %eq3A_332, %not3A_2138 : i1
        %and3A_2140 = arith.andi %or3A_2137, %not3A_2139 : i1
        %convert_element_type3A_2141 = arith.extui %and3A_2140 : i1 to i32
        %cond3A_2142 = arith.constant 0 : i32
        %cond3A_2143 = arith.cmpi ne, %convert_element_type3A_2141, %cond3A_2142 : i32
        scf.if %cond3A_2143 {
        } else {
        }
        %and3A_2144 = arith.constant false
        %and3A_2145 = arith.andi %and3A_2140, %and3A_2144 : i1
        %jit3A_2146 = arith.constant 32 : i32
        %eq3A_2147 = arith.constant 0 : i32
        %eq3A_2148 = arith.cmpi eq, %jit3A_2146, %eq3A_2147 : i32
        %jit3A_2149 = arith.constant 1 : i32
        %select_n3A_2150 = arith.select %eq3A_2148, %jit3A_2149, %jit3A_2146 : i32
        %rem3A_2151 = arith.remsi %add3A_335, %select_n3A_2150 : i32
        %ne3A_2152 = arith.constant 0 : i32
        %ne3A_2153 = arith.cmpi ne, %rem3A_2151, %ne3A_2152 : i32
        %lt3A_2154 = arith.constant 0 : i32
        %lt3A_2155 = arith.cmpi slt, %rem3A_2151, %lt3A_2154 : i32
        %lt3A_2156 = arith.constant 0 : i32
        %lt3A_2157 = arith.cmpi slt, %select_n3A_2150, %lt3A_2156 : i32
        %ne3A_2158 = arith.xori %lt3A_2155, %lt3A_2157 : i1
        %and3A_2159 = arith.andi %ne3A_2158, %ne3A_2153 : i1
        %add3A_2160 = arith.addi %rem3A_2151, %select_n3A_2150 : i32
        %select_n3A_2161 = arith.select %and3A_2159, %add3A_2160, %rem3A_2151 : i32
        %jit3A_2162 = arith.constant 32 : i32
        %div3A_2163 = arith.divsi %add3A_335, %jit3A_2162 : i32
        %sign3A_2164 = arith.constant 0 : i32
        %sign3A_2165 = arith.cmpi sgt, %add3A_335, %sign3A_2164 : i32
        %sign3A_2166 = arith.extui %sign3A_2165 : i1 to i32
        %sign3A_2167 = arith.constant 0 : i32
        %sign3A_2168 = arith.cmpi slt, %add3A_335, %sign3A_2167 : i32
        %sign3A_2169 = arith.extui %sign3A_2168 : i1 to i32
        %sign3A_2170 = arith.subi %sign3A_2166, %sign3A_2169 : i32
        %sign3A_2171 = arith.constant 0 : i32
        %sign3A_2172 = arith.cmpi sgt, %jit3A_2162, %sign3A_2171 : i32
        %sign3A_2173 = arith.extui %sign3A_2172 : i1 to i32
        %sign3A_2174 = arith.constant 0 : i32
        %sign3A_2175 = arith.cmpi slt, %jit3A_2162, %sign3A_2174 : i32
        %sign3A_2176 = arith.extui %sign3A_2175 : i1 to i32
        %sign3A_2177 = arith.subi %sign3A_2173, %sign3A_2176 : i32
        %ne3A_2178 = arith.cmpi ne, %sign3A_2170, %sign3A_2177 : i32
        %rem3A_2179 = arith.remsi %add3A_335, %jit3A_2162 : i32
        %ne3A_2180 = arith.constant 0 : i32
        %ne3A_2181 = arith.cmpi ne, %rem3A_2179, %ne3A_2180 : i32
        %and3A_2182 = arith.andi %ne3A_2178, %ne3A_2181 : i1
        %sub3A_2183 = arith.constant 1 : i32
        %sub3A_2184 = arith.subi %div3A_2163, %sub3A_2183 : i32
        %select_n3A_2185 = arith.select %and3A_2182, %sub3A_2184, %div3A_2163 : i32
        %add3A_2186 = arith.constant 30 : i32
        %add3A_2187 = arith.addi %select_n3A_2185, %add3A_2186 : i32
        %mul3A_2188 = arith.constant 64 : i32
        %mul3A_2189 = arith.muli %add3A_2187, %mul3A_2188 : i32
        %jit3A_2190 = arith.constant 32 : i32
        %div3A_2191 = arith.divsi %select_n3A_2161, %jit3A_2190 : i32
        %sign3A_2192 = arith.constant 0 : i32
        %sign3A_2193 = arith.cmpi sgt, %select_n3A_2161, %sign3A_2192 : i32
        %sign3A_2194 = arith.extui %sign3A_2193 : i1 to i32
        %sign3A_2195 = arith.constant 0 : i32
        %sign3A_2196 = arith.cmpi slt, %select_n3A_2161, %sign3A_2195 : i32
        %sign3A_2197 = arith.extui %sign3A_2196 : i1 to i32
        %sign3A_2198 = arith.subi %sign3A_2194, %sign3A_2197 : i32
        %sign3A_2199 = arith.constant 0 : i32
        %sign3A_2200 = arith.cmpi sgt, %jit3A_2190, %sign3A_2199 : i32
        %sign3A_2201 = arith.extui %sign3A_2200 : i1 to i32
        %sign3A_2202 = arith.constant 0 : i32
        %sign3A_2203 = arith.cmpi slt, %jit3A_2190, %sign3A_2202 : i32
        %sign3A_2204 = arith.extui %sign3A_2203 : i1 to i32
        %sign3A_2205 = arith.subi %sign3A_2201, %sign3A_2204 : i32
        %ne3A_2206 = arith.cmpi ne, %sign3A_2198, %sign3A_2205 : i32
        %rem3A_2207 = arith.remsi %select_n3A_2161, %jit3A_2190 : i32
        %ne3A_2208 = arith.constant 0 : i32
        %ne3A_2209 = arith.cmpi ne, %rem3A_2207, %ne3A_2208 : i32
        %and3A_2210 = arith.andi %ne3A_2206, %ne3A_2209 : i1
        %sub3A_2211 = arith.constant 1 : i32
        %sub3A_2212 = arith.subi %div3A_2191, %sub3A_2211 : i32
        %select_n3A_2213 = arith.select %and3A_2210, %sub3A_2212, %div3A_2191 : i32
        %mul3A_2214 = arith.constant 64 : i32
        %mul3A_2215 = arith.muli %select_n3A_2213, %mul3A_2214 : i32
        %add3A_2216 = arith.addi %mul3A_2189, %mul3A_2215 : i32
        %jit3A_2217 = arith.constant 32 : i32
        %eq3A_2218 = arith.constant 0 : i32
        %eq3A_2219 = arith.cmpi eq, %jit3A_2217, %eq3A_2218 : i32
        %jit3A_2220 = arith.constant 1 : i32
        %select_n3A_2221 = arith.select %eq3A_2219, %jit3A_2220, %jit3A_2217 : i32
        %rem3A_2222 = arith.remsi %select_n3A_2161, %select_n3A_2221 : i32
        %ne3A_2223 = arith.constant 0 : i32
        %ne3A_2224 = arith.cmpi ne, %rem3A_2222, %ne3A_2223 : i32
        %lt3A_2225 = arith.constant 0 : i32
        %lt3A_2226 = arith.cmpi slt, %rem3A_2222, %lt3A_2225 : i32
        %lt3A_2227 = arith.constant 0 : i32
        %lt3A_2228 = arith.cmpi slt, %select_n3A_2221, %lt3A_2227 : i32
        %ne3A_2229 = arith.xori %lt3A_2226, %lt3A_2228 : i1
        %and3A_2230 = arith.andi %ne3A_2229, %ne3A_2224 : i1
        %add3A_2231 = arith.addi %rem3A_2222, %select_n3A_2221 : i32
        %select_n3A_2232 = arith.select %and3A_2230, %add3A_2231, %rem3A_2222 : i32
        %add3A_2233 = arith.addi %add3A_2216, %select_n3A_2232 : i32
        %add3A_2234 = arith.constant 32 : i32
        %add3A_2235 = arith.addi %add3A_2233, %add3A_2234 : i32
        %jit3A_2236 = arith.constant 32 : i32
        %eq3A_2237 = arith.constant 0 : i32
        %eq3A_2238 = arith.cmpi eq, %jit3A_2236, %eq3A_2237 : i32
        %jit3A_2239 = arith.constant 1 : i32
        %select_n3A_2240 = arith.select %eq3A_2238, %jit3A_2239, %jit3A_2236 : i32
        %rem3A_2241 = arith.remsi %add3A_344, %select_n3A_2240 : i32
        %ne3A_2242 = arith.constant 0 : i32
        %ne3A_2243 = arith.cmpi ne, %rem3A_2241, %ne3A_2242 : i32
        %lt3A_2244 = arith.constant 0 : i32
        %lt3A_2245 = arith.cmpi slt, %rem3A_2241, %lt3A_2244 : i32
        %lt3A_2246 = arith.constant 0 : i32
        %lt3A_2247 = arith.cmpi slt, %select_n3A_2240, %lt3A_2246 : i32
        %ne3A_2248 = arith.xori %lt3A_2245, %lt3A_2247 : i1
        %and3A_2249 = arith.andi %ne3A_2248, %ne3A_2243 : i1
        %add3A_2250 = arith.addi %rem3A_2241, %select_n3A_2240 : i32
        %select_n3A_2251 = arith.select %and3A_2249, %add3A_2250, %rem3A_2241 : i32
        %jit3A_2252 = arith.constant 32 : i32
        %div3A_2253 = arith.divsi %add3A_344, %jit3A_2252 : i32
        %sign3A_2254 = arith.constant 0 : i32
        %sign3A_2255 = arith.cmpi sgt, %add3A_344, %sign3A_2254 : i32
        %sign3A_2256 = arith.extui %sign3A_2255 : i1 to i32
        %sign3A_2257 = arith.constant 0 : i32
        %sign3A_2258 = arith.cmpi slt, %add3A_344, %sign3A_2257 : i32
        %sign3A_2259 = arith.extui %sign3A_2258 : i1 to i32
        %sign3A_2260 = arith.subi %sign3A_2256, %sign3A_2259 : i32
        %sign3A_2261 = arith.constant 0 : i32
        %sign3A_2262 = arith.cmpi sgt, %jit3A_2252, %sign3A_2261 : i32
        %sign3A_2263 = arith.extui %sign3A_2262 : i1 to i32
        %sign3A_2264 = arith.constant 0 : i32
        %sign3A_2265 = arith.cmpi slt, %jit3A_2252, %sign3A_2264 : i32
        %sign3A_2266 = arith.extui %sign3A_2265 : i1 to i32
        %sign3A_2267 = arith.subi %sign3A_2263, %sign3A_2266 : i32
        %ne3A_2268 = arith.cmpi ne, %sign3A_2260, %sign3A_2267 : i32
        %rem3A_2269 = arith.remsi %add3A_344, %jit3A_2252 : i32
        %ne3A_2270 = arith.constant 0 : i32
        %ne3A_2271 = arith.cmpi ne, %rem3A_2269, %ne3A_2270 : i32
        %and3A_2272 = arith.andi %ne3A_2268, %ne3A_2271 : i1
        %sub3A_2273 = arith.constant 1 : i32
        %sub3A_2274 = arith.subi %div3A_2253, %sub3A_2273 : i32
        %select_n3A_2275 = arith.select %and3A_2272, %sub3A_2274, %div3A_2253 : i32
        %add3A_2276 = arith.constant 30 : i32
        %add3A_2277 = arith.addi %select_n3A_2275, %add3A_2276 : i32
        %mul3A_2278 = arith.constant 64 : i32
        %mul3A_2279 = arith.muli %add3A_2277, %mul3A_2278 : i32
        %jit3A_2280 = arith.constant 32 : i32
        %div3A_2281 = arith.divsi %select_n3A_2251, %jit3A_2280 : i32
        %sign3A_2282 = arith.constant 0 : i32
        %sign3A_2283 = arith.cmpi sgt, %select_n3A_2251, %sign3A_2282 : i32
        %sign3A_2284 = arith.extui %sign3A_2283 : i1 to i32
        %sign3A_2285 = arith.constant 0 : i32
        %sign3A_2286 = arith.cmpi slt, %select_n3A_2251, %sign3A_2285 : i32
        %sign3A_2287 = arith.extui %sign3A_2286 : i1 to i32
        %sign3A_2288 = arith.subi %sign3A_2284, %sign3A_2287 : i32
        %sign3A_2289 = arith.constant 0 : i32
        %sign3A_2290 = arith.cmpi sgt, %jit3A_2280, %sign3A_2289 : i32
        %sign3A_2291 = arith.extui %sign3A_2290 : i1 to i32
        %sign3A_2292 = arith.constant 0 : i32
        %sign3A_2293 = arith.cmpi slt, %jit3A_2280, %sign3A_2292 : i32
        %sign3A_2294 = arith.extui %sign3A_2293 : i1 to i32
        %sign3A_2295 = arith.subi %sign3A_2291, %sign3A_2294 : i32
        %ne3A_2296 = arith.cmpi ne, %sign3A_2288, %sign3A_2295 : i32
        %rem3A_2297 = arith.remsi %select_n3A_2251, %jit3A_2280 : i32
        %ne3A_2298 = arith.constant 0 : i32
        %ne3A_2299 = arith.cmpi ne, %rem3A_2297, %ne3A_2298 : i32
        %and3A_2300 = arith.andi %ne3A_2296, %ne3A_2299 : i1
        %sub3A_2301 = arith.constant 1 : i32
        %sub3A_2302 = arith.subi %div3A_2281, %sub3A_2301 : i32
        %select_n3A_2303 = arith.select %and3A_2300, %sub3A_2302, %div3A_2281 : i32
        %mul3A_2304 = arith.constant 64 : i32
        %mul3A_2305 = arith.muli %select_n3A_2303, %mul3A_2304 : i32
        %add3A_2306 = arith.addi %mul3A_2279, %mul3A_2305 : i32
        %jit3A_2307 = arith.constant 32 : i32
        %eq3A_2308 = arith.constant 0 : i32
        %eq3A_2309 = arith.cmpi eq, %jit3A_2307, %eq3A_2308 : i32
        %jit3A_2310 = arith.constant 1 : i32
        %select_n3A_2311 = arith.select %eq3A_2309, %jit3A_2310, %jit3A_2307 : i32
        %rem3A_2312 = arith.remsi %select_n3A_2251, %select_n3A_2311 : i32
        %ne3A_2313 = arith.constant 0 : i32
        %ne3A_2314 = arith.cmpi ne, %rem3A_2312, %ne3A_2313 : i32
        %lt3A_2315 = arith.constant 0 : i32
        %lt3A_2316 = arith.cmpi slt, %rem3A_2312, %lt3A_2315 : i32
        %lt3A_2317 = arith.constant 0 : i32
        %lt3A_2318 = arith.cmpi slt, %select_n3A_2311, %lt3A_2317 : i32
        %ne3A_2319 = arith.xori %lt3A_2316, %lt3A_2318 : i1
        %and3A_2320 = arith.andi %ne3A_2319, %ne3A_2314 : i1
        %add3A_2321 = arith.addi %rem3A_2312, %select_n3A_2311 : i32
        %select_n3A_2322 = arith.select %and3A_2320, %add3A_2321, %rem3A_2312 : i32
        %add3A_2323 = arith.addi %add3A_2306, %select_n3A_2322 : i32
        %add3A_2324 = arith.constant 32 : i32
        %add3A_2325 = arith.addi %add3A_2323, %add3A_2324 : i32
        %ne3A_2326 = arith.cmpi ne, %add3A_2235, %add3A_2325 : i32
        %or3A_2327 = arith.constant false
        %or3A_2328 = arith.ori %or3A_2327, %ne3A_2326 : i1
        %not3A_2329 = arith.constant true
        %not3A_2330 = arith.xori %eq3A_332, %not3A_2329 : i1
        %and3A_2331 = arith.andi %or3A_2328, %not3A_2330 : i1
        %convert_element_type3A_2332 = arith.extui %and3A_2331 : i1 to i32
        %cond3A_2333 = arith.constant 0 : i32
        %cond3A_2334 = arith.cmpi ne, %convert_element_type3A_2332, %cond3A_2333 : i32
        scf.if %cond3A_2334 {
        } else {
        }
        %and3A_2335 = arith.constant false
        %and3A_2336 = arith.andi %and3A_2331, %and3A_2335 : i1
        %ne3A_2337 = arith.cmpi ne, %add3A_335, %add3A_344 : i32
        %or3A_2338 = arith.constant false
        %or3A_2339 = arith.ori %or3A_2338, %ne3A_2337 : i1
        %or3A_2340 = arith.constant false
        %or3A_2341 = arith.ori %or3A_2339, %or3A_2340 : i1
        %not3A_2342 = arith.constant true
        %not3A_2343 = arith.xori %eq3A_332, %not3A_2342 : i1
        %and3A_2344 = arith.andi %or3A_2341, %not3A_2343 : i1
        %convert_element_type3A_2345 = arith.extui %and3A_2344 : i1 to i32
        %cond3A_2346 = arith.constant 0 : i32
        %cond3A_2347 = arith.cmpi ne, %convert_element_type3A_2345, %cond3A_2346 : i32
        scf.if %cond3A_2347 {
          "tpu.trace_start"() <{level = 10 : i32, message = "ep_wait_out"}> : () -> ()
          %rem3A_2735 = arith.constant 2 : i32
          %rem3A_2736 = arith.remui %scan3A_329, %rem3A_2735 : i32
          %mul3A_2737 = arith.constant 512 : i32
          %mul3A_2738 = arith.muli %mul3A_2737, %add3A_344 : i32
          %dma_wait3A_2739 = arith.constant 0 : i32
          %dma_wait3A_2740 = arith.constant 0 : i32
          %dma_wait3A_2741 = tpu.memref_slice %run_scoped3A_10[%rem3A_2736, %dma_wait3A_2739, %dma_wait3A_2740] : memref<2x512x64xf32, #tpu.memory_space<vmem>> -> memref<1x512x64xf32, #tpu.memory_space<vmem>>
          %dma_wait3A_2742 = tpu.memref_squeeze %dma_wait3A_2741 : memref<1x512x64xf32, #tpu.memory_space<vmem>> -> memref<512x64xf32, #tpu.memory_space<vmem>>
          %dma_wait3A_2743 = arith.constant 0 : i32
          %dma_wait3A_2744 = tpu.memref_slice %arg4[%mul3A_2738, %dma_wait3A_2743] : memref<327680x64xf32, #tpu.memory_space<hbm>> -> memref<512x64xf32, #tpu.memory_space<hbm>>
          %dma_wait3A_2745 = tpu.memref_slice %run_scoped3A_11[%rem3A_2736] : memref<2x!tpu.dma_semaphore, #tpu.memory_space<semaphore_mem>> -> memref<1x!tpu.dma_semaphore, #tpu.memory_space<semaphore_mem>>
          %dma_wait3A_2746 = tpu.memref_squeeze %dma_wait3A_2745 : memref<1x!tpu.dma_semaphore, #tpu.memory_space<semaphore_mem>> -> memref<!tpu.dma_semaphore, #tpu.memory_space<semaphore_mem>>
          %dma_wait3A_2747 = arith.constant 0 : i32
          %dma_wait3A_2748 = tpu.memref_slice %arg4[%mul3A_2738, %dma_wait3A_2747] : memref<327680x64xf32, #tpu.memory_space<hbm>> -> memref<512x64xf32, #tpu.memory_space<hbm>>
          %dma_wait3A_2749 = arith.constant 0 : i32
          %dma_wait3A_2750 = arith.constant 0 : i32
          %dma_wait3A_2751 = tpu.memref_slice %run_scoped3A_10[%rem3A_2736, %dma_wait3A_2749, %dma_wait3A_2750] : memref<2x512x64xf32, #tpu.memory_space<vmem>> -> memref<1x512x64xf32, #tpu.memory_space<vmem>>
          %dma_wait3A_2752 = tpu.memref_squeeze %dma_wait3A_2751 : memref<1x512x64xf32, #tpu.memory_space<vmem>> -> memref<512x64xf32, #tpu.memory_space<vmem>>
          tpu.wait_dma2 semaphore(%dma_wait3A_2746 : memref<!tpu.dma_semaphore, #tpu.memory_space<semaphore_mem>>) src(%dma_wait3A_2752 : memref<512x64xf32, #tpu.memory_space<vmem>>) dst(%dma_wait3A_2748 : memref<512x64xf32, #tpu.memory_space<hbm>>)
          "tpu.trace_stop"() : () -> ()
        } else {
        }
        %and3A_2348 = arith.constant true
        %and3A_2349 = arith.andi %and3A_2344, %and3A_2348 : i1
        %add3A_2350 = arith.constant 1 : i32
        %add3A_2351 = arith.addi %scan3A_329, %add3A_2350 : i32
        %select_n3A_2352 = arith.select %and3A_2349, %add3A_2351, %scan3A_329 : i32
        %jit3A_2353 = arith.constant 32 : i32
        %eq3A_2354 = arith.constant 0 : i32
        %eq3A_2355 = arith.cmpi eq, %jit3A_2353, %eq3A_2354 : i32
        %jit3A_2356 = arith.constant 1 : i32
        %select_n3A_2357 = arith.select %eq3A_2355, %jit3A_2356, %jit3A_2353 : i32
        %rem3A_2358 = arith.remsi %add3A_335, %select_n3A_2357 : i32
        %ne3A_2359 = arith.constant 0 : i32
        %ne3A_2360 = arith.cmpi ne, %rem3A_2358, %ne3A_2359 : i32
        %lt3A_2361 = arith.constant 0 : i32
        %lt3A_2362 = arith.cmpi slt, %rem3A_2358, %lt3A_2361 : i32
        %lt3A_2363 = arith.constant 0 : i32
        %lt3A_2364 = arith.cmpi slt, %select_n3A_2357, %lt3A_2363 : i32
        %ne3A_2365 = arith.xori %lt3A_2362, %lt3A_2364 : i1
        %and3A_2366 = arith.andi %ne3A_2365, %ne3A_2360 : i1
        %add3A_2367 = arith.addi %rem3A_2358, %select_n3A_2357 : i32
        %select_n3A_2368 = arith.select %and3A_2366, %add3A_2367, %rem3A_2358 : i32
        %jit3A_2369 = arith.constant 32 : i32
        %div3A_2370 = arith.divsi %add3A_335, %jit3A_2369 : i32
        %sign3A_2371 = arith.constant 0 : i32
        %sign3A_2372 = arith.cmpi sgt, %add3A_335, %sign3A_2371 : i32
        %sign3A_2373 = arith.extui %sign3A_2372 : i1 to i32
        %sign3A_2374 = arith.constant 0 : i32
        %sign3A_2375 = arith.cmpi slt, %add3A_335, %sign3A_2374 : i32
        %sign3A_2376 = arith.extui %sign3A_2375 : i1 to i32
        %sign3A_2377 = arith.subi %sign3A_2373, %sign3A_2376 : i32
        %sign3A_2378 = arith.constant 0 : i32
        %sign3A_2379 = arith.cmpi sgt, %jit3A_2369, %sign3A_2378 : i32
        %sign3A_2380 = arith.extui %sign3A_2379 : i1 to i32
        %sign3A_2381 = arith.constant 0 : i32
        %sign3A_2382 = arith.cmpi slt, %jit3A_2369, %sign3A_2381 : i32
        %sign3A_2383 = arith.extui %sign3A_2382 : i1 to i32
        %sign3A_2384 = arith.subi %sign3A_2380, %sign3A_2383 : i32
        %ne3A_2385 = arith.cmpi ne, %sign3A_2377, %sign3A_2384 : i32
        %rem3A_2386 = arith.remsi %add3A_335, %jit3A_2369 : i32
        %ne3A_2387 = arith.constant 0 : i32
        %ne3A_2388 = arith.cmpi ne, %rem3A_2386, %ne3A_2387 : i32
        %and3A_2389 = arith.andi %ne3A_2385, %ne3A_2388 : i1
        %sub3A_2390 = arith.constant 1 : i32
        %sub3A_2391 = arith.subi %div3A_2370, %sub3A_2390 : i32
        %select_n3A_2392 = arith.select %and3A_2389, %sub3A_2391, %div3A_2370 : i32
        %add3A_2393 = arith.constant 30 : i32
        %add3A_2394 = arith.addi %select_n3A_2392, %add3A_2393 : i32
        %mul3A_2395 = arith.constant 64 : i32
        %mul3A_2396 = arith.muli %add3A_2394, %mul3A_2395 : i32
        %jit3A_2397 = arith.constant 32 : i32
        %div3A_2398 = arith.divsi %select_n3A_2368, %jit3A_2397 : i32
        %sign3A_2399 = arith.constant 0 : i32
        %sign3A_2400 = arith.cmpi sgt, %select_n3A_2368, %sign3A_2399 : i32
        %sign3A_2401 = arith.extui %sign3A_2400 : i1 to i32
        %sign3A_2402 = arith.constant 0 : i32
        %sign3A_2403 = arith.cmpi slt, %select_n3A_2368, %sign3A_2402 : i32
        %sign3A_2404 = arith.extui %sign3A_2403 : i1 to i32
        %sign3A_2405 = arith.subi %sign3A_2401, %sign3A_2404 : i32
        %sign3A_2406 = arith.constant 0 : i32
        %sign3A_2407 = arith.cmpi sgt, %jit3A_2397, %sign3A_2406 : i32
        %sign3A_2408 = arith.extui %sign3A_2407 : i1 to i32
        %sign3A_2409 = arith.constant 0 : i32
        %sign3A_2410 = arith.cmpi slt, %jit3A_2397, %sign3A_2409 : i32
        %sign3A_2411 = arith.extui %sign3A_2410 : i1 to i32
        %sign3A_2412 = arith.subi %sign3A_2408, %sign3A_2411 : i32
        %ne3A_2413 = arith.cmpi ne, %sign3A_2405, %sign3A_2412 : i32
        %rem3A_2414 = arith.remsi %select_n3A_2368, %jit3A_2397 : i32
        %ne3A_2415 = arith.constant 0 : i32
        %ne3A_2416 = arith.cmpi ne, %rem3A_2414, %ne3A_2415 : i32
        %and3A_2417 = arith.andi %ne3A_2413, %ne3A_2416 : i1
        %sub3A_2418 = arith.constant 1 : i32
        %sub3A_2419 = arith.subi %div3A_2398, %sub3A_2418 : i32
        %select_n3A_2420 = arith.select %and3A_2417, %sub3A_2419, %div3A_2398 : i32
        %mul3A_2421 = arith.constant 64 : i32
        %mul3A_2422 = arith.muli %select_n3A_2420, %mul3A_2421 : i32
        %add3A_2423 = arith.addi %mul3A_2396, %mul3A_2422 : i32
        %jit3A_2424 = arith.constant 32 : i32
        %eq3A_2425 = arith.constant 0 : i32
        %eq3A_2426 = arith.cmpi eq, %jit3A_2424, %eq3A_2425 : i32
        %jit3A_2427 = arith.constant 1 : i32
        %select_n3A_2428 = arith.select %eq3A_2426, %jit3A_2427, %jit3A_2424 : i32
        %rem3A_2429 = arith.remsi %select_n3A_2368, %select_n3A_2428 : i32
        %ne3A_2430 = arith.constant 0 : i32
        %ne3A_2431 = arith.cmpi ne, %rem3A_2429, %ne3A_2430 : i32
        %lt3A_2432 = arith.constant 0 : i32
        %lt3A_2433 = arith.cmpi slt, %rem3A_2429, %lt3A_2432 : i32
        %lt3A_2434 = arith.constant 0 : i32
        %lt3A_2435 = arith.cmpi slt, %select_n3A_2428, %lt3A_2434 : i32
        %ne3A_2436 = arith.xori %lt3A_2433, %lt3A_2435 : i1
        %and3A_2437 = arith.andi %ne3A_2436, %ne3A_2431 : i1
        %add3A_2438 = arith.addi %rem3A_2429, %select_n3A_2428 : i32
        %select_n3A_2439 = arith.select %and3A_2437, %add3A_2438, %rem3A_2429 : i32
        %add3A_2440 = arith.addi %add3A_2423, %select_n3A_2439 : i32
        %add3A_2441 = arith.constant 0 : i32
        %add3A_2442 = arith.addi %add3A_2440, %add3A_2441 : i32
        %jit3A_2443 = arith.constant 32 : i32
        %eq3A_2444 = arith.constant 0 : i32
        %eq3A_2445 = arith.cmpi eq, %jit3A_2443, %eq3A_2444 : i32
        %jit3A_2446 = arith.constant 1 : i32
        %select_n3A_2447 = arith.select %eq3A_2445, %jit3A_2446, %jit3A_2443 : i32
        %rem3A_2448 = arith.remsi %add3A_353, %select_n3A_2447 : i32
        %ne3A_2449 = arith.constant 0 : i32
        %ne3A_2450 = arith.cmpi ne, %rem3A_2448, %ne3A_2449 : i32
        %lt3A_2451 = arith.constant 0 : i32
        %lt3A_2452 = arith.cmpi slt, %rem3A_2448, %lt3A_2451 : i32
        %lt3A_2453 = arith.constant 0 : i32
        %lt3A_2454 = arith.cmpi slt, %select_n3A_2447, %lt3A_2453 : i32
        %ne3A_2455 = arith.xori %lt3A_2452, %lt3A_2454 : i1
        %and3A_2456 = arith.andi %ne3A_2455, %ne3A_2450 : i1
        %add3A_2457 = arith.addi %rem3A_2448, %select_n3A_2447 : i32
        %select_n3A_2458 = arith.select %and3A_2456, %add3A_2457, %rem3A_2448 : i32
        %jit3A_2459 = arith.constant 32 : i32
        %div3A_2460 = arith.divsi %add3A_353, %jit3A_2459 : i32
        %sign3A_2461 = arith.constant 0 : i32
        %sign3A_2462 = arith.cmpi sgt, %add3A_353, %sign3A_2461 : i32
        %sign3A_2463 = arith.extui %sign3A_2462 : i1 to i32
        %sign3A_2464 = arith.constant 0 : i32
        %sign3A_2465 = arith.cmpi slt, %add3A_353, %sign3A_2464 : i32
        %sign3A_2466 = arith.extui %sign3A_2465 : i1 to i32
        %sign3A_2467 = arith.subi %sign3A_2463, %sign3A_2466 : i32
        %sign3A_2468 = arith.constant 0 : i32
        %sign3A_2469 = arith.cmpi sgt, %jit3A_2459, %sign3A_2468 : i32
        %sign3A_2470 = arith.extui %sign3A_2469 : i1 to i32
        %sign3A_2471 = arith.constant 0 : i32
        %sign3A_2472 = arith.cmpi slt, %jit3A_2459, %sign3A_2471 : i32
        %sign3A_2473 = arith.extui %sign3A_2472 : i1 to i32
        %sign3A_2474 = arith.subi %sign3A_2470, %sign3A_2473 : i32
        %ne3A_2475 = arith.cmpi ne, %sign3A_2467, %sign3A_2474 : i32
        %rem3A_2476 = arith.remsi %add3A_353, %jit3A_2459 : i32
        %ne3A_2477 = arith.constant 0 : i32
        %ne3A_2478 = arith.cmpi ne, %rem3A_2476, %ne3A_2477 : i32
        %and3A_2479 = arith.andi %ne3A_2475, %ne3A_2478 : i1
        %sub3A_2480 = arith.constant 1 : i32
        %sub3A_2481 = arith.subi %div3A_2460, %sub3A_2480 : i32
        %select_n3A_2482 = arith.select %and3A_2479, %sub3A_2481, %div3A_2460 : i32
        %add3A_2483 = arith.constant 30 : i32
        %add3A_2484 = arith.addi %select_n3A_2482, %add3A_2483 : i32
        %mul3A_2485 = arith.constant 64 : i32
        %mul3A_2486 = arith.muli %add3A_2484, %mul3A_2485 : i32
        %jit3A_2487 = arith.constant 32 : i32
        %div3A_2488 = arith.divsi %select_n3A_2458, %jit3A_2487 : i32
        %sign3A_2489 = arith.constant 0 : i32
        %sign3A_2490 = arith.cmpi sgt, %select_n3A_2458, %sign3A_2489 : i32
        %sign3A_2491 = arith.extui %sign3A_2490 : i1 to i32
        %sign3A_2492 = arith.constant 0 : i32
        %sign3A_2493 = arith.cmpi slt, %select_n3A_2458, %sign3A_2492 : i32
        %sign3A_2494 = arith.extui %sign3A_2493 : i1 to i32
        %sign3A_2495 = arith.subi %sign3A_2491, %sign3A_2494 : i32
        %sign3A_2496 = arith.constant 0 : i32
        %sign3A_2497 = arith.cmpi sgt, %jit3A_2487, %sign3A_2496 : i32
        %sign3A_2498 = arith.extui %sign3A_2497 : i1 to i32
        %sign3A_2499 = arith.constant 0 : i32
        %sign3A_2500 = arith.cmpi slt, %jit3A_2487, %sign3A_2499 : i32
        %sign3A_2501 = arith.extui %sign3A_2500 : i1 to i32
        %sign3A_2502 = arith.subi %sign3A_2498, %sign3A_2501 : i32
        %ne3A_2503 = arith.cmpi ne, %sign3A_2495, %sign3A_2502 : i32
        %rem3A_2504 = arith.remsi %select_n3A_2458, %jit3A_2487 : i32
        %ne3A_2505 = arith.constant 0 : i32
        %ne3A_2506 = arith.cmpi ne, %rem3A_2504, %ne3A_2505 : i32
        %and3A_2507 = arith.andi %ne3A_2503, %ne3A_2506 : i1
        %sub3A_2508 = arith.constant 1 : i32
        %sub3A_2509 = arith.subi %div3A_2488, %sub3A_2508 : i32
        %select_n3A_2510 = arith.select %and3A_2507, %sub3A_2509, %div3A_2488 : i32
        %mul3A_2511 = arith.constant 64 : i32
        %mul3A_2512 = arith.muli %select_n3A_2510, %mul3A_2511 : i32
        %add3A_2513 = arith.addi %mul3A_2486, %mul3A_2512 : i32
        %jit3A_2514 = arith.constant 32 : i32
        %eq3A_2515 = arith.constant 0 : i32
        %eq3A_2516 = arith.cmpi eq, %jit3A_2514, %eq3A_2515 : i32
        %jit3A_2517 = arith.constant 1 : i32
        %select_n3A_2518 = arith.select %eq3A_2516, %jit3A_2517, %jit3A_2514 : i32
        %rem3A_2519 = arith.remsi %select_n3A_2458, %select_n3A_2518 : i32
        %ne3A_2520 = arith.constant 0 : i32
        %ne3A_2521 = arith.cmpi ne, %rem3A_2519, %ne3A_2520 : i32
        %lt3A_2522 = arith.constant 0 : i32
        %lt3A_2523 = arith.cmpi slt, %rem3A_2519, %lt3A_2522 : i32
        %lt3A_2524 = arith.constant 0 : i32
        %lt3A_2525 = arith.cmpi slt, %select_n3A_2518, %lt3A_2524 : i32
        %ne3A_2526 = arith.xori %lt3A_2523, %lt3A_2525 : i1
        %and3A_2527 = arith.andi %ne3A_2526, %ne3A_2521 : i1
        %add3A_2528 = arith.addi %rem3A_2519, %select_n3A_2518 : i32
        %select_n3A_2529 = arith.select %and3A_2527, %add3A_2528, %rem3A_2519 : i32
        %add3A_2530 = arith.addi %add3A_2513, %select_n3A_2529 : i32
        %add3A_2531 = arith.constant 0 : i32
        %add3A_2532 = arith.addi %add3A_2530, %add3A_2531 : i32
        %ne3A_2533 = arith.cmpi ne, %add3A_2442, %add3A_2532 : i32
        %or3A_2534 = arith.constant false
        %or3A_2535 = arith.ori %or3A_2534, %ne3A_2533 : i1
        %or3A_2536 = arith.ori %or3A_2535, %eq3A_334 : i1
        %add3A_2537 = arith.constant 1 : i32
        %add3A_2538 = arith.addi %scan3A_325, %add3A_2537 : i32
        %select_n3A_2539 = arith.select %or3A_2536, %add3A_2538, %scan3A_325 : i32
        %jit3A_2540 = arith.constant 32 : i32
        %eq3A_2541 = arith.constant 0 : i32
        %eq3A_2542 = arith.cmpi eq, %jit3A_2540, %eq3A_2541 : i32
        %jit3A_2543 = arith.constant 1 : i32
        %select_n3A_2544 = arith.select %eq3A_2542, %jit3A_2543, %jit3A_2540 : i32
        %rem3A_2545 = arith.remsi %add3A_335, %select_n3A_2544 : i32
        %ne3A_2546 = arith.constant 0 : i32
        %ne3A_2547 = arith.cmpi ne, %rem3A_2545, %ne3A_2546 : i32
        %lt3A_2548 = arith.constant 0 : i32
        %lt3A_2549 = arith.cmpi slt, %rem3A_2545, %lt3A_2548 : i32
        %lt3A_2550 = arith.constant 0 : i32
        %lt3A_2551 = arith.cmpi slt, %select_n3A_2544, %lt3A_2550 : i32
        %ne3A_2552 = arith.xori %lt3A_2549, %lt3A_2551 : i1
        %and3A_2553 = arith.andi %ne3A_2552, %ne3A_2547 : i1
        %add3A_2554 = arith.addi %rem3A_2545, %select_n3A_2544 : i32
        %select_n3A_2555 = arith.select %and3A_2553, %add3A_2554, %rem3A_2545 : i32
        %jit3A_2556 = arith.constant 32 : i32
        %div3A_2557 = arith.divsi %add3A_335, %jit3A_2556 : i32
        %sign3A_2558 = arith.constant 0 : i32
        %sign3A_2559 = arith.cmpi sgt, %add3A_335, %sign3A_2558 : i32
        %sign3A_2560 = arith.extui %sign3A_2559 : i1 to i32
        %sign3A_2561 = arith.constant 0 : i32
        %sign3A_2562 = arith.cmpi slt, %add3A_335, %sign3A_2561 : i32
        %sign3A_2563 = arith.extui %sign3A_2562 : i1 to i32
        %sign3A_2564 = arith.subi %sign3A_2560, %sign3A_2563 : i32
        %sign3A_2565 = arith.constant 0 : i32
        %sign3A_2566 = arith.cmpi sgt, %jit3A_2556, %sign3A_2565 : i32
        %sign3A_2567 = arith.extui %sign3A_2566 : i1 to i32
        %sign3A_2568 = arith.constant 0 : i32
        %sign3A_2569 = arith.cmpi slt, %jit3A_2556, %sign3A_2568 : i32
        %sign3A_2570 = arith.extui %sign3A_2569 : i1 to i32
        %sign3A_2571 = arith.subi %sign3A_2567, %sign3A_2570 : i32
        %ne3A_2572 = arith.cmpi ne, %sign3A_2564, %sign3A_2571 : i32
        %rem3A_2573 = arith.remsi %add3A_335, %jit3A_2556 : i32
        %ne3A_2574 = arith.constant 0 : i32
        %ne3A_2575 = arith.cmpi ne, %rem3A_2573, %ne3A_2574 : i32
        %and3A_2576 = arith.andi %ne3A_2572, %ne3A_2575 : i1
        %sub3A_2577 = arith.constant 1 : i32
        %sub3A_2578 = arith.subi %div3A_2557, %sub3A_2577 : i32
        %select_n3A_2579 = arith.select %and3A_2576, %sub3A_2578, %div3A_2557 : i32
        %add3A_2580 = arith.constant 30 : i32
        %add3A_2581 = arith.addi %select_n3A_2579, %add3A_2580 : i32
        %mul3A_2582 = arith.constant 64 : i32
        %mul3A_2583 = arith.muli %add3A_2581, %mul3A_2582 : i32
        %jit3A_2584 = arith.constant 32 : i32
        %div3A_2585 = arith.divsi %select_n3A_2555, %jit3A_2584 : i32
        %sign3A_2586 = arith.constant 0 : i32
        %sign3A_2587 = arith.cmpi sgt, %select_n3A_2555, %sign3A_2586 : i32
        %sign3A_2588 = arith.extui %sign3A_2587 : i1 to i32
        %sign3A_2589 = arith.constant 0 : i32
        %sign3A_2590 = arith.cmpi slt, %select_n3A_2555, %sign3A_2589 : i32
        %sign3A_2591 = arith.extui %sign3A_2590 : i1 to i32
        %sign3A_2592 = arith.subi %sign3A_2588, %sign3A_2591 : i32
        %sign3A_2593 = arith.constant 0 : i32
        %sign3A_2594 = arith.cmpi sgt, %jit3A_2584, %sign3A_2593 : i32
        %sign3A_2595 = arith.extui %sign3A_2594 : i1 to i32
        %sign3A_2596 = arith.constant 0 : i32
        %sign3A_2597 = arith.cmpi slt, %jit3A_2584, %sign3A_2596 : i32
        %sign3A_2598 = arith.extui %sign3A_2597 : i1 to i32
        %sign3A_2599 = arith.subi %sign3A_2595, %sign3A_2598 : i32
        %ne3A_2600 = arith.cmpi ne, %sign3A_2592, %sign3A_2599 : i32
        %rem3A_2601 = arith.remsi %select_n3A_2555, %jit3A_2584 : i32
        %ne3A_2602 = arith.constant 0 : i32
        %ne3A_2603 = arith.cmpi ne, %rem3A_2601, %ne3A_2602 : i32
        %and3A_2604 = arith.andi %ne3A_2600, %ne3A_2603 : i1
        %sub3A_2605 = arith.constant 1 : i32
        %sub3A_2606 = arith.subi %div3A_2585, %sub3A_2605 : i32
        %select_n3A_2607 = arith.select %and3A_2604, %sub3A_2606, %div3A_2585 : i32
        %mul3A_2608 = arith.constant 64 : i32
        %mul3A_2609 = arith.muli %select_n3A_2607, %mul3A_2608 : i32
        %add3A_2610 = arith.addi %mul3A_2583, %mul3A_2609 : i32
        %jit3A_2611 = arith.constant 32 : i32
        %eq3A_2612 = arith.constant 0 : i32
        %eq3A_2613 = arith.cmpi eq, %jit3A_2611, %eq3A_2612 : i32
        %jit3A_2614 = arith.constant 1 : i32
        %select_n3A_2615 = arith.select %eq3A_2613, %jit3A_2614, %jit3A_2611 : i32
        %rem3A_2616 = arith.remsi %select_n3A_2555, %select_n3A_2615 : i32
        %ne3A_2617 = arith.constant 0 : i32
        %ne3A_2618 = arith.cmpi ne, %rem3A_2616, %ne3A_2617 : i32
        %lt3A_2619 = arith.constant 0 : i32
        %lt3A_2620 = arith.cmpi slt, %rem3A_2616, %lt3A_2619 : i32
        %lt3A_2621 = arith.constant 0 : i32
        %lt3A_2622 = arith.cmpi slt, %select_n3A_2615, %lt3A_2621 : i32
        %ne3A_2623 = arith.xori %lt3A_2620, %lt3A_2622 : i1
        %and3A_2624 = arith.andi %ne3A_2623, %ne3A_2618 : i1
        %add3A_2625 = arith.addi %rem3A_2616, %select_n3A_2615 : i32
        %select_n3A_2626 = arith.select %and3A_2624, %add3A_2625, %rem3A_2616 : i32
        %add3A_2627 = arith.addi %add3A_2610, %select_n3A_2626 : i32
        %add3A_2628 = arith.constant 32 : i32
        %add3A_2629 = arith.addi %add3A_2627, %add3A_2628 : i32
        %jit3A_2630 = arith.constant 32 : i32
        %eq3A_2631 = arith.constant 0 : i32
        %eq3A_2632 = arith.cmpi eq, %jit3A_2630, %eq3A_2631 : i32
        %jit3A_2633 = arith.constant 1 : i32
        %select_n3A_2634 = arith.select %eq3A_2632, %jit3A_2633, %jit3A_2630 : i32
        %rem3A_2635 = arith.remsi %add3A_353, %select_n3A_2634 : i32
        %ne3A_2636 = arith.constant 0 : i32
        %ne3A_2637 = arith.cmpi ne, %rem3A_2635, %ne3A_2636 : i32
        %lt3A_2638 = arith.constant 0 : i32
        %lt3A_2639 = arith.cmpi slt, %rem3A_2635, %lt3A_2638 : i32
        %lt3A_2640 = arith.constant 0 : i32
        %lt3A_2641 = arith.cmpi slt, %select_n3A_2634, %lt3A_2640 : i32
        %ne3A_2642 = arith.xori %lt3A_2639, %lt3A_2641 : i1
        %and3A_2643 = arith.andi %ne3A_2642, %ne3A_2637 : i1
        %add3A_2644 = arith.addi %rem3A_2635, %select_n3A_2634 : i32
        %select_n3A_2645 = arith.select %and3A_2643, %add3A_2644, %rem3A_2635 : i32
        %jit3A_2646 = arith.constant 32 : i32
        %div3A_2647 = arith.divsi %add3A_353, %jit3A_2646 : i32
        %sign3A_2648 = arith.constant 0 : i32
        %sign3A_2649 = arith.cmpi sgt, %add3A_353, %sign3A_2648 : i32
        %sign3A_2650 = arith.extui %sign3A_2649 : i1 to i32
        %sign3A_2651 = arith.constant 0 : i32
        %sign3A_2652 = arith.cmpi slt, %add3A_353, %sign3A_2651 : i32
        %sign3A_2653 = arith.extui %sign3A_2652 : i1 to i32
        %sign3A_2654 = arith.subi %sign3A_2650, %sign3A_2653 : i32
        %sign3A_2655 = arith.constant 0 : i32
        %sign3A_2656 = arith.cmpi sgt, %jit3A_2646, %sign3A_2655 : i32
        %sign3A_2657 = arith.extui %sign3A_2656 : i1 to i32
        %sign3A_2658 = arith.constant 0 : i32
        %sign3A_2659 = arith.cmpi slt, %jit3A_2646, %sign3A_2658 : i32
        %sign3A_2660 = arith.extui %sign3A_2659 : i1 to i32
        %sign3A_2661 = arith.subi %sign3A_2657, %sign3A_2660 : i32
        %ne3A_2662 = arith.cmpi ne, %sign3A_2654, %sign3A_2661 : i32
        %rem3A_2663 = arith.remsi %add3A_353, %jit3A_2646 : i32
        %ne3A_2664 = arith.constant 0 : i32
        %ne3A_2665 = arith.cmpi ne, %rem3A_2663, %ne3A_2664 : i32
        %and3A_2666 = arith.andi %ne3A_2662, %ne3A_2665 : i1
        %sub3A_2667 = arith.constant 1 : i32
        %sub3A_2668 = arith.subi %div3A_2647, %sub3A_2667 : i32
        %select_n3A_2669 = arith.select %and3A_2666, %sub3A_2668, %div3A_2647 : i32
        %add3A_2670 = arith.constant 30 : i32
        %add3A_2671 = arith.addi %select_n3A_2669, %add3A_2670 : i32
        %mul3A_2672 = arith.constant 64 : i32
        %mul3A_2673 = arith.muli %add3A_2671, %mul3A_2672 : i32
        %jit3A_2674 = arith.constant 32 : i32
        %div3A_2675 = arith.divsi %select_n3A_2645, %jit3A_2674 : i32
        %sign3A_2676 = arith.constant 0 : i32
        %sign3A_2677 = arith.cmpi sgt, %select_n3A_2645, %sign3A_2676 : i32
        %sign3A_2678 = arith.extui %sign3A_2677 : i1 to i32
        %sign3A_2679 = arith.constant 0 : i32
        %sign3A_2680 = arith.cmpi slt, %select_n3A_2645, %sign3A_2679 : i32
        %sign3A_2681 = arith.extui %sign3A_2680 : i1 to i32
        %sign3A_2682 = arith.subi %sign3A_2678, %sign3A_2681 : i32
        %sign3A_2683 = arith.constant 0 : i32
        %sign3A_2684 = arith.cmpi sgt, %jit3A_2674, %sign3A_2683 : i32
        %sign3A_2685 = arith.extui %sign3A_2684 : i1 to i32
        %sign3A_2686 = arith.constant 0 : i32
        %sign3A_2687 = arith.cmpi slt, %jit3A_2674, %sign3A_2686 : i32
        %sign3A_2688 = arith.extui %sign3A_2687 : i1 to i32
        %sign3A_2689 = arith.subi %sign3A_2685, %sign3A_2688 : i32
        %ne3A_2690 = arith.cmpi ne, %sign3A_2682, %sign3A_2689 : i32
        %rem3A_2691 = arith.remsi %select_n3A_2645, %jit3A_2674 : i32
        %ne3A_2692 = arith.constant 0 : i32
        %ne3A_2693 = arith.cmpi ne, %rem3A_2691, %ne3A_2692 : i32
        %and3A_2694 = arith.andi %ne3A_2690, %ne3A_2693 : i1
        %sub3A_2695 = arith.constant 1 : i32
        %sub3A_2696 = arith.subi %div3A_2675, %sub3A_2695 : i32
        %select_n3A_2697 = arith.select %and3A_2694, %sub3A_2696, %div3A_2675 : i32
        %mul3A_2698 = arith.constant 64 : i32
        %mul3A_2699 = arith.muli %select_n3A_2697, %mul3A_2698 : i32
        %add3A_2700 = arith.addi %mul3A_2673, %mul3A_2699 : i32
        %jit3A_2701 = arith.constant 32 : i32
        %eq3A_2702 = arith.constant 0 : i32
        %eq3A_2703 = arith.cmpi eq, %jit3A_2701, %eq3A_2702 : i32
        %jit3A_2704 = arith.constant 1 : i32
        %select_n3A_2705 = arith.select %eq3A_2703, %jit3A_2704, %jit3A_2701 : i32
        %rem3A_2706 = arith.remsi %select_n3A_2645, %select_n3A_2705 : i32
        %ne3A_2707 = arith.constant 0 : i32
        %ne3A_2708 = arith.cmpi ne, %rem3A_2706, %ne3A_2707 : i32
        %lt3A_2709 = arith.constant 0 : i32
        %lt3A_2710 = arith.cmpi slt, %rem3A_2706, %lt3A_2709 : i32
        %lt3A_2711 = arith.constant 0 : i32
        %lt3A_2712 = arith.cmpi slt, %select_n3A_2705, %lt3A_2711 : i32
        %ne3A_2713 = arith.xori %lt3A_2710, %lt3A_2712 : i1
        %and3A_2714 = arith.andi %ne3A_2713, %ne3A_2708 : i1
        %add3A_2715 = arith.addi %rem3A_2706, %select_n3A_2705 : i32
        %select_n3A_2716 = arith.select %and3A_2714, %add3A_2715, %rem3A_2706 : i32
        %add3A_2717 = arith.addi %add3A_2700, %select_n3A_2716 : i32
        %add3A_2718 = arith.constant 32 : i32
        %add3A_2719 = arith.addi %add3A_2717, %add3A_2718 : i32
        %ne3A_2720 = arith.cmpi ne, %add3A_2629, %add3A_2719 : i32
        %or3A_2721 = arith.constant false
        %or3A_2722 = arith.ori %or3A_2721, %ne3A_2720 : i1
        %or3A_2723 = arith.ori %or3A_2722, %eq3A_334 : i1
        %add3A_2724 = arith.constant 1 : i32
        %add3A_2725 = arith.addi %scan3A_327, %add3A_2724 : i32
        %select_n3A_2726 = arith.select %or3A_2723, %add3A_2725, %scan3A_327 : i32
        %add3A_2727 = arith.constant 1 : i32
        %add3A_2728 = arith.addi %scan3A_330, %add3A_2727 : i32
        %select_n3A_2729 = arith.constant true
        %select_n3A_2730 = arith.select %select_n3A_2729, %add3A_2728, %scan3A_330 : i32
        %eq3A_2731 = arith.constant 20 : i32
        %eq3A_2732 = arith.cmpi eq, %select_n3A_2730, %eq3A_2731 : i32
        %select_n3A_2733 = arith.constant 0 : i32
        %select_n3A_2734 = arith.select %eq3A_2732, %select_n3A_2733, %select_n3A_2730 : i32
        scf.yield %select_n3A_553, %select_n3A_2539, %select_n3A_749, %select_n3A_2726, %select_n3A_1954, %select_n3A_2352, %select_n3A_2734 : i32, i32, i32, i32, i32, i32, i32
      }
      %scan3A_269 = arith.constant 20 : i32
      %sub3A_270 = arith.constant 1 : i32
      %sub3A_271 = arith.subi %scan3A_268#6, %sub3A_270 : i32
      %select_n3A_272 = arith.constant true
      %select_n3A_273 = arith.select %select_n3A_272, %sub3A_271, %scan3A_268#6 : i32
      %eq3A_274 = arith.constant -1 : i32
      %eq3A_275 = arith.cmpi eq, %select_n3A_273, %eq3A_274 : i32
      %select_n3A_276 = arith.constant 19 : i32
      %select_n3A_277 = arith.select %eq3A_275, %select_n3A_276, %select_n3A_273 : i32
      %add3A_278 = arith.addi %select_n3A_277, %mul3A_6 : i32
      %sub3A_279 = arith.constant 1 : i32
      %sub3A_280 = arith.subi %select_n3A_277, %sub3A_279 : i32
      %select_n3A_281 = arith.constant true
      %select_n3A_282 = arith.select %select_n3A_281, %sub3A_280, %select_n3A_277 : i32
      %eq3A_283 = arith.constant -1 : i32
      %eq3A_284 = arith.cmpi eq, %select_n3A_282, %eq3A_283 : i32
      %select_n3A_285 = arith.constant 19 : i32
      %select_n3A_286 = arith.select %eq3A_284, %select_n3A_285, %select_n3A_282 : i32
      %add3A_287 = arith.addi %select_n3A_286, %mul3A_6 : i32
      %add3A_288 = arith.constant 1 : i32
      %add3A_289 = arith.addi %select_n3A_277, %add3A_288 : i32
      %select_n3A_290 = arith.constant true
      %select_n3A_291 = arith.select %select_n3A_290, %add3A_289, %select_n3A_277 : i32
      %eq3A_292 = arith.constant 20 : i32
      %eq3A_293 = arith.cmpi eq, %select_n3A_291, %eq3A_292 : i32
      %select_n3A_294 = arith.constant 0 : i32
      %select_n3A_295 = arith.select %eq3A_293, %select_n3A_294, %select_n3A_291 : i32
      %add3A_296 = arith.addi %select_n3A_295, %mul3A_6 : i32
      %add3A_297 = arith.constant 1 : i32
      %add3A_298 = arith.addi %select_n3A_295, %add3A_297 : i32
      %select_n3A_299 = arith.constant true
      %select_n3A_300 = arith.select %select_n3A_299, %add3A_298, %select_n3A_295 : i32
      %eq3A_301 = arith.constant 20 : i32
      %eq3A_302 = arith.cmpi eq, %select_n3A_300, %eq3A_301 : i32
      %select_n3A_303 = arith.constant 0 : i32
      %select_n3A_304 = arith.select %eq3A_302, %select_n3A_303, %select_n3A_300 : i32
      %add3A_305 = arith.addi %select_n3A_304, %mul3A_6 : i32
      "tpu.trace_start"() <{level = 10 : i32, message = "ep_finalize"}> : () -> ()
      %rem3A_306 = arith.constant 2 : i32
      %rem3A_307 = arith.remui %scan3A_268#5, %rem3A_306 : i32
      %mul3A_308 = arith.constant 512 : i32
      %mul3A_309 = arith.muli %mul3A_308, %add3A_278 : i32
      %dma_wait3A = arith.constant 0 : i32
      %dma_wait3A_310 = arith.constant 0 : i32
      %dma_wait3A_311 = tpu.memref_slice %run_scoped3A_10[%rem3A_307, %dma_wait3A, %dma_wait3A_310] : memref<2x512x64xf32, #tpu.memory_space<vmem>> -> memref<1x512x64xf32, #tpu.memory_space<vmem>>
      %dma_wait3A_312 = tpu.memref_squeeze %dma_wait3A_311 : memref<1x512x64xf32, #tpu.memory_space<vmem>> -> memref<512x64xf32, #tpu.memory_space<vmem>>
      %dma_wait3A_313 = arith.constant 0 : i32
      %dma_wait3A_314 = tpu.memref_slice %arg4[%mul3A_309, %dma_wait3A_313] : memref<327680x64xf32, #tpu.memory_space<hbm>> -> memref<512x64xf32, #tpu.memory_space<hbm>>
      %dma_wait3A_315 = tpu.memref_slice %run_scoped3A_11[%rem3A_307] : memref<2x!tpu.dma_semaphore, #tpu.memory_space<semaphore_mem>> -> memref<1x!tpu.dma_semaphore, #tpu.memory_space<semaphore_mem>>
      %dma_wait3A_316 = tpu.memref_squeeze %dma_wait3A_315 : memref<1x!tpu.dma_semaphore, #tpu.memory_space<semaphore_mem>> -> memref<!tpu.dma_semaphore, #tpu.memory_space<semaphore_mem>>
      %dma_wait3A_317 = arith.constant 0 : i32
      %dma_wait3A_318 = tpu.memref_slice %arg4[%mul3A_309, %dma_wait3A_317] : memref<327680x64xf32, #tpu.memory_space<hbm>> -> memref<512x64xf32, #tpu.memory_space<hbm>>
      %dma_wait3A_319 = arith.constant 0 : i32
      %dma_wait3A_320 = arith.constant 0 : i32
      %dma_wait3A_321 = tpu.memref_slice %run_scoped3A_10[%rem3A_307, %dma_wait3A_319, %dma_wait3A_320] : memref<2x512x64xf32, #tpu.memory_space<vmem>> -> memref<1x512x64xf32, #tpu.memory_space<vmem>>
      %dma_wait3A_322 = tpu.memref_squeeze %dma_wait3A_321 : memref<1x512x64xf32, #tpu.memory_space<vmem>> -> memref<512x64xf32, #tpu.memory_space<vmem>>
      tpu.wait_dma2 semaphore(%dma_wait3A_316 : memref<!tpu.dma_semaphore, #tpu.memory_space<semaphore_mem>>) src(%dma_wait3A_322 : memref<512x64xf32, #tpu.memory_space<vmem>>) dst(%dma_wait3A_318 : memref<512x64xf32, #tpu.memory_space<hbm>>)
      "tpu.trace_stop"() : () -> ()
      tpu.yield
    }) : () -> ()
    return
  }
}

module attributes {stable_mosaic.version = 14 : i64} {
  func.func @_p3_body(%arg0: i32, %arg1: i32, %arg2: memref<1x8192x128xf32, #tpu.memory_space<vmem>>, %arg3: memref<1x64x16384xf32, #tpu.memory_space<vmem>>) attributes {dimension_semantics = [#tpu.dimension_semantics<arbitrary>, #tpu.dimension_semantics<arbitrary>], iteration_bounds = array<i64: 30, 1>, scalar_prefetch = 0 : i64, scratch_operands = 0 : i64, tpu.core_type = #tpu.core_type<tc>, window_params = [{transform_indices = @transform_0, window_bounds = array<i64: 1, 8192, 128>}, {transform_indices = @transform_1, window_bounds = array<i64: 1, 64, 16384>}]} {
    %get3A = arith.constant 0 : index
    %get3A_0 = arith.constant 0 : index
    %get3A_1 = arith.constant 0 : index
    %get3A_2 = vector.load %arg2[%get3A, %get3A_0, %get3A_1] : memref<1x8192x128xf32, #tpu.memory_space<vmem>>, vector<1x8192x128xf32>
    %get3A_3 = vector.shape_cast %get3A_2 : vector<1x8192x128xf32> to vector<8192x128xf32>
    %transpose3A = tpu.transpose %get3A_3, [1, 0] : vector<8192x128xf32> -> vector<128x8192xf32>
    %slice3A = vector.extract_strided_slice %transpose3A {offsets = [0, 0], sizes = [64, 8192], strides = [1, 1]} : vector<128x8192xf32> to vector<64x8192xf32>
    %swap3A = arith.constant 0 : index
    %swap3A_4 = arith.constant 0 : index
    %swap3A_5 = arith.constant 0 : index
    %swap3A_6 = vector.load %arg3[%swap3A, %swap3A_4, %swap3A_5] : memref<1x64x16384xf32, #tpu.memory_space<vmem>>, vector<1x64x8192xf32>
    %swap3A_7 = vector.shape_cast %swap3A_6 : vector<1x64x8192xf32> to vector<64x8192xf32>
    %swap3A_8 = vector.shape_cast %slice3A : vector<64x8192xf32> to vector<1x64x8192xf32>
    tpu.vector_store %arg3[%swap3A, %swap3A_4, %swap3A_5], %swap3A_8 {strides = array<i32>} : memref<1x64x16384xf32, #tpu.memory_space<vmem>>, vector<1x64x8192xf32>,
    %slice3A_9 = vector.extract_strided_slice %transpose3A {offsets = [64, 0], sizes = [64, 8192], strides = [1, 1]} : vector<128x8192xf32> to vector<64x8192xf32>
    %swap3A_10 = arith.constant 0 : index
    %swap3A_11 = arith.constant 0 : index
    %swap3A_12 = arith.constant 8192 : index
    %swap3A_13 = vector.load %arg3[%swap3A_10, %swap3A_11, %swap3A_12] : memref<1x64x16384xf32, #tpu.memory_space<vmem>>, vector<1x64x8192xf32>
    %swap3A_14 = vector.shape_cast %swap3A_13 : vector<1x64x8192xf32> to vector<64x8192xf32>
    %swap3A_15 = vector.shape_cast %slice3A_9 : vector<64x8192xf32> to vector<1x64x8192xf32>
    tpu.vector_store %arg3[%swap3A_10, %swap3A_11, %swap3A_12], %swap3A_15 {strides = array<i32>} : memref<1x64x16384xf32, #tpu.memory_space<vmem>>, vector<1x64x8192xf32>,
    return
  }
  func.func @transform_0(%arg0: i32, %arg1: i32) -> (i32, i32, i32) {
    %c0_i32 = arith.constant 0 : i32
    %c0_i32_0 = arith.constant 0 : i32
    return %arg0, %arg1, %c0_i32 : i32, i32, i32
  }
  func.func @transform_1(%arg0: i32, %arg1: i32) -> (i32, i32, i32) {
    %add3A = arith.constant 0 : i32
    %add3A_0 = arith.addi %add3A, %arg0 : i32
    %c0_i32 = arith.constant 0 : i32
    %c0_i32_1 = arith.constant 0 : i32
    return %add3A_0, %c0_i32, %arg1 : i32, i32, i32
  }
}

module attributes {stable_mosaic.version = 14 : i64} {
  func.func @_p1_body(%arg0: i32, %arg1: memref<64x16384xf32, #tpu.memory_space<vmem>>, %arg2: memref<64x16384xf32, #tpu.memory_space<vmem>>, %arg3: memref<16384x128xf32, #tpu.memory_space<vmem>>) attributes {dimension_semantics = [#tpu.dimension_semantics<arbitrary>], iteration_bounds = array<i64: 31>, scalar_prefetch = 0 : i64, scratch_operands = 0 : i64, tpu.core_type = #tpu.core_type<tc>, window_params = [{transform_indices = @transform_0, window_bounds = array<i64: 64, 16384>}, {transform_indices = @transform_1, window_bounds = array<i64: 64, 16384>}, {transform_indices = @transform_2, window_bounds = array<i64: 16384, 128>}]} {
    %get3A = arith.constant 0 : index
    %get3A_0 = arith.constant 0 : index
    %get3A_1 = vector.load %arg1[%get3A, %get3A_0] : memref<64x16384xf32, #tpu.memory_space<vmem>>, vector<64x16384xf32>
    %get3A_2 = arith.constant 0 : index
    %get3A_3 = arith.constant 0 : index
    %get3A_4 = vector.load %arg2[%get3A_2, %get3A_3] : memref<64x16384xf32, #tpu.memory_space<vmem>>, vector<64x16384xf32>
    %concatenate3A = tpu.concatenate %get3A_1, %get3A_4 in 0 : vector<64x16384xf32>, vector<64x16384xf32> -> vector<128x16384xf32>
    %transpose3A = tpu.transpose %concatenate3A, [1, 0] : vector<128x16384xf32> -> vector<16384x128xf32>
    %swap3A = arith.constant 0 : index
    %swap3A_5 = arith.constant 0 : index
    %swap3A_6 = vector.load %arg3[%swap3A, %swap3A_5] : memref<16384x128xf32, #tpu.memory_space<vmem>>, vector<16384x128xf32>
    tpu.vector_store %arg3[%swap3A, %swap3A_5], %transpose3A {strides = array<i32>} : memref<16384x128xf32, #tpu.memory_space<vmem>>, vector<16384x128xf32>,
    return
  }
  func.func @transform_0(%arg0: i32) -> (i32, i32) {
    %mul3A = arith.constant 2 : i32
    %mul3A_0 = arith.muli %mul3A, %arg0 : i32
    %c0_i32 = arith.constant 0 : i32
    %c0_i32_1 = arith.constant 0 : i32
    return %c0_i32, %mul3A_0 : i32, i32
  }
  func.func @transform_1(%arg0: i32) -> (i32, i32) {
    %mul3A = arith.constant 2 : i32
    %mul3A_0 = arith.muli %mul3A, %arg0 : i32
    %add3A = arith.constant 1 : i32
    %add3A_1 = arith.addi %mul3A_0, %add3A : i32
    %c0_i32 = arith.constant 0 : i32
    %c0_i32_2 = arith.constant 0 : i32
    return %c0_i32, %add3A_1 : i32, i32
  }
  func.func @transform_2(%arg0: i32) -> (i32, i32) {
    %c0_i32 = arith.constant 0 : i32
    %c0_i32_0 = arith.constant 0 : i32
    return %arg0, %c0_i32 : i32, i32
  }
}

module attributes {stable_mosaic.version = 14 : i64} {
  func.func @_p3_body(%arg0: i32, %arg1: i32, %arg2: memref<1x8192x128xf32, #tpu.memory_space<vmem>>, %arg3: memref<50x64x16384xf32, #tpu.memory_space<any>>, %arg4: memref<1x64x16384xf32, #tpu.memory_space<vmem>>) attributes {dimension_semantics = [#tpu.dimension_semantics<arbitrary>, #tpu.dimension_semantics<arbitrary>], iteration_bounds = array<i64: 20, 1>, scalar_prefetch = 0 : i64, scratch_operands = 0 : i64, tpu.core_type = #tpu.core_type<tc>, window_params = [{transform_indices = @transform_0, window_bounds = array<i64: 1, 8192, 128>}, {}, {transform_indices = @transform_2, window_bounds = array<i64: 1, 64, 16384>}]} {
    %get3A = arith.constant 0 : index
    %get3A_0 = arith.constant 0 : index
    %get3A_1 = arith.constant 0 : index
    %get3A_2 = vector.load %arg2[%get3A, %get3A_0, %get3A_1] : memref<1x8192x128xf32, #tpu.memory_space<vmem>>, vector<1x8192x128xf32>
    %get3A_3 = vector.shape_cast %get3A_2 : vector<1x8192x128xf32> to vector<8192x128xf32>
    %transpose3A = tpu.transpose %get3A_3, [1, 0] : vector<8192x128xf32> -> vector<128x8192xf32>
    %slice3A = vector.extract_strided_slice %transpose3A {offsets = [0, 0], sizes = [64, 8192], strides = [1, 1]} : vector<128x8192xf32> to vector<64x8192xf32>
    %swap3A = arith.constant 0 : index
    %swap3A_4 = arith.constant 0 : index
    %swap3A_5 = arith.constant 0 : index
    %swap3A_6 = vector.load %arg4[%swap3A, %swap3A_4, %swap3A_5] : memref<1x64x16384xf32, #tpu.memory_space<vmem>>, vector<1x64x8192xf32>
    %swap3A_7 = vector.shape_cast %swap3A_6 : vector<1x64x8192xf32> to vector<64x8192xf32>
    %swap3A_8 = vector.shape_cast %slice3A : vector<64x8192xf32> to vector<1x64x8192xf32>
    tpu.vector_store %arg4[%swap3A, %swap3A_4, %swap3A_5], %swap3A_8 {strides = array<i32>} : memref<1x64x16384xf32, #tpu.memory_space<vmem>>, vector<1x64x8192xf32>,
    %slice3A_9 = vector.extract_strided_slice %transpose3A {offsets = [64, 0], sizes = [64, 8192], strides = [1, 1]} : vector<128x8192xf32> to vector<64x8192xf32>
    %swap3A_10 = arith.constant 0 : index
    %swap3A_11 = arith.constant 0 : index
    %swap3A_12 = arith.constant 8192 : index
    %swap3A_13 = vector.load %arg4[%swap3A_10, %swap3A_11, %swap3A_12] : memref<1x64x16384xf32, #tpu.memory_space<vmem>>, vector<1x64x8192xf32>
    %swap3A_14 = vector.shape_cast %swap3A_13 : vector<1x64x8192xf32> to vector<64x8192xf32>
    %swap3A_15 = vector.shape_cast %slice3A_9 : vector<64x8192xf32> to vector<1x64x8192xf32>
    tpu.vector_store %arg4[%swap3A_10, %swap3A_11, %swap3A_12], %swap3A_15 {strides = array<i32>} : memref<1x64x16384xf32, #tpu.memory_space<vmem>>, vector<1x64x8192xf32>,
    return
  }
  func.func @transform_0(%arg0: i32, %arg1: i32) -> (i32, i32, i32) {
    %c0_i32 = arith.constant 0 : i32
    %c0_i32_0 = arith.constant 0 : i32
    return %arg0, %arg1, %c0_i32 : i32, i32, i32
  }
  func.func @transform_2(%arg0: i32, %arg1: i32) -> (i32, i32, i32) {
    %add3A = arith.constant 30 : i32
    %add3A_0 = arith.addi %add3A, %arg0 : i32
    %c0_i32 = arith.constant 0 : i32
    %c0_i32_1 = arith.constant 0 : i32
    return %add3A_0, %c0_i32, %arg1 : i32, i32, i32
  }
}

</mosaic_0001>

<sc_bundles>
// kernel: kernel.10.cloned.1.call-start
scs
__scs_entry_jumppad:
0x0: {  	(pc) =	sbr.rel $0x88, $3  }
0x1: {  	(tag) =	ssettag $0x0;
	lr =	simm.s32 $0x1  }
0x2: {  	[smem:$0x3F9F] =	sst lr;
	_ =	strace $0xD0000000  }
0x3: {  	_ = 	snop  }
0x4: {  	_ = 	snop  }
0x5: {  	_ = 	snop  }
0x6: {  	_ = 	snop  }
0x7: {  	_ = 	snop  }
__scs_overlays_trampoline_lowered:
0x8: {  	[smem:$0x3FAE] =	sst s0  }
0x9: {  	[smem:$0x3FAF] =	sst s1  }
0xa: {  	[smem:$0x3FB0] =	sst s2  }
0xb: {  	[smem:$0x3FB1] =	sst s3  }
0xc: {  	[smem:$0x3FB2] =	sst s4  }
0xd: {  	[smem:$0x3FB3] =	sst s5  }
0xe: {  	[smem:$0x3FB4] =	sst s6  }
0xf: {  	[smem:$0x3FB5] =	sst s7  }
0x10: {  	[smem:$0x3FB6] =	sst s8  }
0x11: {  	[smem:$0x3FB7] =	sst s9;
	s0 =	simm.s32 @!p0 $0x0  }
0x12: {  	s1 =	sld [smem:$0x3F9D];
	s0 =	simm.s32 @p0 $0x1  }
0x13: {  	[smem:$0x3FB8] =	sst s0;
	s0 =	simm.s32 @!p1 $0x0  }
0x14: {  	s2 =	sld [smem:$0x3F9C];
	s0 =	simm.s32 @p1 $0x1  }
0x15: {  	[smem:$0x3FB9] =	sst s0;
	s0 =	simm.s32 @!p2 $0x0  }
0x16: {  	s3 =	sld [smem:$0x3FDB];
	s0 =	simm.s32 @p2 $0x1  }
0x17: {  	s4 =	simm.s32 $0x1BF5;
	[smem:$0x3FBB] =	sst s0  }
0x18: {  	s0 =	sld [smem:$0x3F9E];
	_ =	swait.ge [sflag:s4], $0x0  }
0x19: {  	s7 =	sld [smem:$0x3F9F]  }
0x1a: {  	s8 =	sadd.s32 $0xFFFFE003, lr  }
0x1b: {  	s9 =	sadd.s32 $0xFFFFFEF7, lr;
	s5 =	simm.s32 $0xFFFFFFFF;
	p2 =	slt.u32 s8, $0xFFFFF086  }
0x1c: {  	p1 =	slt.u32 s9, $0xF7A;
	s5 =	simm.s32 @!p2 $0x0  }
0x1d: {  	s5 =	simm.s32 @p1 $0x1;
	p0 =	seq.s32 s7, s2  }
0x1e: {  	s7 =	smul.u32 @!p0 $0xF7A, s2;
	p2 =	seq.s32 @!p0 s5, $0x0  }
0x1f: {  	s9 =	smul.u32 $0xF7A, s1;
	s8 =	simm.s32 @!p0 $0x1BF5;
	p2 =	por !p2, p0  }
0x20: {  	[sflag:s8] =	ssyncset.s32 @!p0 $0xFFFFF086;
	s6 =	sadd.s32 @!p0 s3, s7;
	s7 =	simm.s32 @!p0 $0x108  }
0x21: {  	s3 =	sadd.s32 s3, s9;
	s6 =	sadd.s32 @!p0 $0x88, s6;
	s7 =	simm.s32 @p2 $0x1082  }
0x22: {  	[simem:s7], [sflag:s8] =	dma.local @!p0 [hbm:s6], $0xF7A  }
0x23: {  	s9 =	sor.u32 $0xD0000000, s2;
	s6 =	simm.s32 $0x108;
	_ =	swait.ge @!p0 [sflag:s8], $0x0  }
0x24: {  	s3 =	sadd.s32 $0x88, s3;
	s6 =	simm.s32 @!p1 $0x1082;
	[sflag:s4] =	ssyncset.s32 $0xFFFFF086  }
0x25: {  	[simem:s6], [sflag:s4] =	dma.local [hbm:s3], $0xF7A  }
0x26: {  	[smem:$0x3F9F] =	sst s1;
	(tag) =	ssettag s2;
	_ =	strace s9  }
0x27: {  	s1 =	sld [smem:$0x3FAF]  }
0x28: {  	s2 =	sld [smem:$0x3FB0]  }
0x29: {  	s4 =	sld [smem:$0x3FB2]  }
0x2a: {  	p0 =	seq.s32 s5, $0x0;
	s5 =	sld [smem:$0x3FB3]  }
0x2b: {  	s6 =	sld [smem:$0x3FB4]  }
0x2c: {  	s7 =	sld [smem:$0x3FB5]  }
0x2d: {  	s3 =	simm.s32 $0x108;
	s8 =	sld [smem:$0x3FB6]  }
0x2e: {  	s3 =	simm.s32 @!p0 $0x1082;
	s9 =	sld [smem:$0x3FB7]  }
0x2f: {  	lr =	sadd.s32 s0, s3;
	s0 =	sld [smem:$0x3FAE]  }
0x30: {  	s3 =	sld [smem:$0x3FB1]  }
0x31: {  	[smem:$0x3FBA] =	sst s10  }
0x32: {  	s10 =	sld [smem:$0x3FB8];
	_ =	sdelay $0x3  }
0x33: {  	p0 =	seq.s32 s10, $0x1;
	s10 =	sld [smem:$0x3FBA];
	_ =	sdelay $0x3  }
0x34: {  	[smem:$0x3FBA] =	sst s10  }
0x35: {  	s10 =	sld [smem:$0x3FB9];
	_ =	sdelay $0x3  }
0x36: {  	p1 =	seq.s32 s10, $0x1;
	s10 =	sld [smem:$0x3FBA];
	_ =	sdelay $0x3  }
0x37: {  	[smem:$0x3FBA] =	sst s10  }
0x38: {  	s10 =	sld [smem:$0x3FBB]  }
0x39: {  	_ = 	snop;
	(pc) =	sbr.ind lr, $3  }
0x3a: {  	_ = 	snop  }
0x3b: {  	_ = 	snop  }
0x3c: {  	p2 =	seq.s32 s10, $0x1;
	s10 =	sld [smem:$0x3FBA]  }
0x3d: {  	_ =	shalt  }
0x3e: {  	_ =	shalt  }
0x3f: {  	_ =	shalt  }
0x40: {  	_ =	shalt  }
0x41: {  	_ =	shalt  }
0x42: {  	_ =	shalt  }
0x43: {  	_ =	shalt  }
0x44: {  	_ =	shalt  }
0x45: {  	_ =	shalt  }
0x46: {  	_ =	shalt  }
0x47: {  	_ =	shalt  }
0x48: {  	_ =	shalt  }
0x49: {  	_ =	shalt  }
0x4a: {  	_ =	shalt  }
0x4b: {  	_ =	shalt  }
0x4c: {  	_ =	shalt  }
0x4d: {  	_ =	shalt  }
0x4e: {  	_ =	shalt  }
0x4f: {  	_ =	shalt  }
0x50: {  	_ =	shalt  }
0x51: {  	_ =	shalt  }
0x52: {  	_ =	shalt  }
0x53: {  	_ =	shalt  }
0x54: {  	_ =	shalt  }
0x55: {  	_ =	shalt  }
0x56: {  	_ =	shalt  }
0x57: {  	_ =	shalt  }
0x58: {  	_ =	shalt  }
0x59: {  	_ =	shalt  }
0x5a: {  	_ =	shalt  }
0x5b: {  	_ =	shalt  }
0x5c: {  	_ =	shalt  }
0x5d: {  	_ =	shalt  }
0x5e: {  	_ =	shalt  }
0x5f: {  	_ =	shalt  }
0x60: {  	_ =	shalt  }
0x61: {  	_ =	shalt  }
0x62: {  	_ =	shalt  }
0x63: {  	_ =	shalt  }
0x64: {  	_ =	shalt  }
0x65: {  	_ =	shalt  }
0x66: {  	_ =	shalt  }
0x67: {  	_ =	shalt  }
0x68: {  	_ =	shalt  }
0x69: {  	_ =	shalt  }
0x6a: {  	_ =	shalt  }
0x6b: {  	_ =	shalt  }
0x6c: {  	_ =	shalt  }
0x6d: {  	_ =	shalt  }
0x6e: {  	_ =	shalt  }
0x6f: {  	_ =	shalt  }
0x70: {  	_ =	shalt  }
0x71: {  	_ =	shalt  }
0x72: {  	_ =	shalt  }
0x73: {  	_ =	shalt  }
0x74: {  	_ =	shalt  }
0x75: {  	_ =	shalt  }
0x76: {  	_ =	shalt  }
0x77: {  	_ =	shalt  }
0x78: {  	_ =	shalt  }
0x79: {  	_ =	shalt  }
0x7a: {  	_ =	shalt  }
0x7b: {  	_ =	shalt  }
0x7c: {  	_ =	shalt  }
0x7d: {  	_ =	shalt  }
0x7e: {  	_ =	shalt  }
0x7f: {  	_ =	shalt  }
0x80: {  	_ =	shalt  }
0x81: {  	_ =	shalt  }
0x82: {  	_ =	shalt  }
0x83: {  	_ =	shalt  }
0x84: {  	_ =	shalt  }
0x85: {  	_ =	shalt  }
0x86: {  	_ =	shalt  }
0x87: {  	_ =	shalt  }
.Lfunc_end0:
.L_simem_size_0:
called_computation.1_lowered:
.L_overlay_start_0:
0x88: {  	s2 =	sld [smem:$0x3FD9]  }
0x89: {  	s3 =	sld [smem:$0x3FFE];
	_ =	sdelay $0x1  }
0x8a: {  	s1 =	srdreg.scid  }
0x8b: {  	s0 =	sand.u32 $0x1, s1  }
0x8c: {  	s17 =	sshll.u32 s0, $0xA;
	s2 =	sadd.s32 s3, s2  }
0x8d: {  	s2 =	sadd.s32 s2, s17  }
0x8e: {  	[smem:$0x3FC6] =	sst s2  }
0x8f: {  	_ = 	snop  }
0x90: {  	(tm) =	ssettm $0x1  }
0x91: {  	s18 =	sld [smem:$0x3FFB];
	_ =	sdelay $0x3  }
0x92: {  	_ =	strace s18  }
0x93: {  	s2 =	sld [smem:$0x3FFC];
	_ =	sdelay $0x3  }
0x94: {  	_ =	strace s2  }
0x95: {  	s2 =	sld [smem:$0x3FFD];
	_ =	sdelay $0x3  }
0x96: {  	_ =	strace s2  }
0x97: {  	_ =	strace $0x8FFFFFFF  }
0x98: {  	s19 =	sld [smem:$0x3FDB];
	_ =	sdelay $0x1  }
0x99: {  	s20 =	simm.s32 $_scs_section_size  }
0x9a: {  	s4 =	simm.s32 $_size__tile_overlayer_lowered;
	s5 =	simm.s32 $_tile_overlayer_lowered  }
0x9b: {  	s6 =	simm.s32 $0x1BFF;
	s21 =	sshll.u32 s5, $0x1;
	s3 =	sadd.s32 s20, s19  }
0x9c: {  	s22 =	simm.s32 $0x0;
	s4 =	sshll.u32 s4, $0x1;
	s5 =	sadd.s32 s21, s3  }
0x9d: {  	[timem:s22], [sflag:s6] =	dma.local [hbm:s5], s4  }
0x9e: {  	_ =	swait.ge [sflag:s6], s4  }
0x9f: {  	s4 =	ssub.s32 $0x0, s4;
	[sflag:s6] =	ssyncset.done $0x0  }
0xa0: {  	[sflag:s6] =	ssyncadd.s32 s4;
	_ =	sdelay $0x1  }
0xa1: {  	s23 =	simm.s32 $0x1B8B  }
0xa2: {  	_ =	swait.ge [sflag:s23], $0x1  }
0xa3: {  	[sflag:s23] =	ssyncset.done $0x0  }
0xa4: {  	[sflag:s23] =	ssyncadd.s32 $0xFFFFFFFF  }
0xa5: {  	s4 =	sld [smem:$0x0]  }
0xa6: {  	s5 =	sand.u32 $0xFFFFFFFE, s1  }
0xa7: {  	p0 =	sne.s32 s1, s5  }
0xa8: {  	s5 =	sshll.u32 @p0 s5, $0xE  }
0xa9: {  	s5 =	sadd.s32 @p0 $0x11B8D, s5;
	s6 =	sshll.u32 @p0 s4, $0x11  }
0xaa: {  	s5 =	sor.u32 @p0 s6, s5  }
0xab: {  	[sflag:s5] =	ssyncadd.remote.s32 @p0 $0x1;
	_ =	sdelay $0x1  }
0xac: {  	s5 =	simm.s32 @p0 $0x1B8D  }
0xad: {  	_ =	swait.eq @p0 [sflag:s5], $0x1  }
0xae: {  	[sflag:s5] =	ssyncadd.s32 @p0 $0xFFFFFFFF  }
0xaf: {  	s6 =	sshll.u32 @!p0 s1, $0xE  }
0xb0: {  	s6 =	sor.u32 @!p0 $0x4000, s6;
	s5 =	simm.s32 @!p0 $0x1B8D  }
0xb1: {  	s4 =	sshll.u32 @!p0 s4, $0x11;
	s6 =	sadd.s32 @!p0 $0x11B8D, s6;
	_ =	swait.eq @!p0 [sflag:s5], $0x1  }
0xb2: {  	s4 =	sor.u32 @!p0 s4, s6;
	[sflag:s5] =	ssyncadd.s32 @!p0 $0xFFFFFFFF  }
0xb3: {  	s25 =	simm.s32 $0x1B8E;
	s24 =	sld [smem:$0x3FFE];
	[sflag:s4] =	ssyncadd.remote.s32 @!p0 $0x1  }
0xb4: {  	s26 =	simm.s32 $execute0_lowered;
	[smem:$0x3FD2] =	sst s25  }
0xb5: {  	s5 =	sshll.u32 s26, $0x1;
	_ =	strace $0x80000052;
	[dreg:$0x1] =	wrdreg $0xFFFFFFFF  }
0xb6: {  	s28 =	simm.s32 $_size_execute0_lowered;
	s3 =	sadd.s32 s3, s5;
	[dreg:$0x0] =	wrdreg $0x0  }
0xb7: {  	s5 =	sshll.u32 s28, $0x1;
	[dreg:$0x2] =	wrdreg s3  }
0xb8: {  	[dreg:$0x3] =	wrdreg s5  }
0xb9: {  	[dreg:$0x4] =	wrdreg $0xC0  }
0xba: {  	_ =	task [dreg:s22], $0x5FFFF  }
0xbb: {  	[dreg:$0x1] =	wrdreg $0xFFFFFFFF  }
0xbc: {  	[dreg:$0x0] =	wrdreg $0x60  }
0xbd: {  	[dreg:$0x2] =	wrdreg s24  }
0xbe: {  	[dreg:$0x3] =	wrdreg $0xA  }
0xbf: {  	_ =	task.clear_ibuf [dreg:s22], $0x4FFFF;
	_ =	strace $0x90000052  }
0xc0: {  	s29 =	simm.s32 $0xA;
	_ =	strace $0x8000005D  }
0xc1: {  	_ =	swait.ge [sflag:s29], $0x1  }
0xc2: {  	[sflag:s29] =	ssyncadd.s32 $0xFFFFFFFF  }
0xc3: {  	_ =	strace $0x9000005D  }
0xc4: {  	_ =	sfence  }
0xc5: {  	s30 =	sld [smem:$0x0];
	_ =	sdelay $0x2  }
0xc6: {  	s31 =	sshll.u32 s1, $0xD;
	s1 =	sshrl.u32 s1, $0x2  }
0xc7: {  	s4 =	sand.u32 $0x4000, s31;
	s1 =	sadd.s32 s1, s30  }
0xc8: {  	s0 =	sor.u32 s4, s0;
	s1 =	sshll.u32 s1, $0x11  }
0xc9: {  	s0 =	sor.u32 s1, s0  }
0xca: {  	s0 =	sadd.s32 $0x8F2B, s0  }
0xcb: {  	[sflag:s0] =	ssyncadd.remote.s32 $0x1  }
0xcc: {  	_ =	sfence.sel $0xFFFF  }
0xcd: {  	[dreg:$0x0] =	wrdreg $0xFFFFFFFF;
	(pc) =	sbr.abs _section_cstart, $3  }
0xce: {  	[dreg:$0x1] =	wrdreg $0xFFFFFFFF  }
0xcf: {  	_ =	task.clear_ibuf [dreg:s22], $0x2FFFF;
	_ =	strace $0x9FFFFFFF  }
0xd0: {  	(tm) =	ssettm $0x7FFFFFFF  }
0xd1: {  	_ =	shalt  }
tec
execute0_lowered:
.L_overlay_start_1:
0x0: {  	(tag) =	ssettag $0x1  }
0x1: {  	v0 =	vlaneseq.u32  }
0x2: {  	v0 =	vmul.u32 $0x2, v0  }
0x3: {  	s0 =	srdreg.scid  }
0x4: {  	s7 =	sand.u32 $0x1, s0;
	v2 =	vor.u32 $0x20, v0  }
0x5: {  	s29 =	stileid.u32;
	s1 =	sshll.u32 s7, $0x4;
	v3 =	vor.u32 $0x21, v0;
	v4 =	vor.u32 $0x40, v0;
	v5 =	vor.u32 $0x41, v0  }
0x6: {  	s8 =	rddreg [dreg:$0x0];
	s4 =	sor.u32 s29, s1;
	v6 =	vor.u32 $0x60, v0;
	v7 =	vor.u32 $0x61, v0;
	v8 =	vor.u32 $0x80, v0  }
0x7: {  	s2 =	simm.s32 $0x0;
	s13 =	simm.s32 $0x7;
	v9 =	vor.u32 $0x81, v0;
	v10 =	vor.u32 $0xA0, v0;
	v11 =	vor.u32 $0xA1, v0;
	s3 =	smul.u32 $0x14, s4  }
0x8: {  	s14 =	simm.s32 $0x6;
	s15 =	simm.s32 $0x0;
	v12 =	vor.u32 $0xC0, v0;
	v13 =	vor.u32 $0xC1, v0;
	v14 =	vor.u32 $0xE0, v0;
	s4 =	smul.u32 $0x28, s4  }
0x9: {  	[smem:$0x7FF] =	sst s2;
	s5 =	sadd.s32 $0x800, s8;
	s10 =	ssub.s32 $0x2, s7;
	v15 =	vor.u32 $0xE1, v0;
	v16 =	vor.u32 $0x100, v0;
	v17 =	vor.u32 $0x101, v0  }
0xa: {  	v18 =	vor.u32 $0x120, v0;
	v19 =	vor.u32 $0x121, v0;
	s31 =	sshrl.u32 s10, $0x1;
	v20 =	vor.u32 $0x140, v0;
	s6 =	sand.u32 $0x1C, s3;
	s9 =	sand.u32 $0x7C0, s4  }
0xb: {  	_ =	strace $0x80000053;
	v21 =	vor.u32 $0x141, v0;
	v22 =	vor.u32 $0x160, v0;
	v23 =	vor.u32 $0x161, v0;
	s10 =	ssub.s32 s10, s31;
	s9 =	sor.u32 s6, s9  }
0xc: {  	s7 =	sadd.s32 $0xC00, s8;
	v24 =	vor.u32 $0x180, v0;
	v25 =	vor.u32 $0x181, v0;
	v26 =	vor.u32 $0x1A0, v0;
	s10 =	smax.u32 s10, $0x1;
	s30 =	sshll.u32 s9, $0x5  }
0xd: {  	v1 =	vor.u32 $0x1, v0;
	v27 =	vor.u32 $0x1A1, v0;
	v28 =	vor.u32 $0x1C0, v0;
	s4 =	sadd.s32 $0x19800, s8;
	s6 =	sadd.s32 $0xB99800, s8;
	s11 =	sadd.s32 $0xF000, s30  }
0xe: {  	v29 =	vor.u32 $0x1C1, v0;
	v30 =	vor.u32 $0x1E0, v0;
	v31 =	vor.u32 $0x1E1, v0;
	s8 =	sadd.s32 s5, s11;
	s9 =	sadd.s32 s11, s7;
	s11 =	simm.s32 $0x200  }
.LBB2_1:
0xf: {  	_ =	strace $0x80000054;
	s0 =	simm.s32 $0x400  }
0x10: {  	s16 =	simm.s32 $0x14;
	s24 =	simm.s32 $0x0;
	s17 =	simm.s32 $0x0  }
0x11: {  	[tilespmem:s11], [sflag:$0x1] =	stream.linear.gather [hbm4b:s8+s2], $0x100, $0x200038;
	[tilespmem:$0x10600] =	vst v63  }
0x12: {  	s18 =	simm.s32 $0x0;
	s19 =	simm.s32 $0x0;
	s20 =	simm.s32 $0x1  }
0x13: {  	[tilespmem:s0], [sflag:$0x3] =	stream.linear.gather [hbm4b:s9+s2], $0x100, $0x200038;
	[tilespmem:$0x10600] =	vst v63  }
0x14: {  	s21 =	simm.s32 $0x0;
	s23 =	simm.s32 $0x1;
	_ =	strace $0x90000054  }
.LBB2_2:
0x15: {  	s22 =	sadd.s32 $0x1, s24  }
0x16: {  	p0 =	seq.s32 s22, $0x14  }
0x17: {  	s22 =	simm.s32 @p0 $0x0  }
0x18: {  	s25 =	sadd.s32 s3, s24;
	s26 =	sadd.s32 s3, s22  }
0x19: {  	s28 =	sshra.s32 s25, $0x1F;
	s29 =	sshra.s32 s26, $0x1F  }
0x1a: {  	s28 =	sshrl.u32 s28, $0x1B;
	s29 =	sshrl.u32 s29, $0x1B  }
0x1b: {  	s31 =	simm.s32 $0x1;
	s28 =	sadd.s32 s28, s25;
	s29 =	sadd.s32 s29, s26  }
0x1c: {  	p1 =	slt.s32 s25, $0x1;
	s30 =	sand.u32 $0xFFFFFFE0, s28;
	s12 =	sand.u32 $0xFFFFFFE0, s29  }
0x1d: {  	p2 =	slt.s32 s26, $0x1;
	p4 =	sne.s32 s25, s30;
	p5 =	sne.s32 s26, s12  }
0x1e: {  	s28 =	sshrl.u32 s28, $0x5;
	p0 =	por !p1, !p4;
	p1 =	por !p2, !p5  }
0x1f: {  	s30 =	simm.s32 $0x1;
	p0 =	por !p0, !p0;
	p1 =	por !p1, !p1  }
0x20: {  	s29 =	sshrl.u32 s29, $0x5;
	s30 =	simm.s32 @!p0 $0x0;
	s31 =	simm.s32 @!p1 $0x0  }
0x21: {  	s1 =	sand.u32 $0x1F, s25;
	s28 =	ssub.s32 s28, s30;
	s29 =	ssub.s32 s29, s31  }
0x22: {  	s26 =	sand.u32 $0x1F, s26;
	s28 =	sshll.u32 s28, $0x6;
	s29 =	sshll.u32 s29, $0x6  }
0x23: {  	s1 =	sor.u32 s1, s28;
	s29 =	sor.u32 s26, s29  }
0x24: {  	p0 =	seq.s32 s16, $0x1;
	s26 =	sadd.s32 $0x780, s1;
	s28 =	sadd.s32 $0x780, s29  }
0x25: {  	p3 =	seq.s32 s24, $0x0;
	s1 =	sadd.s32 $0xFFFFFFFF, s24;
	p1 =	seq.s32 @!p0 s26, s28  }
0x26: {  	s1 =	simm.s32 @p3 $0x13;
	p2 =	por p1, p0  }
0x27: {  	s29 =	sand.u32 @!p2 $0x1, s23;
	_ =	strace @!p2 $0x80000055;
	s31 =	sshll.u32 @!p2 s28, $0x5  }
0x28: {  	s12 =	simm.s32 @!p2 $0x0;
	s30 =	sshll.u32 @!p2 s29, $0x8;
	s31 =	sand.u32 @!p2 $0x1FFFFBE0, s31  }
0x29: {  	s29 =	sadd.s32 @!p2 $0x1, s29;
	s30 =	sor.u32 @!p2 $0x200, s30;
	s0 =	sadd.s32 @!p2 s5, s31  }
0x2a: {  	[tilespmem:s30], [sflag:s29] =	stream.linear.gather @!p2 [hbm4b:s0+s12], $0x100, $0x200038;
	[tilespmem:$0x10600] =	vst v63  }
0x2b: {  	s1 =	sadd.s32 s3, s1;
	s0 =	sand.u32 @!p2 $0x1, s20  }
0x2c: {  	s30 =	sadd.s32 @!p2 s31, s7;
	_ =	strace @!p2 $0x90000055;
	s29 =	sshll.u32 @!p2 s0, $0x8  }
0x2d: {  	s0 =	sadd.s32 @!p2 $0x3, s0;
	_ =	strace @!p2 $0x80000056;
	s29 =	sor.u32 @!p2 $0x400, s29  }
0x2e: {  	[tilespmem:s29], [sflag:s0] =	stream.linear.gather @!p2 [hbm4b:s30+s12], $0x100, $0x200038;
	[tilespmem:$0x10600] =	vst v63  }
0x2f: {  	s30 =	sshra.s32 s1, $0x1F  }
0x30: {  	s0 =	sshrl.u32 s30, $0x1B  }
0x31: {  	s0 =	sadd.s32 s0, s1  }
0x32: {  	s31 =	sand.u32 $0xFFFFFFE0, s0  }
0x33: {  	p4 =	slt.s32 s1, $0x1;
	p6 =	sne.s32 s1, s31  }
0x34: {  	p3 =	por !p4, !p6  }
0x35: {  	s12 =	simm.s32 $0x1;
	p3 =	por !p3, !p3  }
0x36: {  	s0 =	sshrl.u32 s0, $0x5;
	s12 =	simm.s32 @!p3 $0x0  }
0x37: {  	s0 =	ssub.s32 s0, s12  }
0x38: {  	s1 =	sand.u32 $0x1F, s1;
	s0 =	sshll.u32 s0, $0x6  }
0x39: {  	s0 =	sor.u32 s1, s0  }
0x3a: {  	p3 =	seq.s32 s16, $0x14;
	s0 =	sadd.s32 $0x780, s0  }
0x3b: {  	p4 =	seq.s32 @!p3 s26, s0  }
0x3c: {  	p4 =	por p3, !p4  }
0x3d: {  	_ =	strace @!p2 $0x90000056;
	s0 =	sand.u32 @p4 $0x1, s21  }
0x3e: {  	_ =	strace @p4 $0x80000057;
	s0 =	sadd.s32 @p4 $0x1, s0  }
0x3f: {  	_ =	swait.ge @p4 [sflag:s0], $0x100  }
0x40: {  	[sflag:s0] =	ssyncset.done @p4 $0x0  }
0x41: {  	[sflag:s0] =	ssyncadd.s32 @p4 $0xFFFFFF00  }
0x42: {  	s0 =	sand.u32 @p4 $0x1, s19;
	_ =	strace @p4 $0x90000057  }
0x43: {  	s0 =	sadd.s32 @p4 $0x3, s0;
	_ =	strace @p4 $0x80000058  }
0x44: {  	_ =	swait.ge @p4 [sflag:s0], $0x100  }
0x45: {  	[sflag:s0] =	ssyncset.done @p4 $0x0  }
0x46: {  	[sflag:s0] =	ssyncadd.s32 @p4 $0xFFFFFF00  }
0x47: {  	s1 =	sshll.u32 s21, $0x8;
	_ =	strace @p4 $0x90000058  }
0x48: {  	s12 =	sand.u32 $0x100, s1;
	_ =	strace $0x80000059  }
0x49: {  	v32 =	vld [tilespmem:s12+$0x200];
	_ =	sdelay $0x3  }
0x4a: {  	s30 =	sshll.u32 s19, $0x8  }
0x4b: {  	s0 =	sand.u32 $0x100, s30;
	[tilespmem:v0+s2+$0x0] =	vst.idx.msk $0xffff, v32  }
0x4c: {  	v32 =	vld [tilespmem:s0+$0x400];
	_ =	sdelay $0x4  }
0x4d: {  	[tilespmem:v1+s2+$0x0] =	vst.idx.msk $0xffff, v32  }
0x4e: {  	v32 =	vld [tilespmem:s12+$0x210];
	_ =	sdelay $0x4  }
0x4f: {  	[tilespmem:v2+s2+$0x0] =	vst.idx.msk $0xffff, v32  }
0x50: {  	v32 =	vld [tilespmem:s0+$0x410];
	_ =	sdelay $0x4  }
0x51: {  	[tilespmem:v3+s2+$0x0] =	vst.idx.msk $0xffff, v32  }
0x52: {  	v32 =	vld [tilespmem:s12+$0x220];
	_ =	sdelay $0x4  }
0x53: {  	[tilespmem:v4+s2+$0x0] =	vst.idx.msk $0xffff, v32  }
0x54: {  	v32 =	vld [tilespmem:s0+$0x420];
	_ =	sdelay $0x4  }
0x55: {  	[tilespmem:v5+s2+$0x0] =	vst.idx.msk $0xffff, v32  }
0x56: {  	v32 =	vld [tilespmem:s12+$0x230];
	_ =	sdelay $0x4  }
0x57: {  	[tilespmem:v6+s2+$0x0] =	vst.idx.msk $0xffff, v32  }
0x58: {  	v32 =	vld [tilespmem:s0+$0x430];
	_ =	sdelay $0x4  }
0x59: {  	[tilespmem:v7+s2+$0x0] =	vst.idx.msk $0xffff, v32  }
0x5a: {  	v32 =	vld [tilespmem:s12+$0x240];
	_ =	sdelay $0x4  }
0x5b: {  	[tilespmem:v8+s2+$0x0] =	vst.idx.msk $0xffff, v32  }
0x5c: {  	v32 =	vld [tilespmem:s0+$0x440];
	_ =	sdelay $0x4  }
0x5d: {  	[tilespmem:v9+s2+$0x0] =	vst.idx.msk $0xffff, v32  }
0x5e: {  	v32 =	vld [tilespmem:s12+$0x250];
	_ =	sdelay $0x4  }
0x5f: {  	[tilespmem:v10+s2+$0x0] =	vst.idx.msk $0xffff, v32  }
0x60: {  	v32 =	vld [tilespmem:s0+$0x450];
	_ =	sdelay $0x4  }
0x61: {  	[tilespmem:v11+s2+$0x0] =	vst.idx.msk $0xffff, v32  }
0x62: {  	v32 =	vld [tilespmem:s12+$0x260];
	_ =	sdelay $0x4  }
0x63: {  	[tilespmem:v12+s2+$0x0] =	vst.idx.msk $0xffff, v32  }
0x64: {  	v32 =	vld [tilespmem:s0+$0x460];
	_ =	sdelay $0x4  }
0x65: {  	[tilespmem:v13+s2+$0x0] =	vst.idx.msk $0xffff, v32  }
0x66: {  	v32 =	vld [tilespmem:s12+$0x270];
	_ =	sdelay $0x4  }
0x67: {  	[tilespmem:v14+s2+$0x0] =	vst.idx.msk $0xffff, v32  }
0x68: {  	v32 =	vld [tilespmem:s0+$0x470];
	_ =	sdelay $0x4  }
0x69: {  	[tilespmem:v15+s2+$0x0] =	vst.idx.msk $0xffff, v32  }
0x6a: {  	v32 =	vld [tilespmem:s12+$0x280];
	_ =	sdelay $0x4  }
0x6b: {  	[tilespmem:v16+s2+$0x0] =	vst.idx.msk $0xffff, v32  }
0x6c: {  	v32 =	vld [tilespmem:s0+$0x480];
	_ =	sdelay $0x4  }
0x6d: {  	[tilespmem:v17+s2+$0x0] =	vst.idx.msk $0xffff, v32  }
0x6e: {  	v32 =	vld [tilespmem:s12+$0x290];
	_ =	sdelay $0x4  }
0x6f: {  	[tilespmem:v18+s2+$0x0] =	vst.idx.msk $0xffff, v32  }
0x70: {  	v32 =	vld [tilespmem:s0+$0x490];
	_ =	sdelay $0x4  }
0x71: {  	[tilespmem:v19+s2+$0x0] =	vst.idx.msk $0xffff, v32  }
0x72: {  	v32 =	vld [tilespmem:s12+$0x2A0];
	_ =	sdelay $0x4  }
0x73: {  	[tilespmem:v20+s2+$0x0] =	vst.idx.msk $0xffff, v32  }
0x74: {  	v32 =	vld [tilespmem:s0+$0x4A0];
	_ =	sdelay $0x4  }
0x75: {  	[tilespmem:v21+s2+$0x0] =	vst.idx.msk $0xffff, v32  }
0x76: {  	v32 =	vld [tilespmem:s12+$0x2B0];
	_ =	sdelay $0x4  }
0x77: {  	[tilespmem:v22+s2+$0x0] =	vst.idx.msk $0xffff, v32  }
0x78: {  	v32 =	vld [tilespmem:s0+$0x4B0];
	_ =	sdelay $0x4  }
0x79: {  	[tilespmem:v23+s2+$0x0] =	vst.idx.msk $0xffff, v32  }
0x7a: {  	v32 =	vld [tilespmem:s12+$0x2C0];
	_ =	sdelay $0x4  }
0x7b: {  	[tilespmem:v24+s2+$0x0] =	vst.idx.msk $0xffff, v32  }
0x7c: {  	v32 =	vld [tilespmem:s0+$0x4C0];
	_ =	sdelay $0x4  }
0x7d: {  	[tilespmem:v25+s2+$0x0] =	vst.idx.msk $0xffff, v32  }
0x7e: {  	v32 =	vld [tilespmem:s12+$0x2D0];
	_ =	sdelay $0x4  }
0x7f: {  	[tilespmem:v26+s2+$0x0] =	vst.idx.msk $0xffff, v32  }
0x80: {  	v32 =	vld [tilespmem:s0+$0x4D0];
	_ =	sdelay $0x4  }
0x81: {  	[tilespmem:v27+s2+$0x0] =	vst.idx.msk $0xffff, v32  }
0x82: {  	v32 =	vld [tilespmem:s12+$0x2E0];
	_ =	sdelay $0x4  }
0x83: {  	[tilespmem:v28+s2+$0x0] =	vst.idx.msk $0xffff, v32  }
0x84: {  	v32 =	vld [tilespmem:s0+$0x4E0];
	_ =	sdelay $0x4  }
0x85: {  	[tilespmem:v29+s2+$0x0] =	vst.idx.msk $0xffff, v32  }
0x86: {  	v32 =	vld [tilespmem:s12+$0x2F0];
	_ =	sdelay $0x4  }
0x87: {  	[tilespmem:v30+s2+$0x0] =	vst.idx.msk $0xffff, v32  }
0x88: {  	v32 =	vld [tilespmem:s0+$0x4F0];
	_ =	sdelay $0x2  }
0x89: {  	s0 =	sand.u32 $0x1, s18  }
0x8a: {  	s31 =	sshll.u32 s0, $0xF  }
0x8b: {  	s1 =	sor.u32 $0x600, s31;
	[tilespmem:v31+s2+$0x0] =	vst.idx.msk $0xffff, v32  }
0x8c: {  	[tilespmem:s1], [sflag:$0x7] =	stream.indirect.gather [hbm4b:s4+s11], $0x40, s2, s11, $0x2000b8;
	[tilespmem:$0x10600] =	vst v63  }
0x8d: {  	p5 =	sne.s32 s24, s22;
	_ =	swait.ge [sflag:s13], $0x8000  }
0x8e: {  	p1 =	por !p1, p0;
	p4 =	por p0, p5;
	[sflag:s13] =	ssyncset.done $0x0  }
0x8f: {  	s24 =	sadd.s32 @!p2 $0x1, s23;
	s12 =	sshll.u32 @p4 s25, $0xC;
	[sflag:s13] =	ssyncadd.s32 $0xFFFF8000  }
0x90: {  	s25 =	simm.s32 @p4 $0x0;
	s12 =	sand.u32 @p4 $0x1FFFF000, s12;
	_ =	strace $0x90000059  }
0x91: {  	s12 =	sadd.s32 @p4 s6, s12;
	s0 =	sadd.s32 @p4 $0x5, s0;
	_ =	strace @p4 $0x8000005A  }
0x92: {  	[hbm4b:s12+s25] =	stream.linear.scatter @p4 [tilespmem:s1], [sflag:s0], $0x8000, $0x200038;
	[tilespmem:$0x10600] =	vst v63  }
0x93: {  	p6 =	sne.s32 s26, s28;
	s0 =	sand.u32 @!p3 $0x1, s17;
	s1 =	smov.u32 s23  }
0x94: {  	s12 =	simm.s32 $0x0;
	_ =	strace @p4 $0x9000005A;
	s0 =	sadd.s32 @!p3 $0x5, s0  }
0x95: {  	s1 =	smov.u32 @p1 s24;
	s12 =	simm.s32 @p1 $0x1;
	p1 =	sne.s32 s16, $0x14  }
0x96: {  	s16 =	sadd.s32 $0xFFFFFFFF, s16;
	s1 =	smov.u32 @p0 s23;
	s12 =	simm.s32 @p0 $0x0  }
0x97: {  	p0 =	por p0, p6;
	s20 =	sadd.s32 s20, s12;
	s12 =	simm.s32 $0x1  }
0x98: {  	_ =	strace @!p3 $0x8000005B;
	s12 =	simm.s32 @!p0 $0x0;
	p0 =	sne.s32 s16, $0x0  }
.Ltmp0:
0x99: {  	s23 =	simm.s32 $0x1;
	_ =	swait.ge @!p3 [sflag:s0], $0x8000;
	(pc) =	sbr.rel @p0 .LBB2_2-.Ltmp0, $4  }
0x9a: {  	s24 =	smov.u32 s22;
	s23 =	simm.s32 @!p4 $0x0;
	[sflag:s0] =	ssyncset.done @!p3 $0x0  }
0x9b: {  	s18 =	sadd.s32 s23, s18;
	[sflag:s0] =	ssyncadd.s32 @!p3 $0xFFFF8000;
	s0 =	simm.s32 $0x1  }
0x9c: {  	s23 =	smov.u32 s1;
	s21 =	sadd.s32 s12, s21;
	s0 =	simm.s32 @!p1 $0x0  }
0x9d: {  	s19 =	sadd.s32 s12, s19;
	_ =	strace @!p3 $0x9000005B;
	s17 =	sadd.s32 s0, s17  }
0x9e: {  	s15 =	sadd.s32 $0x1, s15  }
0x9f: {  	p0 =	sne.s32 s15, s10  }
.Ltmp1:
0xa0: {  	_ =	strace $0x8000005C;
	(pc) =	sbr.rel @p0 .LBB2_1-.Ltmp1, $4  }
0xa1: {  	_ =	swait.ge [sflag:s14], $0x8000  }
0xa2: {  	[sflag:s14] =	ssyncset.done $0x0  }
0xa3: {  	[sflag:s14] =	ssyncadd.s32 $0xFFFF8000  }
0xa4: {  	_ =	strace $0x9000005C  }
0xa5: {  	_ =	sfence.sel $0x180000  }
0xa6: {  	[bflag:$0x0] =	sbarrier.arrive $0xFFFF  }
0xa7: {  	_ =	strace $0x90000053  }
0xa8: {  	s0 =	stileid.u32;
	[bflag:$0x2] =	sbarrier.arrive $0xFFFF  }
0xa9: {  	p0 =	sne.s32 s0, $0x0;
	s0 =	rddreg [dreg:$0x1]  }
0xaa: {  	s0 =	sadd.s32 @!p0 $0x100000, s0  }
0xab: {  	[sflag:s0] =	ssyncadd.tile.s32 @!p0 $0x1;
	_ =	shalt  }
.Lfunc_end2:
_tile_overlayer_lowered:
.L_overlay_start_2:
0xac: {  	(tag) =	ssettag $0x2  }
0xad: {  	s0 =	rddreg [dreg:$0x0];
	s2 =	stileid.u32  }
0xae: {  	s1 =	rddreg [dreg:$0x1];
	p0 =	sne.s32 s2, $0x0  }
0xaf: {  	s3 =	rddreg [dreg:$0x2];
	[bflag:$0x3] =	sbarrier.arrive $0xFFFF;
	s2 =	simm.s32 @!p0 $0x1C01  }
0xb0: {  	[timem:s3], [sflag:s2] =	dma.local @!p0 [hbm:s0], s1  }
0xb1: {  	s0 =	simm.s32 @!p0 $0x1  }
0xb2: {  	_ =	swait.ge @!p0 [sflag:s0], s1  }
0xb3: {  	s1 =	ssub.s32 @!p0 $0x0, s1;
	[sflag:s0] =	ssyncset.done @!p0 $0x0  }
0xb4: {  	[sflag:s0] =	ssyncadd.s32 @!p0 s1  }
0xb5: {  	[bflag:$0x3] =	sbarrier.arrive $0xFFFF  }
0xb6: {  	_ =	shalt  }

// kernel: kernel.7.cloned.1.call-start
scs
__scs_entry_jumppad:
0x0: {  	(pc) =	sbr.rel $0x88, $3  }
0x1: {  	(tag) =	ssettag $0x0;
	lr =	simm.s32 $0x1  }
0x2: {  	[smem:$0x3F9F] =	sst lr;
	_ =	strace $0xD0000000  }
0x3: {  	_ = 	snop  }
0x4: {  	_ = 	snop  }
0x5: {  	_ = 	snop  }
0x6: {  	_ = 	snop  }
0x7: {  	_ = 	snop  }
__scs_overlays_trampoline_lowered:
0x8: {  	[smem:$0x3FAE] =	sst s0  }
0x9: {  	[smem:$0x3FAF] =	sst s1  }
0xa: {  	[smem:$0x3FB0] =	sst s2  }
0xb: {  	[smem:$0x3FB1] =	sst s3  }
0xc: {  	[smem:$0x3FB2] =	sst s4  }
0xd: {  	[smem:$0x3FB3] =	sst s5  }
0xe: {  	[smem:$0x3FB4] =	sst s6  }
0xf: {  	[smem:$0x3FB5] =	sst s7  }
0x10: {  	[smem:$0x3FB6] =	sst s8  }
0x11: {  	[smem:$0x3FB7] =	sst s9;
	s0 =	simm.s32 @!p0 $0x0  }
0x12: {  	s1 =	sld [smem:$0x3F9D];
	s0 =	simm.s32 @p0 $0x1  }
0x13: {  	[smem:$0x3FB8] =	sst s0;
	s0 =	simm.s32 @!p1 $0x0  }
0x14: {  	s2 =	sld [smem:$0x3F9C];
	s0 =	simm.s32 @p1 $0x1  }
0x15: {  	[smem:$0x3FB9] =	sst s0;
	s0 =	simm.s32 @!p2 $0x0  }
0x16: {  	s3 =	sld [smem:$0x3FDB];
	s0 =	simm.s32 @p2 $0x1  }
0x17: {  	s4 =	simm.s32 $0x1BF5;
	[smem:$0x3FBB] =	sst s0  }
0x18: {  	s0 =	sld [smem:$0x3F9E];
	_ =	swait.ge [sflag:s4], $0x0  }
0x19: {  	s7 =	sld [smem:$0x3F9F]  }
0x1a: {  	s8 =	sadd.s32 $0xFFFFE003, lr  }
0x1b: {  	s9 =	sadd.s32 $0xFFFFFEF7, lr;
	s5 =	simm.s32 $0xFFFFFFFF;
	p2 =	slt.u32 s8, $0xFFFFF086  }
0x1c: {  	p1 =	slt.u32 s9, $0xF7A;
	s5 =	simm.s32 @!p2 $0x0  }
0x1d: {  	s5 =	simm.s32 @p1 $0x1;
	p0 =	seq.s32 s7, s2  }
0x1e: {  	s7 =	smul.u32 @!p0 $0xF7A, s2;
	p2 =	seq.s32 @!p0 s5, $0x0  }
0x1f: {  	s9 =	smul.u32 $0xF7A, s1;
	s8 =	simm.s32 @!p0 $0x1BF5;
	p2 =	por !p2, p0  }
0x20: {  	[sflag:s8] =	ssyncset.s32 @!p0 $0xFFFFF086;
	s6 =	sadd.s32 @!p0 s3, s7;
	s7 =	simm.s32 @!p0 $0x108  }
0x21: {  	s3 =	sadd.s32 s3, s9;
	s6 =	sadd.s32 @!p0 $0x88, s6;
	s7 =	simm.s32 @p2 $0x1082  }
0x22: {  	[simem:s7], [sflag:s8] =	dma.local @!p0 [hbm:s6], $0xF7A  }
0x23: {  	s9 =	sor.u32 $0xD0000000, s2;
	s6 =	simm.s32 $0x108;
	_ =	swait.ge @!p0 [sflag:s8], $0x0  }
0x24: {  	s3 =	sadd.s32 $0x88, s3;
	s6 =	simm.s32 @!p1 $0x1082;
	[sflag:s4] =	ssyncset.s32 $0xFFFFF086  }
0x25: {  	[simem:s6], [sflag:s4] =	dma.local [hbm:s3], $0xF7A  }
0x26: {  	[smem:$0x3F9F] =	sst s1;
	(tag) =	ssettag s2;
	_ =	strace s9  }
0x27: {  	s1 =	sld [smem:$0x3FAF]  }
0x28: {  	s2 =	sld [smem:$0x3FB0]  }
0x29: {  	s4 =	sld [smem:$0x3FB2]  }
0x2a: {  	p0 =	seq.s32 s5, $0x0;
	s5 =	sld [smem:$0x3FB3]  }
0x2b: {  	s6 =	sld [smem:$0x3FB4]  }
0x2c: {  	s7 =	sld [smem:$0x3FB5]  }
0x2d: {  	s3 =	simm.s32 $0x108;
	s8 =	sld [smem:$0x3FB6]  }
0x2e: {  	s3 =	simm.s32 @!p0 $0x1082;
	s9 =	sld [smem:$0x3FB7]  }
0x2f: {  	lr =	sadd.s32 s0, s3;
	s0 =	sld [smem:$0x3FAE]  }
0x30: {  	s3 =	sld [smem:$0x3FB1]  }
0x31: {  	[smem:$0x3FBA] =	sst s10  }
0x32: {  	s10 =	sld [smem:$0x3FB8];
	_ =	sdelay $0x3  }
0x33: {  	p0 =	seq.s32 s10, $0x1;
	s10 =	sld [smem:$0x3FBA];
	_ =	sdelay $0x3  }
0x34: {  	[smem:$0x3FBA] =	sst s10  }
0x35: {  	s10 =	sld [smem:$0x3FB9];
	_ =	sdelay $0x3  }
0x36: {  	p1 =	seq.s32 s10, $0x1;
	s10 =	sld [smem:$0x3FBA];
	_ =	sdelay $0x3  }
0x37: {  	[smem:$0x3FBA] =	sst s10  }
0x38: {  	s10 =	sld [smem:$0x3FBB]  }
0x39: {  	_ = 	snop;
	(pc) =	sbr.ind lr, $3  }
0x3a: {  	_ = 	snop  }
0x3b: {  	_ = 	snop  }
0x3c: {  	p2 =	seq.s32 s10, $0x1;
	s10 =	sld [smem:$0x3FBA]  }
0x3d: {  	_ =	shalt  }
0x3e: {  	_ =	shalt  }
0x3f: {  	_ =	shalt  }
0x40: {  	_ =	shalt  }
0x41: {  	_ =	shalt  }
0x42: {  	_ =	shalt  }
0x43: {  	_ =	shalt  }
0x44: {  	_ =	shalt  }
0x45: {  	_ =	shalt  }
0x46: {  	_ =	shalt  }
0x47: {  	_ =	shalt  }
0x48: {  	_ =	shalt  }
0x49: {  	_ =	shalt  }
0x4a: {  	_ =	shalt  }
0x4b: {  	_ =	shalt  }
0x4c: {  	_ =	shalt  }
0x4d: {  	_ =	shalt  }
0x4e: {  	_ =	shalt  }
0x4f: {  	_ =	shalt  }
0x50: {  	_ =	shalt  }
0x51: {  	_ =	shalt  }
0x52: {  	_ =	shalt  }
0x53: {  	_ =	shalt  }
0x54: {  	_ =	shalt  }
0x55: {  	_ =	shalt  }
0x56: {  	_ =	shalt  }
0x57: {  	_ =	shalt  }
0x58: {  	_ =	shalt  }
0x59: {  	_ =	shalt  }
0x5a: {  	_ =	shalt  }
0x5b: {  	_ =	shalt  }
0x5c: {  	_ =	shalt  }
0x5d: {  	_ =	shalt  }
0x5e: {  	_ =	shalt  }
0x5f: {  	_ =	shalt  }
0x60: {  	_ =	shalt  }
0x61: {  	_ =	shalt  }
0x62: {  	_ =	shalt  }
0x63: {  	_ =	shalt  }
0x64: {  	_ =	shalt  }
0x65: {  	_ =	shalt  }
0x66: {  	_ =	shalt  }
0x67: {  	_ =	shalt  }
0x68: {  	_ =	shalt  }
0x69: {  	_ =	shalt  }
0x6a: {  	_ =	shalt  }
0x6b: {  	_ =	shalt  }
0x6c: {  	_ =	shalt  }
0x6d: {  	_ =	shalt  }
0x6e: {  	_ =	shalt  }
0x6f: {  	_ =	shalt  }
0x70: {  	_ =	shalt  }
0x71: {  	_ =	shalt  }
0x72: {  	_ =	shalt  }
0x73: {  	_ =	shalt  }
0x74: {  	_ =	shalt  }
0x75: {  	_ =	shalt  }
0x76: {  	_ =	shalt  }
0x77: {  	_ =	shalt  }
0x78: {  	_ =	shalt  }
0x79: {  	_ =	shalt  }
0x7a: {  	_ =	shalt  }
0x7b: {  	_ =	shalt  }
0x7c: {  	_ =	shalt  }
0x7d: {  	_ =	shalt  }
0x7e: {  	_ =	shalt  }
0x7f: {  	_ =	shalt  }
0x80: {  	_ =	shalt  }
0x81: {  	_ =	shalt  }
0x82: {  	_ =	shalt  }
0x83: {  	_ =	shalt  }
0x84: {  	_ =	shalt  }
0x85: {  	_ =	shalt  }
0x86: {  	_ =	shalt  }
0x87: {  	_ =	shalt  }
.Lfunc_end0:
.L_simem_size_0:
called_computation_lowered:
.L_overlay_start_0:
0x88: {  	s2 =	sld [smem:$0x3FD9]  }
0x89: {  	s3 =	sld [smem:$0x3FFE];
	_ =	sdelay $0x1  }
0x8a: {  	s1 =	srdreg.scid  }
0x8b: {  	s0 =	sand.u32 $0x1, s1  }
0x8c: {  	s16 =	sshll.u32 s0, $0xA;
	s2 =	sadd.s32 s3, s2  }
0x8d: {  	s2 =	sadd.s32 s2, s16  }
0x8e: {  	[smem:$0x3FC6] =	sst s2  }
0x8f: {  	_ = 	snop  }
0x90: {  	(tm) =	ssettm $0x1  }
0x91: {  	s17 =	sld [smem:$0x3FFB];
	_ =	sdelay $0x3  }
0x92: {  	_ =	strace s17  }
0x93: {  	s2 =	sld [smem:$0x3FFC];
	_ =	sdelay $0x3  }
0x94: {  	_ =	strace s2  }
0x95: {  	s2 =	sld [smem:$0x3FFD];
	_ =	sdelay $0x3  }
0x96: {  	_ =	strace s2  }
0x97: {  	_ =	strace $0x8FFFFFFF  }
0x98: {  	s18 =	sld [smem:$0x3FDB];
	_ =	sdelay $0x1  }
0x99: {  	s19 =	simm.s32 $_scs_section_size  }
0x9a: {  	s4 =	simm.s32 $_size__tile_overlayer_lowered;
	s5 =	simm.s32 $_tile_overlayer_lowered  }
0x9b: {  	s22 =	simm.s32 $0x1BFF;
	s21 =	sshll.u32 s5, $0x1;
	s2 =	sadd.s32 s19, s18  }
0x9c: {  	s6 =	simm.s32 $0x0;
	s20 =	sshll.u32 s4, $0x1;
	s4 =	sadd.s32 s21, s2  }
0x9d: {  	[timem:s6], [sflag:s22] =	dma.local [hbm:s4], s20  }
0x9e: {  	_ =	swait.ge [sflag:s22], s20  }
0x9f: {  	s3 =	ssub.s32 $0x0, s20;
	[sflag:s22] =	ssyncset.done $0x0  }
0xa0: {  	[sflag:s22] =	ssyncadd.s32 s3;
	_ =	sdelay $0x1  }
0xa1: {  	s23 =	simm.s32 $0x1B8B  }
0xa2: {  	_ =	swait.ge [sflag:s23], $0x1  }
0xa3: {  	[sflag:s23] =	ssyncset.done $0x0  }
0xa4: {  	s25 =	simm.s32 $0x1B8E;
	s24 =	sld [smem:$0x3FFE];
	[sflag:s23] =	ssyncadd.s32 $0xFFFFFFFF  }
0xa5: {  	s26 =	simm.s32 $execute0_lowered;
	[smem:$0x3FD2] =	sst s25  }
0xa6: {  	s4 =	sshll.u32 s26, $0x1;
	_ =	strace $0x80000046;
	[dreg:$0x1] =	wrdreg $0xFFFFFFFF  }
0xa7: {  	s28 =	simm.s32 $_size_execute0_lowered;
	s2 =	sadd.s32 s2, s4;
	[dreg:$0x0] =	wrdreg $0x0  }
0xa8: {  	s4 =	sshll.u32 s28, $0x1;
	[dreg:$0x2] =	wrdreg s2  }
0xa9: {  	[dreg:$0x3] =	wrdreg s4  }
0xaa: {  	[dreg:$0x4] =	wrdreg $0xC0  }
0xab: {  	_ =	task [dreg:s6], $0x5FFFF  }
0xac: {  	[dreg:$0x1] =	wrdreg $0xFFFFFFFF  }
0xad: {  	[dreg:$0x0] =	wrdreg $0x60  }
0xae: {  	[dreg:$0x2] =	wrdreg s24  }
0xaf: {  	[dreg:$0x3] =	wrdreg $0x9  }
0xb0: {  	_ =	task.clear_ibuf [dreg:s6], $0x4FFFF;
	_ =	strace $0x90000046  }
0xb1: {  	s29 =	simm.s32 $0x9;
	_ =	strace $0x80000051  }
0xb2: {  	_ =	swait.ge [sflag:s29], $0x1  }
0xb3: {  	[sflag:s29] =	ssyncadd.s32 $0xFFFFFFFF  }
0xb4: {  	_ =	strace $0x90000051  }
0xb5: {  	_ =	sfence  }
0xb6: {  	s30 =	sld [smem:$0x0];
	_ =	sdelay $0x2  }
0xb7: {  	s31 =	sshll.u32 s1, $0xD;
	s1 =	sshrl.u32 s1, $0x2  }
0xb8: {  	s3 =	sand.u32 $0x4000, s31;
	s1 =	sadd.s32 s1, s30  }
0xb9: {  	s0 =	sor.u32 s3, s0;
	s1 =	sshll.u32 s1, $0x11  }
0xba: {  	s0 =	sor.u32 s1, s0  }
0xbb: {  	s0 =	sadd.s32 $0x8F2B, s0  }
0xbc: {  	[sflag:s0] =	ssyncadd.remote.s32 $0x1  }
0xbd: {  	_ =	sfence.sel $0xFFFF  }
0xbe: {  	[dreg:$0x0] =	wrdreg $0xFFFFFFFF;
	(pc) =	sbr.abs _section_cstart, $3  }
0xbf: {  	[dreg:$0x1] =	wrdreg $0xFFFFFFFF  }
0xc0: {  	_ =	task.clear_ibuf [dreg:s6], $0x2FFFF;
	_ =	strace $0x9FFFFFFF  }
0xc1: {  	(tm) =	ssettm $0x7FFFFFFF  }
tec
execute0_lowered:
.L_overlay_start_1:
0x0: {  	(tag) =	ssettag $0x1  }
0x1: {  	v0 =	vlaneseq.u32  }
0x2: {  	v0 =	vmul.u32 $0x2, v0  }
0x3: {  	s0 =	srdreg.scid  }
0x4: {  	s7 =	sand.u32 $0x1, s0;
	v1 =	vor.u32 $0x1, v0  }
0x5: {  	s29 =	stileid.u32;
	s1 =	sshll.u32 s7, $0x4;
	v2 =	vor.u32 $0x20, v0;
	v3 =	vor.u32 $0x21, v0;
	v4 =	vor.u32 $0x40, v0  }
0x6: {  	s4 =	sor.u32 s29, s1;
	v5 =	vor.u32 $0x41, v0;
	v6 =	vor.u32 $0x60, v0;
	v7 =	vor.u32 $0x61, v0  }
0x7: {  	s8 =	rddreg [dreg:$0x0];
	s2 =	simm.s32 $0x0;
	v8 =	vor.u32 $0x80, v0;
	v9 =	vor.u32 $0x81, v0;
	v10 =	vor.u32 $0xA0, v0;
	s3 =	smul.u32 $0x1E, s4  }
0x8: {  	s13 =	simm.s32 $0x7;
	[smem:$0x7FF] =	sst s2;
	v11 =	vor.u32 $0xA1, v0;
	v12 =	vor.u32 $0xC0, v0;
	v13 =	vor.u32 $0xC1, v0;
	s6 =	smul.u32 $0x3C, s4  }
0x9: {  	s14 =	simm.s32 $0x6;
	s15 =	simm.s32 $0x0;
	_ =	strace $0x80000047;
	v14 =	vor.u32 $0xE0, v0;
	v15 =	vor.u32 $0xE1, v0;
	v16 =	vor.u32 $0x100, v0  }
0xa: {  	s5 =	sadd.s32 $0x800, s8;
	v17 =	vor.u32 $0x101, v0;
	v18 =	vor.u32 $0x120, v0;
	v19 =	vor.u32 $0x121, v0;
	s9 =	sand.u32 $0x1E, s3;
	s10 =	sand.u32 $0x7C0, s6  }
0xb: {  	s11 =	ssub.s32 $0x2, s7;
	s7 =	sadd.s32 $0xC00, s8;
	v20 =	vor.u32 $0x140, v0;
	v21 =	vor.u32 $0x141, v0;
	v22 =	vor.u32 $0x160, v0;
	s30 =	sor.u32 s9, s10  }
0xc: {  	s31 =	sshrl.u32 s11, $0x1;
	v23 =	vor.u32 $0x161, v0;
	v24 =	vor.u32 $0x180, v0;
	v25 =	vor.u32 $0x181, v0;
	s4 =	sadd.s32 $0x19800, s8;
	s10 =	sshll.u32 s30, $0x5  }
0xd: {  	v26 =	vor.u32 $0x1A0, v0;
	v27 =	vor.u32 $0x1A1, v0;
	v28 =	vor.u32 $0x1C0, v0;
	s11 =	ssub.s32 s11, s31;
	s6 =	sadd.s32 $0x7D9800, s8;
	s8 =	sadd.s32 s5, s10  }
0xe: {  	v29 =	vor.u32 $0x1C1, v0;
	v30 =	vor.u32 $0x1E0, v0;
	v31 =	vor.u32 $0x1E1, v0;
	s9 =	sadd.s32 s10, s7;
	s10 =	smax.u32 s11, $0x1;
	s11 =	simm.s32 $0x200  }
.LBB2_1:
0xf: {  	_ =	strace $0x80000048;
	s0 =	simm.s32 $0x400  }
0x10: {  	s16 =	simm.s32 $0x1E;
	s24 =	simm.s32 $0x0;
	s17 =	simm.s32 $0x0  }
0x11: {  	[tilespmem:s11], [sflag:$0x1] =	stream.linear.gather [hbm4b:s8+s2], $0x100, $0x200038;
	[tilespmem:$0x10600] =	vst v63  }
0x12: {  	s18 =	simm.s32 $0x0;
	s19 =	simm.s32 $0x0;
	s20 =	simm.s32 $0x1  }
0x13: {  	[tilespmem:s0], [sflag:$0x3] =	stream.linear.gather [hbm4b:s9+s2], $0x100, $0x200038;
	[tilespmem:$0x10600] =	vst v63  }
0x14: {  	s21 =	simm.s32 $0x0;
	s23 =	simm.s32 $0x1;
	_ =	strace $0x90000048  }
.LBB2_2:
0x15: {  	s22 =	sadd.s32 $0x1, s24  }
0x16: {  	p0 =	seq.s32 s22, $0x1E  }
0x17: {  	s22 =	simm.s32 @p0 $0x0  }
0x18: {  	s25 =	sadd.s32 s3, s24;
	s26 =	sadd.s32 s3, s22  }
0x19: {  	s28 =	sshra.s32 s25, $0x1F;
	s29 =	sshra.s32 s26, $0x1F  }
0x1a: {  	s28 =	sshrl.u32 s28, $0x1B;
	s29 =	sshrl.u32 s29, $0x1B  }
0x1b: {  	s31 =	simm.s32 $0x1;
	s28 =	sadd.s32 s28, s25;
	s29 =	sadd.s32 s29, s26  }
0x1c: {  	p1 =	slt.s32 s25, $0x1;
	s30 =	sand.u32 $0xFFFFFFE0, s28;
	s1 =	sand.u32 $0xFFFFFFE0, s29  }
0x1d: {  	p2 =	slt.s32 s26, $0x1;
	p4 =	sne.s32 s25, s30;
	p5 =	sne.s32 s26, s1  }
0x1e: {  	s28 =	sshrl.u32 s28, $0x5;
	p0 =	por !p1, !p4;
	p1 =	por !p2, !p5  }
0x1f: {  	s30 =	simm.s32 $0x1;
	p0 =	por !p0, !p0;
	p1 =	por !p1, !p1  }
0x20: {  	s29 =	sshrl.u32 s29, $0x5;
	s30 =	simm.s32 @!p0 $0x0;
	s31 =	simm.s32 @!p1 $0x0  }
0x21: {  	s12 =	sand.u32 $0x1F, s26;
	s28 =	ssub.s32 s28, s30;
	s29 =	ssub.s32 s29, s31  }
0x22: {  	s1 =	sand.u32 $0x1F, s25;
	s28 =	sshll.u32 s28, $0x6;
	s29 =	sshll.u32 s29, $0x6  }
0x23: {  	p0 =	seq.s32 s16, $0x1;
	s26 =	sor.u32 s1, s28;
	s28 =	sor.u32 s12, s29  }
0x24: {  	p3 =	seq.s32 s24, $0x0;
	s1 =	sadd.s32 $0xFFFFFFFF, s24;
	p1 =	seq.s32 @!p0 s26, s28  }
0x25: {  	s1 =	simm.s32 @p3 $0x1D;
	p2 =	por p1, p0  }
0x26: {  	s29 =	sand.u32 @!p2 $0x1, s23;
	_ =	strace @!p2 $0x80000049;
	s31 =	sshll.u32 @!p2 s28, $0x5  }
0x27: {  	s12 =	simm.s32 @!p2 $0x0;
	s30 =	sshll.u32 @!p2 s29, $0x8;
	s31 =	sand.u32 @!p2 $0x1FFFFBE0, s31  }
0x28: {  	s29 =	sadd.s32 @!p2 $0x1, s29;
	s30 =	sor.u32 @!p2 $0x200, s30;
	s0 =	sadd.s32 @!p2 s5, s31  }
0x29: {  	[tilespmem:s30], [sflag:s29] =	stream.linear.gather @!p2 [hbm4b:s0+s12], $0x100, $0x200038;
	[tilespmem:$0x10600] =	vst v63  }
0x2a: {  	s1 =	sadd.s32 s3, s1;
	s0 =	sand.u32 @!p2 $0x1, s20  }
0x2b: {  	s30 =	sadd.s32 @!p2 s31, s7;
	_ =	strace @!p2 $0x90000049;
	s29 =	sshll.u32 @!p2 s0, $0x8  }
0x2c: {  	s0 =	sadd.s32 @!p2 $0x3, s0;
	_ =	strace @!p2 $0x8000004A;
	s29 =	sor.u32 @!p2 $0x400, s29  }
0x2d: {  	[tilespmem:s29], [sflag:s0] =	stream.linear.gather @!p2 [hbm4b:s30+s12], $0x100, $0x200038;
	[tilespmem:$0x10600] =	vst v63  }
0x2e: {  	s30 =	sshra.s32 s1, $0x1F  }
0x2f: {  	s0 =	sshrl.u32 s30, $0x1B  }
0x30: {  	s0 =	sadd.s32 s0, s1  }
0x31: {  	s31 =	sand.u32 $0xFFFFFFE0, s0  }
0x32: {  	p4 =	slt.s32 s1, $0x1;
	p6 =	sne.s32 s1, s31  }
0x33: {  	p3 =	por !p4, !p6  }
0x34: {  	s12 =	simm.s32 $0x1;
	p3 =	por !p3, !p3  }
0x35: {  	s0 =	sshrl.u32 s0, $0x5;
	s12 =	simm.s32 @!p3 $0x0  }
0x36: {  	s0 =	ssub.s32 s0, s12  }
0x37: {  	s1 =	sand.u32 $0x1F, s1;
	s0 =	sshll.u32 s0, $0x6  }
0x38: {  	p3 =	seq.s32 s16, $0x1E;
	s0 =	sor.u32 s1, s0  }
0x39: {  	p4 =	seq.s32 @!p3 s26, s0  }
0x3a: {  	p4 =	por p3, !p4  }
0x3b: {  	_ =	strace @!p2 $0x9000004A;
	s0 =	sand.u32 @p4 $0x1, s21  }
0x3c: {  	_ =	strace @p4 $0x8000004B;
	s0 =	sadd.s32 @p4 $0x1, s0  }
0x3d: {  	_ =	swait.ge @p4 [sflag:s0], $0x100  }
0x3e: {  	[sflag:s0] =	ssyncset.done @p4 $0x0  }
0x3f: {  	[sflag:s0] =	ssyncadd.s32 @p4 $0xFFFFFF00  }
0x40: {  	s0 =	sand.u32 @p4 $0x1, s19;
	_ =	strace @p4 $0x9000004B  }
0x41: {  	s0 =	sadd.s32 @p4 $0x3, s0;
	_ =	strace @p4 $0x8000004C  }
0x42: {  	_ =	swait.ge @p4 [sflag:s0], $0x100  }
0x43: {  	[sflag:s0] =	ssyncset.done @p4 $0x0  }
0x44: {  	[sflag:s0] =	ssyncadd.s32 @p4 $0xFFFFFF00  }
0x45: {  	s1 =	sshll.u32 s21, $0x8;
	_ =	strace @p4 $0x9000004C  }
0x46: {  	s12 =	sand.u32 $0x100, s1;
	_ =	strace $0x8000004D  }
0x47: {  	v32 =	vld [tilespmem:s12+$0x200];
	_ =	sdelay $0x3  }
0x48: {  	s30 =	sshll.u32 s19, $0x8  }
0x49: {  	s0 =	sand.u32 $0x100, s30;
	[tilespmem:v0+s2+$0x0] =	vst.idx.msk $0xffff, v32  }
0x4a: {  	v32 =	vld [tilespmem:s0+$0x400];
	_ =	sdelay $0x4  }
0x4b: {  	[tilespmem:v1+s2+$0x0] =	vst.idx.msk $0xffff, v32  }
0x4c: {  	v32 =	vld [tilespmem:s12+$0x210];
	_ =	sdelay $0x4  }
0x4d: {  	[tilespmem:v2+s2+$0x0] =	vst.idx.msk $0xffff, v32  }
0x4e: {  	v32 =	vld [tilespmem:s0+$0x410];
	_ =	sdelay $0x4  }
0x4f: {  	[tilespmem:v3+s2+$0x0] =	vst.idx.msk $0xffff, v32  }
0x50: {  	v32 =	vld [tilespmem:s12+$0x220];
	_ =	sdelay $0x4  }
0x51: {  	[tilespmem:v4+s2+$0x0] =	vst.idx.msk $0xffff, v32  }
0x52: {  	v32 =	vld [tilespmem:s0+$0x420];
	_ =	sdelay $0x4  }
0x53: {  	[tilespmem:v5+s2+$0x0] =	vst.idx.msk $0xffff, v32  }
0x54: {  	v32 =	vld [tilespmem:s12+$0x230];
	_ =	sdelay $0x4  }
0x55: {  	[tilespmem:v6+s2+$0x0] =	vst.idx.msk $0xffff, v32  }
0x56: {  	v32 =	vld [tilespmem:s0+$0x430];
	_ =	sdelay $0x4  }
0x57: {  	[tilespmem:v7+s2+$0x0] =	vst.idx.msk $0xffff, v32  }
0x58: {  	v32 =	vld [tilespmem:s12+$0x240];
	_ =	sdelay $0x4  }
0x59: {  	[tilespmem:v8+s2+$0x0] =	vst.idx.msk $0xffff, v32  }
0x5a: {  	v32 =	vld [tilespmem:s0+$0x440];
	_ =	sdelay $0x4  }
0x5b: {  	[tilespmem:v9+s2+$0x0] =	vst.idx.msk $0xffff, v32  }
0x5c: {  	v32 =	vld [tilespmem:s12+$0x250];
	_ =	sdelay $0x4  }
0x5d: {  	[tilespmem:v10+s2+$0x0] =	vst.idx.msk $0xffff, v32  }
0x5e: {  	v32 =	vld [tilespmem:s0+$0x450];
	_ =	sdelay $0x4  }
0x5f: {  	[tilespmem:v11+s2+$0x0] =	vst.idx.msk $0xffff, v32  }
0x60: {  	v32 =	vld [tilespmem:s12+$0x260];
	_ =	sdelay $0x4  }
0x61: {  	[tilespmem:v12+s2+$0x0] =	vst.idx.msk $0xffff, v32  }
0x62: {  	v32 =	vld [tilespmem:s0+$0x460];
	_ =	sdelay $0x4  }
0x63: {  	[tilespmem:v13+s2+$0x0] =	vst.idx.msk $0xffff, v32  }
0x64: {  	v32 =	vld [tilespmem:s12+$0x270];
	_ =	sdelay $0x4  }
0x65: {  	[tilespmem:v14+s2+$0x0] =	vst.idx.msk $0xffff, v32  }
0x66: {  	v32 =	vld [tilespmem:s0+$0x470];
	_ =	sdelay $0x4  }
0x67: {  	[tilespmem:v15+s2+$0x0] =	vst.idx.msk $0xffff, v32  }
0x68: {  	v32 =	vld [tilespmem:s12+$0x280];
	_ =	sdelay $0x4  }
0x69: {  	[tilespmem:v16+s2+$0x0] =	vst.idx.msk $0xffff, v32  }
0x6a: {  	v32 =	vld [tilespmem:s0+$0x480];
	_ =	sdelay $0x4  }
0x6b: {  	[tilespmem:v17+s2+$0x0] =	vst.idx.msk $0xffff, v32  }
0x6c: {  	v32 =	vld [tilespmem:s12+$0x290];
	_ =	sdelay $0x4  }
0x6d: {  	[tilespmem:v18+s2+$0x0] =	vst.idx.msk $0xffff, v32  }
0x6e: {  	v32 =	vld [tilespmem:s0+$0x490];
	_ =	sdelay $0x4  }
0x6f: {  	[tilespmem:v19+s2+$0x0] =	vst.idx.msk $0xffff, v32  }
0x70: {  	v32 =	vld [tilespmem:s12+$0x2A0];
	_ =	sdelay $0x4  }
0x71: {  	[tilespmem:v20+s2+$0x0] =	vst.idx.msk $0xffff, v32  }
0x72: {  	v32 =	vld [tilespmem:s0+$0x4A0];
	_ =	sdelay $0x4  }
0x73: {  	[tilespmem:v21+s2+$0x0] =	vst.idx.msk $0xffff, v32  }
0x74: {  	v32 =	vld [tilespmem:s12+$0x2B0];
	_ =	sdelay $0x4  }
0x75: {  	[tilespmem:v22+s2+$0x0] =	vst.idx.msk $0xffff, v32  }
0x76: {  	v32 =	vld [tilespmem:s0+$0x4B0];
	_ =	sdelay $0x4  }
0x77: {  	[tilespmem:v23+s2+$0x0] =	vst.idx.msk $0xffff, v32  }
0x78: {  	v32 =	vld [tilespmem:s12+$0x2C0];
	_ =	sdelay $0x4  }
0x79: {  	[tilespmem:v24+s2+$0x0] =	vst.idx.msk $0xffff, v32  }
0x7a: {  	v32 =	vld [tilespmem:s0+$0x4C0];
	_ =	sdelay $0x4  }
0x7b: {  	[tilespmem:v25+s2+$0x0] =	vst.idx.msk $0xffff, v32  }
0x7c: {  	v32 =	vld [tilespmem:s12+$0x2D0];
	_ =	sdelay $0x4  }
0x7d: {  	[tilespmem:v26+s2+$0x0] =	vst.idx.msk $0xffff, v32  }
0x7e: {  	v32 =	vld [tilespmem:s0+$0x4D0];
	_ =	sdelay $0x4  }
0x7f: {  	[tilespmem:v27+s2+$0x0] =	vst.idx.msk $0xffff, v32  }
0x80: {  	v32 =	vld [tilespmem:s12+$0x2E0];
	_ =	sdelay $0x4  }
0x81: {  	[tilespmem:v28+s2+$0x0] =	vst.idx.msk $0xffff, v32  }
0x82: {  	v32 =	vld [tilespmem:s0+$0x4E0];
	_ =	sdelay $0x4  }
0x83: {  	[tilespmem:v29+s2+$0x0] =	vst.idx.msk $0xffff, v32  }
0x84: {  	v32 =	vld [tilespmem:s12+$0x2F0];
	_ =	sdelay $0x4  }
0x85: {  	[tilespmem:v30+s2+$0x0] =	vst.idx.msk $0xffff, v32  }
0x86: {  	v32 =	vld [tilespmem:s0+$0x4F0];
	_ =	sdelay $0x2  }
0x87: {  	s0 =	sand.u32 $0x1, s18  }
0x88: {  	s31 =	sshll.u32 s0, $0xF  }
0x89: {  	s1 =	sor.u32 $0x600, s31;
	[tilespmem:v31+s2+$0x0] =	vst.idx.msk $0xffff, v32  }
0x8a: {  	[tilespmem:s1], [sflag:$0x7] =	stream.indirect.gather [hbm4b:s4+s11], $0x40, s2, s11, $0x2000b8;
	[tilespmem:$0x10600] =	vst v63  }
0x8b: {  	p5 =	sne.s32 s24, s22;
	_ =	swait.ge [sflag:s13], $0x8000  }
0x8c: {  	p1 =	por !p1, p0;
	p4 =	por p0, p5;
	[sflag:s13] =	ssyncset.done $0x0  }
0x8d: {  	s24 =	sadd.s32 @!p2 $0x1, s23;
	s12 =	sshll.u32 @p4 s25, $0xC;
	[sflag:s13] =	ssyncadd.s32 $0xFFFF8000  }
0x8e: {  	s25 =	simm.s32 @p4 $0x0;
	s12 =	sand.u32 @p4 $0x1FFFF000, s12;
	_ =	strace $0x9000004D  }
0x8f: {  	s12 =	sadd.s32 @p4 s6, s12;
	s0 =	sadd.s32 @p4 $0x5, s0;
	_ =	strace @p4 $0x8000004E  }
0x90: {  	[hbm4b:s12+s25] =	stream.linear.scatter @p4 [tilespmem:s1], [sflag:s0], $0x8000, $0x200038;
	[tilespmem:$0x10600] =	vst v63  }
0x91: {  	p6 =	sne.s32 s26, s28;
	s0 =	sand.u32 @!p3 $0x1, s17;
	s1 =	smov.u32 s23  }
0x92: {  	s12 =	simm.s32 $0x0;
	_ =	strace @p4 $0x9000004E;
	s0 =	sadd.s32 @!p3 $0x5, s0  }
0x93: {  	s1 =	smov.u32 @p1 s24;
	s12 =	simm.s32 @p1 $0x1;
	p1 =	sne.s32 s16, $0x1E  }
0x94: {  	s16 =	sadd.s32 $0xFFFFFFFF, s16;
	s1 =	smov.u32 @p0 s23;
	s12 =	simm.s32 @p0 $0x0  }
0x95: {  	p0 =	por p0, p6;
	s20 =	sadd.s32 s20, s12;
	s12 =	simm.s32 $0x1  }
0x96: {  	_ =	strace @!p3 $0x8000004F;
	s12 =	simm.s32 @!p0 $0x0;
	p0 =	sne.s32 s16, $0x0  }
.Ltmp0:
0x97: {  	s23 =	simm.s32 $0x1;
	_ =	swait.ge @!p3 [sflag:s0], $0x8000;
	(pc) =	sbr.rel @p0 .LBB2_2-.Ltmp0, $4  }
0x98: {  	s24 =	smov.u32 s22;
	s23 =	simm.s32 @!p4 $0x0;
	[sflag:s0] =	ssyncset.done @!p3 $0x0  }
0x99: {  	s18 =	sadd.s32 s23, s18;
	[sflag:s0] =	ssyncadd.s32 @!p3 $0xFFFF8000;
	s0 =	simm.s32 $0x1  }
0x9a: {  	s23 =	smov.u32 s1;
	s21 =	sadd.s32 s12, s21;
	s0 =	simm.s32 @!p1 $0x0  }
0x9b: {  	s19 =	sadd.s32 s12, s19;
	_ =	strace @!p3 $0x9000004F;
	s17 =	sadd.s32 s0, s17  }
0x9c: {  	s15 =	sadd.s32 $0x1, s15  }
0x9d: {  	p0 =	sne.s32 s15, s10  }
.Ltmp1:
0x9e: {  	_ =	strace $0x80000050;
	(pc) =	sbr.rel @p0 .LBB2_1-.Ltmp1, $4  }
0x9f: {  	_ =	swait.ge [sflag:s14], $0x8000  }
0xa0: {  	[sflag:s14] =	ssyncset.done $0x0  }
0xa1: {  	[sflag:s14] =	ssyncadd.s32 $0xFFFF8000  }
0xa2: {  	_ =	strace $0x90000050  }
0xa3: {  	_ =	sfence.sel $0x180000  }
0xa4: {  	[bflag:$0x0] =	sbarrier.arrive $0xFFFF  }
0xa5: {  	_ =	strace $0x90000047  }
0xa6: {  	s0 =	stileid.u32;
	[bflag:$0x2] =	sbarrier.arrive $0xFFFF  }
0xa7: {  	p0 =	sne.s32 s0, $0x0;
	s0 =	rddreg [dreg:$0x1]  }
0xa8: {  	s0 =	sadd.s32 @!p0 $0x100000, s0  }
0xa9: {  	[sflag:s0] =	ssyncadd.tile.s32 @!p0 $0x1;
	_ =	shalt  }
.Lfunc_end2:
_tile_overlayer_lowered:
.L_overlay_start_2:
0xaa: {  	(tag) =	ssettag $0x2  }
0xab: {  	s0 =	rddreg [dreg:$0x0];
	s2 =	stileid.u32  }
0xac: {  	s1 =	rddreg [dreg:$0x1];
	p0 =	sne.s32 s2, $0x0  }
0xad: {  	s3 =	rddreg [dreg:$0x2];
	[bflag:$0x3] =	sbarrier.arrive $0xFFFF;
	s2 =	simm.s32 @!p0 $0x1C01  }
0xae: {  	[timem:s3], [sflag:s2] =	dma.local @!p0 [hbm:s0], s1  }
0xaf: {  	s0 =	simm.s32 @!p0 $0x1  }
0xb0: {  	_ =	swait.ge @!p0 [sflag:s0], s1  }
0xb1: {  	s1 =	ssub.s32 @!p0 $0x0, s1;
	[sflag:s0] =	ssyncset.done @!p0 $0x0  }
0xb2: {  	[sflag:s0] =	ssyncadd.s32 @!p0 s1  }
0xb3: {  	[bflag:$0x3] =	sbarrier.arrive $0xFFFF  }
0xb4: {  	_ =	shalt  }

</sc_bundles>
